<compile_context>
chip_gen: v7x
topology: tpu7x:2x2x1
jax: 0.10.2.dev20260603
libtpu: 0.0.44.dev20260713+nightly
codegen_flags: <defaults>
</compile_context>

<pallas_src>
import functools
import math

import jax
import jax.numpy as jnp
from jax import lax
from jax.experimental import pallas as pl
from jax.experimental.pallas import tpu as pltpu
from jax.experimental.pallas import tpu_sc as plsc

LANES = 16
NBUF = 4
GRAN = 8


@functools.lru_cache(maxsize=None)
def _make_sc_kernel(batch: int, seq_len: int, d_model: int):
    info = plsc.get_sparse_core_info()
    num_workers = info.num_cores * info.num_subcores
    l_per_w = seq_len // num_workers
    n_sc = l_per_w // GRAN
    rows_per_sc = batch * GRAN
    n_slices = d_model // LANES
    scale = math.sqrt(float(d_model))
    mesh = plsc.VectorSubcoreMesh(core_axis_name="c", subcore_axis_name="s")

    @functools.partial(
        pl.kernel,
        mesh=mesh,
        out_type=jax.ShapeDtypeStruct((batch * seq_len, d_model), jnp.float32),
        scratch_types=[
            pltpu.VMEM((n_sc * rows_per_sc,), jnp.int32),
        ]
        + [pltpu.VMEM((rows_per_sc, d_model), jnp.float32) for _ in range(NBUF)]
        + [pltpu.VMEM((2 * GRAN, d_model), jnp.float32) for _ in range(2)]
        + [pltpu.SemaphoreType.DMA for _ in range(3 + 2 * NBUF)],
    )
    def k(src_hbm, table_hbm, pe_hbm, out_hbm, idx_v,
          r0, r1, r2, r3, pe0, pe1, isem, p0, p1, g0, g1, g2, g3,
          s0, s1, s2, s3):
        rows = [r0, r1, r2, r3]
        pes = [pe0, pe1]
        psem = [p0, p1]
        gsem = [g0, g1, g2, g3]
        ssem = [s0, s1, s2, s3]
        wid = lax.axis_index("s") * info.num_cores + lax.axis_index("c")
        lw = wid * l_per_w

        def start_pe(pair):
            return pltpu.async_copy(
                pe_hbm.at[pl.ds(lw + pair * 2 * GRAN, 2 * GRAN)],
                pes[pair % 2],
                psem[pair % 2],
            )

        def start_gather(sc):
            p = sc % NBUF
            return pltpu.async_copy(
                table_hbm.at[idx_v.at[pl.ds(sc * rows_per_sc, rows_per_sc)]],
                rows[p],
                gsem[p],
            )

        def start_scatter(sc):
            p = sc % NBUF
            return [
                pltpu.async_copy(
                    rows[p].at[pl.ds(b * GRAN, GRAN)],
                    out_hbm.at[pl.ds(b * seq_len + lw + sc * GRAN, GRAN)],
                    ssem[p],
                )
                for b in range(batch)
            ]

        pdescs = {0: start_pe(0), 1: start_pe(1)}
        pltpu.async_copy(src_hbm.at[wid], idx_v, isem).wait()

        gdescs, sdescs = {}, {}
        for sc in range(NBUF):
            gdescs[sc] = start_gather(sc)

        for sc in range(n_sc):
            if sc >= NBUF - 1 and sc + 1 < n_sc:
                for d in sdescs[sc + 1 - NBUF]:
                    d.wait()
                gdescs[sc + 1] = start_gather(sc + 1)
            gdescs[sc].wait()
            pair, ph = divmod(sc, 2)
            if ph == 0:
                pdescs[pair].wait()

            rbuf = rows[sc % NBUF]
            pv = pes[pair % 2]

            @plsc.parallel_loop(0, GRAN * n_slices, step=1, unroll=4)
            def _(t, rbuf=rbuf, pv=pv, ph=ph):
                r = lax.rem(t, GRAN)
                j = lax.div(t, GRAN)
                sl = pl.ds(j * LANES, LANES)
                pvec = pv[ph * GRAN + r, sl]
                for b in range(batch):
                    row = b * GRAN + r
                    rbuf[row, sl] = rbuf[row, sl] * scale + pvec

            if ph == 1 and pair + 2 < n_sc // 2:
                pdescs[pair + 2] = start_pe(pair + 2)
            sdescs[sc] = start_scatter(sc)

        for sc in range(n_sc - NBUF, n_sc):
            for d in sdescs[sc]:
                d.wait()

    return k, num_workers, l_per_w, n_sc


def kernel(src, tok_embedding, pe):
    batch, seq_len = src.shape
    d_model = tok_embedding.shape[1]
    k, nw, l_per_w, n_sc = _make_sc_kernel(batch, seq_len, d_model)

    src_p = (
        src.astype(jnp.int32)
        .reshape(batch, nw, n_sc, GRAN)
        .transpose(1, 2, 0, 3)
        .reshape(nw, n_sc * batch * GRAN)
    )
    pe2d = pe[0, :seq_len, :]
    out = k(src_p, tok_embedding, pe2d)
    return out.reshape(batch, seq_len, d_model)

# --- scband reference (transcript-rebuilt; emitter-appended) ---
"""Pipeline reference for scband-encoder-input-6923487282589 (READ-ONLY COPY).

The authoritative reference and input builder live on the scoring server;
editing this copy changes nothing except your own understanding.
"""

import math
import jax, jax.numpy as jnp
import numpy as np

INPUT_DIM = 100000
D_MODEL = 768
MAX_LENGTH = 2048
BATCH = 4
SEQ_LEN = 2048


def _make_pe(d_model, max_len):
    position = np.arange(0, max_len, dtype=np.float32)[:, None]
    div_term = np.exp(np.arange(0, d_model, 2, dtype=np.float32) * -(math.log(10000.0) / d_model))
    pe = np.zeros((max_len, d_model), dtype=np.float32)
    pe[:, 0::2] = np.sin(position * div_term)
    pe[:, 1::2] = np.cos(position * div_term)
    return jnp.asarray(pe)[None, :, :]  # [1, max_len, d_model]


def setup_inputs(seed: int = 0) -> dict:
    key = jax.random.key(seed)
    k_src, k_emb = jax.random.split(key, 2)
    src = jax.random.randint(k_src, (BATCH, SEQ_LEN), 0, INPUT_DIM, dtype=jnp.int64 if jax.config.jax_enable_x64 else jnp.int32)
    tok_embedding = jax.random.normal(k_emb, (INPUT_DIM, D_MODEL), dtype=jnp.float32) * 0.02
    pe = _make_pe(D_MODEL, MAX_LENGTH)
    return {"src": src, "tok_embedding": tok_embedding, "pe": pe}


def reference(src, tok_embedding, pe):
    # EncoderInput.forward with static_pos_emb=True, eval mode (dropout is identity)
    batch_size, src_len = src.shape[0], src.shape[1]
    scale = math.sqrt(D_MODEL)
    tok = jnp.take(tok_embedding, src, axis=0)  # gather: [B, L, d_model]
    pos_emb = pe[:, :src_len, :]  # [1, L, d_model], broadcasts over batch
    out = tok * scale + pos_emb
    return out

if __name__ == "__main__":
    import jax
    _d = setup_inputs()
    print(jax.jit(kernel)(*tuple(_d.values())))

</pallas_src>

<mosaic_0001>
#map = affine_map<(d0, d1) -> (0, 0)>
module attributes {stable_mosaic.version = 14 : i64} {
  func.func @k(%arg0: i32, %arg1: i32, %arg2: memref<32x256xi32, #tpu.memory_space<hbm>>, %arg3: memref<100000x768xf32, #tpu.memory_space<hbm>>, %arg4: memref<2048x768xf32, #tpu.memory_space<hbm>>, %arg5: memref<8192x768xf32, #tpu.memory_space<hbm>>, %arg6: memref<256xi32, #tpu.memory_space<vmem>>, %arg7: memref<32x768xf32, #tpu.memory_space<vmem>>, %arg8: memref<32x768xf32, #tpu.memory_space<vmem>>, %arg9: memref<32x768xf32, #tpu.memory_space<vmem>>, %arg10: memref<32x768xf32, #tpu.memory_space<vmem>>, %arg11: memref<16x768xf32, #tpu.memory_space<vmem>>, %arg12: memref<16x768xf32, #tpu.memory_space<vmem>>, %arg13: memref<!tpu.dma_semaphore, #tpu.memory_space<semaphore_mem>>, %arg14: memref<!tpu.dma_semaphore, #tpu.memory_space<semaphore_mem>>, %arg15: memref<!tpu.dma_semaphore, #tpu.memory_space<semaphore_mem>>, %arg16: memref<!tpu.dma_semaphore, #tpu.memory_space<semaphore_mem>>, %arg17: memref<!tpu.dma_semaphore, #tpu.memory_space<semaphore_mem>>, %arg18: memref<!tpu.dma_semaphore, #tpu.memory_space<semaphore_mem>>, %arg19: memref<!tpu.dma_semaphore, #tpu.memory_space<semaphore_mem>>, %arg20: memref<!tpu.dma_semaphore, #tpu.memory_space<semaphore_mem>>, %arg21: memref<!tpu.dma_semaphore, #tpu.memory_space<semaphore_mem>>, %arg22: memref<!tpu.dma_semaphore, #tpu.memory_space<semaphore_mem>>, %arg23: memref<!tpu.dma_semaphore, #tpu.memory_space<semaphore_mem>>) attributes {dimension_semantics = [#tpu.dimension_semantics<core_parallel>, #tpu.dimension_semantics<subcore_parallel>], iteration_bounds = array<i64: 2, 16>, scalar_prefetch = 0 : i64, scratch_operands = 18 : i64, tpu.core_type = #tpu.core_type<sc_vector_subcore>, window_params = [{transform_indices = #map}, {transform_indices = #map}, {transform_indices = #map}, {transform_indices = #map}]} {
    %mul3A = arith.constant 2 : i32
    %mul3A_0 = arith.muli %arg1, %mul3A : i32
    %add3A = arith.addi %mul3A_0, %arg0 : i32
    %mul3A_1 = arith.constant 64 : i32
    %mul3A_2 = arith.muli %add3A, %mul3A_1 : i32
    %add3A_3 = arith.constant 0 : i32
    %add3A_4 = arith.addi %mul3A_2, %add3A_3 : i32
    %dma_start3A = arith.constant 0 : i32
    %dma_start3A_5 = tpu.memref_slice %arg4[%add3A_4, %dma_start3A] : memref<2048x768xf32, #tpu.memory_space<hbm>> -> memref<16x768xf32, #tpu.memory_space<hbm>>
    %dma_start3A_6 = arith.constant 0 : i32
    %dma_start3A_7 = tpu.memref_slice %arg4[%add3A_4, %dma_start3A_6] : memref<2048x768xf32, #tpu.memory_space<hbm>> -> memref<16x768xf32, #tpu.memory_space<hbm>>
    tpu.enqueue_dma source(%dma_start3A_7 : memref<16x768xf32, #tpu.memory_space<hbm>>) target(%arg11 : memref<16x768xf32, #tpu.memory_space<vmem>>) target_semaphore(%arg14 : memref<!tpu.dma_semaphore, #tpu.memory_space<semaphore_mem>>)
    %add3A_8 = arith.constant 16 : i32
    %add3A_9 = arith.addi %mul3A_2, %add3A_8 : i32
    %dma_start3A_10 = arith.constant 0 : i32
    %dma_start3A_11 = tpu.memref_slice %arg4[%add3A_9, %dma_start3A_10] : memref<2048x768xf32, #tpu.memory_space<hbm>> -> memref<16x768xf32, #tpu.memory_space<hbm>>
    %dma_start3A_12 = arith.constant 0 : i32
    %dma_start3A_13 = tpu.memref_slice %arg4[%add3A_9, %dma_start3A_12] : memref<2048x768xf32, #tpu.memory_space<hbm>> -> memref<16x768xf32, #tpu.memory_space<hbm>>
    tpu.enqueue_dma source(%dma_start3A_13 : memref<16x768xf32, #tpu.memory_space<hbm>>) target(%arg12 : memref<16x768xf32, #tpu.memory_space<vmem>>) target_semaphore(%arg15 : memref<!tpu.dma_semaphore, #tpu.memory_space<semaphore_mem>>)
    %dma_start3A_14 = arith.constant 0 : i32
    %dma_start3A_15 = tpu.memref_slice %arg2[%add3A, %dma_start3A_14] : memref<32x256xi32, #tpu.memory_space<hbm>> -> memref<1x256xi32, #tpu.memory_space<hbm>>
    %dma_start3A_16 = tpu.memref_squeeze %dma_start3A_15 : memref<1x256xi32, #tpu.memory_space<hbm>> -> memref<256xi32, #tpu.memory_space<hbm>>
    %dma_start3A_17 = arith.constant 0 : i32
    %dma_start3A_18 = tpu.memref_slice %arg2[%add3A, %dma_start3A_17] : memref<32x256xi32, #tpu.memory_space<hbm>> -> memref<1x256xi32, #tpu.memory_space<hbm>>
    %dma_start3A_19 = tpu.memref_squeeze %dma_start3A_18 : memref<1x256xi32, #tpu.memory_space<hbm>> -> memref<256xi32, #tpu.memory_space<hbm>>
    tpu.enqueue_dma source(%dma_start3A_19 : memref<256xi32, #tpu.memory_space<hbm>>) target(%arg6 : memref<256xi32, #tpu.memory_space<vmem>>) target_semaphore(%arg13 : memref<!tpu.dma_semaphore, #tpu.memory_space<semaphore_mem>>)
    %dma_wait3A = arith.constant 0 : i32
    %dma_wait3A_20 = tpu.memref_slice %arg2[%add3A, %dma_wait3A] : memref<32x256xi32, #tpu.memory_space<hbm>> -> memref<1x256xi32, #tpu.memory_space<hbm>>
    %dma_wait3A_21 = tpu.memref_squeeze %dma_wait3A_20 : memref<1x256xi32, #tpu.memory_space<hbm>> -> memref<256xi32, #tpu.memory_space<hbm>>
    %dma_wait3A_22 = arith.constant 0 : i32
    %dma_wait3A_23 = tpu.memref_slice %arg2[%add3A, %dma_wait3A_22] : memref<32x256xi32, #tpu.memory_space<hbm>> -> memref<1x256xi32, #tpu.memory_space<hbm>>
    %dma_wait3A_24 = tpu.memref_squeeze %dma_wait3A_23 : memref<1x256xi32, #tpu.memory_space<hbm>> -> memref<256xi32, #tpu.memory_space<hbm>>
    tpu.wait_dma2 semaphore(%arg13 : memref<!tpu.dma_semaphore, #tpu.memory_space<semaphore_mem>>) src(%dma_wait3A_24 : memref<256xi32, #tpu.memory_space<hbm>>) dst(%arg6 : memref<256xi32, #tpu.memory_space<vmem>>)
    %dma_start3A_25 = arith.constant 0 : i32
    %dma_start3A_26 = tpu.memref_slice %arg6[%dma_start3A_25] : memref<256xi32, #tpu.memory_space<vmem>> -> memref<32xi32, #tpu.memory_space<vmem>>
    %dma_start3A_27 = arith.constant 0 : i32
    %dma_start3A_28 = arith.constant 0 : i32
    %dma_start3A_29 = tpu.memref_slice %arg3[%dma_start3A_27, %dma_start3A_28] : memref<100000x768xf32, #tpu.memory_space<hbm>> -> memref<100000x768xf32, #tpu.memory_space<hbm>>
    tpu.enqueue_indirect_dma source(%dma_start3A_29 : memref<100000x768xf32, #tpu.memory_space<hbm>>) target(%arg7 : memref<32x768xf32, #tpu.memory_space<vmem>>) offsets(%dma_start3A_26 : memref<32xi32, #tpu.memory_space<vmem>>) semaphore(%arg16 : memref<!tpu.dma_semaphore, #tpu.memory_space<semaphore_mem>>)
    %dma_start3A_30 = arith.constant 32 : i32
    %dma_start3A_31 = tpu.memref_slice %arg6[%dma_start3A_30] : memref<256xi32, #tpu.memory_space<vmem>> -> memref<32xi32, #tpu.memory_space<vmem>>
    %dma_start3A_32 = arith.constant 0 : i32
    %dma_start3A_33 = arith.constant 0 : i32
    %dma_start3A_34 = tpu.memref_slice %arg3[%dma_start3A_32, %dma_start3A_33] : memref<100000x768xf32, #tpu.memory_space<hbm>> -> memref<100000x768xf32, #tpu.memory_space<hbm>>
    tpu.enqueue_indirect_dma source(%dma_start3A_34 : memref<100000x768xf32, #tpu.memory_space<hbm>>) target(%arg8 : memref<32x768xf32, #tpu.memory_space<vmem>>) offsets(%dma_start3A_31 : memref<32xi32, #tpu.memory_space<vmem>>) semaphore(%arg17 : memref<!tpu.dma_semaphore, #tpu.memory_space<semaphore_mem>>)
    %dma_start3A_35 = arith.constant 64 : i32
    %dma_start3A_36 = tpu.memref_slice %arg6[%dma_start3A_35] : memref<256xi32, #tpu.memory_space<vmem>> -> memref<32xi32, #tpu.memory_space<vmem>>
    %dma_start3A_37 = arith.constant 0 : i32
    %dma_start3A_38 = arith.constant 0 : i32
    %dma_start3A_39 = tpu.memref_slice %arg3[%dma_start3A_37, %dma_start3A_38] : memref<100000x768xf32, #tpu.memory_space<hbm>> -> memref<100000x768xf32, #tpu.memory_space<hbm>>
    tpu.enqueue_indirect_dma source(%dma_start3A_39 : memref<100000x768xf32, #tpu.memory_space<hbm>>) target(%arg9 : memref<32x768xf32, #tpu.memory_space<vmem>>) offsets(%dma_start3A_36 : memref<32xi32, #tpu.memory_space<vmem>>) semaphore(%arg18 : memref<!tpu.dma_semaphore, #tpu.memory_space<semaphore_mem>>)
    %dma_start3A_40 = arith.constant 96 : i32
    %dma_start3A_41 = tpu.memref_slice %arg6[%dma_start3A_40] : memref<256xi32, #tpu.memory_space<vmem>> -> memref<32xi32, #tpu.memory_space<vmem>>
    %dma_start3A_42 = arith.constant 0 : i32
    %dma_start3A_43 = arith.constant 0 : i32
    %dma_start3A_44 = tpu.memref_slice %arg3[%dma_start3A_42, %dma_start3A_43] : memref<100000x768xf32, #tpu.memory_space<hbm>> -> memref<100000x768xf32, #tpu.memory_space<hbm>>
    tpu.enqueue_indirect_dma source(%dma_start3A_44 : memref<100000x768xf32, #tpu.memory_space<hbm>>) target(%arg10 : memref<32x768xf32, #tpu.memory_space<vmem>>) offsets(%dma_start3A_41 : memref<32xi32, #tpu.memory_space<vmem>>) semaphore(%arg19 : memref<!tpu.dma_semaphore, #tpu.memory_space<semaphore_mem>>)
    %dma_wait3A_45 = arith.constant 0 : i32
    %dma_wait3A_46 = tpu.memref_slice %arg6[%dma_wait3A_45] : memref<256xi32, #tpu.memory_space<vmem>> -> memref<32xi32, #tpu.memory_space<vmem>>
    %dma_wait3A_47 = arith.constant 0 : i32
    %dma_wait3A_48 = arith.constant 0 : i32
    %dma_wait3A_49 = tpu.memref_slice %arg3[%dma_wait3A_47, %dma_wait3A_48] : memref<100000x768xf32, #tpu.memory_space<hbm>> -> memref<100000x768xf32, #tpu.memory_space<hbm>>
    tpu.wait_indirect_dma semaphore(%arg16 : memref<!tpu.dma_semaphore, #tpu.memory_space<semaphore_mem>>) src(%dma_wait3A_49 : memref<100000x768xf32, #tpu.memory_space<hbm>>) dst(%arg7 : memref<32x768xf32, #tpu.memory_space<vmem>>)
    %dma_wait3A_50 = arith.constant 0 : i32
    %dma_wait3A_51 = tpu.memref_slice %arg4[%add3A_4, %dma_wait3A_50] : memref<2048x768xf32, #tpu.memory_space<hbm>> -> memref<16x768xf32, #tpu.memory_space<hbm>>
    %dma_wait3A_52 = arith.constant 0 : i32
    %dma_wait3A_53 = tpu.memref_slice %arg4[%add3A_4, %dma_wait3A_52] : memref<2048x768xf32, #tpu.memory_space<hbm>> -> memref<16x768xf32, #tpu.memory_space<hbm>>
    tpu.wait_dma2 semaphore(%arg14 : memref<!tpu.dma_semaphore, #tpu.memory_space<semaphore_mem>>) src(%dma_wait3A_53 : memref<16x768xf32, #tpu.memory_space<hbm>>) dst(%arg11 : memref<16x768xf32, #tpu.memory_space<vmem>>)
    %parallel_loop3A = arith.constant 0 : i32
    %parallel_loop3A_54 = arith.constant 384 : i32
    %parallel_loop3A_55 = arith.constant 1 : i32
    scf.for %parallel_loop3A_924 = %parallel_loop3A to %parallel_loop3A_54 step %parallel_loop3A_55  : i32 {
      %parallel_loop3A_925 = arith.constant 8 : i32
      %parallel_loop3A_926 = arith.remsi %parallel_loop3A_924, %parallel_loop3A_925 : i32
      %parallel_loop3A_927 = arith.constant 8 : i32
      %parallel_loop3A_928 = arith.divsi %parallel_loop3A_924, %parallel_loop3A_927 : i32
      %parallel_loop3A_929 = arith.constant 16 : i32
      %parallel_loop3A_930 = arith.muli %parallel_loop3A_928, %parallel_loop3A_929 : i32
      %parallel_loop3A_931 = arith.constant 0 : i32
      %parallel_loop3A_932 = arith.addi %parallel_loop3A_931, %parallel_loop3A_926 : i32
      %parallel_loop3A_933 = arith.index_cast %parallel_loop3A_932 : i32 to index
      %parallel_loop3A_934 = arith.index_cast %parallel_loop3A_930 : i32 to index
      %parallel_loop3A_935 = tpu.vector_load %arg11[%parallel_loop3A_933, %parallel_loop3A_934] {strides = array<i32>} : memref<16x768xf32, #tpu.memory_space<vmem>>, vector<1x16xf32>,
      %parallel_loop3A_936 = vector.shape_cast %parallel_loop3A_935 : vector<1x16xf32> to vector<16xf32>
      %parallel_loop3A_937 = arith.constant 0 : i32
      %parallel_loop3A_938 = arith.addi %parallel_loop3A_937, %parallel_loop3A_926 : i32
      %parallel_loop3A_939 = arith.index_cast %parallel_loop3A_938 : i32 to index
      %parallel_loop3A_940 = arith.index_cast %parallel_loop3A_930 : i32 to index
      %parallel_loop3A_941 = tpu.vector_load %arg7[%parallel_loop3A_939, %parallel_loop3A_940] {strides = array<i32>} : memref<32x768xf32, #tpu.memory_space<vmem>>, vector<1x16xf32>,
      %parallel_loop3A_942 = vector.shape_cast %parallel_loop3A_941 : vector<1x16xf32> to vector<16xf32>
      %parallel_loop3A_943 = arith.constant 27.7128124 : f32
      %parallel_loop3A_944 = vector.broadcast %parallel_loop3A_943 : f32 to vector<16xf32>
      %parallel_loop3A_945 = arith.mulf %parallel_loop3A_942, %parallel_loop3A_944 : vector<16xf32>
      %parallel_loop3A_946 = arith.addf %parallel_loop3A_945, %parallel_loop3A_936 : vector<16xf32>
      %parallel_loop3A_947 = arith.index_cast %parallel_loop3A_938 : i32 to index
      %parallel_loop3A_948 = arith.index_cast %parallel_loop3A_930 : i32 to index
      %parallel_loop3A_949 = tpu.vector_load %arg7[%parallel_loop3A_947, %parallel_loop3A_948] {strides = array<i32>} : memref<32x768xf32, #tpu.memory_space<vmem>>, vector<1x16xf32>,
      %parallel_loop3A_950 = vector.shape_cast %parallel_loop3A_949 : vector<1x16xf32> to vector<16xf32>
      %parallel_loop3A_951 = vector.shape_cast %parallel_loop3A_946 : vector<16xf32> to vector<1x16xf32>
      tpu.vector_store %arg7[%parallel_loop3A_947, %parallel_loop3A_948], %parallel_loop3A_951 {strides = array<i32>} : memref<32x768xf32, #tpu.memory_space<vmem>>, vector<1x16xf32>,
      %parallel_loop3A_952 = arith.constant 8 : i32
      %parallel_loop3A_953 = arith.addi %parallel_loop3A_952, %parallel_loop3A_926 : i32
      %parallel_loop3A_954 = arith.index_cast %parallel_loop3A_953 : i32 to index
      %parallel_loop3A_955 = arith.index_cast %parallel_loop3A_930 : i32 to index
      %parallel_loop3A_956 = tpu.vector_load %arg7[%parallel_loop3A_954, %parallel_loop3A_955] {strides = array<i32>} : memref<32x768xf32, #tpu.memory_space<vmem>>, vector<1x16xf32>,
      %parallel_loop3A_957 = vector.shape_cast %parallel_loop3A_956 : vector<1x16xf32> to vector<16xf32>
      %parallel_loop3A_958 = arith.constant 27.7128124 : f32
      %parallel_loop3A_959 = vector.broadcast %parallel_loop3A_958 : f32 to vector<16xf32>
      %parallel_loop3A_960 = arith.mulf %parallel_loop3A_957, %parallel_loop3A_959 : vector<16xf32>
      %parallel_loop3A_961 = arith.addf %parallel_loop3A_960, %parallel_loop3A_936 : vector<16xf32>
      %parallel_loop3A_962 = arith.index_cast %parallel_loop3A_953 : i32 to index
      %parallel_loop3A_963 = arith.index_cast %parallel_loop3A_930 : i32 to index
      %parallel_loop3A_964 = tpu.vector_load %arg7[%parallel_loop3A_962, %parallel_loop3A_963] {strides = array<i32>} : memref<32x768xf32, #tpu.memory_space<vmem>>, vector<1x16xf32>,
      %parallel_loop3A_965 = vector.shape_cast %parallel_loop3A_964 : vector<1x16xf32> to vector<16xf32>
      %parallel_loop3A_966 = vector.shape_cast %parallel_loop3A_961 : vector<16xf32> to vector<1x16xf32>
      tpu.vector_store %arg7[%parallel_loop3A_962, %parallel_loop3A_963], %parallel_loop3A_966 {strides = array<i32>} : memref<32x768xf32, #tpu.memory_space<vmem>>, vector<1x16xf32>,
      %parallel_loop3A_967 = arith.constant 16 : i32
      %parallel_loop3A_968 = arith.addi %parallel_loop3A_967, %parallel_loop3A_926 : i32
      %parallel_loop3A_969 = arith.index_cast %parallel_loop3A_968 : i32 to index
      %parallel_loop3A_970 = arith.index_cast %parallel_loop3A_930 : i32 to index
      %parallel_loop3A_971 = tpu.vector_load %arg7[%parallel_loop3A_969, %parallel_loop3A_970] {strides = array<i32>} : memref<32x768xf32, #tpu.memory_space<vmem>>, vector<1x16xf32>,
      %parallel_loop3A_972 = vector.shape_cast %parallel_loop3A_971 : vector<1x16xf32> to vector<16xf32>
      %parallel_loop3A_973 = arith.constant 27.7128124 : f32
      %parallel_loop3A_974 = vector.broadcast %parallel_loop3A_973 : f32 to vector<16xf32>
      %parallel_loop3A_975 = arith.mulf %parallel_loop3A_972, %parallel_loop3A_974 : vector<16xf32>
      %parallel_loop3A_976 = arith.addf %parallel_loop3A_975, %parallel_loop3A_936 : vector<16xf32>
      %parallel_loop3A_977 = arith.index_cast %parallel_loop3A_968 : i32 to index
      %parallel_loop3A_978 = arith.index_cast %parallel_loop3A_930 : i32 to index
      %parallel_loop3A_979 = tpu.vector_load %arg7[%parallel_loop3A_977, %parallel_loop3A_978] {strides = array<i32>} : memref<32x768xf32, #tpu.memory_space<vmem>>, vector<1x16xf32>,
      %parallel_loop3A_980 = vector.shape_cast %parallel_loop3A_979 : vector<1x16xf32> to vector<16xf32>
      %parallel_loop3A_981 = vector.shape_cast %parallel_loop3A_976 : vector<16xf32> to vector<1x16xf32>
      tpu.vector_store %arg7[%parallel_loop3A_977, %parallel_loop3A_978], %parallel_loop3A_981 {strides = array<i32>} : memref<32x768xf32, #tpu.memory_space<vmem>>, vector<1x16xf32>,
      %parallel_loop3A_982 = arith.constant 24 : i32
      %parallel_loop3A_983 = arith.addi %parallel_loop3A_982, %parallel_loop3A_926 : i32
      %parallel_loop3A_984 = arith.index_cast %parallel_loop3A_983 : i32 to index
      %parallel_loop3A_985 = arith.index_cast %parallel_loop3A_930 : i32 to index
      %parallel_loop3A_986 = tpu.vector_load %arg7[%parallel_loop3A_984, %parallel_loop3A_985] {strides = array<i32>} : memref<32x768xf32, #tpu.memory_space<vmem>>, vector<1x16xf32>,
      %parallel_loop3A_987 = vector.shape_cast %parallel_loop3A_986 : vector<1x16xf32> to vector<16xf32>
      %parallel_loop3A_988 = arith.constant 27.7128124 : f32
      %parallel_loop3A_989 = vector.broadcast %parallel_loop3A_988 : f32 to vector<16xf32>
      %parallel_loop3A_990 = arith.mulf %parallel_loop3A_987, %parallel_loop3A_989 : vector<16xf32>
      %parallel_loop3A_991 = arith.addf %parallel_loop3A_990, %parallel_loop3A_936 : vector<16xf32>
      %parallel_loop3A_992 = arith.index_cast %parallel_loop3A_983 : i32 to index
      %parallel_loop3A_993 = arith.index_cast %parallel_loop3A_930 : i32 to index
      %parallel_loop3A_994 = tpu.vector_load %arg7[%parallel_loop3A_992, %parallel_loop3A_993] {strides = array<i32>} : memref<32x768xf32, #tpu.memory_space<vmem>>, vector<1x16xf32>,
      %parallel_loop3A_995 = vector.shape_cast %parallel_loop3A_994 : vector<1x16xf32> to vector<16xf32>
      %parallel_loop3A_996 = vector.shape_cast %parallel_loop3A_991 : vector<16xf32> to vector<1x16xf32>
      tpu.vector_store %arg7[%parallel_loop3A_992, %parallel_loop3A_993], %parallel_loop3A_996 {strides = array<i32>} : memref<32x768xf32, #tpu.memory_space<vmem>>, vector<1x16xf32>,
    } {sc.loop_unroll_factor = 4 : i64, sc.parallel_access}
    %add3A_56 = arith.constant 0 : i32
    %add3A_57 = arith.addi %add3A_56, %mul3A_2 : i32
    %add3A_58 = arith.constant 0 : i32
    %add3A_59 = arith.addi %add3A_57, %add3A_58 : i32
    %dma_start3A_60 = arith.constant 0 : i32
    %dma_start3A_61 = arith.constant 0 : i32
    %dma_start3A_62 = tpu.memref_slice %arg7[%dma_start3A_60, %dma_start3A_61] : memref<32x768xf32, #tpu.memory_space<vmem>> -> memref<8x768xf32, #tpu.memory_space<vmem>>
    %dma_start3A_63 = arith.constant 0 : i32
    %dma_start3A_64 = tpu.memref_slice %arg5[%add3A_59, %dma_start3A_63] : memref<8192x768xf32, #tpu.memory_space<hbm>> -> memref<8x768xf32, #tpu.memory_space<hbm>>
    %dma_start3A_65 = arith.constant 0 : i32
    %dma_start3A_66 = tpu.memref_slice %arg5[%add3A_59, %dma_start3A_65] : memref<8192x768xf32, #tpu.memory_space<hbm>> -> memref<8x768xf32, #tpu.memory_space<hbm>>
    %dma_start3A_67 = arith.constant 0 : i32
    %dma_start3A_68 = arith.constant 0 : i32
    %dma_start3A_69 = tpu.memref_slice %arg7[%dma_start3A_67, %dma_start3A_68] : memref<32x768xf32, #tpu.memory_space<vmem>> -> memref<8x768xf32, #tpu.memory_space<vmem>>
    tpu.enqueue_dma source(%dma_start3A_69 : memref<8x768xf32, #tpu.memory_space<vmem>>) target(%dma_start3A_66 : memref<8x768xf32, #tpu.memory_space<hbm>>) target_semaphore(%arg20 : memref<!tpu.dma_semaphore, #tpu.memory_space<semaphore_mem>>)
    %add3A_70 = arith.constant 2048 : i32
    %add3A_71 = arith.addi %add3A_70, %mul3A_2 : i32
    %add3A_72 = arith.constant 0 : i32
    %add3A_73 = arith.addi %add3A_71, %add3A_72 : i32
    %dma_start3A_74 = arith.constant 8 : i32
    %dma_start3A_75 = arith.constant 0 : i32
    %dma_start3A_76 = tpu.memref_slice %arg7[%dma_start3A_74, %dma_start3A_75] : memref<32x768xf32, #tpu.memory_space<vmem>> -> memref<8x768xf32, #tpu.memory_space<vmem>>
    %dma_start3A_77 = arith.constant 0 : i32
    %dma_start3A_78 = tpu.memref_slice %arg5[%add3A_73, %dma_start3A_77] : memref<8192x768xf32, #tpu.memory_space<hbm>> -> memref<8x768xf32, #tpu.memory_space<hbm>>
    %dma_start3A_79 = arith.constant 0 : i32
    %dma_start3A_80 = tpu.memref_slice %arg5[%add3A_73, %dma_start3A_79] : memref<8192x768xf32, #tpu.memory_space<hbm>> -> memref<8x768xf32, #tpu.memory_space<hbm>>
    %dma_start3A_81 = arith.constant 8 : i32
    %dma_start3A_82 = arith.constant 0 : i32
    %dma_start3A_83 = tpu.memref_slice %arg7[%dma_start3A_81, %dma_start3A_82] : memref<32x768xf32, #tpu.memory_space<vmem>> -> memref<8x768xf32, #tpu.memory_space<vmem>>
    tpu.enqueue_dma source(%dma_start3A_83 : memref<8x768xf32, #tpu.memory_space<vmem>>) target(%dma_start3A_80 : memref<8x768xf32, #tpu.memory_space<hbm>>) target_semaphore(%arg20 : memref<!tpu.dma_semaphore, #tpu.memory_space<semaphore_mem>>)
    %add3A_84 = arith.constant 4096 : i32
    %add3A_85 = arith.addi %add3A_84, %mul3A_2 : i32
    %add3A_86 = arith.constant 0 : i32
    %add3A_87 = arith.addi %add3A_85, %add3A_86 : i32
    %dma_start3A_88 = arith.constant 16 : i32
    %dma_start3A_89 = arith.constant 0 : i32
    %dma_start3A_90 = tpu.memref_slice %arg7[%dma_start3A_88, %dma_start3A_89] : memref<32x768xf32, #tpu.memory_space<vmem>> -> memref<8x768xf32, #tpu.memory_space<vmem>>
    %dma_start3A_91 = arith.constant 0 : i32
    %dma_start3A_92 = tpu.memref_slice %arg5[%add3A_87, %dma_start3A_91] : memref<8192x768xf32, #tpu.memory_space<hbm>> -> memref<8x768xf32, #tpu.memory_space<hbm>>
    %dma_start3A_93 = arith.constant 0 : i32
    %dma_start3A_94 = tpu.memref_slice %arg5[%add3A_87, %dma_start3A_93] : memref<8192x768xf32, #tpu.memory_space<hbm>> -> memref<8x768xf32, #tpu.memory_space<hbm>>
    %dma_start3A_95 = arith.constant 16 : i32
    %dma_start3A_96 = arith.constant 0 : i32
    %dma_start3A_97 = tpu.memref_slice %arg7[%dma_start3A_95, %dma_start3A_96] : memref<32x768xf32, #tpu.memory_space<vmem>> -> memref<8x768xf32, #tpu.memory_space<vmem>>
    tpu.enqueue_dma source(%dma_start3A_97 : memref<8x768xf32, #tpu.memory_space<vmem>>) target(%dma_start3A_94 : memref<8x768xf32, #tpu.memory_space<hbm>>) target_semaphore(%arg20 : memref<!tpu.dma_semaphore, #tpu.memory_space<semaphore_mem>>)
    %add3A_98 = arith.constant 6144 : i32
    %add3A_99 = arith.addi %add3A_98, %mul3A_2 : i32
    %add3A_100 = arith.constant 0 : i32
    %add3A_101 = arith.addi %add3A_99, %add3A_100 : i32
    %dma_start3A_102 = arith.constant 24 : i32
    %dma_start3A_103 = arith.constant 0 : i32
    %dma_start3A_104 = tpu.memref_slice %arg7[%dma_start3A_102, %dma_start3A_103] : memref<32x768xf32, #tpu.memory_space<vmem>> -> memref<8x768xf32, #tpu.memory_space<vmem>>
    %dma_start3A_105 = arith.constant 0 : i32
    %dma_start3A_106 = tpu.memref_slice %arg5[%add3A_101, %dma_start3A_105] : memref<8192x768xf32, #tpu.memory_space<hbm>> -> memref<8x768xf32, #tpu.memory_space<hbm>>
    %dma_start3A_107 = arith.constant 0 : i32
    %dma_start3A_108 = tpu.memref_slice %arg5[%add3A_101, %dma_start3A_107] : memref<8192x768xf32, #tpu.memory_space<hbm>> -> memref<8x768xf32, #tpu.memory_space<hbm>>
    %dma_start3A_109 = arith.constant 24 : i32
    %dma_start3A_110 = arith.constant 0 : i32
    %dma_start3A_111 = tpu.memref_slice %arg7[%dma_start3A_109, %dma_start3A_110] : memref<32x768xf32, #tpu.memory_space<vmem>> -> memref<8x768xf32, #tpu.memory_space<vmem>>
    tpu.enqueue_dma source(%dma_start3A_111 : memref<8x768xf32, #tpu.memory_space<vmem>>) target(%dma_start3A_108 : memref<8x768xf32, #tpu.memory_space<hbm>>) target_semaphore(%arg20 : memref<!tpu.dma_semaphore, #tpu.memory_space<semaphore_mem>>)
    %dma_wait3A_112 = arith.constant 32 : i32
    %dma_wait3A_113 = tpu.memref_slice %arg6[%dma_wait3A_112] : memref<256xi32, #tpu.memory_space<vmem>> -> memref<32xi32, #tpu.memory_space<vmem>>
    %dma_wait3A_114 = arith.constant 0 : i32
    %dma_wait3A_115 = arith.constant 0 : i32
    %dma_wait3A_116 = tpu.memref_slice %arg3[%dma_wait3A_114, %dma_wait3A_115] : memref<100000x768xf32, #tpu.memory_space<hbm>> -> memref<100000x768xf32, #tpu.memory_space<hbm>>
    tpu.wait_indirect_dma semaphore(%arg17 : memref<!tpu.dma_semaphore, #tpu.memory_space<semaphore_mem>>) src(%dma_wait3A_116 : memref<100000x768xf32, #tpu.memory_space<hbm>>) dst(%arg8 : memref<32x768xf32, #tpu.memory_space<vmem>>)
    %parallel_loop3A_117 = arith.constant 0 : i32
    %parallel_loop3A_118 = arith.constant 384 : i32
    %parallel_loop3A_119 = arith.constant 1 : i32
    scf.for %parallel_loop3A_924 = %parallel_loop3A_117 to %parallel_loop3A_118 step %parallel_loop3A_119  : i32 {
      %parallel_loop3A_925 = arith.constant 8 : i32
      %parallel_loop3A_926 = arith.remsi %parallel_loop3A_924, %parallel_loop3A_925 : i32
      %parallel_loop3A_927 = arith.constant 8 : i32
      %parallel_loop3A_928 = arith.divsi %parallel_loop3A_924, %parallel_loop3A_927 : i32
      %parallel_loop3A_929 = arith.constant 16 : i32
      %parallel_loop3A_930 = arith.muli %parallel_loop3A_928, %parallel_loop3A_929 : i32
      %parallel_loop3A_931 = arith.constant 8 : i32
      %parallel_loop3A_932 = arith.addi %parallel_loop3A_931, %parallel_loop3A_926 : i32
      %parallel_loop3A_933 = arith.index_cast %parallel_loop3A_932 : i32 to index
      %parallel_loop3A_934 = arith.index_cast %parallel_loop3A_930 : i32 to index
      %parallel_loop3A_935 = tpu.vector_load %arg11[%parallel_loop3A_933, %parallel_loop3A_934] {strides = array<i32>} : memref<16x768xf32, #tpu.memory_space<vmem>>, vector<1x16xf32>,
      %parallel_loop3A_936 = vector.shape_cast %parallel_loop3A_935 : vector<1x16xf32> to vector<16xf32>
      %parallel_loop3A_937 = arith.constant 0 : i32
      %parallel_loop3A_938 = arith.addi %parallel_loop3A_937, %parallel_loop3A_926 : i32
      %parallel_loop3A_939 = arith.index_cast %parallel_loop3A_938 : i32 to index
      %parallel_loop3A_940 = arith.index_cast %parallel_loop3A_930 : i32 to index
      %parallel_loop3A_941 = tpu.vector_load %arg8[%parallel_loop3A_939, %parallel_loop3A_940] {strides = array<i32>} : memref<32x768xf32, #tpu.memory_space<vmem>>, vector<1x16xf32>,
      %parallel_loop3A_942 = vector.shape_cast %parallel_loop3A_941 : vector<1x16xf32> to vector<16xf32>
      %parallel_loop3A_943 = arith.constant 27.7128124 : f32
      %parallel_loop3A_944 = vector.broadcast %parallel_loop3A_943 : f32 to vector<16xf32>
      %parallel_loop3A_945 = arith.mulf %parallel_loop3A_942, %parallel_loop3A_944 : vector<16xf32>
      %parallel_loop3A_946 = arith.addf %parallel_loop3A_945, %parallel_loop3A_936 : vector<16xf32>
      %parallel_loop3A_947 = arith.index_cast %parallel_loop3A_938 : i32 to index
      %parallel_loop3A_948 = arith.index_cast %parallel_loop3A_930 : i32 to index
      %parallel_loop3A_949 = tpu.vector_load %arg8[%parallel_loop3A_947, %parallel_loop3A_948] {strides = array<i32>} : memref<32x768xf32, #tpu.memory_space<vmem>>, vector<1x16xf32>,
      %parallel_loop3A_950 = vector.shape_cast %parallel_loop3A_949 : vector<1x16xf32> to vector<16xf32>
      %parallel_loop3A_951 = vector.shape_cast %parallel_loop3A_946 : vector<16xf32> to vector<1x16xf32>
      tpu.vector_store %arg8[%parallel_loop3A_947, %parallel_loop3A_948], %parallel_loop3A_951 {strides = array<i32>} : memref<32x768xf32, #tpu.memory_space<vmem>>, vector<1x16xf32>,
      %parallel_loop3A_952 = arith.constant 8 : i32
      %parallel_loop3A_953 = arith.addi %parallel_loop3A_952, %parallel_loop3A_926 : i32
      %parallel_loop3A_954 = arith.index_cast %parallel_loop3A_953 : i32 to index
      %parallel_loop3A_955 = arith.index_cast %parallel_loop3A_930 : i32 to index
      %parallel_loop3A_956 = tpu.vector_load %arg8[%parallel_loop3A_954, %parallel_loop3A_955] {strides = array<i32>} : memref<32x768xf32, #tpu.memory_space<vmem>>, vector<1x16xf32>,
      %parallel_loop3A_957 = vector.shape_cast %parallel_loop3A_956 : vector<1x16xf32> to vector<16xf32>
      %parallel_loop3A_958 = arith.constant 27.7128124 : f32
      %parallel_loop3A_959 = vector.broadcast %parallel_loop3A_958 : f32 to vector<16xf32>
      %parallel_loop3A_960 = arith.mulf %parallel_loop3A_957, %parallel_loop3A_959 : vector<16xf32>
      %parallel_loop3A_961 = arith.addf %parallel_loop3A_960, %parallel_loop3A_936 : vector<16xf32>
      %parallel_loop3A_962 = arith.index_cast %parallel_loop3A_953 : i32 to index
      %parallel_loop3A_963 = arith.index_cast %parallel_loop3A_930 : i32 to index
      %parallel_loop3A_964 = tpu.vector_load %arg8[%parallel_loop3A_962, %parallel_loop3A_963] {strides = array<i32>} : memref<32x768xf32, #tpu.memory_space<vmem>>, vector<1x16xf32>,
      %parallel_loop3A_965 = vector.shape_cast %parallel_loop3A_964 : vector<1x16xf32> to vector<16xf32>
      %parallel_loop3A_966 = vector.shape_cast %parallel_loop3A_961 : vector<16xf32> to vector<1x16xf32>
      tpu.vector_store %arg8[%parallel_loop3A_962, %parallel_loop3A_963], %parallel_loop3A_966 {strides = array<i32>} : memref<32x768xf32, #tpu.memory_space<vmem>>, vector<1x16xf32>,
      %parallel_loop3A_967 = arith.constant 16 : i32
      %parallel_loop3A_968 = arith.addi %parallel_loop3A_967, %parallel_loop3A_926 : i32
      %parallel_loop3A_969 = arith.index_cast %parallel_loop3A_968 : i32 to index
      %parallel_loop3A_970 = arith.index_cast %parallel_loop3A_930 : i32 to index
      %parallel_loop3A_971 = tpu.vector_load %arg8[%parallel_loop3A_969, %parallel_loop3A_970] {strides = array<i32>} : memref<32x768xf32, #tpu.memory_space<vmem>>, vector<1x16xf32>,
      %parallel_loop3A_972 = vector.shape_cast %parallel_loop3A_971 : vector<1x16xf32> to vector<16xf32>
      %parallel_loop3A_973 = arith.constant 27.7128124 : f32
      %parallel_loop3A_974 = vector.broadcast %parallel_loop3A_973 : f32 to vector<16xf32>
      %parallel_loop3A_975 = arith.mulf %parallel_loop3A_972, %parallel_loop3A_974 : vector<16xf32>
      %parallel_loop3A_976 = arith.addf %parallel_loop3A_975, %parallel_loop3A_936 : vector<16xf32>
      %parallel_loop3A_977 = arith.index_cast %parallel_loop3A_968 : i32 to index
      %parallel_loop3A_978 = arith.index_cast %parallel_loop3A_930 : i32 to index
      %parallel_loop3A_979 = tpu.vector_load %arg8[%parallel_loop3A_977, %parallel_loop3A_978] {strides = array<i32>} : memref<32x768xf32, #tpu.memory_space<vmem>>, vector<1x16xf32>,
      %parallel_loop3A_980 = vector.shape_cast %parallel_loop3A_979 : vector<1x16xf32> to vector<16xf32>
      %parallel_loop3A_981 = vector.shape_cast %parallel_loop3A_976 : vector<16xf32> to vector<1x16xf32>
      tpu.vector_store %arg8[%parallel_loop3A_977, %parallel_loop3A_978], %parallel_loop3A_981 {strides = array<i32>} : memref<32x768xf32, #tpu.memory_space<vmem>>, vector<1x16xf32>,
      %parallel_loop3A_982 = arith.constant 24 : i32
      %parallel_loop3A_983 = arith.addi %parallel_loop3A_982, %parallel_loop3A_926 : i32
      %parallel_loop3A_984 = arith.index_cast %parallel_loop3A_983 : i32 to index
      %parallel_loop3A_985 = arith.index_cast %parallel_loop3A_930 : i32 to index
      %parallel_loop3A_986 = tpu.vector_load %arg8[%parallel_loop3A_984, %parallel_loop3A_985] {strides = array<i32>} : memref<32x768xf32, #tpu.memory_space<vmem>>, vector<1x16xf32>,
      %parallel_loop3A_987 = vector.shape_cast %parallel_loop3A_986 : vector<1x16xf32> to vector<16xf32>
      %parallel_loop3A_988 = arith.constant 27.7128124 : f32
      %parallel_loop3A_989 = vector.broadcast %parallel_loop3A_988 : f32 to vector<16xf32>
      %parallel_loop3A_990 = arith.mulf %parallel_loop3A_987, %parallel_loop3A_989 : vector<16xf32>
      %parallel_loop3A_991 = arith.addf %parallel_loop3A_990, %parallel_loop3A_936 : vector<16xf32>
      %parallel_loop3A_992 = arith.index_cast %parallel_loop3A_983 : i32 to index
      %parallel_loop3A_993 = arith.index_cast %parallel_loop3A_930 : i32 to index
      %parallel_loop3A_994 = tpu.vector_load %arg8[%parallel_loop3A_992, %parallel_loop3A_993] {strides = array<i32>} : memref<32x768xf32, #tpu.memory_space<vmem>>, vector<1x16xf32>,
      %parallel_loop3A_995 = vector.shape_cast %parallel_loop3A_994 : vector<1x16xf32> to vector<16xf32>
      %parallel_loop3A_996 = vector.shape_cast %parallel_loop3A_991 : vector<16xf32> to vector<1x16xf32>
      tpu.vector_store %arg8[%parallel_loop3A_992, %parallel_loop3A_993], %parallel_loop3A_996 {strides = array<i32>} : memref<32x768xf32, #tpu.memory_space<vmem>>, vector<1x16xf32>,
    } {sc.loop_unroll_factor = 4 : i64, sc.parallel_access}
    %add3A_120 = arith.constant 32 : i32
    %add3A_121 = arith.addi %mul3A_2, %add3A_120 : i32
    %dma_start3A_122 = arith.constant 0 : i32
    %dma_start3A_123 = tpu.memref_slice %arg4[%add3A_121, %dma_start3A_122] : memref<2048x768xf32, #tpu.memory_space<hbm>> -> memref<16x768xf32, #tpu.memory_space<hbm>>
    %dma_start3A_124 = arith.constant 0 : i32
    %dma_start3A_125 = tpu.memref_slice %arg4[%add3A_121, %dma_start3A_124] : memref<2048x768xf32, #tpu.memory_space<hbm>> -> memref<16x768xf32, #tpu.memory_space<hbm>>
    tpu.enqueue_dma source(%dma_start3A_125 : memref<16x768xf32, #tpu.memory_space<hbm>>) target(%arg11 : memref<16x768xf32, #tpu.memory_space<vmem>>) target_semaphore(%arg14 : memref<!tpu.dma_semaphore, #tpu.memory_space<semaphore_mem>>)
    %add3A_126 = arith.constant 0 : i32
    %add3A_127 = arith.addi %add3A_126, %mul3A_2 : i32
    %add3A_128 = arith.constant 8 : i32
    %add3A_129 = arith.addi %add3A_127, %add3A_128 : i32
    %dma_start3A_130 = arith.constant 0 : i32
    %dma_start3A_131 = arith.constant 0 : i32
    %dma_start3A_132 = tpu.memref_slice %arg8[%dma_start3A_130, %dma_start3A_131] : memref<32x768xf32, #tpu.memory_space<vmem>> -> memref<8x768xf32, #tpu.memory_space<vmem>>
    %dma_start3A_133 = arith.constant 0 : i32
    %dma_start3A_134 = tpu.memref_slice %arg5[%add3A_129, %dma_start3A_133] : memref<8192x768xf32, #tpu.memory_space<hbm>> -> memref<8x768xf32, #tpu.memory_space<hbm>>
    %dma_start3A_135 = arith.constant 0 : i32
    %dma_start3A_136 = tpu.memref_slice %arg5[%add3A_129, %dma_start3A_135] : memref<8192x768xf32, #tpu.memory_space<hbm>> -> memref<8x768xf32, #tpu.memory_space<hbm>>
    %dma_start3A_137 = arith.constant 0 : i32
    %dma_start3A_138 = arith.constant 0 : i32
    %dma_start3A_139 = tpu.memref_slice %arg8[%dma_start3A_137, %dma_start3A_138] : memref<32x768xf32, #tpu.memory_space<vmem>> -> memref<8x768xf32, #tpu.memory_space<vmem>>
    tpu.enqueue_dma source(%dma_start3A_139 : memref<8x768xf32, #tpu.memory_space<vmem>>) target(%dma_start3A_136 : memref<8x768xf32, #tpu.memory_space<hbm>>) target_semaphore(%arg21 : memref<!tpu.dma_semaphore, #tpu.memory_space<semaphore_mem>>)
    %add3A_140 = arith.constant 2048 : i32
    %add3A_141 = arith.addi %add3A_140, %mul3A_2 : i32
    %add3A_142 = arith.constant 8 : i32
    %add3A_143 = arith.addi %add3A_141, %add3A_142 : i32
    %dma_start3A_144 = arith.constant 8 : i32
    %dma_start3A_145 = arith.constant 0 : i32
    %dma_start3A_146 = tpu.memref_slice %arg8[%dma_start3A_144, %dma_start3A_145] : memref<32x768xf32, #tpu.memory_space<vmem>> -> memref<8x768xf32, #tpu.memory_space<vmem>>
    %dma_start3A_147 = arith.constant 0 : i32
    %dma_start3A_148 = tpu.memref_slice %arg5[%add3A_143, %dma_start3A_147] : memref<8192x768xf32, #tpu.memory_space<hbm>> -> memref<8x768xf32, #tpu.memory_space<hbm>>
    %dma_start3A_149 = arith.constant 0 : i32
    %dma_start3A_150 = tpu.memref_slice %arg5[%add3A_143, %dma_start3A_149] : memref<8192x768xf32, #tpu.memory_space<hbm>> -> memref<8x768xf32, #tpu.memory_space<hbm>>
    %dma_start3A_151 = arith.constant 8 : i32
    %dma_start3A_152 = arith.constant 0 : i32
    %dma_start3A_153 = tpu.memref_slice %arg8[%dma_start3A_151, %dma_start3A_152] : memref<32x768xf32, #tpu.memory_space<vmem>> -> memref<8x768xf32, #tpu.memory_space<vmem>>
    tpu.enqueue_dma source(%dma_start3A_153 : memref<8x768xf32, #tpu.memory_space<vmem>>) target(%dma_start3A_150 : memref<8x768xf32, #tpu.memory_space<hbm>>) target_semaphore(%arg21 : memref<!tpu.dma_semaphore, #tpu.memory_space<semaphore_mem>>)
    %add3A_154 = arith.constant 4096 : i32
    %add3A_155 = arith.addi %add3A_154, %mul3A_2 : i32
    %add3A_156 = arith.constant 8 : i32
    %add3A_157 = arith.addi %add3A_155, %add3A_156 : i32
    %dma_start3A_158 = arith.constant 16 : i32
    %dma_start3A_159 = arith.constant 0 : i32
    %dma_start3A_160 = tpu.memref_slice %arg8[%dma_start3A_158, %dma_start3A_159] : memref<32x768xf32, #tpu.memory_space<vmem>> -> memref<8x768xf32, #tpu.memory_space<vmem>>
    %dma_start3A_161 = arith.constant 0 : i32
    %dma_start3A_162 = tpu.memref_slice %arg5[%add3A_157, %dma_start3A_161] : memref<8192x768xf32, #tpu.memory_space<hbm>> -> memref<8x768xf32, #tpu.memory_space<hbm>>
    %dma_start3A_163 = arith.constant 0 : i32
    %dma_start3A_164 = tpu.memref_slice %arg5[%add3A_157, %dma_start3A_163] : memref<8192x768xf32, #tpu.memory_space<hbm>> -> memref<8x768xf32, #tpu.memory_space<hbm>>
    %dma_start3A_165 = arith.constant 16 : i32
    %dma_start3A_166 = arith.constant 0 : i32
    %dma_start3A_167 = tpu.memref_slice %arg8[%dma_start3A_165, %dma_start3A_166] : memref<32x768xf32, #tpu.memory_space<vmem>> -> memref<8x768xf32, #tpu.memory_space<vmem>>
    tpu.enqueue_dma source(%dma_start3A_167 : memref<8x768xf32, #tpu.memory_space<vmem>>) target(%dma_start3A_164 : memref<8x768xf32, #tpu.memory_space<hbm>>) target_semaphore(%arg21 : memref<!tpu.dma_semaphore, #tpu.memory_space<semaphore_mem>>)
    %add3A_168 = arith.constant 6144 : i32
    %add3A_169 = arith.addi %add3A_168, %mul3A_2 : i32
    %add3A_170 = arith.constant 8 : i32
    %add3A_171 = arith.addi %add3A_169, %add3A_170 : i32
    %dma_start3A_172 = arith.constant 24 : i32
    %dma_start3A_173 = arith.constant 0 : i32
    %dma_start3A_174 = tpu.memref_slice %arg8[%dma_start3A_172, %dma_start3A_173] : memref<32x768xf32, #tpu.memory_space<vmem>> -> memref<8x768xf32, #tpu.memory_space<vmem>>
    %dma_start3A_175 = arith.constant 0 : i32
    %dma_start3A_176 = tpu.memref_slice %arg5[%add3A_171, %dma_start3A_175] : memref<8192x768xf32, #tpu.memory_space<hbm>> -> memref<8x768xf32, #tpu.memory_space<hbm>>
    %dma_start3A_177 = arith.constant 0 : i32
    %dma_start3A_178 = tpu.memref_slice %arg5[%add3A_171, %dma_start3A_177] : memref<8192x768xf32, #tpu.memory_space<hbm>> -> memref<8x768xf32, #tpu.memory_space<hbm>>
    %dma_start3A_179 = arith.constant 24 : i32
    %dma_start3A_180 = arith.constant 0 : i32
    %dma_start3A_181 = tpu.memref_slice %arg8[%dma_start3A_179, %dma_start3A_180] : memref<32x768xf32, #tpu.memory_space<vmem>> -> memref<8x768xf32, #tpu.memory_space<vmem>>
    tpu.enqueue_dma source(%dma_start3A_181 : memref<8x768xf32, #tpu.memory_space<vmem>>) target(%dma_start3A_178 : memref<8x768xf32, #tpu.memory_space<hbm>>) target_semaphore(%arg21 : memref<!tpu.dma_semaphore, #tpu.memory_space<semaphore_mem>>)
    %dma_wait3A_182 = arith.constant 64 : i32
    %dma_wait3A_183 = tpu.memref_slice %arg6[%dma_wait3A_182] : memref<256xi32, #tpu.memory_space<vmem>> -> memref<32xi32, #tpu.memory_space<vmem>>
    %dma_wait3A_184 = arith.constant 0 : i32
    %dma_wait3A_185 = arith.constant 0 : i32
    %dma_wait3A_186 = tpu.memref_slice %arg3[%dma_wait3A_184, %dma_wait3A_185] : memref<100000x768xf32, #tpu.memory_space<hbm>> -> memref<100000x768xf32, #tpu.memory_space<hbm>>
    tpu.wait_indirect_dma semaphore(%arg18 : memref<!tpu.dma_semaphore, #tpu.memory_space<semaphore_mem>>) src(%dma_wait3A_186 : memref<100000x768xf32, #tpu.memory_space<hbm>>) dst(%arg9 : memref<32x768xf32, #tpu.memory_space<vmem>>)
    %dma_wait3A_187 = arith.constant 0 : i32
    %dma_wait3A_188 = tpu.memref_slice %arg4[%add3A_9, %dma_wait3A_187] : memref<2048x768xf32, #tpu.memory_space<hbm>> -> memref<16x768xf32, #tpu.memory_space<hbm>>
    %dma_wait3A_189 = arith.constant 0 : i32
    %dma_wait3A_190 = tpu.memref_slice %arg4[%add3A_9, %dma_wait3A_189] : memref<2048x768xf32, #tpu.memory_space<hbm>> -> memref<16x768xf32, #tpu.memory_space<hbm>>
    tpu.wait_dma2 semaphore(%arg15 : memref<!tpu.dma_semaphore, #tpu.memory_space<semaphore_mem>>) src(%dma_wait3A_190 : memref<16x768xf32, #tpu.memory_space<hbm>>) dst(%arg12 : memref<16x768xf32, #tpu.memory_space<vmem>>)
    %parallel_loop3A_191 = arith.constant 0 : i32
    %parallel_loop3A_192 = arith.constant 384 : i32
    %parallel_loop3A_193 = arith.constant 1 : i32
    scf.for %parallel_loop3A_924 = %parallel_loop3A_191 to %parallel_loop3A_192 step %parallel_loop3A_193  : i32 {
      %parallel_loop3A_925 = arith.constant 8 : i32
      %parallel_loop3A_926 = arith.remsi %parallel_loop3A_924, %parallel_loop3A_925 : i32
      %parallel_loop3A_927 = arith.constant 8 : i32
      %parallel_loop3A_928 = arith.divsi %parallel_loop3A_924, %parallel_loop3A_927 : i32
      %parallel_loop3A_929 = arith.constant 16 : i32
      %parallel_loop3A_930 = arith.muli %parallel_loop3A_928, %parallel_loop3A_929 : i32
      %parallel_loop3A_931 = arith.constant 0 : i32
      %parallel_loop3A_932 = arith.addi %parallel_loop3A_931, %parallel_loop3A_926 : i32
      %parallel_loop3A_933 = arith.index_cast %parallel_loop3A_932 : i32 to index
      %parallel_loop3A_934 = arith.index_cast %parallel_loop3A_930 : i32 to index
      %parallel_loop3A_935 = tpu.vector_load %arg12[%parallel_loop3A_933, %parallel_loop3A_934] {strides = array<i32>} : memref<16x768xf32, #tpu.memory_space<vmem>>, vector<1x16xf32>,
      %parallel_loop3A_936 = vector.shape_cast %parallel_loop3A_935 : vector<1x16xf32> to vector<16xf32>
      %parallel_loop3A_937 = arith.constant 0 : i32
      %parallel_loop3A_938 = arith.addi %parallel_loop3A_937, %parallel_loop3A_926 : i32
      %parallel_loop3A_939 = arith.index_cast %parallel_loop3A_938 : i32 to index
      %parallel_loop3A_940 = arith.index_cast %parallel_loop3A_930 : i32 to index
      %parallel_loop3A_941 = tpu.vector_load %arg9[%parallel_loop3A_939, %parallel_loop3A_940] {strides = array<i32>} : memref<32x768xf32, #tpu.memory_space<vmem>>, vector<1x16xf32>,
      %parallel_loop3A_942 = vector.shape_cast %parallel_loop3A_941 : vector<1x16xf32> to vector<16xf32>
      %parallel_loop3A_943 = arith.constant 27.7128124 : f32
      %parallel_loop3A_944 = vector.broadcast %parallel_loop3A_943 : f32 to vector<16xf32>
      %parallel_loop3A_945 = arith.mulf %parallel_loop3A_942, %parallel_loop3A_944 : vector<16xf32>
      %parallel_loop3A_946 = arith.addf %parallel_loop3A_945, %parallel_loop3A_936 : vector<16xf32>
      %parallel_loop3A_947 = arith.index_cast %parallel_loop3A_938 : i32 to index
      %parallel_loop3A_948 = arith.index_cast %parallel_loop3A_930 : i32 to index
      %parallel_loop3A_949 = tpu.vector_load %arg9[%parallel_loop3A_947, %parallel_loop3A_948] {strides = array<i32>} : memref<32x768xf32, #tpu.memory_space<vmem>>, vector<1x16xf32>,
      %parallel_loop3A_950 = vector.shape_cast %parallel_loop3A_949 : vector<1x16xf32> to vector<16xf32>
      %parallel_loop3A_951 = vector.shape_cast %parallel_loop3A_946 : vector<16xf32> to vector<1x16xf32>
      tpu.vector_store %arg9[%parallel_loop3A_947, %parallel_loop3A_948], %parallel_loop3A_951 {strides = array<i32>} : memref<32x768xf32, #tpu.memory_space<vmem>>, vector<1x16xf32>,
      %parallel_loop3A_952 = arith.constant 8 : i32
      %parallel_loop3A_953 = arith.addi %parallel_loop3A_952, %parallel_loop3A_926 : i32
      %parallel_loop3A_954 = arith.index_cast %parallel_loop3A_953 : i32 to index
      %parallel_loop3A_955 = arith.index_cast %parallel_loop3A_930 : i32 to index
      %parallel_loop3A_956 = tpu.vector_load %arg9[%parallel_loop3A_954, %parallel_loop3A_955] {strides = array<i32>} : memref<32x768xf32, #tpu.memory_space<vmem>>, vector<1x16xf32>,
      %parallel_loop3A_957 = vector.shape_cast %parallel_loop3A_956 : vector<1x16xf32> to vector<16xf32>
      %parallel_loop3A_958 = arith.constant 27.7128124 : f32
      %parallel_loop3A_959 = vector.broadcast %parallel_loop3A_958 : f32 to vector<16xf32>
      %parallel_loop3A_960 = arith.mulf %parallel_loop3A_957, %parallel_loop3A_959 : vector<16xf32>
      %parallel_loop3A_961 = arith.addf %parallel_loop3A_960, %parallel_loop3A_936 : vector<16xf32>
      %parallel_loop3A_962 = arith.index_cast %parallel_loop3A_953 : i32 to index
      %parallel_loop3A_963 = arith.index_cast %parallel_loop3A_930 : i32 to index
      %parallel_loop3A_964 = tpu.vector_load %arg9[%parallel_loop3A_962, %parallel_loop3A_963] {strides = array<i32>} : memref<32x768xf32, #tpu.memory_space<vmem>>, vector<1x16xf32>,
      %parallel_loop3A_965 = vector.shape_cast %parallel_loop3A_964 : vector<1x16xf32> to vector<16xf32>
      %parallel_loop3A_966 = vector.shape_cast %parallel_loop3A_961 : vector<16xf32> to vector<1x16xf32>
      tpu.vector_store %arg9[%parallel_loop3A_962, %parallel_loop3A_963], %parallel_loop3A_966 {strides = array<i32>} : memref<32x768xf32, #tpu.memory_space<vmem>>, vector<1x16xf32>,
      %parallel_loop3A_967 = arith.constant 16 : i32
      %parallel_loop3A_968 = arith.addi %parallel_loop3A_967, %parallel_loop3A_926 : i32
      %parallel_loop3A_969 = arith.index_cast %parallel_loop3A_968 : i32 to index
      %parallel_loop3A_970 = arith.index_cast %parallel_loop3A_930 : i32 to index
      %parallel_loop3A_971 = tpu.vector_load %arg9[%parallel_loop3A_969, %parallel_loop3A_970] {strides = array<i32>} : memref<32x768xf32, #tpu.memory_space<vmem>>, vector<1x16xf32>,
      %parallel_loop3A_972 = vector.shape_cast %parallel_loop3A_971 : vector<1x16xf32> to vector<16xf32>
      %parallel_loop3A_973 = arith.constant 27.7128124 : f32
      %parallel_loop3A_974 = vector.broadcast %parallel_loop3A_973 : f32 to vector<16xf32>
      %parallel_loop3A_975 = arith.mulf %parallel_loop3A_972, %parallel_loop3A_974 : vector<16xf32>
      %parallel_loop3A_976 = arith.addf %parallel_loop3A_975, %parallel_loop3A_936 : vector<16xf32>
      %parallel_loop3A_977 = arith.index_cast %parallel_loop3A_968 : i32 to index
      %parallel_loop3A_978 = arith.index_cast %parallel_loop3A_930 : i32 to index
      %parallel_loop3A_979 = tpu.vector_load %arg9[%parallel_loop3A_977, %parallel_loop3A_978] {strides = array<i32>} : memref<32x768xf32, #tpu.memory_space<vmem>>, vector<1x16xf32>,
      %parallel_loop3A_980 = vector.shape_cast %parallel_loop3A_979 : vector<1x16xf32> to vector<16xf32>
      %parallel_loop3A_981 = vector.shape_cast %parallel_loop3A_976 : vector<16xf32> to vector<1x16xf32>
      tpu.vector_store %arg9[%parallel_loop3A_977, %parallel_loop3A_978], %parallel_loop3A_981 {strides = array<i32>} : memref<32x768xf32, #tpu.memory_space<vmem>>, vector<1x16xf32>,
      %parallel_loop3A_982 = arith.constant 24 : i32
      %parallel_loop3A_983 = arith.addi %parallel_loop3A_982, %parallel_loop3A_926 : i32
      %parallel_loop3A_984 = arith.index_cast %parallel_loop3A_983 : i32 to index
      %parallel_loop3A_985 = arith.index_cast %parallel_loop3A_930 : i32 to index
      %parallel_loop3A_986 = tpu.vector_load %arg9[%parallel_loop3A_984, %parallel_loop3A_985] {strides = array<i32>} : memref<32x768xf32, #tpu.memory_space<vmem>>, vector<1x16xf32>,
      %parallel_loop3A_987 = vector.shape_cast %parallel_loop3A_986 : vector<1x16xf32> to vector<16xf32>
      %parallel_loop3A_988 = arith.constant 27.7128124 : f32
      %parallel_loop3A_989 = vector.broadcast %parallel_loop3A_988 : f32 to vector<16xf32>
      %parallel_loop3A_990 = arith.mulf %parallel_loop3A_987, %parallel_loop3A_989 : vector<16xf32>
      %parallel_loop3A_991 = arith.addf %parallel_loop3A_990, %parallel_loop3A_936 : vector<16xf32>
      %parallel_loop3A_992 = arith.index_cast %parallel_loop3A_983 : i32 to index
      %parallel_loop3A_993 = arith.index_cast %parallel_loop3A_930 : i32 to index
      %parallel_loop3A_994 = tpu.vector_load %arg9[%parallel_loop3A_992, %parallel_loop3A_993] {strides = array<i32>} : memref<32x768xf32, #tpu.memory_space<vmem>>, vector<1x16xf32>,
      %parallel_loop3A_995 = vector.shape_cast %parallel_loop3A_994 : vector<1x16xf32> to vector<16xf32>
      %parallel_loop3A_996 = vector.shape_cast %parallel_loop3A_991 : vector<16xf32> to vector<1x16xf32>
      tpu.vector_store %arg9[%parallel_loop3A_992, %parallel_loop3A_993], %parallel_loop3A_996 {strides = array<i32>} : memref<32x768xf32, #tpu.memory_space<vmem>>, vector<1x16xf32>,
    } {sc.loop_unroll_factor = 4 : i64, sc.parallel_access}
    %add3A_194 = arith.constant 0 : i32
    %add3A_195 = arith.addi %add3A_194, %mul3A_2 : i32
    %add3A_196 = arith.constant 16 : i32
    %add3A_197 = arith.addi %add3A_195, %add3A_196 : i32
    %dma_start3A_198 = arith.constant 0 : i32
    %dma_start3A_199 = arith.constant 0 : i32
    %dma_start3A_200 = tpu.memref_slice %arg9[%dma_start3A_198, %dma_start3A_199] : memref<32x768xf32, #tpu.memory_space<vmem>> -> memref<8x768xf32, #tpu.memory_space<vmem>>
    %dma_start3A_201 = arith.constant 0 : i32
    %dma_start3A_202 = tpu.memref_slice %arg5[%add3A_197, %dma_start3A_201] : memref<8192x768xf32, #tpu.memory_space<hbm>> -> memref<8x768xf32, #tpu.memory_space<hbm>>
    %dma_start3A_203 = arith.constant 0 : i32
    %dma_start3A_204 = tpu.memref_slice %arg5[%add3A_197, %dma_start3A_203] : memref<8192x768xf32, #tpu.memory_space<hbm>> -> memref<8x768xf32, #tpu.memory_space<hbm>>
    %dma_start3A_205 = arith.constant 0 : i32
    %dma_start3A_206 = arith.constant 0 : i32
    %dma_start3A_207 = tpu.memref_slice %arg9[%dma_start3A_205, %dma_start3A_206] : memref<32x768xf32, #tpu.memory_space<vmem>> -> memref<8x768xf32, #tpu.memory_space<vmem>>
    tpu.enqueue_dma source(%dma_start3A_207 : memref<8x768xf32, #tpu.memory_space<vmem>>) target(%dma_start3A_204 : memref<8x768xf32, #tpu.memory_space<hbm>>) target_semaphore(%arg22 : memref<!tpu.dma_semaphore, #tpu.memory_space<semaphore_mem>>)
    %add3A_208 = arith.constant 2048 : i32
    %add3A_209 = arith.addi %add3A_208, %mul3A_2 : i32
    %add3A_210 = arith.constant 16 : i32
    %add3A_211 = arith.addi %add3A_209, %add3A_210 : i32
    %dma_start3A_212 = arith.constant 8 : i32
    %dma_start3A_213 = arith.constant 0 : i32
    %dma_start3A_214 = tpu.memref_slice %arg9[%dma_start3A_212, %dma_start3A_213] : memref<32x768xf32, #tpu.memory_space<vmem>> -> memref<8x768xf32, #tpu.memory_space<vmem>>
    %dma_start3A_215 = arith.constant 0 : i32
    %dma_start3A_216 = tpu.memref_slice %arg5[%add3A_211, %dma_start3A_215] : memref<8192x768xf32, #tpu.memory_space<hbm>> -> memref<8x768xf32, #tpu.memory_space<hbm>>
    %dma_start3A_217 = arith.constant 0 : i32
    %dma_start3A_218 = tpu.memref_slice %arg5[%add3A_211, %dma_start3A_217] : memref<8192x768xf32, #tpu.memory_space<hbm>> -> memref<8x768xf32, #tpu.memory_space<hbm>>
    %dma_start3A_219 = arith.constant 8 : i32
    %dma_start3A_220 = arith.constant 0 : i32
    %dma_start3A_221 = tpu.memref_slice %arg9[%dma_start3A_219, %dma_start3A_220] : memref<32x768xf32, #tpu.memory_space<vmem>> -> memref<8x768xf32, #tpu.memory_space<vmem>>
    tpu.enqueue_dma source(%dma_start3A_221 : memref<8x768xf32, #tpu.memory_space<vmem>>) target(%dma_start3A_218 : memref<8x768xf32, #tpu.memory_space<hbm>>) target_semaphore(%arg22 : memref<!tpu.dma_semaphore, #tpu.memory_space<semaphore_mem>>)
    %add3A_222 = arith.constant 4096 : i32
    %add3A_223 = arith.addi %add3A_222, %mul3A_2 : i32
    %add3A_224 = arith.constant 16 : i32
    %add3A_225 = arith.addi %add3A_223, %add3A_224 : i32
    %dma_start3A_226 = arith.constant 16 : i32
    %dma_start3A_227 = arith.constant 0 : i32
    %dma_start3A_228 = tpu.memref_slice %arg9[%dma_start3A_226, %dma_start3A_227] : memref<32x768xf32, #tpu.memory_space<vmem>> -> memref<8x768xf32, #tpu.memory_space<vmem>>
    %dma_start3A_229 = arith.constant 0 : i32
    %dma_start3A_230 = tpu.memref_slice %arg5[%add3A_225, %dma_start3A_229] : memref<8192x768xf32, #tpu.memory_space<hbm>> -> memref<8x768xf32, #tpu.memory_space<hbm>>
    %dma_start3A_231 = arith.constant 0 : i32
    %dma_start3A_232 = tpu.memref_slice %arg5[%add3A_225, %dma_start3A_231] : memref<8192x768xf32, #tpu.memory_space<hbm>> -> memref<8x768xf32, #tpu.memory_space<hbm>>
    %dma_start3A_233 = arith.constant 16 : i32
    %dma_start3A_234 = arith.constant 0 : i32
    %dma_start3A_235 = tpu.memref_slice %arg9[%dma_start3A_233, %dma_start3A_234] : memref<32x768xf32, #tpu.memory_space<vmem>> -> memref<8x768xf32, #tpu.memory_space<vmem>>
    tpu.enqueue_dma source(%dma_start3A_235 : memref<8x768xf32, #tpu.memory_space<vmem>>) target(%dma_start3A_232 : memref<8x768xf32, #tpu.memory_space<hbm>>) target_semaphore(%arg22 : memref<!tpu.dma_semaphore, #tpu.memory_space<semaphore_mem>>)
    %add3A_236 = arith.constant 6144 : i32
    %add3A_237 = arith.addi %add3A_236, %mul3A_2 : i32
    %add3A_238 = arith.constant 16 : i32
    %add3A_239 = arith.addi %add3A_237, %add3A_238 : i32
    %dma_start3A_240 = arith.constant 24 : i32
    %dma_start3A_241 = arith.constant 0 : i32
    %dma_start3A_242 = tpu.memref_slice %arg9[%dma_start3A_240, %dma_start3A_241] : memref<32x768xf32, #tpu.memory_space<vmem>> -> memref<8x768xf32, #tpu.memory_space<vmem>>
    %dma_start3A_243 = arith.constant 0 : i32
    %dma_start3A_244 = tpu.memref_slice %arg5[%add3A_239, %dma_start3A_243] : memref<8192x768xf32, #tpu.memory_space<hbm>> -> memref<8x768xf32, #tpu.memory_space<hbm>>
    %dma_start3A_245 = arith.constant 0 : i32
    %dma_start3A_246 = tpu.memref_slice %arg5[%add3A_239, %dma_start3A_245] : memref<8192x768xf32, #tpu.memory_space<hbm>> -> memref<8x768xf32, #tpu.memory_space<hbm>>
    %dma_start3A_247 = arith.constant 24 : i32
    %dma_start3A_248 = arith.constant 0 : i32
    %dma_start3A_249 = tpu.memref_slice %arg9[%dma_start3A_247, %dma_start3A_248] : memref<32x768xf32, #tpu.memory_space<vmem>> -> memref<8x768xf32, #tpu.memory_space<vmem>>
    tpu.enqueue_dma source(%dma_start3A_249 : memref<8x768xf32, #tpu.memory_space<vmem>>) target(%dma_start3A_246 : memref<8x768xf32, #tpu.memory_space<hbm>>) target_semaphore(%arg22 : memref<!tpu.dma_semaphore, #tpu.memory_space<semaphore_mem>>)
    %dma_wait3A_250 = arith.constant 0 : i32
    %dma_wait3A_251 = arith.constant 0 : i32
    %dma_wait3A_252 = tpu.memref_slice %arg7[%dma_wait3A_250, %dma_wait3A_251] : memref<32x768xf32, #tpu.memory_space<vmem>> -> memref<8x768xf32, #tpu.memory_space<vmem>>
    %dma_wait3A_253 = arith.constant 0 : i32
    %dma_wait3A_254 = tpu.memref_slice %arg5[%add3A_59, %dma_wait3A_253] : memref<8192x768xf32, #tpu.memory_space<hbm>> -> memref<8x768xf32, #tpu.memory_space<hbm>>
    %dma_wait3A_255 = arith.constant 0 : i32
    %dma_wait3A_256 = tpu.memref_slice %arg5[%add3A_59, %dma_wait3A_255] : memref<8192x768xf32, #tpu.memory_space<hbm>> -> memref<8x768xf32, #tpu.memory_space<hbm>>
    %dma_wait3A_257 = arith.constant 0 : i32
    %dma_wait3A_258 = arith.constant 0 : i32
    %dma_wait3A_259 = tpu.memref_slice %arg7[%dma_wait3A_257, %dma_wait3A_258] : memref<32x768xf32, #tpu.memory_space<vmem>> -> memref<8x768xf32, #tpu.memory_space<vmem>>
    tpu.wait_dma2 semaphore(%arg20 : memref<!tpu.dma_semaphore, #tpu.memory_space<semaphore_mem>>) src(%dma_wait3A_259 : memref<8x768xf32, #tpu.memory_space<vmem>>) dst(%dma_wait3A_256 : memref<8x768xf32, #tpu.memory_space<hbm>>)
    %dma_wait3A_260 = arith.constant 8 : i32
    %dma_wait3A_261 = arith.constant 0 : i32
    %dma_wait3A_262 = tpu.memref_slice %arg7[%dma_wait3A_260, %dma_wait3A_261] : memref<32x768xf32, #tpu.memory_space<vmem>> -> memref<8x768xf32, #tpu.memory_space<vmem>>
    %dma_wait3A_263 = arith.constant 0 : i32
    %dma_wait3A_264 = tpu.memref_slice %arg5[%add3A_73, %dma_wait3A_263] : memref<8192x768xf32, #tpu.memory_space<hbm>> -> memref<8x768xf32, #tpu.memory_space<hbm>>
    %dma_wait3A_265 = arith.constant 0 : i32
    %dma_wait3A_266 = tpu.memref_slice %arg5[%add3A_73, %dma_wait3A_265] : memref<8192x768xf32, #tpu.memory_space<hbm>> -> memref<8x768xf32, #tpu.memory_space<hbm>>
    %dma_wait3A_267 = arith.constant 8 : i32
    %dma_wait3A_268 = arith.constant 0 : i32
    %dma_wait3A_269 = tpu.memref_slice %arg7[%dma_wait3A_267, %dma_wait3A_268] : memref<32x768xf32, #tpu.memory_space<vmem>> -> memref<8x768xf32, #tpu.memory_space<vmem>>
    tpu.wait_dma2 semaphore(%arg20 : memref<!tpu.dma_semaphore, #tpu.memory_space<semaphore_mem>>) src(%dma_wait3A_269 : memref<8x768xf32, #tpu.memory_space<vmem>>) dst(%dma_wait3A_266 : memref<8x768xf32, #tpu.memory_space<hbm>>)
    %dma_wait3A_270 = arith.constant 16 : i32
    %dma_wait3A_271 = arith.constant 0 : i32
    %dma_wait3A_272 = tpu.memref_slice %arg7[%dma_wait3A_270, %dma_wait3A_271] : memref<32x768xf32, #tpu.memory_space<vmem>> -> memref<8x768xf32, #tpu.memory_space<vmem>>
    %dma_wait3A_273 = arith.constant 0 : i32
    %dma_wait3A_274 = tpu.memref_slice %arg5[%add3A_87, %dma_wait3A_273] : memref<8192x768xf32, #tpu.memory_space<hbm>> -> memref<8x768xf32, #tpu.memory_space<hbm>>
    %dma_wait3A_275 = arith.constant 0 : i32
    %dma_wait3A_276 = tpu.memref_slice %arg5[%add3A_87, %dma_wait3A_275] : memref<8192x768xf32, #tpu.memory_space<hbm>> -> memref<8x768xf32, #tpu.memory_space<hbm>>
    %dma_wait3A_277 = arith.constant 16 : i32
    %dma_wait3A_278 = arith.constant 0 : i32
    %dma_wait3A_279 = tpu.memref_slice %arg7[%dma_wait3A_277, %dma_wait3A_278] : memref<32x768xf32, #tpu.memory_space<vmem>> -> memref<8x768xf32, #tpu.memory_space<vmem>>
    tpu.wait_dma2 semaphore(%arg20 : memref<!tpu.dma_semaphore, #tpu.memory_space<semaphore_mem>>) src(%dma_wait3A_279 : memref<8x768xf32, #tpu.memory_space<vmem>>) dst(%dma_wait3A_276 : memref<8x768xf32, #tpu.memory_space<hbm>>)
    %dma_wait3A_280 = arith.constant 24 : i32
    %dma_wait3A_281 = arith.constant 0 : i32
    %dma_wait3A_282 = tpu.memref_slice %arg7[%dma_wait3A_280, %dma_wait3A_281] : memref<32x768xf32, #tpu.memory_space<vmem>> -> memref<8x768xf32, #tpu.memory_space<vmem>>
    %dma_wait3A_283 = arith.constant 0 : i32
    %dma_wait3A_284 = tpu.memref_slice %arg5[%add3A_101, %dma_wait3A_283] : memref<8192x768xf32, #tpu.memory_space<hbm>> -> memref<8x768xf32, #tpu.memory_space<hbm>>
    %dma_wait3A_285 = arith.constant 0 : i32
    %dma_wait3A_286 = tpu.memref_slice %arg5[%add3A_101, %dma_wait3A_285] : memref<8192x768xf32, #tpu.memory_space<hbm>> -> memref<8x768xf32, #tpu.memory_space<hbm>>
    %dma_wait3A_287 = arith.constant 24 : i32
    %dma_wait3A_288 = arith.constant 0 : i32
    %dma_wait3A_289 = tpu.memref_slice %arg7[%dma_wait3A_287, %dma_wait3A_288] : memref<32x768xf32, #tpu.memory_space<vmem>> -> memref<8x768xf32, #tpu.memory_space<vmem>>
    tpu.wait_dma2 semaphore(%arg20 : memref<!tpu.dma_semaphore, #tpu.memory_space<semaphore_mem>>) src(%dma_wait3A_289 : memref<8x768xf32, #tpu.memory_space<vmem>>) dst(%dma_wait3A_286 : memref<8x768xf32, #tpu.memory_space<hbm>>)
    %dma_start3A_290 = arith.constant 128 : i32
    %dma_start3A_291 = tpu.memref_slice %arg6[%dma_start3A_290] : memref<256xi32, #tpu.memory_space<vmem>> -> memref<32xi32, #tpu.memory_space<vmem>>
    %dma_start3A_292 = arith.constant 0 : i32
    %dma_start3A_293 = arith.constant 0 : i32
    %dma_start3A_294 = tpu.memref_slice %arg3[%dma_start3A_292, %dma_start3A_293] : memref<100000x768xf32, #tpu.memory_space<hbm>> -> memref<100000x768xf32, #tpu.memory_space<hbm>>
    tpu.enqueue_indirect_dma source(%dma_start3A_294 : memref<100000x768xf32, #tpu.memory_space<hbm>>) target(%arg7 : memref<32x768xf32, #tpu.memory_space<vmem>>) offsets(%dma_start3A_291 : memref<32xi32, #tpu.memory_space<vmem>>) semaphore(%arg16 : memref<!tpu.dma_semaphore, #tpu.memory_space<semaphore_mem>>)
    %dma_wait3A_295 = arith.constant 96 : i32
    %dma_wait3A_296 = tpu.memref_slice %arg6[%dma_wait3A_295] : memref<256xi32, #tpu.memory_space<vmem>> -> memref<32xi32, #tpu.memory_space<vmem>>
    %dma_wait3A_297 = arith.constant 0 : i32
    %dma_wait3A_298 = arith.constant 0 : i32
    %dma_wait3A_299 = tpu.memref_slice %arg3[%dma_wait3A_297, %dma_wait3A_298] : memref<100000x768xf32, #tpu.memory_space<hbm>> -> memref<100000x768xf32, #tpu.memory_space<hbm>>
    tpu.wait_indirect_dma semaphore(%arg19 : memref<!tpu.dma_semaphore, #tpu.memory_space<semaphore_mem>>) src(%dma_wait3A_299 : memref<100000x768xf32, #tpu.memory_space<hbm>>) dst(%arg10 : memref<32x768xf32, #tpu.memory_space<vmem>>)
    %parallel_loop3A_300 = arith.constant 0 : i32
    %parallel_loop3A_301 = arith.constant 384 : i32
    %parallel_loop3A_302 = arith.constant 1 : i32
    scf.for %parallel_loop3A_924 = %parallel_loop3A_300 to %parallel_loop3A_301 step %parallel_loop3A_302  : i32 {
      %parallel_loop3A_925 = arith.constant 8 : i32
      %parallel_loop3A_926 = arith.remsi %parallel_loop3A_924, %parallel_loop3A_925 : i32
      %parallel_loop3A_927 = arith.constant 8 : i32
      %parallel_loop3A_928 = arith.divsi %parallel_loop3A_924, %parallel_loop3A_927 : i32
      %parallel_loop3A_929 = arith.constant 16 : i32
      %parallel_loop3A_930 = arith.muli %parallel_loop3A_928, %parallel_loop3A_929 : i32
      %parallel_loop3A_931 = arith.constant 8 : i32
      %parallel_loop3A_932 = arith.addi %parallel_loop3A_931, %parallel_loop3A_926 : i32
      %parallel_loop3A_933 = arith.index_cast %parallel_loop3A_932 : i32 to index
      %parallel_loop3A_934 = arith.index_cast %parallel_loop3A_930 : i32 to index
      %parallel_loop3A_935 = tpu.vector_load %arg12[%parallel_loop3A_933, %parallel_loop3A_934] {strides = array<i32>} : memref<16x768xf32, #tpu.memory_space<vmem>>, vector<1x16xf32>,
      %parallel_loop3A_936 = vector.shape_cast %parallel_loop3A_935 : vector<1x16xf32> to vector<16xf32>
      %parallel_loop3A_937 = arith.constant 0 : i32
      %parallel_loop3A_938 = arith.addi %parallel_loop3A_937, %parallel_loop3A_926 : i32
      %parallel_loop3A_939 = arith.index_cast %parallel_loop3A_938 : i32 to index
      %parallel_loop3A_940 = arith.index_cast %parallel_loop3A_930 : i32 to index
      %parallel_loop3A_941 = tpu.vector_load %arg10[%parallel_loop3A_939, %parallel_loop3A_940] {strides = array<i32>} : memref<32x768xf32, #tpu.memory_space<vmem>>, vector<1x16xf32>,
      %parallel_loop3A_942 = vector.shape_cast %parallel_loop3A_941 : vector<1x16xf32> to vector<16xf32>
      %parallel_loop3A_943 = arith.constant 27.7128124 : f32
      %parallel_loop3A_944 = vector.broadcast %parallel_loop3A_943 : f32 to vector<16xf32>
      %parallel_loop3A_945 = arith.mulf %parallel_loop3A_942, %parallel_loop3A_944 : vector<16xf32>
      %parallel_loop3A_946 = arith.addf %parallel_loop3A_945, %parallel_loop3A_936 : vector<16xf32>
      %parallel_loop3A_947 = arith.index_cast %parallel_loop3A_938 : i32 to index
      %parallel_loop3A_948 = arith.index_cast %parallel_loop3A_930 : i32 to index
      %parallel_loop3A_949 = tpu.vector_load %arg10[%parallel_loop3A_947, %parallel_loop3A_948] {strides = array<i32>} : memref<32x768xf32, #tpu.memory_space<vmem>>, vector<1x16xf32>,
      %parallel_loop3A_950 = vector.shape_cast %parallel_loop3A_949 : vector<1x16xf32> to vector<16xf32>
      %parallel_loop3A_951 = vector.shape_cast %parallel_loop3A_946 : vector<16xf32> to vector<1x16xf32>
      tpu.vector_store %arg10[%parallel_loop3A_947, %parallel_loop3A_948], %parallel_loop3A_951 {strides = array<i32>} : memref<32x768xf32, #tpu.memory_space<vmem>>, vector<1x16xf32>,
      %parallel_loop3A_952 = arith.constant 8 : i32
      %parallel_loop3A_953 = arith.addi %parallel_loop3A_952, %parallel_loop3A_926 : i32
      %parallel_loop3A_954 = arith.index_cast %parallel_loop3A_953 : i32 to index
      %parallel_loop3A_955 = arith.index_cast %parallel_loop3A_930 : i32 to index
      %parallel_loop3A_956 = tpu.vector_load %arg10[%parallel_loop3A_954, %parallel_loop3A_955] {strides = array<i32>} : memref<32x768xf32, #tpu.memory_space<vmem>>, vector<1x16xf32>,
      %parallel_loop3A_957 = vector.shape_cast %parallel_loop3A_956 : vector<1x16xf32> to vector<16xf32>
      %parallel_loop3A_958 = arith.constant 27.7128124 : f32
      %parallel_loop3A_959 = vector.broadcast %parallel_loop3A_958 : f32 to vector<16xf32>
      %parallel_loop3A_960 = arith.mulf %parallel_loop3A_957, %parallel_loop3A_959 : vector<16xf32>
      %parallel_loop3A_961 = arith.addf %parallel_loop3A_960, %parallel_loop3A_936 : vector<16xf32>
      %parallel_loop3A_962 = arith.index_cast %parallel_loop3A_953 : i32 to index
      %parallel_loop3A_963 = arith.index_cast %parallel_loop3A_930 : i32 to index
      %parallel_loop3A_964 = tpu.vector_load %arg10[%parallel_loop3A_962, %parallel_loop3A_963] {strides = array<i32>} : memref<32x768xf32, #tpu.memory_space<vmem>>, vector<1x16xf32>,
      %parallel_loop3A_965 = vector.shape_cast %parallel_loop3A_964 : vector<1x16xf32> to vector<16xf32>
      %parallel_loop3A_966 = vector.shape_cast %parallel_loop3A_961 : vector<16xf32> to vector<1x16xf32>
      tpu.vector_store %arg10[%parallel_loop3A_962, %parallel_loop3A_963], %parallel_loop3A_966 {strides = array<i32>} : memref<32x768xf32, #tpu.memory_space<vmem>>, vector<1x16xf32>,
      %parallel_loop3A_967 = arith.constant 16 : i32
      %parallel_loop3A_968 = arith.addi %parallel_loop3A_967, %parallel_loop3A_926 : i32
      %parallel_loop3A_969 = arith.index_cast %parallel_loop3A_968 : i32 to index
      %parallel_loop3A_970 = arith.index_cast %parallel_loop3A_930 : i32 to index
      %parallel_loop3A_971 = tpu.vector_load %arg10[%parallel_loop3A_969, %parallel_loop3A_970] {strides = array<i32>} : memref<32x768xf32, #tpu.memory_space<vmem>>, vector<1x16xf32>,
      %parallel_loop3A_972 = vector.shape_cast %parallel_loop3A_971 : vector<1x16xf32> to vector<16xf32>
      %parallel_loop3A_973 = arith.constant 27.7128124 : f32
      %parallel_loop3A_974 = vector.broadcast %parallel_loop3A_973 : f32 to vector<16xf32>
      %parallel_loop3A_975 = arith.mulf %parallel_loop3A_972, %parallel_loop3A_974 : vector<16xf32>
      %parallel_loop3A_976 = arith.addf %parallel_loop3A_975, %parallel_loop3A_936 : vector<16xf32>
      %parallel_loop3A_977 = arith.index_cast %parallel_loop3A_968 : i32 to index
      %parallel_loop3A_978 = arith.index_cast %parallel_loop3A_930 : i32 to index
      %parallel_loop3A_979 = tpu.vector_load %arg10[%parallel_loop3A_977, %parallel_loop3A_978] {strides = array<i32>} : memref<32x768xf32, #tpu.memory_space<vmem>>, vector<1x16xf32>,
      %parallel_loop3A_980 = vector.shape_cast %parallel_loop3A_979 : vector<1x16xf32> to vector<16xf32>
      %parallel_loop3A_981 = vector.shape_cast %parallel_loop3A_976 : vector<16xf32> to vector<1x16xf32>
      tpu.vector_store %arg10[%parallel_loop3A_977, %parallel_loop3A_978], %parallel_loop3A_981 {strides = array<i32>} : memref<32x768xf32, #tpu.memory_space<vmem>>, vector<1x16xf32>,
      %parallel_loop3A_982 = arith.constant 24 : i32
      %parallel_loop3A_983 = arith.addi %parallel_loop3A_982, %parallel_loop3A_926 : i32
      %parallel_loop3A_984 = arith.index_cast %parallel_loop3A_983 : i32 to index
      %parallel_loop3A_985 = arith.index_cast %parallel_loop3A_930 : i32 to index
      %parallel_loop3A_986 = tpu.vector_load %arg10[%parallel_loop3A_984, %parallel_loop3A_985] {strides = array<i32>} : memref<32x768xf32, #tpu.memory_space<vmem>>, vector<1x16xf32>,
      %parallel_loop3A_987 = vector.shape_cast %parallel_loop3A_986 : vector<1x16xf32> to vector<16xf32>
      %parallel_loop3A_988 = arith.constant 27.7128124 : f32
      %parallel_loop3A_989 = vector.broadcast %parallel_loop3A_988 : f32 to vector<16xf32>
      %parallel_loop3A_990 = arith.mulf %parallel_loop3A_987, %parallel_loop3A_989 : vector<16xf32>
      %parallel_loop3A_991 = arith.addf %parallel_loop3A_990, %parallel_loop3A_936 : vector<16xf32>
      %parallel_loop3A_992 = arith.index_cast %parallel_loop3A_983 : i32 to index
      %parallel_loop3A_993 = arith.index_cast %parallel_loop3A_930 : i32 to index
      %parallel_loop3A_994 = tpu.vector_load %arg10[%parallel_loop3A_992, %parallel_loop3A_993] {strides = array<i32>} : memref<32x768xf32, #tpu.memory_space<vmem>>, vector<1x16xf32>,
      %parallel_loop3A_995 = vector.shape_cast %parallel_loop3A_994 : vector<1x16xf32> to vector<16xf32>
      %parallel_loop3A_996 = vector.shape_cast %parallel_loop3A_991 : vector<16xf32> to vector<1x16xf32>
      tpu.vector_store %arg10[%parallel_loop3A_992, %parallel_loop3A_993], %parallel_loop3A_996 {strides = array<i32>} : memref<32x768xf32, #tpu.memory_space<vmem>>, vector<1x16xf32>,
    } {sc.loop_unroll_factor = 4 : i64, sc.parallel_access}
    %add3A_303 = arith.constant 48 : i32
    %add3A_304 = arith.addi %mul3A_2, %add3A_303 : i32
    %dma_start3A_305 = arith.constant 0 : i32
    %dma_start3A_306 = tpu.memref_slice %arg4[%add3A_304, %dma_start3A_305] : memref<2048x768xf32, #tpu.memory_space<hbm>> -> memref<16x768xf32, #tpu.memory_space<hbm>>
    %dma_start3A_307 = arith.constant 0 : i32
    %dma_start3A_308 = tpu.memref_slice %arg4[%add3A_304, %dma_start3A_307] : memref<2048x768xf32, #tpu.memory_space<hbm>> -> memref<16x768xf32, #tpu.memory_space<hbm>>
    tpu.enqueue_dma source(%dma_start3A_308 : memref<16x768xf32, #tpu.memory_space<hbm>>) target(%arg12 : memref<16x768xf32, #tpu.memory_space<vmem>>) target_semaphore(%arg15 : memref<!tpu.dma_semaphore, #tpu.memory_space<semaphore_mem>>)
    %add3A_309 = arith.constant 0 : i32
    %add3A_310 = arith.addi %add3A_309, %mul3A_2 : i32
    %add3A_311 = arith.constant 24 : i32
    %add3A_312 = arith.addi %add3A_310, %add3A_311 : i32
    %dma_start3A_313 = arith.constant 0 : i32
    %dma_start3A_314 = arith.constant 0 : i32
    %dma_start3A_315 = tpu.memref_slice %arg10[%dma_start3A_313, %dma_start3A_314] : memref<32x768xf32, #tpu.memory_space<vmem>> -> memref<8x768xf32, #tpu.memory_space<vmem>>
    %dma_start3A_316 = arith.constant 0 : i32
    %dma_start3A_317 = tpu.memref_slice %arg5[%add3A_312, %dma_start3A_316] : memref<8192x768xf32, #tpu.memory_space<hbm>> -> memref<8x768xf32, #tpu.memory_space<hbm>>
    %dma_start3A_318 = arith.constant 0 : i32
    %dma_start3A_319 = tpu.memref_slice %arg5[%add3A_312, %dma_start3A_318] : memref<8192x768xf32, #tpu.memory_space<hbm>> -> memref<8x768xf32, #tpu.memory_space<hbm>>
    %dma_start3A_320 = arith.constant 0 : i32
    %dma_start3A_321 = arith.constant 0 : i32
    %dma_start3A_322 = tpu.memref_slice %arg10[%dma_start3A_320, %dma_start3A_321] : memref<32x768xf32, #tpu.memory_space<vmem>> -> memref<8x768xf32, #tpu.memory_space<vmem>>
    tpu.enqueue_dma source(%dma_start3A_322 : memref<8x768xf32, #tpu.memory_space<vmem>>) target(%dma_start3A_319 : memref<8x768xf32, #tpu.memory_space<hbm>>) target_semaphore(%arg23 : memref<!tpu.dma_semaphore, #tpu.memory_space<semaphore_mem>>)
    %add3A_323 = arith.constant 2048 : i32
    %add3A_324 = arith.addi %add3A_323, %mul3A_2 : i32
    %add3A_325 = arith.constant 24 : i32
    %add3A_326 = arith.addi %add3A_324, %add3A_325 : i32
    %dma_start3A_327 = arith.constant 8 : i32
    %dma_start3A_328 = arith.constant 0 : i32
    %dma_start3A_329 = tpu.memref_slice %arg10[%dma_start3A_327, %dma_start3A_328] : memref<32x768xf32, #tpu.memory_space<vmem>> -> memref<8x768xf32, #tpu.memory_space<vmem>>
    %dma_start3A_330 = arith.constant 0 : i32
    %dma_start3A_331 = tpu.memref_slice %arg5[%add3A_326, %dma_start3A_330] : memref<8192x768xf32, #tpu.memory_space<hbm>> -> memref<8x768xf32, #tpu.memory_space<hbm>>
    %dma_start3A_332 = arith.constant 0 : i32
    %dma_start3A_333 = tpu.memref_slice %arg5[%add3A_326, %dma_start3A_332] : memref<8192x768xf32, #tpu.memory_space<hbm>> -> memref<8x768xf32, #tpu.memory_space<hbm>>
    %dma_start3A_334 = arith.constant 8 : i32
    %dma_start3A_335 = arith.constant 0 : i32
    %dma_start3A_336 = tpu.memref_slice %arg10[%dma_start3A_334, %dma_start3A_335] : memref<32x768xf32, #tpu.memory_space<vmem>> -> memref<8x768xf32, #tpu.memory_space<vmem>>
    tpu.enqueue_dma source(%dma_start3A_336 : memref<8x768xf32, #tpu.memory_space<vmem>>) target(%dma_start3A_333 : memref<8x768xf32, #tpu.memory_space<hbm>>) target_semaphore(%arg23 : memref<!tpu.dma_semaphore, #tpu.memory_space<semaphore_mem>>)
    %add3A_337 = arith.constant 4096 : i32
    %add3A_338 = arith.addi %add3A_337, %mul3A_2 : i32
    %add3A_339 = arith.constant 24 : i32
    %add3A_340 = arith.addi %add3A_338, %add3A_339 : i32
    %dma_start3A_341 = arith.constant 16 : i32
    %dma_start3A_342 = arith.constant 0 : i32
    %dma_start3A_343 = tpu.memref_slice %arg10[%dma_start3A_341, %dma_start3A_342] : memref<32x768xf32, #tpu.memory_space<vmem>> -> memref<8x768xf32, #tpu.memory_space<vmem>>
    %dma_start3A_344 = arith.constant 0 : i32
    %dma_start3A_345 = tpu.memref_slice %arg5[%add3A_340, %dma_start3A_344] : memref<8192x768xf32, #tpu.memory_space<hbm>> -> memref<8x768xf32, #tpu.memory_space<hbm>>
    %dma_start3A_346 = arith.constant 0 : i32
    %dma_start3A_347 = tpu.memref_slice %arg5[%add3A_340, %dma_start3A_346] : memref<8192x768xf32, #tpu.memory_space<hbm>> -> memref<8x768xf32, #tpu.memory_space<hbm>>
    %dma_start3A_348 = arith.constant 16 : i32
    %dma_start3A_349 = arith.constant 0 : i32
    %dma_start3A_350 = tpu.memref_slice %arg10[%dma_start3A_348, %dma_start3A_349] : memref<32x768xf32, #tpu.memory_space<vmem>> -> memref<8x768xf32, #tpu.memory_space<vmem>>
    tpu.enqueue_dma source(%dma_start3A_350 : memref<8x768xf32, #tpu.memory_space<vmem>>) target(%dma_start3A_347 : memref<8x768xf32, #tpu.memory_space<hbm>>) target_semaphore(%arg23 : memref<!tpu.dma_semaphore, #tpu.memory_space<semaphore_mem>>)
    %add3A_351 = arith.constant 6144 : i32
    %add3A_352 = arith.addi %add3A_351, %mul3A_2 : i32
    %add3A_353 = arith.constant 24 : i32
    %add3A_354 = arith.addi %add3A_352, %add3A_353 : i32
    %dma_start3A_355 = arith.constant 24 : i32
    %dma_start3A_356 = arith.constant 0 : i32
    %dma_start3A_357 = tpu.memref_slice %arg10[%dma_start3A_355, %dma_start3A_356] : memref<32x768xf32, #tpu.memory_space<vmem>> -> memref<8x768xf32, #tpu.memory_space<vmem>>
    %dma_start3A_358 = arith.constant 0 : i32
    %dma_start3A_359 = tpu.memref_slice %arg5[%add3A_354, %dma_start3A_358] : memref<8192x768xf32, #tpu.memory_space<hbm>> -> memref<8x768xf32, #tpu.memory_space<hbm>>
    %dma_start3A_360 = arith.constant 0 : i32
    %dma_start3A_361 = tpu.memref_slice %arg5[%add3A_354, %dma_start3A_360] : memref<8192x768xf32, #tpu.memory_space<hbm>> -> memref<8x768xf32, #tpu.memory_space<hbm>>
    %dma_start3A_362 = arith.constant 24 : i32
    %dma_start3A_363 = arith.constant 0 : i32
    %dma_start3A_364 = tpu.memref_slice %arg10[%dma_start3A_362, %dma_start3A_363] : memref<32x768xf32, #tpu.memory_space<vmem>> -> memref<8x768xf32, #tpu.memory_space<vmem>>
    tpu.enqueue_dma source(%dma_start3A_364 : memref<8x768xf32, #tpu.memory_space<vmem>>) target(%dma_start3A_361 : memref<8x768xf32, #tpu.memory_space<hbm>>) target_semaphore(%arg23 : memref<!tpu.dma_semaphore, #tpu.memory_space<semaphore_mem>>)
    %dma_wait3A_365 = arith.constant 0 : i32
    %dma_wait3A_366 = arith.constant 0 : i32
    %dma_wait3A_367 = tpu.memref_slice %arg8[%dma_wait3A_365, %dma_wait3A_366] : memref<32x768xf32, #tpu.memory_space<vmem>> -> memref<8x768xf32, #tpu.memory_space<vmem>>
    %dma_wait3A_368 = arith.constant 0 : i32
    %dma_wait3A_369 = tpu.memref_slice %arg5[%add3A_129, %dma_wait3A_368] : memref<8192x768xf32, #tpu.memory_space<hbm>> -> memref<8x768xf32, #tpu.memory_space<hbm>>
    %dma_wait3A_370 = arith.constant 0 : i32
    %dma_wait3A_371 = tpu.memref_slice %arg5[%add3A_129, %dma_wait3A_370] : memref<8192x768xf32, #tpu.memory_space<hbm>> -> memref<8x768xf32, #tpu.memory_space<hbm>>
    %dma_wait3A_372 = arith.constant 0 : i32
    %dma_wait3A_373 = arith.constant 0 : i32
    %dma_wait3A_374 = tpu.memref_slice %arg8[%dma_wait3A_372, %dma_wait3A_373] : memref<32x768xf32, #tpu.memory_space<vmem>> -> memref<8x768xf32, #tpu.memory_space<vmem>>
    tpu.wait_dma2 semaphore(%arg21 : memref<!tpu.dma_semaphore, #tpu.memory_space<semaphore_mem>>) src(%dma_wait3A_374 : memref<8x768xf32, #tpu.memory_space<vmem>>) dst(%dma_wait3A_371 : memref<8x768xf32, #tpu.memory_space<hbm>>)
    %dma_wait3A_375 = arith.constant 8 : i32
    %dma_wait3A_376 = arith.constant 0 : i32
    %dma_wait3A_377 = tpu.memref_slice %arg8[%dma_wait3A_375, %dma_wait3A_376] : memref<32x768xf32, #tpu.memory_space<vmem>> -> memref<8x768xf32, #tpu.memory_space<vmem>>
    %dma_wait3A_378 = arith.constant 0 : i32
    %dma_wait3A_379 = tpu.memref_slice %arg5[%add3A_143, %dma_wait3A_378] : memref<8192x768xf32, #tpu.memory_space<hbm>> -> memref<8x768xf32, #tpu.memory_space<hbm>>
    %dma_wait3A_380 = arith.constant 0 : i32
    %dma_wait3A_381 = tpu.memref_slice %arg5[%add3A_143, %dma_wait3A_380] : memref<8192x768xf32, #tpu.memory_space<hbm>> -> memref<8x768xf32, #tpu.memory_space<hbm>>
    %dma_wait3A_382 = arith.constant 8 : i32
    %dma_wait3A_383 = arith.constant 0 : i32
    %dma_wait3A_384 = tpu.memref_slice %arg8[%dma_wait3A_382, %dma_wait3A_383] : memref<32x768xf32, #tpu.memory_space<vmem>> -> memref<8x768xf32, #tpu.memory_space<vmem>>
    tpu.wait_dma2 semaphore(%arg21 : memref<!tpu.dma_semaphore, #tpu.memory_space<semaphore_mem>>) src(%dma_wait3A_384 : memref<8x768xf32, #tpu.memory_space<vmem>>) dst(%dma_wait3A_381 : memref<8x768xf32, #tpu.memory_space<hbm>>)
    %dma_wait3A_385 = arith.constant 16 : i32
    %dma_wait3A_386 = arith.constant 0 : i32
    %dma_wait3A_387 = tpu.memref_slice %arg8[%dma_wait3A_385, %dma_wait3A_386] : memref<32x768xf32, #tpu.memory_space<vmem>> -> memref<8x768xf32, #tpu.memory_space<vmem>>
    %dma_wait3A_388 = arith.constant 0 : i32
    %dma_wait3A_389 = tpu.memref_slice %arg5[%add3A_157, %dma_wait3A_388] : memref<8192x768xf32, #tpu.memory_space<hbm>> -> memref<8x768xf32, #tpu.memory_space<hbm>>
    %dma_wait3A_390 = arith.constant 0 : i32
    %dma_wait3A_391 = tpu.memref_slice %arg5[%add3A_157, %dma_wait3A_390] : memref<8192x768xf32, #tpu.memory_space<hbm>> -> memref<8x768xf32, #tpu.memory_space<hbm>>
    %dma_wait3A_392 = arith.constant 16 : i32
    %dma_wait3A_393 = arith.constant 0 : i32
    %dma_wait3A_394 = tpu.memref_slice %arg8[%dma_wait3A_392, %dma_wait3A_393] : memref<32x768xf32, #tpu.memory_space<vmem>> -> memref<8x768xf32, #tpu.memory_space<vmem>>
    tpu.wait_dma2 semaphore(%arg21 : memref<!tpu.dma_semaphore, #tpu.memory_space<semaphore_mem>>) src(%dma_wait3A_394 : memref<8x768xf32, #tpu.memory_space<vmem>>) dst(%dma_wait3A_391 : memref<8x768xf32, #tpu.memory_space<hbm>>)
    %dma_wait3A_395 = arith.constant 24 : i32
    %dma_wait3A_396 = arith.constant 0 : i32
    %dma_wait3A_397 = tpu.memref_slice %arg8[%dma_wait3A_395, %dma_wait3A_396] : memref<32x768xf32, #tpu.memory_space<vmem>> -> memref<8x768xf32, #tpu.memory_space<vmem>>
    %dma_wait3A_398 = arith.constant 0 : i32
    %dma_wait3A_399 = tpu.memref_slice %arg5[%add3A_171, %dma_wait3A_398] : memref<8192x768xf32, #tpu.memory_space<hbm>> -> memref<8x768xf32, #tpu.memory_space<hbm>>
    %dma_wait3A_400 = arith.constant 0 : i32
    %dma_wait3A_401 = tpu.memref_slice %arg5[%add3A_171, %dma_wait3A_400] : memref<8192x768xf32, #tpu.memory_space<hbm>> -> memref<8x768xf32, #tpu.memory_space<hbm>>
    %dma_wait3A_402 = arith.constant 24 : i32
    %dma_wait3A_403 = arith.constant 0 : i32
    %dma_wait3A_404 = tpu.memref_slice %arg8[%dma_wait3A_402, %dma_wait3A_403] : memref<32x768xf32, #tpu.memory_space<vmem>> -> memref<8x768xf32, #tpu.memory_space<vmem>>
    tpu.wait_dma2 semaphore(%arg21 : memref<!tpu.dma_semaphore, #tpu.memory_space<semaphore_mem>>) src(%dma_wait3A_404 : memref<8x768xf32, #tpu.memory_space<vmem>>) dst(%dma_wait3A_401 : memref<8x768xf32, #tpu.memory_space<hbm>>)
    %dma_start3A_405 = arith.constant 160 : i32
    %dma_start3A_406 = tpu.memref_slice %arg6[%dma_start3A_405] : memref<256xi32, #tpu.memory_space<vmem>> -> memref<32xi32, #tpu.memory_space<vmem>>
    %dma_start3A_407 = arith.constant 0 : i32
    %dma_start3A_408 = arith.constant 0 : i32
    %dma_start3A_409 = tpu.memref_slice %arg3[%dma_start3A_407, %dma_start3A_408] : memref<100000x768xf32, #tpu.memory_space<hbm>> -> memref<100000x768xf32, #tpu.memory_space<hbm>>
    tpu.enqueue_indirect_dma source(%dma_start3A_409 : memref<100000x768xf32, #tpu.memory_space<hbm>>) target(%arg8 : memref<32x768xf32, #tpu.memory_space<vmem>>) offsets(%dma_start3A_406 : memref<32xi32, #tpu.memory_space<vmem>>) semaphore(%arg17 : memref<!tpu.dma_semaphore, #tpu.memory_space<semaphore_mem>>)
    %dma_wait3A_410 = arith.constant 128 : i32
    %dma_wait3A_411 = tpu.memref_slice %arg6[%dma_wait3A_410] : memref<256xi32, #tpu.memory_space<vmem>> -> memref<32xi32, #tpu.memory_space<vmem>>
    %dma_wait3A_412 = arith.constant 0 : i32
    %dma_wait3A_413 = arith.constant 0 : i32
    %dma_wait3A_414 = tpu.memref_slice %arg3[%dma_wait3A_412, %dma_wait3A_413] : memref<100000x768xf32, #tpu.memory_space<hbm>> -> memref<100000x768xf32, #tpu.memory_space<hbm>>
    tpu.wait_indirect_dma semaphore(%arg16 : memref<!tpu.dma_semaphore, #tpu.memory_space<semaphore_mem>>) src(%dma_wait3A_414 : memref<100000x768xf32, #tpu.memory_space<hbm>>) dst(%arg7 : memref<32x768xf32, #tpu.memory_space<vmem>>)
    %dma_wait3A_415 = arith.constant 0 : i32
    %dma_wait3A_416 = tpu.memref_slice %arg4[%add3A_121, %dma_wait3A_415] : memref<2048x768xf32, #tpu.memory_space<hbm>> -> memref<16x768xf32, #tpu.memory_space<hbm>>
    %dma_wait3A_417 = arith.constant 0 : i32
    %dma_wait3A_418 = tpu.memref_slice %arg4[%add3A_121, %dma_wait3A_417] : memref<2048x768xf32, #tpu.memory_space<hbm>> -> memref<16x768xf32, #tpu.memory_space<hbm>>
    tpu.wait_dma2 semaphore(%arg14 : memref<!tpu.dma_semaphore, #tpu.memory_space<semaphore_mem>>) src(%dma_wait3A_418 : memref<16x768xf32, #tpu.memory_space<hbm>>) dst(%arg11 : memref<16x768xf32, #tpu.memory_space<vmem>>)
    %parallel_loop3A_419 = arith.constant 0 : i32
    %parallel_loop3A_420 = arith.constant 384 : i32
    %parallel_loop3A_421 = arith.constant 1 : i32
    scf.for %parallel_loop3A_924 = %parallel_loop3A_419 to %parallel_loop3A_420 step %parallel_loop3A_421  : i32 {
      %parallel_loop3A_925 = arith.constant 8 : i32
      %parallel_loop3A_926 = arith.remsi %parallel_loop3A_924, %parallel_loop3A_925 : i32
      %parallel_loop3A_927 = arith.constant 8 : i32
      %parallel_loop3A_928 = arith.divsi %parallel_loop3A_924, %parallel_loop3A_927 : i32
      %parallel_loop3A_929 = arith.constant 16 : i32
      %parallel_loop3A_930 = arith.muli %parallel_loop3A_928, %parallel_loop3A_929 : i32
      %parallel_loop3A_931 = arith.constant 0 : i32
      %parallel_loop3A_932 = arith.addi %parallel_loop3A_931, %parallel_loop3A_926 : i32
      %parallel_loop3A_933 = arith.index_cast %parallel_loop3A_932 : i32 to index
      %parallel_loop3A_934 = arith.index_cast %parallel_loop3A_930 : i32 to index
      %parallel_loop3A_935 = tpu.vector_load %arg11[%parallel_loop3A_933, %parallel_loop3A_934] {strides = array<i32>} : memref<16x768xf32, #tpu.memory_space<vmem>>, vector<1x16xf32>,
      %parallel_loop3A_936 = vector.shape_cast %parallel_loop3A_935 : vector<1x16xf32> to vector<16xf32>
      %parallel_loop3A_937 = arith.constant 0 : i32
      %parallel_loop3A_938 = arith.addi %parallel_loop3A_937, %parallel_loop3A_926 : i32
      %parallel_loop3A_939 = arith.index_cast %parallel_loop3A_938 : i32 to index
      %parallel_loop3A_940 = arith.index_cast %parallel_loop3A_930 : i32 to index
      %parallel_loop3A_941 = tpu.vector_load %arg7[%parallel_loop3A_939, %parallel_loop3A_940] {strides = array<i32>} : memref<32x768xf32, #tpu.memory_space<vmem>>, vector<1x16xf32>,
      %parallel_loop3A_942 = vector.shape_cast %parallel_loop3A_941 : vector<1x16xf32> to vector<16xf32>
      %parallel_loop3A_943 = arith.constant 27.7128124 : f32
      %parallel_loop3A_944 = vector.broadcast %parallel_loop3A_943 : f32 to vector<16xf32>
      %parallel_loop3A_945 = arith.mulf %parallel_loop3A_942, %parallel_loop3A_944 : vector<16xf32>
      %parallel_loop3A_946 = arith.addf %parallel_loop3A_945, %parallel_loop3A_936 : vector<16xf32>
      %parallel_loop3A_947 = arith.index_cast %parallel_loop3A_938 : i32 to index
      %parallel_loop3A_948 = arith.index_cast %parallel_loop3A_930 : i32 to index
      %parallel_loop3A_949 = tpu.vector_load %arg7[%parallel_loop3A_947, %parallel_loop3A_948] {strides = array<i32>} : memref<32x768xf32, #tpu.memory_space<vmem>>, vector<1x16xf32>,
      %parallel_loop3A_950 = vector.shape_cast %parallel_loop3A_949 : vector<1x16xf32> to vector<16xf32>
      %parallel_loop3A_951 = vector.shape_cast %parallel_loop3A_946 : vector<16xf32> to vector<1x16xf32>
      tpu.vector_store %arg7[%parallel_loop3A_947, %parallel_loop3A_948], %parallel_loop3A_951 {strides = array<i32>} : memref<32x768xf32, #tpu.memory_space<vmem>>, vector<1x16xf32>,
      %parallel_loop3A_952 = arith.constant 8 : i32
      %parallel_loop3A_953 = arith.addi %parallel_loop3A_952, %parallel_loop3A_926 : i32
      %parallel_loop3A_954 = arith.index_cast %parallel_loop3A_953 : i32 to index
      %parallel_loop3A_955 = arith.index_cast %parallel_loop3A_930 : i32 to index
      %parallel_loop3A_956 = tpu.vector_load %arg7[%parallel_loop3A_954, %parallel_loop3A_955] {strides = array<i32>} : memref<32x768xf32, #tpu.memory_space<vmem>>, vector<1x16xf32>,
      %parallel_loop3A_957 = vector.shape_cast %parallel_loop3A_956 : vector<1x16xf32> to vector<16xf32>
      %parallel_loop3A_958 = arith.constant 27.7128124 : f32
      %parallel_loop3A_959 = vector.broadcast %parallel_loop3A_958 : f32 to vector<16xf32>
      %parallel_loop3A_960 = arith.mulf %parallel_loop3A_957, %parallel_loop3A_959 : vector<16xf32>
      %parallel_loop3A_961 = arith.addf %parallel_loop3A_960, %parallel_loop3A_936 : vector<16xf32>
      %parallel_loop3A_962 = arith.index_cast %parallel_loop3A_953 : i32 to index
      %parallel_loop3A_963 = arith.index_cast %parallel_loop3A_930 : i32 to index
      %parallel_loop3A_964 = tpu.vector_load %arg7[%parallel_loop3A_962, %parallel_loop3A_963] {strides = array<i32>} : memref<32x768xf32, #tpu.memory_space<vmem>>, vector<1x16xf32>,
      %parallel_loop3A_965 = vector.shape_cast %parallel_loop3A_964 : vector<1x16xf32> to vector<16xf32>
      %parallel_loop3A_966 = vector.shape_cast %parallel_loop3A_961 : vector<16xf32> to vector<1x16xf32>
      tpu.vector_store %arg7[%parallel_loop3A_962, %parallel_loop3A_963], %parallel_loop3A_966 {strides = array<i32>} : memref<32x768xf32, #tpu.memory_space<vmem>>, vector<1x16xf32>,
      %parallel_loop3A_967 = arith.constant 16 : i32
      %parallel_loop3A_968 = arith.addi %parallel_loop3A_967, %parallel_loop3A_926 : i32
      %parallel_loop3A_969 = arith.index_cast %parallel_loop3A_968 : i32 to index
      %parallel_loop3A_970 = arith.index_cast %parallel_loop3A_930 : i32 to index
      %parallel_loop3A_971 = tpu.vector_load %arg7[%parallel_loop3A_969, %parallel_loop3A_970] {strides = array<i32>} : memref<32x768xf32, #tpu.memory_space<vmem>>, vector<1x16xf32>,
      %parallel_loop3A_972 = vector.shape_cast %parallel_loop3A_971 : vector<1x16xf32> to vector<16xf32>
      %parallel_loop3A_973 = arith.constant 27.7128124 : f32
      %parallel_loop3A_974 = vector.broadcast %parallel_loop3A_973 : f32 to vector<16xf32>
      %parallel_loop3A_975 = arith.mulf %parallel_loop3A_972, %parallel_loop3A_974 : vector<16xf32>
      %parallel_loop3A_976 = arith.addf %parallel_loop3A_975, %parallel_loop3A_936 : vector<16xf32>
      %parallel_loop3A_977 = arith.index_cast %parallel_loop3A_968 : i32 to index
      %parallel_loop3A_978 = arith.index_cast %parallel_loop3A_930 : i32 to index
      %parallel_loop3A_979 = tpu.vector_load %arg7[%parallel_loop3A_977, %parallel_loop3A_978] {strides = array<i32>} : memref<32x768xf32, #tpu.memory_space<vmem>>, vector<1x16xf32>,
      %parallel_loop3A_980 = vector.shape_cast %parallel_loop3A_979 : vector<1x16xf32> to vector<16xf32>
      %parallel_loop3A_981 = vector.shape_cast %parallel_loop3A_976 : vector<16xf32> to vector<1x16xf32>
      tpu.vector_store %arg7[%parallel_loop3A_977, %parallel_loop3A_978], %parallel_loop3A_981 {strides = array<i32>} : memref<32x768xf32, #tpu.memory_space<vmem>>, vector<1x16xf32>,
      %parallel_loop3A_982 = arith.constant 24 : i32
      %parallel_loop3A_983 = arith.addi %parallel_loop3A_982, %parallel_loop3A_926 : i32
      %parallel_loop3A_984 = arith.index_cast %parallel_loop3A_983 : i32 to index
      %parallel_loop3A_985 = arith.index_cast %parallel_loop3A_930 : i32 to index
      %parallel_loop3A_986 = tpu.vector_load %arg7[%parallel_loop3A_984, %parallel_loop3A_985] {strides = array<i32>} : memref<32x768xf32, #tpu.memory_space<vmem>>, vector<1x16xf32>,
      %parallel_loop3A_987 = vector.shape_cast %parallel_loop3A_986 : vector<1x16xf32> to vector<16xf32>
      %parallel_loop3A_988 = arith.constant 27.7128124 : f32
      %parallel_loop3A_989 = vector.broadcast %parallel_loop3A_988 : f32 to vector<16xf32>
      %parallel_loop3A_990 = arith.mulf %parallel_loop3A_987, %parallel_loop3A_989 : vector<16xf32>
      %parallel_loop3A_991 = arith.addf %parallel_loop3A_990, %parallel_loop3A_936 : vector<16xf32>
      %parallel_loop3A_992 = arith.index_cast %parallel_loop3A_983 : i32 to index
      %parallel_loop3A_993 = arith.index_cast %parallel_loop3A_930 : i32 to index
      %parallel_loop3A_994 = tpu.vector_load %arg7[%parallel_loop3A_992, %parallel_loop3A_993] {strides = array<i32>} : memref<32x768xf32, #tpu.memory_space<vmem>>, vector<1x16xf32>,
      %parallel_loop3A_995 = vector.shape_cast %parallel_loop3A_994 : vector<1x16xf32> to vector<16xf32>
      %parallel_loop3A_996 = vector.shape_cast %parallel_loop3A_991 : vector<16xf32> to vector<1x16xf32>
      tpu.vector_store %arg7[%parallel_loop3A_992, %parallel_loop3A_993], %parallel_loop3A_996 {strides = array<i32>} : memref<32x768xf32, #tpu.memory_space<vmem>>, vector<1x16xf32>,
    } {sc.loop_unroll_factor = 4 : i64, sc.parallel_access}
    %add3A_422 = arith.constant 0 : i32
    %add3A_423 = arith.addi %add3A_422, %mul3A_2 : i32
    %add3A_424 = arith.constant 32 : i32
    %add3A_425 = arith.addi %add3A_423, %add3A_424 : i32
    %dma_start3A_426 = arith.constant 0 : i32
    %dma_start3A_427 = arith.constant 0 : i32
    %dma_start3A_428 = tpu.memref_slice %arg7[%dma_start3A_426, %dma_start3A_427] : memref<32x768xf32, #tpu.memory_space<vmem>> -> memref<8x768xf32, #tpu.memory_space<vmem>>
    %dma_start3A_429 = arith.constant 0 : i32
    %dma_start3A_430 = tpu.memref_slice %arg5[%add3A_425, %dma_start3A_429] : memref<8192x768xf32, #tpu.memory_space<hbm>> -> memref<8x768xf32, #tpu.memory_space<hbm>>
    %dma_start3A_431 = arith.constant 0 : i32
    %dma_start3A_432 = tpu.memref_slice %arg5[%add3A_425, %dma_start3A_431] : memref<8192x768xf32, #tpu.memory_space<hbm>> -> memref<8x768xf32, #tpu.memory_space<hbm>>
    %dma_start3A_433 = arith.constant 0 : i32
    %dma_start3A_434 = arith.constant 0 : i32
    %dma_start3A_435 = tpu.memref_slice %arg7[%dma_start3A_433, %dma_start3A_434] : memref<32x768xf32, #tpu.memory_space<vmem>> -> memref<8x768xf32, #tpu.memory_space<vmem>>
    tpu.enqueue_dma source(%dma_start3A_435 : memref<8x768xf32, #tpu.memory_space<vmem>>) target(%dma_start3A_432 : memref<8x768xf32, #tpu.memory_space<hbm>>) target_semaphore(%arg20 : memref<!tpu.dma_semaphore, #tpu.memory_space<semaphore_mem>>)
    %add3A_436 = arith.constant 2048 : i32
    %add3A_437 = arith.addi %add3A_436, %mul3A_2 : i32
    %add3A_438 = arith.constant 32 : i32
    %add3A_439 = arith.addi %add3A_437, %add3A_438 : i32
    %dma_start3A_440 = arith.constant 8 : i32
    %dma_start3A_441 = arith.constant 0 : i32
    %dma_start3A_442 = tpu.memref_slice %arg7[%dma_start3A_440, %dma_start3A_441] : memref<32x768xf32, #tpu.memory_space<vmem>> -> memref<8x768xf32, #tpu.memory_space<vmem>>
    %dma_start3A_443 = arith.constant 0 : i32
    %dma_start3A_444 = tpu.memref_slice %arg5[%add3A_439, %dma_start3A_443] : memref<8192x768xf32, #tpu.memory_space<hbm>> -> memref<8x768xf32, #tpu.memory_space<hbm>>
    %dma_start3A_445 = arith.constant 0 : i32
    %dma_start3A_446 = tpu.memref_slice %arg5[%add3A_439, %dma_start3A_445] : memref<8192x768xf32, #tpu.memory_space<hbm>> -> memref<8x768xf32, #tpu.memory_space<hbm>>
    %dma_start3A_447 = arith.constant 8 : i32
    %dma_start3A_448 = arith.constant 0 : i32
    %dma_start3A_449 = tpu.memref_slice %arg7[%dma_start3A_447, %dma_start3A_448] : memref<32x768xf32, #tpu.memory_space<vmem>> -> memref<8x768xf32, #tpu.memory_space<vmem>>
    tpu.enqueue_dma source(%dma_start3A_449 : memref<8x768xf32, #tpu.memory_space<vmem>>) target(%dma_start3A_446 : memref<8x768xf32, #tpu.memory_space<hbm>>) target_semaphore(%arg20 : memref<!tpu.dma_semaphore, #tpu.memory_space<semaphore_mem>>)
    %add3A_450 = arith.constant 4096 : i32
    %add3A_451 = arith.addi %add3A_450, %mul3A_2 : i32
    %add3A_452 = arith.constant 32 : i32
    %add3A_453 = arith.addi %add3A_451, %add3A_452 : i32
    %dma_start3A_454 = arith.constant 16 : i32
    %dma_start3A_455 = arith.constant 0 : i32
    %dma_start3A_456 = tpu.memref_slice %arg7[%dma_start3A_454, %dma_start3A_455] : memref<32x768xf32, #tpu.memory_space<vmem>> -> memref<8x768xf32, #tpu.memory_space<vmem>>
    %dma_start3A_457 = arith.constant 0 : i32
    %dma_start3A_458 = tpu.memref_slice %arg5[%add3A_453, %dma_start3A_457] : memref<8192x768xf32, #tpu.memory_space<hbm>> -> memref<8x768xf32, #tpu.memory_space<hbm>>
    %dma_start3A_459 = arith.constant 0 : i32
    %dma_start3A_460 = tpu.memref_slice %arg5[%add3A_453, %dma_start3A_459] : memref<8192x768xf32, #tpu.memory_space<hbm>> -> memref<8x768xf32, #tpu.memory_space<hbm>>
    %dma_start3A_461 = arith.constant 16 : i32
    %dma_start3A_462 = arith.constant 0 : i32
    %dma_start3A_463 = tpu.memref_slice %arg7[%dma_start3A_461, %dma_start3A_462] : memref<32x768xf32, #tpu.memory_space<vmem>> -> memref<8x768xf32, #tpu.memory_space<vmem>>
    tpu.enqueue_dma source(%dma_start3A_463 : memref<8x768xf32, #tpu.memory_space<vmem>>) target(%dma_start3A_460 : memref<8x768xf32, #tpu.memory_space<hbm>>) target_semaphore(%arg20 : memref<!tpu.dma_semaphore, #tpu.memory_space<semaphore_mem>>)
    %add3A_464 = arith.constant 6144 : i32
    %add3A_465 = arith.addi %add3A_464, %mul3A_2 : i32
    %add3A_466 = arith.constant 32 : i32
    %add3A_467 = arith.addi %add3A_465, %add3A_466 : i32
    %dma_start3A_468 = arith.constant 24 : i32
    %dma_start3A_469 = arith.constant 0 : i32
    %dma_start3A_470 = tpu.memref_slice %arg7[%dma_start3A_468, %dma_start3A_469] : memref<32x768xf32, #tpu.memory_space<vmem>> -> memref<8x768xf32, #tpu.memory_space<vmem>>
    %dma_start3A_471 = arith.constant 0 : i32
    %dma_start3A_472 = tpu.memref_slice %arg5[%add3A_467, %dma_start3A_471] : memref<8192x768xf32, #tpu.memory_space<hbm>> -> memref<8x768xf32, #tpu.memory_space<hbm>>
    %dma_start3A_473 = arith.constant 0 : i32
    %dma_start3A_474 = tpu.memref_slice %arg5[%add3A_467, %dma_start3A_473] : memref<8192x768xf32, #tpu.memory_space<hbm>> -> memref<8x768xf32, #tpu.memory_space<hbm>>
    %dma_start3A_475 = arith.constant 24 : i32
    %dma_start3A_476 = arith.constant 0 : i32
    %dma_start3A_477 = tpu.memref_slice %arg7[%dma_start3A_475, %dma_start3A_476] : memref<32x768xf32, #tpu.memory_space<vmem>> -> memref<8x768xf32, #tpu.memory_space<vmem>>
    tpu.enqueue_dma source(%dma_start3A_477 : memref<8x768xf32, #tpu.memory_space<vmem>>) target(%dma_start3A_474 : memref<8x768xf32, #tpu.memory_space<hbm>>) target_semaphore(%arg20 : memref<!tpu.dma_semaphore, #tpu.memory_space<semaphore_mem>>)
    %dma_wait3A_478 = arith.constant 0 : i32
    %dma_wait3A_479 = arith.constant 0 : i32
    %dma_wait3A_480 = tpu.memref_slice %arg9[%dma_wait3A_478, %dma_wait3A_479] : memref<32x768xf32, #tpu.memory_space<vmem>> -> memref<8x768xf32, #tpu.memory_space<vmem>>
    %dma_wait3A_481 = arith.constant 0 : i32
    %dma_wait3A_482 = tpu.memref_slice %arg5[%add3A_197, %dma_wait3A_481] : memref<8192x768xf32, #tpu.memory_space<hbm>> -> memref<8x768xf32, #tpu.memory_space<hbm>>
    %dma_wait3A_483 = arith.constant 0 : i32
    %dma_wait3A_484 = tpu.memref_slice %arg5[%add3A_197, %dma_wait3A_483] : memref<8192x768xf32, #tpu.memory_space<hbm>> -> memref<8x768xf32, #tpu.memory_space<hbm>>
    %dma_wait3A_485 = arith.constant 0 : i32
    %dma_wait3A_486 = arith.constant 0 : i32
    %dma_wait3A_487 = tpu.memref_slice %arg9[%dma_wait3A_485, %dma_wait3A_486] : memref<32x768xf32, #tpu.memory_space<vmem>> -> memref<8x768xf32, #tpu.memory_space<vmem>>
    tpu.wait_dma2 semaphore(%arg22 : memref<!tpu.dma_semaphore, #tpu.memory_space<semaphore_mem>>) src(%dma_wait3A_487 : memref<8x768xf32, #tpu.memory_space<vmem>>) dst(%dma_wait3A_484 : memref<8x768xf32, #tpu.memory_space<hbm>>)
    %dma_wait3A_488 = arith.constant 8 : i32
    %dma_wait3A_489 = arith.constant 0 : i32
    %dma_wait3A_490 = tpu.memref_slice %arg9[%dma_wait3A_488, %dma_wait3A_489] : memref<32x768xf32, #tpu.memory_space<vmem>> -> memref<8x768xf32, #tpu.memory_space<vmem>>
    %dma_wait3A_491 = arith.constant 0 : i32
    %dma_wait3A_492 = tpu.memref_slice %arg5[%add3A_211, %dma_wait3A_491] : memref<8192x768xf32, #tpu.memory_space<hbm>> -> memref<8x768xf32, #tpu.memory_space<hbm>>
    %dma_wait3A_493 = arith.constant 0 : i32
    %dma_wait3A_494 = tpu.memref_slice %arg5[%add3A_211, %dma_wait3A_493] : memref<8192x768xf32, #tpu.memory_space<hbm>> -> memref<8x768xf32, #tpu.memory_space<hbm>>
    %dma_wait3A_495 = arith.constant 8 : i32
    %dma_wait3A_496 = arith.constant 0 : i32
    %dma_wait3A_497 = tpu.memref_slice %arg9[%dma_wait3A_495, %dma_wait3A_496] : memref<32x768xf32, #tpu.memory_space<vmem>> -> memref<8x768xf32, #tpu.memory_space<vmem>>
    tpu.wait_dma2 semaphore(%arg22 : memref<!tpu.dma_semaphore, #tpu.memory_space<semaphore_mem>>) src(%dma_wait3A_497 : memref<8x768xf32, #tpu.memory_space<vmem>>) dst(%dma_wait3A_494 : memref<8x768xf32, #tpu.memory_space<hbm>>)
    %dma_wait3A_498 = arith.constant 16 : i32
    %dma_wait3A_499 = arith.constant 0 : i32
    %dma_wait3A_500 = tpu.memref_slice %arg9[%dma_wait3A_498, %dma_wait3A_499] : memref<32x768xf32, #tpu.memory_space<vmem>> -> memref<8x768xf32, #tpu.memory_space<vmem>>
    %dma_wait3A_501 = arith.constant 0 : i32
    %dma_wait3A_502 = tpu.memref_slice %arg5[%add3A_225, %dma_wait3A_501] : memref<8192x768xf32, #tpu.memory_space<hbm>> -> memref<8x768xf32, #tpu.memory_space<hbm>>
    %dma_wait3A_503 = arith.constant 0 : i32
    %dma_wait3A_504 = tpu.memref_slice %arg5[%add3A_225, %dma_wait3A_503] : memref<8192x768xf32, #tpu.memory_space<hbm>> -> memref<8x768xf32, #tpu.memory_space<hbm>>
    %dma_wait3A_505 = arith.constant 16 : i32
    %dma_wait3A_506 = arith.constant 0 : i32
    %dma_wait3A_507 = tpu.memref_slice %arg9[%dma_wait3A_505, %dma_wait3A_506] : memref<32x768xf32, #tpu.memory_space<vmem>> -> memref<8x768xf32, #tpu.memory_space<vmem>>
    tpu.wait_dma2 semaphore(%arg22 : memref<!tpu.dma_semaphore, #tpu.memory_space<semaphore_mem>>) src(%dma_wait3A_507 : memref<8x768xf32, #tpu.memory_space<vmem>>) dst(%dma_wait3A_504 : memref<8x768xf32, #tpu.memory_space<hbm>>)
    %dma_wait3A_508 = arith.constant 24 : i32
    %dma_wait3A_509 = arith.constant 0 : i32
    %dma_wait3A_510 = tpu.memref_slice %arg9[%dma_wait3A_508, %dma_wait3A_509] : memref<32x768xf32, #tpu.memory_space<vmem>> -> memref<8x768xf32, #tpu.memory_space<vmem>>
    %dma_wait3A_511 = arith.constant 0 : i32
    %dma_wait3A_512 = tpu.memref_slice %arg5[%add3A_239, %dma_wait3A_511] : memref<8192x768xf32, #tpu.memory_space<hbm>> -> memref<8x768xf32, #tpu.memory_space<hbm>>
    %dma_wait3A_513 = arith.constant 0 : i32
    %dma_wait3A_514 = tpu.memref_slice %arg5[%add3A_239, %dma_wait3A_513] : memref<8192x768xf32, #tpu.memory_space<hbm>> -> memref<8x768xf32, #tpu.memory_space<hbm>>
    %dma_wait3A_515 = arith.constant 24 : i32
    %dma_wait3A_516 = arith.constant 0 : i32
    %dma_wait3A_517 = tpu.memref_slice %arg9[%dma_wait3A_515, %dma_wait3A_516] : memref<32x768xf32, #tpu.memory_space<vmem>> -> memref<8x768xf32, #tpu.memory_space<vmem>>
    tpu.wait_dma2 semaphore(%arg22 : memref<!tpu.dma_semaphore, #tpu.memory_space<semaphore_mem>>) src(%dma_wait3A_517 : memref<8x768xf32, #tpu.memory_space<vmem>>) dst(%dma_wait3A_514 : memref<8x768xf32, #tpu.memory_space<hbm>>)
    %dma_start3A_518 = arith.constant 192 : i32
    %dma_start3A_519 = tpu.memref_slice %arg6[%dma_start3A_518] : memref<256xi32, #tpu.memory_space<vmem>> -> memref<32xi32, #tpu.memory_space<vmem>>
    %dma_start3A_520 = arith.constant 0 : i32
    %dma_start3A_521 = arith.constant 0 : i32
    %dma_start3A_522 = tpu.memref_slice %arg3[%dma_start3A_520, %dma_start3A_521] : memref<100000x768xf32, #tpu.memory_space<hbm>> -> memref<100000x768xf32, #tpu.memory_space<hbm>>
    tpu.enqueue_indirect_dma source(%dma_start3A_522 : memref<100000x768xf32, #tpu.memory_space<hbm>>) target(%arg9 : memref<32x768xf32, #tpu.memory_space<vmem>>) offsets(%dma_start3A_519 : memref<32xi32, #tpu.memory_space<vmem>>) semaphore(%arg18 : memref<!tpu.dma_semaphore, #tpu.memory_space<semaphore_mem>>)
    %dma_wait3A_523 = arith.constant 160 : i32
    %dma_wait3A_524 = tpu.memref_slice %arg6[%dma_wait3A_523] : memref<256xi32, #tpu.memory_space<vmem>> -> memref<32xi32, #tpu.memory_space<vmem>>
    %dma_wait3A_525 = arith.constant 0 : i32
    %dma_wait3A_526 = arith.constant 0 : i32
    %dma_wait3A_527 = tpu.memref_slice %arg3[%dma_wait3A_525, %dma_wait3A_526] : memref<100000x768xf32, #tpu.memory_space<hbm>> -> memref<100000x768xf32, #tpu.memory_space<hbm>>
    tpu.wait_indirect_dma semaphore(%arg17 : memref<!tpu.dma_semaphore, #tpu.memory_space<semaphore_mem>>) src(%dma_wait3A_527 : memref<100000x768xf32, #tpu.memory_space<hbm>>) dst(%arg8 : memref<32x768xf32, #tpu.memory_space<vmem>>)
    %parallel_loop3A_528 = arith.constant 0 : i32
    %parallel_loop3A_529 = arith.constant 384 : i32
    %parallel_loop3A_530 = arith.constant 1 : i32
    scf.for %parallel_loop3A_924 = %parallel_loop3A_528 to %parallel_loop3A_529 step %parallel_loop3A_530  : i32 {
      %parallel_loop3A_925 = arith.constant 8 : i32
      %parallel_loop3A_926 = arith.remsi %parallel_loop3A_924, %parallel_loop3A_925 : i32
      %parallel_loop3A_927 = arith.constant 8 : i32
      %parallel_loop3A_928 = arith.divsi %parallel_loop3A_924, %parallel_loop3A_927 : i32
      %parallel_loop3A_929 = arith.constant 16 : i32
      %parallel_loop3A_930 = arith.muli %parallel_loop3A_928, %parallel_loop3A_929 : i32
      %parallel_loop3A_931 = arith.constant 8 : i32
      %parallel_loop3A_932 = arith.addi %parallel_loop3A_931, %parallel_loop3A_926 : i32
      %parallel_loop3A_933 = arith.index_cast %parallel_loop3A_932 : i32 to index
      %parallel_loop3A_934 = arith.index_cast %parallel_loop3A_930 : i32 to index
      %parallel_loop3A_935 = tpu.vector_load %arg11[%parallel_loop3A_933, %parallel_loop3A_934] {strides = array<i32>} : memref<16x768xf32, #tpu.memory_space<vmem>>, vector<1x16xf32>,
      %parallel_loop3A_936 = vector.shape_cast %parallel_loop3A_935 : vector<1x16xf32> to vector<16xf32>
      %parallel_loop3A_937 = arith.constant 0 : i32
      %parallel_loop3A_938 = arith.addi %parallel_loop3A_937, %parallel_loop3A_926 : i32
      %parallel_loop3A_939 = arith.index_cast %parallel_loop3A_938 : i32 to index
      %parallel_loop3A_940 = arith.index_cast %parallel_loop3A_930 : i32 to index
      %parallel_loop3A_941 = tpu.vector_load %arg8[%parallel_loop3A_939, %parallel_loop3A_940] {strides = array<i32>} : memref<32x768xf32, #tpu.memory_space<vmem>>, vector<1x16xf32>,
      %parallel_loop3A_942 = vector.shape_cast %parallel_loop3A_941 : vector<1x16xf32> to vector<16xf32>
      %parallel_loop3A_943 = arith.constant 27.7128124 : f32
      %parallel_loop3A_944 = vector.broadcast %parallel_loop3A_943 : f32 to vector<16xf32>
      %parallel_loop3A_945 = arith.mulf %parallel_loop3A_942, %parallel_loop3A_944 : vector<16xf32>
      %parallel_loop3A_946 = arith.addf %parallel_loop3A_945, %parallel_loop3A_936 : vector<16xf32>
      %parallel_loop3A_947 = arith.index_cast %parallel_loop3A_938 : i32 to index
      %parallel_loop3A_948 = arith.index_cast %parallel_loop3A_930 : i32 to index
      %parallel_loop3A_949 = tpu.vector_load %arg8[%parallel_loop3A_947, %parallel_loop3A_948] {strides = array<i32>} : memref<32x768xf32, #tpu.memory_space<vmem>>, vector<1x16xf32>,
      %parallel_loop3A_950 = vector.shape_cast %parallel_loop3A_949 : vector<1x16xf32> to vector<16xf32>
      %parallel_loop3A_951 = vector.shape_cast %parallel_loop3A_946 : vector<16xf32> to vector<1x16xf32>
      tpu.vector_store %arg8[%parallel_loop3A_947, %parallel_loop3A_948], %parallel_loop3A_951 {strides = array<i32>} : memref<32x768xf32, #tpu.memory_space<vmem>>, vector<1x16xf32>,
      %parallel_loop3A_952 = arith.constant 8 : i32
      %parallel_loop3A_953 = arith.addi %parallel_loop3A_952, %parallel_loop3A_926 : i32
      %parallel_loop3A_954 = arith.index_cast %parallel_loop3A_953 : i32 to index
      %parallel_loop3A_955 = arith.index_cast %parallel_loop3A_930 : i32 to index
      %parallel_loop3A_956 = tpu.vector_load %arg8[%parallel_loop3A_954, %parallel_loop3A_955] {strides = array<i32>} : memref<32x768xf32, #tpu.memory_space<vmem>>, vector<1x16xf32>,
      %parallel_loop3A_957 = vector.shape_cast %parallel_loop3A_956 : vector<1x16xf32> to vector<16xf32>
      %parallel_loop3A_958 = arith.constant 27.7128124 : f32
      %parallel_loop3A_959 = vector.broadcast %parallel_loop3A_958 : f32 to vector<16xf32>
      %parallel_loop3A_960 = arith.mulf %parallel_loop3A_957, %parallel_loop3A_959 : vector<16xf32>
      %parallel_loop3A_961 = arith.addf %parallel_loop3A_960, %parallel_loop3A_936 : vector<16xf32>
      %parallel_loop3A_962 = arith.index_cast %parallel_loop3A_953 : i32 to index
      %parallel_loop3A_963 = arith.index_cast %parallel_loop3A_930 : i32 to index
      %parallel_loop3A_964 = tpu.vector_load %arg8[%parallel_loop3A_962, %parallel_loop3A_963] {strides = array<i32>} : memref<32x768xf32, #tpu.memory_space<vmem>>, vector<1x16xf32>,
      %parallel_loop3A_965 = vector.shape_cast %parallel_loop3A_964 : vector<1x16xf32> to vector<16xf32>
      %parallel_loop3A_966 = vector.shape_cast %parallel_loop3A_961 : vector<16xf32> to vector<1x16xf32>
      tpu.vector_store %arg8[%parallel_loop3A_962, %parallel_loop3A_963], %parallel_loop3A_966 {strides = array<i32>} : memref<32x768xf32, #tpu.memory_space<vmem>>, vector<1x16xf32>,
      %parallel_loop3A_967 = arith.constant 16 : i32
      %parallel_loop3A_968 = arith.addi %parallel_loop3A_967, %parallel_loop3A_926 : i32
      %parallel_loop3A_969 = arith.index_cast %parallel_loop3A_968 : i32 to index
      %parallel_loop3A_970 = arith.index_cast %parallel_loop3A_930 : i32 to index
      %parallel_loop3A_971 = tpu.vector_load %arg8[%parallel_loop3A_969, %parallel_loop3A_970] {strides = array<i32>} : memref<32x768xf32, #tpu.memory_space<vmem>>, vector<1x16xf32>,
      %parallel_loop3A_972 = vector.shape_cast %parallel_loop3A_971 : vector<1x16xf32> to vector<16xf32>
      %parallel_loop3A_973 = arith.constant 27.7128124 : f32
      %parallel_loop3A_974 = vector.broadcast %parallel_loop3A_973 : f32 to vector<16xf32>
      %parallel_loop3A_975 = arith.mulf %parallel_loop3A_972, %parallel_loop3A_974 : vector<16xf32>
      %parallel_loop3A_976 = arith.addf %parallel_loop3A_975, %parallel_loop3A_936 : vector<16xf32>
      %parallel_loop3A_977 = arith.index_cast %parallel_loop3A_968 : i32 to index
      %parallel_loop3A_978 = arith.index_cast %parallel_loop3A_930 : i32 to index
      %parallel_loop3A_979 = tpu.vector_load %arg8[%parallel_loop3A_977, %parallel_loop3A_978] {strides = array<i32>} : memref<32x768xf32, #tpu.memory_space<vmem>>, vector<1x16xf32>,
      %parallel_loop3A_980 = vector.shape_cast %parallel_loop3A_979 : vector<1x16xf32> to vector<16xf32>
      %parallel_loop3A_981 = vector.shape_cast %parallel_loop3A_976 : vector<16xf32> to vector<1x16xf32>
      tpu.vector_store %arg8[%parallel_loop3A_977, %parallel_loop3A_978], %parallel_loop3A_981 {strides = array<i32>} : memref<32x768xf32, #tpu.memory_space<vmem>>, vector<1x16xf32>,
      %parallel_loop3A_982 = arith.constant 24 : i32
      %parallel_loop3A_983 = arith.addi %parallel_loop3A_982, %parallel_loop3A_926 : i32
      %parallel_loop3A_984 = arith.index_cast %parallel_loop3A_983 : i32 to index
      %parallel_loop3A_985 = arith.index_cast %parallel_loop3A_930 : i32 to index
      %parallel_loop3A_986 = tpu.vector_load %arg8[%parallel_loop3A_984, %parallel_loop3A_985] {strides = array<i32>} : memref<32x768xf32, #tpu.memory_space<vmem>>, vector<1x16xf32>,
      %parallel_loop3A_987 = vector.shape_cast %parallel_loop3A_986 : vector<1x16xf32> to vector<16xf32>
      %parallel_loop3A_988 = arith.constant 27.7128124 : f32
      %parallel_loop3A_989 = vector.broadcast %parallel_loop3A_988 : f32 to vector<16xf32>
      %parallel_loop3A_990 = arith.mulf %parallel_loop3A_987, %parallel_loop3A_989 : vector<16xf32>
      %parallel_loop3A_991 = arith.addf %parallel_loop3A_990, %parallel_loop3A_936 : vector<16xf32>
      %parallel_loop3A_992 = arith.index_cast %parallel_loop3A_983 : i32 to index
      %parallel_loop3A_993 = arith.index_cast %parallel_loop3A_930 : i32 to index
      %parallel_loop3A_994 = tpu.vector_load %arg8[%parallel_loop3A_992, %parallel_loop3A_993] {strides = array<i32>} : memref<32x768xf32, #tpu.memory_space<vmem>>, vector<1x16xf32>,
      %parallel_loop3A_995 = vector.shape_cast %parallel_loop3A_994 : vector<1x16xf32> to vector<16xf32>
      %parallel_loop3A_996 = vector.shape_cast %parallel_loop3A_991 : vector<16xf32> to vector<1x16xf32>
      tpu.vector_store %arg8[%parallel_loop3A_992, %parallel_loop3A_993], %parallel_loop3A_996 {strides = array<i32>} : memref<32x768xf32, #tpu.memory_space<vmem>>, vector<1x16xf32>,
    } {sc.loop_unroll_factor = 4 : i64, sc.parallel_access}
    %add3A_531 = arith.constant 0 : i32
    %add3A_532 = arith.addi %add3A_531, %mul3A_2 : i32
    %add3A_533 = arith.constant 40 : i32
    %add3A_534 = arith.addi %add3A_532, %add3A_533 : i32
    %dma_start3A_535 = arith.constant 0 : i32
    %dma_start3A_536 = arith.constant 0 : i32
    %dma_start3A_537 = tpu.memref_slice %arg8[%dma_start3A_535, %dma_start3A_536] : memref<32x768xf32, #tpu.memory_space<vmem>> -> memref<8x768xf32, #tpu.memory_space<vmem>>
    %dma_start3A_538 = arith.constant 0 : i32
    %dma_start3A_539 = tpu.memref_slice %arg5[%add3A_534, %dma_start3A_538] : memref<8192x768xf32, #tpu.memory_space<hbm>> -> memref<8x768xf32, #tpu.memory_space<hbm>>
    %dma_start3A_540 = arith.constant 0 : i32
    %dma_start3A_541 = tpu.memref_slice %arg5[%add3A_534, %dma_start3A_540] : memref<8192x768xf32, #tpu.memory_space<hbm>> -> memref<8x768xf32, #tpu.memory_space<hbm>>
    %dma_start3A_542 = arith.constant 0 : i32
    %dma_start3A_543 = arith.constant 0 : i32
    %dma_start3A_544 = tpu.memref_slice %arg8[%dma_start3A_542, %dma_start3A_543] : memref<32x768xf32, #tpu.memory_space<vmem>> -> memref<8x768xf32, #tpu.memory_space<vmem>>
    tpu.enqueue_dma source(%dma_start3A_544 : memref<8x768xf32, #tpu.memory_space<vmem>>) target(%dma_start3A_541 : memref<8x768xf32, #tpu.memory_space<hbm>>) target_semaphore(%arg21 : memref<!tpu.dma_semaphore, #tpu.memory_space<semaphore_mem>>)
    %add3A_545 = arith.constant 2048 : i32
    %add3A_546 = arith.addi %add3A_545, %mul3A_2 : i32
    %add3A_547 = arith.constant 40 : i32
    %add3A_548 = arith.addi %add3A_546, %add3A_547 : i32
    %dma_start3A_549 = arith.constant 8 : i32
    %dma_start3A_550 = arith.constant 0 : i32
    %dma_start3A_551 = tpu.memref_slice %arg8[%dma_start3A_549, %dma_start3A_550] : memref<32x768xf32, #tpu.memory_space<vmem>> -> memref<8x768xf32, #tpu.memory_space<vmem>>
    %dma_start3A_552 = arith.constant 0 : i32
    %dma_start3A_553 = tpu.memref_slice %arg5[%add3A_548, %dma_start3A_552] : memref<8192x768xf32, #tpu.memory_space<hbm>> -> memref<8x768xf32, #tpu.memory_space<hbm>>
    %dma_start3A_554 = arith.constant 0 : i32
    %dma_start3A_555 = tpu.memref_slice %arg5[%add3A_548, %dma_start3A_554] : memref<8192x768xf32, #tpu.memory_space<hbm>> -> memref<8x768xf32, #tpu.memory_space<hbm>>
    %dma_start3A_556 = arith.constant 8 : i32
    %dma_start3A_557 = arith.constant 0 : i32
    %dma_start3A_558 = tpu.memref_slice %arg8[%dma_start3A_556, %dma_start3A_557] : memref<32x768xf32, #tpu.memory_space<vmem>> -> memref<8x768xf32, #tpu.memory_space<vmem>>
    tpu.enqueue_dma source(%dma_start3A_558 : memref<8x768xf32, #tpu.memory_space<vmem>>) target(%dma_start3A_555 : memref<8x768xf32, #tpu.memory_space<hbm>>) target_semaphore(%arg21 : memref<!tpu.dma_semaphore, #tpu.memory_space<semaphore_mem>>)
    %add3A_559 = arith.constant 4096 : i32
    %add3A_560 = arith.addi %add3A_559, %mul3A_2 : i32
    %add3A_561 = arith.constant 40 : i32
    %add3A_562 = arith.addi %add3A_560, %add3A_561 : i32
    %dma_start3A_563 = arith.constant 16 : i32
    %dma_start3A_564 = arith.constant 0 : i32
    %dma_start3A_565 = tpu.memref_slice %arg8[%dma_start3A_563, %dma_start3A_564] : memref<32x768xf32, #tpu.memory_space<vmem>> -> memref<8x768xf32, #tpu.memory_space<vmem>>
    %dma_start3A_566 = arith.constant 0 : i32
    %dma_start3A_567 = tpu.memref_slice %arg5[%add3A_562, %dma_start3A_566] : memref<8192x768xf32, #tpu.memory_space<hbm>> -> memref<8x768xf32, #tpu.memory_space<hbm>>
    %dma_start3A_568 = arith.constant 0 : i32
    %dma_start3A_569 = tpu.memref_slice %arg5[%add3A_562, %dma_start3A_568] : memref<8192x768xf32, #tpu.memory_space<hbm>> -> memref<8x768xf32, #tpu.memory_space<hbm>>
    %dma_start3A_570 = arith.constant 16 : i32
    %dma_start3A_571 = arith.constant 0 : i32
    %dma_start3A_572 = tpu.memref_slice %arg8[%dma_start3A_570, %dma_start3A_571] : memref<32x768xf32, #tpu.memory_space<vmem>> -> memref<8x768xf32, #tpu.memory_space<vmem>>
    tpu.enqueue_dma source(%dma_start3A_572 : memref<8x768xf32, #tpu.memory_space<vmem>>) target(%dma_start3A_569 : memref<8x768xf32, #tpu.memory_space<hbm>>) target_semaphore(%arg21 : memref<!tpu.dma_semaphore, #tpu.memory_space<semaphore_mem>>)
    %add3A_573 = arith.constant 6144 : i32
    %add3A_574 = arith.addi %add3A_573, %mul3A_2 : i32
    %add3A_575 = arith.constant 40 : i32
    %add3A_576 = arith.addi %add3A_574, %add3A_575 : i32
    %dma_start3A_577 = arith.constant 24 : i32
    %dma_start3A_578 = arith.constant 0 : i32
    %dma_start3A_579 = tpu.memref_slice %arg8[%dma_start3A_577, %dma_start3A_578] : memref<32x768xf32, #tpu.memory_space<vmem>> -> memref<8x768xf32, #tpu.memory_space<vmem>>
    %dma_start3A_580 = arith.constant 0 : i32
    %dma_start3A_581 = tpu.memref_slice %arg5[%add3A_576, %dma_start3A_580] : memref<8192x768xf32, #tpu.memory_space<hbm>> -> memref<8x768xf32, #tpu.memory_space<hbm>>
    %dma_start3A_582 = arith.constant 0 : i32
    %dma_start3A_583 = tpu.memref_slice %arg5[%add3A_576, %dma_start3A_582] : memref<8192x768xf32, #tpu.memory_space<hbm>> -> memref<8x768xf32, #tpu.memory_space<hbm>>
    %dma_start3A_584 = arith.constant 24 : i32
    %dma_start3A_585 = arith.constant 0 : i32
    %dma_start3A_586 = tpu.memref_slice %arg8[%dma_start3A_584, %dma_start3A_585] : memref<32x768xf32, #tpu.memory_space<vmem>> -> memref<8x768xf32, #tpu.memory_space<vmem>>
    tpu.enqueue_dma source(%dma_start3A_586 : memref<8x768xf32, #tpu.memory_space<vmem>>) target(%dma_start3A_583 : memref<8x768xf32, #tpu.memory_space<hbm>>) target_semaphore(%arg21 : memref<!tpu.dma_semaphore, #tpu.memory_space<semaphore_mem>>)
    %dma_wait3A_587 = arith.constant 0 : i32
    %dma_wait3A_588 = arith.constant 0 : i32
    %dma_wait3A_589 = tpu.memref_slice %arg10[%dma_wait3A_587, %dma_wait3A_588] : memref<32x768xf32, #tpu.memory_space<vmem>> -> memref<8x768xf32, #tpu.memory_space<vmem>>
    %dma_wait3A_590 = arith.constant 0 : i32
    %dma_wait3A_591 = tpu.memref_slice %arg5[%add3A_312, %dma_wait3A_590] : memref<8192x768xf32, #tpu.memory_space<hbm>> -> memref<8x768xf32, #tpu.memory_space<hbm>>
    %dma_wait3A_592 = arith.constant 0 : i32
    %dma_wait3A_593 = tpu.memref_slice %arg5[%add3A_312, %dma_wait3A_592] : memref<8192x768xf32, #tpu.memory_space<hbm>> -> memref<8x768xf32, #tpu.memory_space<hbm>>
    %dma_wait3A_594 = arith.constant 0 : i32
    %dma_wait3A_595 = arith.constant 0 : i32
    %dma_wait3A_596 = tpu.memref_slice %arg10[%dma_wait3A_594, %dma_wait3A_595] : memref<32x768xf32, #tpu.memory_space<vmem>> -> memref<8x768xf32, #tpu.memory_space<vmem>>
    tpu.wait_dma2 semaphore(%arg23 : memref<!tpu.dma_semaphore, #tpu.memory_space<semaphore_mem>>) src(%dma_wait3A_596 : memref<8x768xf32, #tpu.memory_space<vmem>>) dst(%dma_wait3A_593 : memref<8x768xf32, #tpu.memory_space<hbm>>)
    %dma_wait3A_597 = arith.constant 8 : i32
    %dma_wait3A_598 = arith.constant 0 : i32
    %dma_wait3A_599 = tpu.memref_slice %arg10[%dma_wait3A_597, %dma_wait3A_598] : memref<32x768xf32, #tpu.memory_space<vmem>> -> memref<8x768xf32, #tpu.memory_space<vmem>>
    %dma_wait3A_600 = arith.constant 0 : i32
    %dma_wait3A_601 = tpu.memref_slice %arg5[%add3A_326, %dma_wait3A_600] : memref<8192x768xf32, #tpu.memory_space<hbm>> -> memref<8x768xf32, #tpu.memory_space<hbm>>
    %dma_wait3A_602 = arith.constant 0 : i32
    %dma_wait3A_603 = tpu.memref_slice %arg5[%add3A_326, %dma_wait3A_602] : memref<8192x768xf32, #tpu.memory_space<hbm>> -> memref<8x768xf32, #tpu.memory_space<hbm>>
    %dma_wait3A_604 = arith.constant 8 : i32
    %dma_wait3A_605 = arith.constant 0 : i32
    %dma_wait3A_606 = tpu.memref_slice %arg10[%dma_wait3A_604, %dma_wait3A_605] : memref<32x768xf32, #tpu.memory_space<vmem>> -> memref<8x768xf32, #tpu.memory_space<vmem>>
    tpu.wait_dma2 semaphore(%arg23 : memref<!tpu.dma_semaphore, #tpu.memory_space<semaphore_mem>>) src(%dma_wait3A_606 : memref<8x768xf32, #tpu.memory_space<vmem>>) dst(%dma_wait3A_603 : memref<8x768xf32, #tpu.memory_space<hbm>>)
    %dma_wait3A_607 = arith.constant 16 : i32
    %dma_wait3A_608 = arith.constant 0 : i32
    %dma_wait3A_609 = tpu.memref_slice %arg10[%dma_wait3A_607, %dma_wait3A_608] : memref<32x768xf32, #tpu.memory_space<vmem>> -> memref<8x768xf32, #tpu.memory_space<vmem>>
    %dma_wait3A_610 = arith.constant 0 : i32
    %dma_wait3A_611 = tpu.memref_slice %arg5[%add3A_340, %dma_wait3A_610] : memref<8192x768xf32, #tpu.memory_space<hbm>> -> memref<8x768xf32, #tpu.memory_space<hbm>>
    %dma_wait3A_612 = arith.constant 0 : i32
    %dma_wait3A_613 = tpu.memref_slice %arg5[%add3A_340, %dma_wait3A_612] : memref<8192x768xf32, #tpu.memory_space<hbm>> -> memref<8x768xf32, #tpu.memory_space<hbm>>
    %dma_wait3A_614 = arith.constant 16 : i32
    %dma_wait3A_615 = arith.constant 0 : i32
    %dma_wait3A_616 = tpu.memref_slice %arg10[%dma_wait3A_614, %dma_wait3A_615] : memref<32x768xf32, #tpu.memory_space<vmem>> -> memref<8x768xf32, #tpu.memory_space<vmem>>
    tpu.wait_dma2 semaphore(%arg23 : memref<!tpu.dma_semaphore, #tpu.memory_space<semaphore_mem>>) src(%dma_wait3A_616 : memref<8x768xf32, #tpu.memory_space<vmem>>) dst(%dma_wait3A_613 : memref<8x768xf32, #tpu.memory_space<hbm>>)
    %dma_wait3A_617 = arith.constant 24 : i32
    %dma_wait3A_618 = arith.constant 0 : i32
    %dma_wait3A_619 = tpu.memref_slice %arg10[%dma_wait3A_617, %dma_wait3A_618] : memref<32x768xf32, #tpu.memory_space<vmem>> -> memref<8x768xf32, #tpu.memory_space<vmem>>
    %dma_wait3A_620 = arith.constant 0 : i32
    %dma_wait3A_621 = tpu.memref_slice %arg5[%add3A_354, %dma_wait3A_620] : memref<8192x768xf32, #tpu.memory_space<hbm>> -> memref<8x768xf32, #tpu.memory_space<hbm>>
    %dma_wait3A_622 = arith.constant 0 : i32
    %dma_wait3A_623 = tpu.memref_slice %arg5[%add3A_354, %dma_wait3A_622] : memref<8192x768xf32, #tpu.memory_space<hbm>> -> memref<8x768xf32, #tpu.memory_space<hbm>>
    %dma_wait3A_624 = arith.constant 24 : i32
    %dma_wait3A_625 = arith.constant 0 : i32
    %dma_wait3A_626 = tpu.memref_slice %arg10[%dma_wait3A_624, %dma_wait3A_625] : memref<32x768xf32, #tpu.memory_space<vmem>> -> memref<8x768xf32, #tpu.memory_space<vmem>>
    tpu.wait_dma2 semaphore(%arg23 : memref<!tpu.dma_semaphore, #tpu.memory_space<semaphore_mem>>) src(%dma_wait3A_626 : memref<8x768xf32, #tpu.memory_space<vmem>>) dst(%dma_wait3A_623 : memref<8x768xf32, #tpu.memory_space<hbm>>)
    %dma_start3A_627 = arith.constant 224 : i32
    %dma_start3A_628 = tpu.memref_slice %arg6[%dma_start3A_627] : memref<256xi32, #tpu.memory_space<vmem>> -> memref<32xi32, #tpu.memory_space<vmem>>
    %dma_start3A_629 = arith.constant 0 : i32
    %dma_start3A_630 = arith.constant 0 : i32
    %dma_start3A_631 = tpu.memref_slice %arg3[%dma_start3A_629, %dma_start3A_630] : memref<100000x768xf32, #tpu.memory_space<hbm>> -> memref<100000x768xf32, #tpu.memory_space<hbm>>
    tpu.enqueue_indirect_dma source(%dma_start3A_631 : memref<100000x768xf32, #tpu.memory_space<hbm>>) target(%arg10 : memref<32x768xf32, #tpu.memory_space<vmem>>) offsets(%dma_start3A_628 : memref<32xi32, #tpu.memory_space<vmem>>) semaphore(%arg19 : memref<!tpu.dma_semaphore, #tpu.memory_space<semaphore_mem>>)
    %dma_wait3A_632 = arith.constant 192 : i32
    %dma_wait3A_633 = tpu.memref_slice %arg6[%dma_wait3A_632] : memref<256xi32, #tpu.memory_space<vmem>> -> memref<32xi32, #tpu.memory_space<vmem>>
    %dma_wait3A_634 = arith.constant 0 : i32
    %dma_wait3A_635 = arith.constant 0 : i32
    %dma_wait3A_636 = tpu.memref_slice %arg3[%dma_wait3A_634, %dma_wait3A_635] : memref<100000x768xf32, #tpu.memory_space<hbm>> -> memref<100000x768xf32, #tpu.memory_space<hbm>>
    tpu.wait_indirect_dma semaphore(%arg18 : memref<!tpu.dma_semaphore, #tpu.memory_space<semaphore_mem>>) src(%dma_wait3A_636 : memref<100000x768xf32, #tpu.memory_space<hbm>>) dst(%arg9 : memref<32x768xf32, #tpu.memory_space<vmem>>)
    %dma_wait3A_637 = arith.constant 0 : i32
    %dma_wait3A_638 = tpu.memref_slice %arg4[%add3A_304, %dma_wait3A_637] : memref<2048x768xf32, #tpu.memory_space<hbm>> -> memref<16x768xf32, #tpu.memory_space<hbm>>
    %dma_wait3A_639 = arith.constant 0 : i32
    %dma_wait3A_640 = tpu.memref_slice %arg4[%add3A_304, %dma_wait3A_639] : memref<2048x768xf32, #tpu.memory_space<hbm>> -> memref<16x768xf32, #tpu.memory_space<hbm>>
    tpu.wait_dma2 semaphore(%arg15 : memref<!tpu.dma_semaphore, #tpu.memory_space<semaphore_mem>>) src(%dma_wait3A_640 : memref<16x768xf32, #tpu.memory_space<hbm>>) dst(%arg12 : memref<16x768xf32, #tpu.memory_space<vmem>>)
    %parallel_loop3A_641 = arith.constant 0 : i32
    %parallel_loop3A_642 = arith.constant 384 : i32
    %parallel_loop3A_643 = arith.constant 1 : i32
    scf.for %parallel_loop3A_924 = %parallel_loop3A_641 to %parallel_loop3A_642 step %parallel_loop3A_643  : i32 {
      %parallel_loop3A_925 = arith.constant 8 : i32
      %parallel_loop3A_926 = arith.remsi %parallel_loop3A_924, %parallel_loop3A_925 : i32
      %parallel_loop3A_927 = arith.constant 8 : i32
      %parallel_loop3A_928 = arith.divsi %parallel_loop3A_924, %parallel_loop3A_927 : i32
      %parallel_loop3A_929 = arith.constant 16 : i32
      %parallel_loop3A_930 = arith.muli %parallel_loop3A_928, %parallel_loop3A_929 : i32
      %parallel_loop3A_931 = arith.constant 0 : i32
      %parallel_loop3A_932 = arith.addi %parallel_loop3A_931, %parallel_loop3A_926 : i32
      %parallel_loop3A_933 = arith.index_cast %parallel_loop3A_932 : i32 to index
      %parallel_loop3A_934 = arith.index_cast %parallel_loop3A_930 : i32 to index
      %parallel_loop3A_935 = tpu.vector_load %arg12[%parallel_loop3A_933, %parallel_loop3A_934] {strides = array<i32>} : memref<16x768xf32, #tpu.memory_space<vmem>>, vector<1x16xf32>,
      %parallel_loop3A_936 = vector.shape_cast %parallel_loop3A_935 : vector<1x16xf32> to vector<16xf32>
      %parallel_loop3A_937 = arith.constant 0 : i32
      %parallel_loop3A_938 = arith.addi %parallel_loop3A_937, %parallel_loop3A_926 : i32
      %parallel_loop3A_939 = arith.index_cast %parallel_loop3A_938 : i32 to index
      %parallel_loop3A_940 = arith.index_cast %parallel_loop3A_930 : i32 to index
      %parallel_loop3A_941 = tpu.vector_load %arg9[%parallel_loop3A_939, %parallel_loop3A_940] {strides = array<i32>} : memref<32x768xf32, #tpu.memory_space<vmem>>, vector<1x16xf32>,
      %parallel_loop3A_942 = vector.shape_cast %parallel_loop3A_941 : vector<1x16xf32> to vector<16xf32>
      %parallel_loop3A_943 = arith.constant 27.7128124 : f32
      %parallel_loop3A_944 = vector.broadcast %parallel_loop3A_943 : f32 to vector<16xf32>
      %parallel_loop3A_945 = arith.mulf %parallel_loop3A_942, %parallel_loop3A_944 : vector<16xf32>
      %parallel_loop3A_946 = arith.addf %parallel_loop3A_945, %parallel_loop3A_936 : vector<16xf32>
      %parallel_loop3A_947 = arith.index_cast %parallel_loop3A_938 : i32 to index
      %parallel_loop3A_948 = arith.index_cast %parallel_loop3A_930 : i32 to index
      %parallel_loop3A_949 = tpu.vector_load %arg9[%parallel_loop3A_947, %parallel_loop3A_948] {strides = array<i32>} : memref<32x768xf32, #tpu.memory_space<vmem>>, vector<1x16xf32>,
      %parallel_loop3A_950 = vector.shape_cast %parallel_loop3A_949 : vector<1x16xf32> to vector<16xf32>
      %parallel_loop3A_951 = vector.shape_cast %parallel_loop3A_946 : vector<16xf32> to vector<1x16xf32>
      tpu.vector_store %arg9[%parallel_loop3A_947, %parallel_loop3A_948], %parallel_loop3A_951 {strides = array<i32>} : memref<32x768xf32, #tpu.memory_space<vmem>>, vector<1x16xf32>,
      %parallel_loop3A_952 = arith.constant 8 : i32
      %parallel_loop3A_953 = arith.addi %parallel_loop3A_952, %parallel_loop3A_926 : i32
      %parallel_loop3A_954 = arith.index_cast %parallel_loop3A_953 : i32 to index
      %parallel_loop3A_955 = arith.index_cast %parallel_loop3A_930 : i32 to index
      %parallel_loop3A_956 = tpu.vector_load %arg9[%parallel_loop3A_954, %parallel_loop3A_955] {strides = array<i32>} : memref<32x768xf32, #tpu.memory_space<vmem>>, vector<1x16xf32>,
      %parallel_loop3A_957 = vector.shape_cast %parallel_loop3A_956 : vector<1x16xf32> to vector<16xf32>
      %parallel_loop3A_958 = arith.constant 27.7128124 : f32
      %parallel_loop3A_959 = vector.broadcast %parallel_loop3A_958 : f32 to vector<16xf32>
      %parallel_loop3A_960 = arith.mulf %parallel_loop3A_957, %parallel_loop3A_959 : vector<16xf32>
      %parallel_loop3A_961 = arith.addf %parallel_loop3A_960, %parallel_loop3A_936 : vector<16xf32>
      %parallel_loop3A_962 = arith.index_cast %parallel_loop3A_953 : i32 to index
      %parallel_loop3A_963 = arith.index_cast %parallel_loop3A_930 : i32 to index
      %parallel_loop3A_964 = tpu.vector_load %arg9[%parallel_loop3A_962, %parallel_loop3A_963] {strides = array<i32>} : memref<32x768xf32, #tpu.memory_space<vmem>>, vector<1x16xf32>,
      %parallel_loop3A_965 = vector.shape_cast %parallel_loop3A_964 : vector<1x16xf32> to vector<16xf32>
      %parallel_loop3A_966 = vector.shape_cast %parallel_loop3A_961 : vector<16xf32> to vector<1x16xf32>
      tpu.vector_store %arg9[%parallel_loop3A_962, %parallel_loop3A_963], %parallel_loop3A_966 {strides = array<i32>} : memref<32x768xf32, #tpu.memory_space<vmem>>, vector<1x16xf32>,
      %parallel_loop3A_967 = arith.constant 16 : i32
      %parallel_loop3A_968 = arith.addi %parallel_loop3A_967, %parallel_loop3A_926 : i32
      %parallel_loop3A_969 = arith.index_cast %parallel_loop3A_968 : i32 to index
      %parallel_loop3A_970 = arith.index_cast %parallel_loop3A_930 : i32 to index
      %parallel_loop3A_971 = tpu.vector_load %arg9[%parallel_loop3A_969, %parallel_loop3A_970] {strides = array<i32>} : memref<32x768xf32, #tpu.memory_space<vmem>>, vector<1x16xf32>,
      %parallel_loop3A_972 = vector.shape_cast %parallel_loop3A_971 : vector<1x16xf32> to vector<16xf32>
      %parallel_loop3A_973 = arith.constant 27.7128124 : f32
      %parallel_loop3A_974 = vector.broadcast %parallel_loop3A_973 : f32 to vector<16xf32>
      %parallel_loop3A_975 = arith.mulf %parallel_loop3A_972, %parallel_loop3A_974 : vector<16xf32>
      %parallel_loop3A_976 = arith.addf %parallel_loop3A_975, %parallel_loop3A_936 : vector<16xf32>
      %parallel_loop3A_977 = arith.index_cast %parallel_loop3A_968 : i32 to index
      %parallel_loop3A_978 = arith.index_cast %parallel_loop3A_930 : i32 to index
      %parallel_loop3A_979 = tpu.vector_load %arg9[%parallel_loop3A_977, %parallel_loop3A_978] {strides = array<i32>} : memref<32x768xf32, #tpu.memory_space<vmem>>, vector<1x16xf32>,
      %parallel_loop3A_980 = vector.shape_cast %parallel_loop3A_979 : vector<1x16xf32> to vector<16xf32>
      %parallel_loop3A_981 = vector.shape_cast %parallel_loop3A_976 : vector<16xf32> to vector<1x16xf32>
      tpu.vector_store %arg9[%parallel_loop3A_977, %parallel_loop3A_978], %parallel_loop3A_981 {strides = array<i32>} : memref<32x768xf32, #tpu.memory_space<vmem>>, vector<1x16xf32>,
      %parallel_loop3A_982 = arith.constant 24 : i32
      %parallel_loop3A_983 = arith.addi %parallel_loop3A_982, %parallel_loop3A_926 : i32
      %parallel_loop3A_984 = arith.index_cast %parallel_loop3A_983 : i32 to index
      %parallel_loop3A_985 = arith.index_cast %parallel_loop3A_930 : i32 to index
      %parallel_loop3A_986 = tpu.vector_load %arg9[%parallel_loop3A_984, %parallel_loop3A_985] {strides = array<i32>} : memref<32x768xf32, #tpu.memory_space<vmem>>, vector<1x16xf32>,
      %parallel_loop3A_987 = vector.shape_cast %parallel_loop3A_986 : vector<1x16xf32> to vector<16xf32>
      %parallel_loop3A_988 = arith.constant 27.7128124 : f32
      %parallel_loop3A_989 = vector.broadcast %parallel_loop3A_988 : f32 to vector<16xf32>
      %parallel_loop3A_990 = arith.mulf %parallel_loop3A_987, %parallel_loop3A_989 : vector<16xf32>
      %parallel_loop3A_991 = arith.addf %parallel_loop3A_990, %parallel_loop3A_936 : vector<16xf32>
      %parallel_loop3A_992 = arith.index_cast %parallel_loop3A_983 : i32 to index
      %parallel_loop3A_993 = arith.index_cast %parallel_loop3A_930 : i32 to index
      %parallel_loop3A_994 = tpu.vector_load %arg9[%parallel_loop3A_992, %parallel_loop3A_993] {strides = array<i32>} : memref<32x768xf32, #tpu.memory_space<vmem>>, vector<1x16xf32>,
      %parallel_loop3A_995 = vector.shape_cast %parallel_loop3A_994 : vector<1x16xf32> to vector<16xf32>
      %parallel_loop3A_996 = vector.shape_cast %parallel_loop3A_991 : vector<16xf32> to vector<1x16xf32>
      tpu.vector_store %arg9[%parallel_loop3A_992, %parallel_loop3A_993], %parallel_loop3A_996 {strides = array<i32>} : memref<32x768xf32, #tpu.memory_space<vmem>>, vector<1x16xf32>,
    } {sc.loop_unroll_factor = 4 : i64, sc.parallel_access}
    %add3A_644 = arith.constant 0 : i32
    %add3A_645 = arith.addi %add3A_644, %mul3A_2 : i32
    %add3A_646 = arith.constant 48 : i32
    %add3A_647 = arith.addi %add3A_645, %add3A_646 : i32
    %dma_start3A_648 = arith.constant 0 : i32
    %dma_start3A_649 = arith.constant 0 : i32
    %dma_start3A_650 = tpu.memref_slice %arg9[%dma_start3A_648, %dma_start3A_649] : memref<32x768xf32, #tpu.memory_space<vmem>> -> memref<8x768xf32, #tpu.memory_space<vmem>>
    %dma_start3A_651 = arith.constant 0 : i32
    %dma_start3A_652 = tpu.memref_slice %arg5[%add3A_647, %dma_start3A_651] : memref<8192x768xf32, #tpu.memory_space<hbm>> -> memref<8x768xf32, #tpu.memory_space<hbm>>
    %dma_start3A_653 = arith.constant 0 : i32
    %dma_start3A_654 = tpu.memref_slice %arg5[%add3A_647, %dma_start3A_653] : memref<8192x768xf32, #tpu.memory_space<hbm>> -> memref<8x768xf32, #tpu.memory_space<hbm>>
    %dma_start3A_655 = arith.constant 0 : i32
    %dma_start3A_656 = arith.constant 0 : i32
    %dma_start3A_657 = tpu.memref_slice %arg9[%dma_start3A_655, %dma_start3A_656] : memref<32x768xf32, #tpu.memory_space<vmem>> -> memref<8x768xf32, #tpu.memory_space<vmem>>
    tpu.enqueue_dma source(%dma_start3A_657 : memref<8x768xf32, #tpu.memory_space<vmem>>) target(%dma_start3A_654 : memref<8x768xf32, #tpu.memory_space<hbm>>) target_semaphore(%arg22 : memref<!tpu.dma_semaphore, #tpu.memory_space<semaphore_mem>>)
    %add3A_658 = arith.constant 2048 : i32
    %add3A_659 = arith.addi %add3A_658, %mul3A_2 : i32
    %add3A_660 = arith.constant 48 : i32
    %add3A_661 = arith.addi %add3A_659, %add3A_660 : i32
    %dma_start3A_662 = arith.constant 8 : i32
    %dma_start3A_663 = arith.constant 0 : i32
    %dma_start3A_664 = tpu.memref_slice %arg9[%dma_start3A_662, %dma_start3A_663] : memref<32x768xf32, #tpu.memory_space<vmem>> -> memref<8x768xf32, #tpu.memory_space<vmem>>
    %dma_start3A_665 = arith.constant 0 : i32
    %dma_start3A_666 = tpu.memref_slice %arg5[%add3A_661, %dma_start3A_665] : memref<8192x768xf32, #tpu.memory_space<hbm>> -> memref<8x768xf32, #tpu.memory_space<hbm>>
    %dma_start3A_667 = arith.constant 0 : i32
    %dma_start3A_668 = tpu.memref_slice %arg5[%add3A_661, %dma_start3A_667] : memref<8192x768xf32, #tpu.memory_space<hbm>> -> memref<8x768xf32, #tpu.memory_space<hbm>>
    %dma_start3A_669 = arith.constant 8 : i32
    %dma_start3A_670 = arith.constant 0 : i32
    %dma_start3A_671 = tpu.memref_slice %arg9[%dma_start3A_669, %dma_start3A_670] : memref<32x768xf32, #tpu.memory_space<vmem>> -> memref<8x768xf32, #tpu.memory_space<vmem>>
    tpu.enqueue_dma source(%dma_start3A_671 : memref<8x768xf32, #tpu.memory_space<vmem>>) target(%dma_start3A_668 : memref<8x768xf32, #tpu.memory_space<hbm>>) target_semaphore(%arg22 : memref<!tpu.dma_semaphore, #tpu.memory_space<semaphore_mem>>)
    %add3A_672 = arith.constant 4096 : i32
    %add3A_673 = arith.addi %add3A_672, %mul3A_2 : i32
    %add3A_674 = arith.constant 48 : i32
    %add3A_675 = arith.addi %add3A_673, %add3A_674 : i32
    %dma_start3A_676 = arith.constant 16 : i32
    %dma_start3A_677 = arith.constant 0 : i32
    %dma_start3A_678 = tpu.memref_slice %arg9[%dma_start3A_676, %dma_start3A_677] : memref<32x768xf32, #tpu.memory_space<vmem>> -> memref<8x768xf32, #tpu.memory_space<vmem>>
    %dma_start3A_679 = arith.constant 0 : i32
    %dma_start3A_680 = tpu.memref_slice %arg5[%add3A_675, %dma_start3A_679] : memref<8192x768xf32, #tpu.memory_space<hbm>> -> memref<8x768xf32, #tpu.memory_space<hbm>>
    %dma_start3A_681 = arith.constant 0 : i32
    %dma_start3A_682 = tpu.memref_slice %arg5[%add3A_675, %dma_start3A_681] : memref<8192x768xf32, #tpu.memory_space<hbm>> -> memref<8x768xf32, #tpu.memory_space<hbm>>
    %dma_start3A_683 = arith.constant 16 : i32
    %dma_start3A_684 = arith.constant 0 : i32
    %dma_start3A_685 = tpu.memref_slice %arg9[%dma_start3A_683, %dma_start3A_684] : memref<32x768xf32, #tpu.memory_space<vmem>> -> memref<8x768xf32, #tpu.memory_space<vmem>>
    tpu.enqueue_dma source(%dma_start3A_685 : memref<8x768xf32, #tpu.memory_space<vmem>>) target(%dma_start3A_682 : memref<8x768xf32, #tpu.memory_space<hbm>>) target_semaphore(%arg22 : memref<!tpu.dma_semaphore, #tpu.memory_space<semaphore_mem>>)
    %add3A_686 = arith.constant 6144 : i32
    %add3A_687 = arith.addi %add3A_686, %mul3A_2 : i32
    %add3A_688 = arith.constant 48 : i32
    %add3A_689 = arith.addi %add3A_687, %add3A_688 : i32
    %dma_start3A_690 = arith.constant 24 : i32
    %dma_start3A_691 = arith.constant 0 : i32
    %dma_start3A_692 = tpu.memref_slice %arg9[%dma_start3A_690, %dma_start3A_691] : memref<32x768xf32, #tpu.memory_space<vmem>> -> memref<8x768xf32, #tpu.memory_space<vmem>>
    %dma_start3A_693 = arith.constant 0 : i32
    %dma_start3A_694 = tpu.memref_slice %arg5[%add3A_689, %dma_start3A_693] : memref<8192x768xf32, #tpu.memory_space<hbm>> -> memref<8x768xf32, #tpu.memory_space<hbm>>
    %dma_start3A_695 = arith.constant 0 : i32
    %dma_start3A_696 = tpu.memref_slice %arg5[%add3A_689, %dma_start3A_695] : memref<8192x768xf32, #tpu.memory_space<hbm>> -> memref<8x768xf32, #tpu.memory_space<hbm>>
    %dma_start3A_697 = arith.constant 24 : i32
    %dma_start3A_698 = arith.constant 0 : i32
    %dma_start3A_699 = tpu.memref_slice %arg9[%dma_start3A_697, %dma_start3A_698] : memref<32x768xf32, #tpu.memory_space<vmem>> -> memref<8x768xf32, #tpu.memory_space<vmem>>
    tpu.enqueue_dma source(%dma_start3A_699 : memref<8x768xf32, #tpu.memory_space<vmem>>) target(%dma_start3A_696 : memref<8x768xf32, #tpu.memory_space<hbm>>) target_semaphore(%arg22 : memref<!tpu.dma_semaphore, #tpu.memory_space<semaphore_mem>>)
    %dma_wait3A_700 = arith.constant 224 : i32
    %dma_wait3A_701 = tpu.memref_slice %arg6[%dma_wait3A_700] : memref<256xi32, #tpu.memory_space<vmem>> -> memref<32xi32, #tpu.memory_space<vmem>>
    %dma_wait3A_702 = arith.constant 0 : i32
    %dma_wait3A_703 = arith.constant 0 : i32
    %dma_wait3A_704 = tpu.memref_slice %arg3[%dma_wait3A_702, %dma_wait3A_703] : memref<100000x768xf32, #tpu.memory_space<hbm>> -> memref<100000x768xf32, #tpu.memory_space<hbm>>
    tpu.wait_indirect_dma semaphore(%arg19 : memref<!tpu.dma_semaphore, #tpu.memory_space<semaphore_mem>>) src(%dma_wait3A_704 : memref<100000x768xf32, #tpu.memory_space<hbm>>) dst(%arg10 : memref<32x768xf32, #tpu.memory_space<vmem>>)
    %parallel_loop3A_705 = arith.constant 0 : i32
    %parallel_loop3A_706 = arith.constant 384 : i32
    %parallel_loop3A_707 = arith.constant 1 : i32
    scf.for %parallel_loop3A_924 = %parallel_loop3A_705 to %parallel_loop3A_706 step %parallel_loop3A_707  : i32 {
      %parallel_loop3A_925 = arith.constant 8 : i32
      %parallel_loop3A_926 = arith.remsi %parallel_loop3A_924, %parallel_loop3A_925 : i32
      %parallel_loop3A_927 = arith.constant 8 : i32
      %parallel_loop3A_928 = arith.divsi %parallel_loop3A_924, %parallel_loop3A_927 : i32
      %parallel_loop3A_929 = arith.constant 16 : i32
      %parallel_loop3A_930 = arith.muli %parallel_loop3A_928, %parallel_loop3A_929 : i32
      %parallel_loop3A_931 = arith.constant 8 : i32
      %parallel_loop3A_932 = arith.addi %parallel_loop3A_931, %parallel_loop3A_926 : i32
      %parallel_loop3A_933 = arith.index_cast %parallel_loop3A_932 : i32 to index
      %parallel_loop3A_934 = arith.index_cast %parallel_loop3A_930 : i32 to index
      %parallel_loop3A_935 = tpu.vector_load %arg12[%parallel_loop3A_933, %parallel_loop3A_934] {strides = array<i32>} : memref<16x768xf32, #tpu.memory_space<vmem>>, vector<1x16xf32>,
      %parallel_loop3A_936 = vector.shape_cast %parallel_loop3A_935 : vector<1x16xf32> to vector<16xf32>
      %parallel_loop3A_937 = arith.constant 0 : i32
      %parallel_loop3A_938 = arith.addi %parallel_loop3A_937, %parallel_loop3A_926 : i32
      %parallel_loop3A_939 = arith.index_cast %parallel_loop3A_938 : i32 to index
      %parallel_loop3A_940 = arith.index_cast %parallel_loop3A_930 : i32 to index
      %parallel_loop3A_941 = tpu.vector_load %arg10[%parallel_loop3A_939, %parallel_loop3A_940] {strides = array<i32>} : memref<32x768xf32, #tpu.memory_space<vmem>>, vector<1x16xf32>,
      %parallel_loop3A_942 = vector.shape_cast %parallel_loop3A_941 : vector<1x16xf32> to vector<16xf32>
      %parallel_loop3A_943 = arith.constant 27.7128124 : f32
      %parallel_loop3A_944 = vector.broadcast %parallel_loop3A_943 : f32 to vector<16xf32>
      %parallel_loop3A_945 = arith.mulf %parallel_loop3A_942, %parallel_loop3A_944 : vector<16xf32>
      %parallel_loop3A_946 = arith.addf %parallel_loop3A_945, %parallel_loop3A_936 : vector<16xf32>
      %parallel_loop3A_947 = arith.index_cast %parallel_loop3A_938 : i32 to index
      %parallel_loop3A_948 = arith.index_cast %parallel_loop3A_930 : i32 to index
      %parallel_loop3A_949 = tpu.vector_load %arg10[%parallel_loop3A_947, %parallel_loop3A_948] {strides = array<i32>} : memref<32x768xf32, #tpu.memory_space<vmem>>, vector<1x16xf32>,
      %parallel_loop3A_950 = vector.shape_cast %parallel_loop3A_949 : vector<1x16xf32> to vector<16xf32>
      %parallel_loop3A_951 = vector.shape_cast %parallel_loop3A_946 : vector<16xf32> to vector<1x16xf32>
      tpu.vector_store %arg10[%parallel_loop3A_947, %parallel_loop3A_948], %parallel_loop3A_951 {strides = array<i32>} : memref<32x768xf32, #tpu.memory_space<vmem>>, vector<1x16xf32>,
      %parallel_loop3A_952 = arith.constant 8 : i32
      %parallel_loop3A_953 = arith.addi %parallel_loop3A_952, %parallel_loop3A_926 : i32
      %parallel_loop3A_954 = arith.index_cast %parallel_loop3A_953 : i32 to index
      %parallel_loop3A_955 = arith.index_cast %parallel_loop3A_930 : i32 to index
      %parallel_loop3A_956 = tpu.vector_load %arg10[%parallel_loop3A_954, %parallel_loop3A_955] {strides = array<i32>} : memref<32x768xf32, #tpu.memory_space<vmem>>, vector<1x16xf32>,
      %parallel_loop3A_957 = vector.shape_cast %parallel_loop3A_956 : vector<1x16xf32> to vector<16xf32>
      %parallel_loop3A_958 = arith.constant 27.7128124 : f32
      %parallel_loop3A_959 = vector.broadcast %parallel_loop3A_958 : f32 to vector<16xf32>
      %parallel_loop3A_960 = arith.mulf %parallel_loop3A_957, %parallel_loop3A_959 : vector<16xf32>
      %parallel_loop3A_961 = arith.addf %parallel_loop3A_960, %parallel_loop3A_936 : vector<16xf32>
      %parallel_loop3A_962 = arith.index_cast %parallel_loop3A_953 : i32 to index
      %parallel_loop3A_963 = arith.index_cast %parallel_loop3A_930 : i32 to index
      %parallel_loop3A_964 = tpu.vector_load %arg10[%parallel_loop3A_962, %parallel_loop3A_963] {strides = array<i32>} : memref<32x768xf32, #tpu.memory_space<vmem>>, vector<1x16xf32>,
      %parallel_loop3A_965 = vector.shape_cast %parallel_loop3A_964 : vector<1x16xf32> to vector<16xf32>
      %parallel_loop3A_966 = vector.shape_cast %parallel_loop3A_961 : vector<16xf32> to vector<1x16xf32>
      tpu.vector_store %arg10[%parallel_loop3A_962, %parallel_loop3A_963], %parallel_loop3A_966 {strides = array<i32>} : memref<32x768xf32, #tpu.memory_space<vmem>>, vector<1x16xf32>,
      %parallel_loop3A_967 = arith.constant 16 : i32
      %parallel_loop3A_968 = arith.addi %parallel_loop3A_967, %parallel_loop3A_926 : i32
      %parallel_loop3A_969 = arith.index_cast %parallel_loop3A_968 : i32 to index
      %parallel_loop3A_970 = arith.index_cast %parallel_loop3A_930 : i32 to index
      %parallel_loop3A_971 = tpu.vector_load %arg10[%parallel_loop3A_969, %parallel_loop3A_970] {strides = array<i32>} : memref<32x768xf32, #tpu.memory_space<vmem>>, vector<1x16xf32>,
      %parallel_loop3A_972 = vector.shape_cast %parallel_loop3A_971 : vector<1x16xf32> to vector<16xf32>
      %parallel_loop3A_973 = arith.constant 27.7128124 : f32
      %parallel_loop3A_974 = vector.broadcast %parallel_loop3A_973 : f32 to vector<16xf32>
      %parallel_loop3A_975 = arith.mulf %parallel_loop3A_972, %parallel_loop3A_974 : vector<16xf32>
      %parallel_loop3A_976 = arith.addf %parallel_loop3A_975, %parallel_loop3A_936 : vector<16xf32>
      %parallel_loop3A_977 = arith.index_cast %parallel_loop3A_968 : i32 to index
      %parallel_loop3A_978 = arith.index_cast %parallel_loop3A_930 : i32 to index
      %parallel_loop3A_979 = tpu.vector_load %arg10[%parallel_loop3A_977, %parallel_loop3A_978] {strides = array<i32>} : memref<32x768xf32, #tpu.memory_space<vmem>>, vector<1x16xf32>,
      %parallel_loop3A_980 = vector.shape_cast %parallel_loop3A_979 : vector<1x16xf32> to vector<16xf32>
      %parallel_loop3A_981 = vector.shape_cast %parallel_loop3A_976 : vector<16xf32> to vector<1x16xf32>
      tpu.vector_store %arg10[%parallel_loop3A_977, %parallel_loop3A_978], %parallel_loop3A_981 {strides = array<i32>} : memref<32x768xf32, #tpu.memory_space<vmem>>, vector<1x16xf32>,
      %parallel_loop3A_982 = arith.constant 24 : i32
      %parallel_loop3A_983 = arith.addi %parallel_loop3A_982, %parallel_loop3A_926 : i32
      %parallel_loop3A_984 = arith.index_cast %parallel_loop3A_983 : i32 to index
      %parallel_loop3A_985 = arith.index_cast %parallel_loop3A_930 : i32 to index
      %parallel_loop3A_986 = tpu.vector_load %arg10[%parallel_loop3A_984, %parallel_loop3A_985] {strides = array<i32>} : memref<32x768xf32, #tpu.memory_space<vmem>>, vector<1x16xf32>,
      %parallel_loop3A_987 = vector.shape_cast %parallel_loop3A_986 : vector<1x16xf32> to vector<16xf32>
      %parallel_loop3A_988 = arith.constant 27.7128124 : f32
      %parallel_loop3A_989 = vector.broadcast %parallel_loop3A_988 : f32 to vector<16xf32>
      %parallel_loop3A_990 = arith.mulf %parallel_loop3A_987, %parallel_loop3A_989 : vector<16xf32>
      %parallel_loop3A_991 = arith.addf %parallel_loop3A_990, %parallel_loop3A_936 : vector<16xf32>
      %parallel_loop3A_992 = arith.index_cast %parallel_loop3A_983 : i32 to index
      %parallel_loop3A_993 = arith.index_cast %parallel_loop3A_930 : i32 to index
      %parallel_loop3A_994 = tpu.vector_load %arg10[%parallel_loop3A_992, %parallel_loop3A_993] {strides = array<i32>} : memref<32x768xf32, #tpu.memory_space<vmem>>, vector<1x16xf32>,
      %parallel_loop3A_995 = vector.shape_cast %parallel_loop3A_994 : vector<1x16xf32> to vector<16xf32>
      %parallel_loop3A_996 = vector.shape_cast %parallel_loop3A_991 : vector<16xf32> to vector<1x16xf32>
      tpu.vector_store %arg10[%parallel_loop3A_992, %parallel_loop3A_993], %parallel_loop3A_996 {strides = array<i32>} : memref<32x768xf32, #tpu.memory_space<vmem>>, vector<1x16xf32>,
    } {sc.loop_unroll_factor = 4 : i64, sc.parallel_access}
    %add3A_708 = arith.constant 0 : i32
    %add3A_709 = arith.addi %add3A_708, %mul3A_2 : i32
    %add3A_710 = arith.constant 56 : i32
    %add3A_711 = arith.addi %add3A_709, %add3A_710 : i32
    %dma_start3A_712 = arith.constant 0 : i32
    %dma_start3A_713 = arith.constant 0 : i32
    %dma_start3A_714 = tpu.memref_slice %arg10[%dma_start3A_712, %dma_start3A_713] : memref<32x768xf32, #tpu.memory_space<vmem>> -> memref<8x768xf32, #tpu.memory_space<vmem>>
    %dma_start3A_715 = arith.constant 0 : i32
    %dma_start3A_716 = tpu.memref_slice %arg5[%add3A_711, %dma_start3A_715] : memref<8192x768xf32, #tpu.memory_space<hbm>> -> memref<8x768xf32, #tpu.memory_space<hbm>>
    %dma_start3A_717 = arith.constant 0 : i32
    %dma_start3A_718 = tpu.memref_slice %arg5[%add3A_711, %dma_start3A_717] : memref<8192x768xf32, #tpu.memory_space<hbm>> -> memref<8x768xf32, #tpu.memory_space<hbm>>
    %dma_start3A_719 = arith.constant 0 : i32
    %dma_start3A_720 = arith.constant 0 : i32
    %dma_start3A_721 = tpu.memref_slice %arg10[%dma_start3A_719, %dma_start3A_720] : memref<32x768xf32, #tpu.memory_space<vmem>> -> memref<8x768xf32, #tpu.memory_space<vmem>>
    tpu.enqueue_dma source(%dma_start3A_721 : memref<8x768xf32, #tpu.memory_space<vmem>>) target(%dma_start3A_718 : memref<8x768xf32, #tpu.memory_space<hbm>>) target_semaphore(%arg23 : memref<!tpu.dma_semaphore, #tpu.memory_space<semaphore_mem>>)
    %add3A_722 = arith.constant 2048 : i32
    %add3A_723 = arith.addi %add3A_722, %mul3A_2 : i32
    %add3A_724 = arith.constant 56 : i32
    %add3A_725 = arith.addi %add3A_723, %add3A_724 : i32
    %dma_start3A_726 = arith.constant 8 : i32
    %dma_start3A_727 = arith.constant 0 : i32
    %dma_start3A_728 = tpu.memref_slice %arg10[%dma_start3A_726, %dma_start3A_727] : memref<32x768xf32, #tpu.memory_space<vmem>> -> memref<8x768xf32, #tpu.memory_space<vmem>>
    %dma_start3A_729 = arith.constant 0 : i32
    %dma_start3A_730 = tpu.memref_slice %arg5[%add3A_725, %dma_start3A_729] : memref<8192x768xf32, #tpu.memory_space<hbm>> -> memref<8x768xf32, #tpu.memory_space<hbm>>
    %dma_start3A_731 = arith.constant 0 : i32
    %dma_start3A_732 = tpu.memref_slice %arg5[%add3A_725, %dma_start3A_731] : memref<8192x768xf32, #tpu.memory_space<hbm>> -> memref<8x768xf32, #tpu.memory_space<hbm>>
    %dma_start3A_733 = arith.constant 8 : i32
    %dma_start3A_734 = arith.constant 0 : i32
    %dma_start3A_735 = tpu.memref_slice %arg10[%dma_start3A_733, %dma_start3A_734] : memref<32x768xf32, #tpu.memory_space<vmem>> -> memref<8x768xf32, #tpu.memory_space<vmem>>
    tpu.enqueue_dma source(%dma_start3A_735 : memref<8x768xf32, #tpu.memory_space<vmem>>) target(%dma_start3A_732 : memref<8x768xf32, #tpu.memory_space<hbm>>) target_semaphore(%arg23 : memref<!tpu.dma_semaphore, #tpu.memory_space<semaphore_mem>>)
    %add3A_736 = arith.constant 4096 : i32
    %add3A_737 = arith.addi %add3A_736, %mul3A_2 : i32
    %add3A_738 = arith.constant 56 : i32
    %add3A_739 = arith.addi %add3A_737, %add3A_738 : i32
    %dma_start3A_740 = arith.constant 16 : i32
    %dma_start3A_741 = arith.constant 0 : i32
    %dma_start3A_742 = tpu.memref_slice %arg10[%dma_start3A_740, %dma_start3A_741] : memref<32x768xf32, #tpu.memory_space<vmem>> -> memref<8x768xf32, #tpu.memory_space<vmem>>
    %dma_start3A_743 = arith.constant 0 : i32
    %dma_start3A_744 = tpu.memref_slice %arg5[%add3A_739, %dma_start3A_743] : memref<8192x768xf32, #tpu.memory_space<hbm>> -> memref<8x768xf32, #tpu.memory_space<hbm>>
    %dma_start3A_745 = arith.constant 0 : i32
    %dma_start3A_746 = tpu.memref_slice %arg5[%add3A_739, %dma_start3A_745] : memref<8192x768xf32, #tpu.memory_space<hbm>> -> memref<8x768xf32, #tpu.memory_space<hbm>>
    %dma_start3A_747 = arith.constant 16 : i32
    %dma_start3A_748 = arith.constant 0 : i32
    %dma_start3A_749 = tpu.memref_slice %arg10[%dma_start3A_747, %dma_start3A_748] : memref<32x768xf32, #tpu.memory_space<vmem>> -> memref<8x768xf32, #tpu.memory_space<vmem>>
    tpu.enqueue_dma source(%dma_start3A_749 : memref<8x768xf32, #tpu.memory_space<vmem>>) target(%dma_start3A_746 : memref<8x768xf32, #tpu.memory_space<hbm>>) target_semaphore(%arg23 : memref<!tpu.dma_semaphore, #tpu.memory_space<semaphore_mem>>)
    %add3A_750 = arith.constant 6144 : i32
    %add3A_751 = arith.addi %add3A_750, %mul3A_2 : i32
    %add3A_752 = arith.constant 56 : i32
    %add3A_753 = arith.addi %add3A_751, %add3A_752 : i32
    %dma_start3A_754 = arith.constant 24 : i32
    %dma_start3A_755 = arith.constant 0 : i32
    %dma_start3A_756 = tpu.memref_slice %arg10[%dma_start3A_754, %dma_start3A_755] : memref<32x768xf32, #tpu.memory_space<vmem>> -> memref<8x768xf32, #tpu.memory_space<vmem>>
    %dma_start3A_757 = arith.constant 0 : i32
    %dma_start3A_758 = tpu.memref_slice %arg5[%add3A_753, %dma_start3A_757] : memref<8192x768xf32, #tpu.memory_space<hbm>> -> memref<8x768xf32, #tpu.memory_space<hbm>>
    %dma_start3A_759 = arith.constant 0 : i32
    %dma_start3A_760 = tpu.memref_slice %arg5[%add3A_753, %dma_start3A_759] : memref<8192x768xf32, #tpu.memory_space<hbm>> -> memref<8x768xf32, #tpu.memory_space<hbm>>
    %dma_start3A_761 = arith.constant 24 : i32
    %dma_start3A_762 = arith.constant 0 : i32
    %dma_start3A_763 = tpu.memref_slice %arg10[%dma_start3A_761, %dma_start3A_762] : memref<32x768xf32, #tpu.memory_space<vmem>> -> memref<8x768xf32, #tpu.memory_space<vmem>>
    tpu.enqueue_dma source(%dma_start3A_763 : memref<8x768xf32, #tpu.memory_space<vmem>>) target(%dma_start3A_760 : memref<8x768xf32, #tpu.memory_space<hbm>>) target_semaphore(%arg23 : memref<!tpu.dma_semaphore, #tpu.memory_space<semaphore_mem>>)
    %dma_wait3A_764 = arith.constant 0 : i32
    %dma_wait3A_765 = arith.constant 0 : i32
    %dma_wait3A_766 = tpu.memref_slice %arg7[%dma_wait3A_764, %dma_wait3A_765] : memref<32x768xf32, #tpu.memory_space<vmem>> -> memref<8x768xf32, #tpu.memory_space<vmem>>
    %dma_wait3A_767 = arith.constant 0 : i32
    %dma_wait3A_768 = tpu.memref_slice %arg5[%add3A_425, %dma_wait3A_767] : memref<8192x768xf32, #tpu.memory_space<hbm>> -> memref<8x768xf32, #tpu.memory_space<hbm>>
    %dma_wait3A_769 = arith.constant 0 : i32
    %dma_wait3A_770 = tpu.memref_slice %arg5[%add3A_425, %dma_wait3A_769] : memref<8192x768xf32, #tpu.memory_space<hbm>> -> memref<8x768xf32, #tpu.memory_space<hbm>>
    %dma_wait3A_771 = arith.constant 0 : i32
    %dma_wait3A_772 = arith.constant 0 : i32
    %dma_wait3A_773 = tpu.memref_slice %arg7[%dma_wait3A_771, %dma_wait3A_772] : memref<32x768xf32, #tpu.memory_space<vmem>> -> memref<8x768xf32, #tpu.memory_space<vmem>>
    tpu.wait_dma2 semaphore(%arg20 : memref<!tpu.dma_semaphore, #tpu.memory_space<semaphore_mem>>) src(%dma_wait3A_773 : memref<8x768xf32, #tpu.memory_space<vmem>>) dst(%dma_wait3A_770 : memref<8x768xf32, #tpu.memory_space<hbm>>)
    %dma_wait3A_774 = arith.constant 8 : i32
    %dma_wait3A_775 = arith.constant 0 : i32
    %dma_wait3A_776 = tpu.memref_slice %arg7[%dma_wait3A_774, %dma_wait3A_775] : memref<32x768xf32, #tpu.memory_space<vmem>> -> memref<8x768xf32, #tpu.memory_space<vmem>>
    %dma_wait3A_777 = arith.constant 0 : i32
    %dma_wait3A_778 = tpu.memref_slice %arg5[%add3A_439, %dma_wait3A_777] : memref<8192x768xf32, #tpu.memory_space<hbm>> -> memref<8x768xf32, #tpu.memory_space<hbm>>
    %dma_wait3A_779 = arith.constant 0 : i32
    %dma_wait3A_780 = tpu.memref_slice %arg5[%add3A_439, %dma_wait3A_779] : memref<8192x768xf32, #tpu.memory_space<hbm>> -> memref<8x768xf32, #tpu.memory_space<hbm>>
    %dma_wait3A_781 = arith.constant 8 : i32
    %dma_wait3A_782 = arith.constant 0 : i32
    %dma_wait3A_783 = tpu.memref_slice %arg7[%dma_wait3A_781, %dma_wait3A_782] : memref<32x768xf32, #tpu.memory_space<vmem>> -> memref<8x768xf32, #tpu.memory_space<vmem>>
    tpu.wait_dma2 semaphore(%arg20 : memref<!tpu.dma_semaphore, #tpu.memory_space<semaphore_mem>>) src(%dma_wait3A_783 : memref<8x768xf32, #tpu.memory_space<vmem>>) dst(%dma_wait3A_780 : memref<8x768xf32, #tpu.memory_space<hbm>>)
    %dma_wait3A_784 = arith.constant 16 : i32
    %dma_wait3A_785 = arith.constant 0 : i32
    %dma_wait3A_786 = tpu.memref_slice %arg7[%dma_wait3A_784, %dma_wait3A_785] : memref<32x768xf32, #tpu.memory_space<vmem>> -> memref<8x768xf32, #tpu.memory_space<vmem>>
    %dma_wait3A_787 = arith.constant 0 : i32
    %dma_wait3A_788 = tpu.memref_slice %arg5[%add3A_453, %dma_wait3A_787] : memref<8192x768xf32, #tpu.memory_space<hbm>> -> memref<8x768xf32, #tpu.memory_space<hbm>>
    %dma_wait3A_789 = arith.constant 0 : i32
    %dma_wait3A_790 = tpu.memref_slice %arg5[%add3A_453, %dma_wait3A_789] : memref<8192x768xf32, #tpu.memory_space<hbm>> -> memref<8x768xf32, #tpu.memory_space<hbm>>
    %dma_wait3A_791 = arith.constant 16 : i32
    %dma_wait3A_792 = arith.constant 0 : i32
    %dma_wait3A_793 = tpu.memref_slice %arg7[%dma_wait3A_791, %dma_wait3A_792] : memref<32x768xf32, #tpu.memory_space<vmem>> -> memref<8x768xf32, #tpu.memory_space<vmem>>
    tpu.wait_dma2 semaphore(%arg20 : memref<!tpu.dma_semaphore, #tpu.memory_space<semaphore_mem>>) src(%dma_wait3A_793 : memref<8x768xf32, #tpu.memory_space<vmem>>) dst(%dma_wait3A_790 : memref<8x768xf32, #tpu.memory_space<hbm>>)
    %dma_wait3A_794 = arith.constant 24 : i32
    %dma_wait3A_795 = arith.constant 0 : i32
    %dma_wait3A_796 = tpu.memref_slice %arg7[%dma_wait3A_794, %dma_wait3A_795] : memref<32x768xf32, #tpu.memory_space<vmem>> -> memref<8x768xf32, #tpu.memory_space<vmem>>
    %dma_wait3A_797 = arith.constant 0 : i32
    %dma_wait3A_798 = tpu.memref_slice %arg5[%add3A_467, %dma_wait3A_797] : memref<8192x768xf32, #tpu.memory_space<hbm>> -> memref<8x768xf32, #tpu.memory_space<hbm>>
    %dma_wait3A_799 = arith.constant 0 : i32
    %dma_wait3A_800 = tpu.memref_slice %arg5[%add3A_467, %dma_wait3A_799] : memref<8192x768xf32, #tpu.memory_space<hbm>> -> memref<8x768xf32, #tpu.memory_space<hbm>>
    %dma_wait3A_801 = arith.constant 24 : i32
    %dma_wait3A_802 = arith.constant 0 : i32
    %dma_wait3A_803 = tpu.memref_slice %arg7[%dma_wait3A_801, %dma_wait3A_802] : memref<32x768xf32, #tpu.memory_space<vmem>> -> memref<8x768xf32, #tpu.memory_space<vmem>>
    tpu.wait_dma2 semaphore(%arg20 : memref<!tpu.dma_semaphore, #tpu.memory_space<semaphore_mem>>) src(%dma_wait3A_803 : memref<8x768xf32, #tpu.memory_space<vmem>>) dst(%dma_wait3A_800 : memref<8x768xf32, #tpu.memory_space<hbm>>)
    %dma_wait3A_804 = arith.constant 0 : i32
    %dma_wait3A_805 = arith.constant 0 : i32
    %dma_wait3A_806 = tpu.memref_slice %arg8[%dma_wait3A_804, %dma_wait3A_805] : memref<32x768xf32, #tpu.memory_space<vmem>> -> memref<8x768xf32, #tpu.memory_space<vmem>>
    %dma_wait3A_807 = arith.constant 0 : i32
    %dma_wait3A_808 = tpu.memref_slice %arg5[%add3A_534, %dma_wait3A_807] : memref<8192x768xf32, #tpu.memory_space<hbm>> -> memref<8x768xf32, #tpu.memory_space<hbm>>
    %dma_wait3A_809 = arith.constant 0 : i32
    %dma_wait3A_810 = tpu.memref_slice %arg5[%add3A_534, %dma_wait3A_809] : memref<8192x768xf32, #tpu.memory_space<hbm>> -> memref<8x768xf32, #tpu.memory_space<hbm>>
    %dma_wait3A_811 = arith.constant 0 : i32
    %dma_wait3A_812 = arith.constant 0 : i32
    %dma_wait3A_813 = tpu.memref_slice %arg8[%dma_wait3A_811, %dma_wait3A_812] : memref<32x768xf32, #tpu.memory_space<vmem>> -> memref<8x768xf32, #tpu.memory_space<vmem>>
    tpu.wait_dma2 semaphore(%arg21 : memref<!tpu.dma_semaphore, #tpu.memory_space<semaphore_mem>>) src(%dma_wait3A_813 : memref<8x768xf32, #tpu.memory_space<vmem>>) dst(%dma_wait3A_810 : memref<8x768xf32, #tpu.memory_space<hbm>>)
    %dma_wait3A_814 = arith.constant 8 : i32
    %dma_wait3A_815 = arith.constant 0 : i32
    %dma_wait3A_816 = tpu.memref_slice %arg8[%dma_wait3A_814, %dma_wait3A_815] : memref<32x768xf32, #tpu.memory_space<vmem>> -> memref<8x768xf32, #tpu.memory_space<vmem>>
    %dma_wait3A_817 = arith.constant 0 : i32
    %dma_wait3A_818 = tpu.memref_slice %arg5[%add3A_548, %dma_wait3A_817] : memref<8192x768xf32, #tpu.memory_space<hbm>> -> memref<8x768xf32, #tpu.memory_space<hbm>>
    %dma_wait3A_819 = arith.constant 0 : i32
    %dma_wait3A_820 = tpu.memref_slice %arg5[%add3A_548, %dma_wait3A_819] : memref<8192x768xf32, #tpu.memory_space<hbm>> -> memref<8x768xf32, #tpu.memory_space<hbm>>
    %dma_wait3A_821 = arith.constant 8 : i32
    %dma_wait3A_822 = arith.constant 0 : i32
    %dma_wait3A_823 = tpu.memref_slice %arg8[%dma_wait3A_821, %dma_wait3A_822] : memref<32x768xf32, #tpu.memory_space<vmem>> -> memref<8x768xf32, #tpu.memory_space<vmem>>
    tpu.wait_dma2 semaphore(%arg21 : memref<!tpu.dma_semaphore, #tpu.memory_space<semaphore_mem>>) src(%dma_wait3A_823 : memref<8x768xf32, #tpu.memory_space<vmem>>) dst(%dma_wait3A_820 : memref<8x768xf32, #tpu.memory_space<hbm>>)
    %dma_wait3A_824 = arith.constant 16 : i32
    %dma_wait3A_825 = arith.constant 0 : i32
    %dma_wait3A_826 = tpu.memref_slice %arg8[%dma_wait3A_824, %dma_wait3A_825] : memref<32x768xf32, #tpu.memory_space<vmem>> -> memref<8x768xf32, #tpu.memory_space<vmem>>
    %dma_wait3A_827 = arith.constant 0 : i32
    %dma_wait3A_828 = tpu.memref_slice %arg5[%add3A_562, %dma_wait3A_827] : memref<8192x768xf32, #tpu.memory_space<hbm>> -> memref<8x768xf32, #tpu.memory_space<hbm>>
    %dma_wait3A_829 = arith.constant 0 : i32
    %dma_wait3A_830 = tpu.memref_slice %arg5[%add3A_562, %dma_wait3A_829] : memref<8192x768xf32, #tpu.memory_space<hbm>> -> memref<8x768xf32, #tpu.memory_space<hbm>>
    %dma_wait3A_831 = arith.constant 16 : i32
    %dma_wait3A_832 = arith.constant 0 : i32
    %dma_wait3A_833 = tpu.memref_slice %arg8[%dma_wait3A_831, %dma_wait3A_832] : memref<32x768xf32, #tpu.memory_space<vmem>> -> memref<8x768xf32, #tpu.memory_space<vmem>>
    tpu.wait_dma2 semaphore(%arg21 : memref<!tpu.dma_semaphore, #tpu.memory_space<semaphore_mem>>) src(%dma_wait3A_833 : memref<8x768xf32, #tpu.memory_space<vmem>>) dst(%dma_wait3A_830 : memref<8x768xf32, #tpu.memory_space<hbm>>)
    %dma_wait3A_834 = arith.constant 24 : i32
    %dma_wait3A_835 = arith.constant 0 : i32
    %dma_wait3A_836 = tpu.memref_slice %arg8[%dma_wait3A_834, %dma_wait3A_835] : memref<32x768xf32, #tpu.memory_space<vmem>> -> memref<8x768xf32, #tpu.memory_space<vmem>>
    %dma_wait3A_837 = arith.constant 0 : i32
    %dma_wait3A_838 = tpu.memref_slice %arg5[%add3A_576, %dma_wait3A_837] : memref<8192x768xf32, #tpu.memory_space<hbm>> -> memref<8x768xf32, #tpu.memory_space<hbm>>
    %dma_wait3A_839 = arith.constant 0 : i32
    %dma_wait3A_840 = tpu.memref_slice %arg5[%add3A_576, %dma_wait3A_839] : memref<8192x768xf32, #tpu.memory_space<hbm>> -> memref<8x768xf32, #tpu.memory_space<hbm>>
    %dma_wait3A_841 = arith.constant 24 : i32
    %dma_wait3A_842 = arith.constant 0 : i32
    %dma_wait3A_843 = tpu.memref_slice %arg8[%dma_wait3A_841, %dma_wait3A_842] : memref<32x768xf32, #tpu.memory_space<vmem>> -> memref<8x768xf32, #tpu.memory_space<vmem>>
    tpu.wait_dma2 semaphore(%arg21 : memref<!tpu.dma_semaphore, #tpu.memory_space<semaphore_mem>>) src(%dma_wait3A_843 : memref<8x768xf32, #tpu.memory_space<vmem>>) dst(%dma_wait3A_840 : memref<8x768xf32, #tpu.memory_space<hbm>>)
    %dma_wait3A_844 = arith.constant 0 : i32
    %dma_wait3A_845 = arith.constant 0 : i32
    %dma_wait3A_846 = tpu.memref_slice %arg9[%dma_wait3A_844, %dma_wait3A_845] : memref<32x768xf32, #tpu.memory_space<vmem>> -> memref<8x768xf32, #tpu.memory_space<vmem>>
    %dma_wait3A_847 = arith.constant 0 : i32
    %dma_wait3A_848 = tpu.memref_slice %arg5[%add3A_647, %dma_wait3A_847] : memref<8192x768xf32, #tpu.memory_space<hbm>> -> memref<8x768xf32, #tpu.memory_space<hbm>>
    %dma_wait3A_849 = arith.constant 0 : i32
    %dma_wait3A_850 = tpu.memref_slice %arg5[%add3A_647, %dma_wait3A_849] : memref<8192x768xf32, #tpu.memory_space<hbm>> -> memref<8x768xf32, #tpu.memory_space<hbm>>
    %dma_wait3A_851 = arith.constant 0 : i32
    %dma_wait3A_852 = arith.constant 0 : i32
    %dma_wait3A_853 = tpu.memref_slice %arg9[%dma_wait3A_851, %dma_wait3A_852] : memref<32x768xf32, #tpu.memory_space<vmem>> -> memref<8x768xf32, #tpu.memory_space<vmem>>
    tpu.wait_dma2 semaphore(%arg22 : memref<!tpu.dma_semaphore, #tpu.memory_space<semaphore_mem>>) src(%dma_wait3A_853 : memref<8x768xf32, #tpu.memory_space<vmem>>) dst(%dma_wait3A_850 : memref<8x768xf32, #tpu.memory_space<hbm>>)
    %dma_wait3A_854 = arith.constant 8 : i32
    %dma_wait3A_855 = arith.constant 0 : i32
    %dma_wait3A_856 = tpu.memref_slice %arg9[%dma_wait3A_854, %dma_wait3A_855] : memref<32x768xf32, #tpu.memory_space<vmem>> -> memref<8x768xf32, #tpu.memory_space<vmem>>
    %dma_wait3A_857 = arith.constant 0 : i32
    %dma_wait3A_858 = tpu.memref_slice %arg5[%add3A_661, %dma_wait3A_857] : memref<8192x768xf32, #tpu.memory_space<hbm>> -> memref<8x768xf32, #tpu.memory_space<hbm>>
    %dma_wait3A_859 = arith.constant 0 : i32
    %dma_wait3A_860 = tpu.memref_slice %arg5[%add3A_661, %dma_wait3A_859] : memref<8192x768xf32, #tpu.memory_space<hbm>> -> memref<8x768xf32, #tpu.memory_space<hbm>>
    %dma_wait3A_861 = arith.constant 8 : i32
    %dma_wait3A_862 = arith.constant 0 : i32
    %dma_wait3A_863 = tpu.memref_slice %arg9[%dma_wait3A_861, %dma_wait3A_862] : memref<32x768xf32, #tpu.memory_space<vmem>> -> memref<8x768xf32, #tpu.memory_space<vmem>>
    tpu.wait_dma2 semaphore(%arg22 : memref<!tpu.dma_semaphore, #tpu.memory_space<semaphore_mem>>) src(%dma_wait3A_863 : memref<8x768xf32, #tpu.memory_space<vmem>>) dst(%dma_wait3A_860 : memref<8x768xf32, #tpu.memory_space<hbm>>)
    %dma_wait3A_864 = arith.constant 16 : i32
    %dma_wait3A_865 = arith.constant 0 : i32
    %dma_wait3A_866 = tpu.memref_slice %arg9[%dma_wait3A_864, %dma_wait3A_865] : memref<32x768xf32, #tpu.memory_space<vmem>> -> memref<8x768xf32, #tpu.memory_space<vmem>>
    %dma_wait3A_867 = arith.constant 0 : i32
    %dma_wait3A_868 = tpu.memref_slice %arg5[%add3A_675, %dma_wait3A_867] : memref<8192x768xf32, #tpu.memory_space<hbm>> -> memref<8x768xf32, #tpu.memory_space<hbm>>
    %dma_wait3A_869 = arith.constant 0 : i32
    %dma_wait3A_870 = tpu.memref_slice %arg5[%add3A_675, %dma_wait3A_869] : memref<8192x768xf32, #tpu.memory_space<hbm>> -> memref<8x768xf32, #tpu.memory_space<hbm>>
    %dma_wait3A_871 = arith.constant 16 : i32
    %dma_wait3A_872 = arith.constant 0 : i32
    %dma_wait3A_873 = tpu.memref_slice %arg9[%dma_wait3A_871, %dma_wait3A_872] : memref<32x768xf32, #tpu.memory_space<vmem>> -> memref<8x768xf32, #tpu.memory_space<vmem>>
    tpu.wait_dma2 semaphore(%arg22 : memref<!tpu.dma_semaphore, #tpu.memory_space<semaphore_mem>>) src(%dma_wait3A_873 : memref<8x768xf32, #tpu.memory_space<vmem>>) dst(%dma_wait3A_870 : memref<8x768xf32, #tpu.memory_space<hbm>>)
    %dma_wait3A_874 = arith.constant 24 : i32
    %dma_wait3A_875 = arith.constant 0 : i32
    %dma_wait3A_876 = tpu.memref_slice %arg9[%dma_wait3A_874, %dma_wait3A_875] : memref<32x768xf32, #tpu.memory_space<vmem>> -> memref<8x768xf32, #tpu.memory_space<vmem>>
    %dma_wait3A_877 = arith.constant 0 : i32
    %dma_wait3A_878 = tpu.memref_slice %arg5[%add3A_689, %dma_wait3A_877] : memref<8192x768xf32, #tpu.memory_space<hbm>> -> memref<8x768xf32, #tpu.memory_space<hbm>>
    %dma_wait3A_879 = arith.constant 0 : i32
    %dma_wait3A_880 = tpu.memref_slice %arg5[%add3A_689, %dma_wait3A_879] : memref<8192x768xf32, #tpu.memory_space<hbm>> -> memref<8x768xf32, #tpu.memory_space<hbm>>
    %dma_wait3A_881 = arith.constant 24 : i32
    %dma_wait3A_882 = arith.constant 0 : i32
    %dma_wait3A_883 = tpu.memref_slice %arg9[%dma_wait3A_881, %dma_wait3A_882] : memref<32x768xf32, #tpu.memory_space<vmem>> -> memref<8x768xf32, #tpu.memory_space<vmem>>
    tpu.wait_dma2 semaphore(%arg22 : memref<!tpu.dma_semaphore, #tpu.memory_space<semaphore_mem>>) src(%dma_wait3A_883 : memref<8x768xf32, #tpu.memory_space<vmem>>) dst(%dma_wait3A_880 : memref<8x768xf32, #tpu.memory_space<hbm>>)
    %dma_wait3A_884 = arith.constant 0 : i32
    %dma_wait3A_885 = arith.constant 0 : i32
    %dma_wait3A_886 = tpu.memref_slice %arg10[%dma_wait3A_884, %dma_wait3A_885] : memref<32x768xf32, #tpu.memory_space<vmem>> -> memref<8x768xf32, #tpu.memory_space<vmem>>
    %dma_wait3A_887 = arith.constant 0 : i32
    %dma_wait3A_888 = tpu.memref_slice %arg5[%add3A_711, %dma_wait3A_887] : memref<8192x768xf32, #tpu.memory_space<hbm>> -> memref<8x768xf32, #tpu.memory_space<hbm>>
    %dma_wait3A_889 = arith.constant 0 : i32
    %dma_wait3A_890 = tpu.memref_slice %arg5[%add3A_711, %dma_wait3A_889] : memref<8192x768xf32, #tpu.memory_space<hbm>> -> memref<8x768xf32, #tpu.memory_space<hbm>>
    %dma_wait3A_891 = arith.constant 0 : i32
    %dma_wait3A_892 = arith.constant 0 : i32
    %dma_wait3A_893 = tpu.memref_slice %arg10[%dma_wait3A_891, %dma_wait3A_892] : memref<32x768xf32, #tpu.memory_space<vmem>> -> memref<8x768xf32, #tpu.memory_space<vmem>>
    tpu.wait_dma2 semaphore(%arg23 : memref<!tpu.dma_semaphore, #tpu.memory_space<semaphore_mem>>) src(%dma_wait3A_893 : memref<8x768xf32, #tpu.memory_space<vmem>>) dst(%dma_wait3A_890 : memref<8x768xf32, #tpu.memory_space<hbm>>)
    %dma_wait3A_894 = arith.constant 8 : i32
    %dma_wait3A_895 = arith.constant 0 : i32
    %dma_wait3A_896 = tpu.memref_slice %arg10[%dma_wait3A_894, %dma_wait3A_895] : memref<32x768xf32, #tpu.memory_space<vmem>> -> memref<8x768xf32, #tpu.memory_space<vmem>>
    %dma_wait3A_897 = arith.constant 0 : i32
    %dma_wait3A_898 = tpu.memref_slice %arg5[%add3A_725, %dma_wait3A_897] : memref<8192x768xf32, #tpu.memory_space<hbm>> -> memref<8x768xf32, #tpu.memory_space<hbm>>
    %dma_wait3A_899 = arith.constant 0 : i32
    %dma_wait3A_900 = tpu.memref_slice %arg5[%add3A_725, %dma_wait3A_899] : memref<8192x768xf32, #tpu.memory_space<hbm>> -> memref<8x768xf32, #tpu.memory_space<hbm>>
    %dma_wait3A_901 = arith.constant 8 : i32
    %dma_wait3A_902 = arith.constant 0 : i32
    %dma_wait3A_903 = tpu.memref_slice %arg10[%dma_wait3A_901, %dma_wait3A_902] : memref<32x768xf32, #tpu.memory_space<vmem>> -> memref<8x768xf32, #tpu.memory_space<vmem>>
    tpu.wait_dma2 semaphore(%arg23 : memref<!tpu.dma_semaphore, #tpu.memory_space<semaphore_mem>>) src(%dma_wait3A_903 : memref<8x768xf32, #tpu.memory_space<vmem>>) dst(%dma_wait3A_900 : memref<8x768xf32, #tpu.memory_space<hbm>>)
    %dma_wait3A_904 = arith.constant 16 : i32
    %dma_wait3A_905 = arith.constant 0 : i32
    %dma_wait3A_906 = tpu.memref_slice %arg10[%dma_wait3A_904, %dma_wait3A_905] : memref<32x768xf32, #tpu.memory_space<vmem>> -> memref<8x768xf32, #tpu.memory_space<vmem>>
    %dma_wait3A_907 = arith.constant 0 : i32
    %dma_wait3A_908 = tpu.memref_slice %arg5[%add3A_739, %dma_wait3A_907] : memref<8192x768xf32, #tpu.memory_space<hbm>> -> memref<8x768xf32, #tpu.memory_space<hbm>>
    %dma_wait3A_909 = arith.constant 0 : i32
    %dma_wait3A_910 = tpu.memref_slice %arg5[%add3A_739, %dma_wait3A_909] : memref<8192x768xf32, #tpu.memory_space<hbm>> -> memref<8x768xf32, #tpu.memory_space<hbm>>
    %dma_wait3A_911 = arith.constant 16 : i32
    %dma_wait3A_912 = arith.constant 0 : i32
    %dma_wait3A_913 = tpu.memref_slice %arg10[%dma_wait3A_911, %dma_wait3A_912] : memref<32x768xf32, #tpu.memory_space<vmem>> -> memref<8x768xf32, #tpu.memory_space<vmem>>
    tpu.wait_dma2 semaphore(%arg23 : memref<!tpu.dma_semaphore, #tpu.memory_space<semaphore_mem>>) src(%dma_wait3A_913 : memref<8x768xf32, #tpu.memory_space<vmem>>) dst(%dma_wait3A_910 : memref<8x768xf32, #tpu.memory_space<hbm>>)
    %dma_wait3A_914 = arith.constant 24 : i32
    %dma_wait3A_915 = arith.constant 0 : i32
    %dma_wait3A_916 = tpu.memref_slice %arg10[%dma_wait3A_914, %dma_wait3A_915] : memref<32x768xf32, #tpu.memory_space<vmem>> -> memref<8x768xf32, #tpu.memory_space<vmem>>
    %dma_wait3A_917 = arith.constant 0 : i32
    %dma_wait3A_918 = tpu.memref_slice %arg5[%add3A_753, %dma_wait3A_917] : memref<8192x768xf32, #tpu.memory_space<hbm>> -> memref<8x768xf32, #tpu.memory_space<hbm>>
    %dma_wait3A_919 = arith.constant 0 : i32
    %dma_wait3A_920 = tpu.memref_slice %arg5[%add3A_753, %dma_wait3A_919] : memref<8192x768xf32, #tpu.memory_space<hbm>> -> memref<8x768xf32, #tpu.memory_space<hbm>>
    %dma_wait3A_921 = arith.constant 24 : i32
    %dma_wait3A_922 = arith.constant 0 : i32
    %dma_wait3A_923 = tpu.memref_slice %arg10[%dma_wait3A_921, %dma_wait3A_922] : memref<32x768xf32, #tpu.memory_space<vmem>> -> memref<8x768xf32, #tpu.memory_space<vmem>>
    tpu.wait_dma2 semaphore(%arg23 : memref<!tpu.dma_semaphore, #tpu.memory_space<semaphore_mem>>) src(%dma_wait3A_923 : memref<8x768xf32, #tpu.memory_space<vmem>>) dst(%dma_wait3A_920 : memref<8x768xf32, #tpu.memory_space<hbm>>)
    return
  }
}

</mosaic_0001>

<sc_bundles>
// kernel: kernel.3.cloned.1.call-start
scs
__scs_entry_jumppad:
0x0: {  	(pc) =	sbr.rel $0x88, $3  }
0x1: {  	(tag) =	ssettag $0x0;
	lr =	simm.s32 $0x1  }
0x2: {  	[smem:$0x3F9E] =	sst lr;
	_ =	strace $0xD0000000  }
0x3: {  	_ = 	snop  }
0x4: {  	_ = 	snop  }
0x5: {  	_ = 	snop  }
0x6: {  	_ = 	snop  }
0x7: {  	_ = 	snop  }
__scs_overlays_trampoline_lowered:
0x8: {  	[smem:$0x3FAD] =	sst s0  }
0x9: {  	[smem:$0x3FAE] =	sst s1  }
0xa: {  	[smem:$0x3FAF] =	sst s2  }
0xb: {  	[smem:$0x3FB0] =	sst s3  }
0xc: {  	[smem:$0x3FB1] =	sst s4  }
0xd: {  	[smem:$0x3FB2] =	sst s5  }
0xe: {  	[smem:$0x3FB3] =	sst s6  }
0xf: {  	[smem:$0x3FB4] =	sst s7  }
0x10: {  	[smem:$0x3FB5] =	sst s8  }
0x11: {  	[smem:$0x3FB6] =	sst s9;
	s0 =	simm.s32 @!p0 $0x0  }
0x12: {  	s1 =	sld [smem:$0x3F9C];
	s0 =	simm.s32 @p0 $0x1  }
0x13: {  	[smem:$0x3FB7] =	sst s0;
	s0 =	simm.s32 @!p1 $0x0  }
0x14: {  	s2 =	sld [smem:$0x3F9B];
	s0 =	simm.s32 @p1 $0x1  }
0x15: {  	[smem:$0x3FB8] =	sst s0;
	s0 =	simm.s32 @!p2 $0x0  }
0x16: {  	s3 =	sld [smem:$0x3FDB];
	s0 =	simm.s32 @p2 $0x1  }
0x17: {  	s4 =	simm.s32 $0x1BF5;
	[smem:$0x3FBA] =	sst s0  }
0x18: {  	s0 =	sld [smem:$0x3F9D];
	_ =	swait.ge [sflag:s4], $0x0  }
0x19: {  	s7 =	sld [smem:$0x3F9E]  }
0x1a: {  	s8 =	sadd.s32 $0xFFFFE003, lr  }
0x1b: {  	s9 =	sadd.s32 $0xFFFFFEF7, lr;
	s5 =	simm.s32 $0xFFFFFFFF;
	p2 =	slt.u32 s8, $0xFFFFF086  }
0x1c: {  	p1 =	slt.u32 s9, $0xF7A;
	s5 =	simm.s32 @!p2 $0x0  }
0x1d: {  	s5 =	simm.s32 @p1 $0x1;
	p0 =	seq.s32 s7, s2  }
0x1e: {  	s7 =	smul.u32 @!p0 $0xF7A, s2;
	p2 =	seq.s32 @!p0 s5, $0x0  }
0x1f: {  	s9 =	smul.u32 $0xF7A, s1;
	s8 =	simm.s32 @!p0 $0x1BF5;
	p2 =	por !p2, p0  }
0x20: {  	[sflag:s8] =	ssyncset.s32 @!p0 $0xFFFFF086;
	s6 =	sadd.s32 @!p0 s3, s7;
	s7 =	simm.s32 @!p0 $0x108  }
0x21: {  	s3 =	sadd.s32 s3, s9;
	s6 =	sadd.s32 @!p0 $0x88, s6;
	s7 =	simm.s32 @p2 $0x1082  }
0x22: {  	[simem:s7], [sflag:s8] =	dma.local @!p0 [hbm:s6], $0xF7A  }
0x23: {  	s9 =	sor.u32 $0xD0000000, s2;
	s6 =	simm.s32 $0x108;
	_ =	swait.ge @!p0 [sflag:s8], $0x0  }
0x24: {  	s3 =	sadd.s32 $0x88, s3;
	s6 =	simm.s32 @!p1 $0x1082;
	[sflag:s4] =	ssyncset.s32 $0xFFFFF086  }
0x25: {  	[simem:s6], [sflag:s4] =	dma.local [hbm:s3], $0xF7A  }
0x26: {  	[smem:$0x3F9E] =	sst s1;
	(tag) =	ssettag s2;
	_ =	strace s9  }
0x27: {  	s1 =	sld [smem:$0x3FAE]  }
0x28: {  	s2 =	sld [smem:$0x3FAF]  }
0x29: {  	s4 =	sld [smem:$0x3FB1]  }
0x2a: {  	p0 =	seq.s32 s5, $0x0;
	s5 =	sld [smem:$0x3FB2]  }
0x2b: {  	s6 =	sld [smem:$0x3FB3]  }
0x2c: {  	s7 =	sld [smem:$0x3FB4]  }
0x2d: {  	s3 =	simm.s32 $0x108;
	s8 =	sld [smem:$0x3FB5]  }
0x2e: {  	s3 =	simm.s32 @!p0 $0x1082;
	s9 =	sld [smem:$0x3FB6]  }
0x2f: {  	lr =	sadd.s32 s0, s3;
	s0 =	sld [smem:$0x3FAD]  }
0x30: {  	s3 =	sld [smem:$0x3FB0]  }
0x31: {  	[smem:$0x3FB9] =	sst s10  }
0x32: {  	s10 =	sld [smem:$0x3FB7];
	_ =	sdelay $0x3  }
0x33: {  	p0 =	seq.s32 s10, $0x1;
	s10 =	sld [smem:$0x3FB9];
	_ =	sdelay $0x3  }
0x34: {  	[smem:$0x3FB9] =	sst s10  }
0x35: {  	s10 =	sld [smem:$0x3FB8];
	_ =	sdelay $0x3  }
0x36: {  	p1 =	seq.s32 s10, $0x1;
	s10 =	sld [smem:$0x3FB9];
	_ =	sdelay $0x3  }
0x37: {  	[smem:$0x3FB9] =	sst s10  }
0x38: {  	s10 =	sld [smem:$0x3FBA]  }
0x39: {  	_ = 	snop;
	(pc) =	sbr.ind lr, $3  }
0x3a: {  	_ = 	snop  }
0x3b: {  	_ = 	snop  }
0x3c: {  	p2 =	seq.s32 s10, $0x1;
	s10 =	sld [smem:$0x3FB9]  }
0x3d: {  	_ =	shalt  }
0x3e: {  	_ =	shalt  }
0x3f: {  	_ =	shalt  }
0x40: {  	_ =	shalt  }
0x41: {  	_ =	shalt  }
0x42: {  	_ =	shalt  }
0x43: {  	_ =	shalt  }
0x44: {  	_ =	shalt  }
0x45: {  	_ =	shalt  }
0x46: {  	_ =	shalt  }
0x47: {  	_ =	shalt  }
0x48: {  	_ =	shalt  }
0x49: {  	_ =	shalt  }
0x4a: {  	_ =	shalt  }
0x4b: {  	_ =	shalt  }
0x4c: {  	_ =	shalt  }
0x4d: {  	_ =	shalt  }
0x4e: {  	_ =	shalt  }
0x4f: {  	_ =	shalt  }
0x50: {  	_ =	shalt  }
0x51: {  	_ =	shalt  }
0x52: {  	_ =	shalt  }
0x53: {  	_ =	shalt  }
0x54: {  	_ =	shalt  }
0x55: {  	_ =	shalt  }
0x56: {  	_ =	shalt  }
0x57: {  	_ =	shalt  }
0x58: {  	_ =	shalt  }
0x59: {  	_ =	shalt  }
0x5a: {  	_ =	shalt  }
0x5b: {  	_ =	shalt  }
0x5c: {  	_ =	shalt  }
0x5d: {  	_ =	shalt  }
0x5e: {  	_ =	shalt  }
0x5f: {  	_ =	shalt  }
0x60: {  	_ =	shalt  }
0x61: {  	_ =	shalt  }
0x62: {  	_ =	shalt  }
0x63: {  	_ =	shalt  }
0x64: {  	_ =	shalt  }
0x65: {  	_ =	shalt  }
0x66: {  	_ =	shalt  }
0x67: {  	_ =	shalt  }
0x68: {  	_ =	shalt  }
0x69: {  	_ =	shalt  }
0x6a: {  	_ =	shalt  }
0x6b: {  	_ =	shalt  }
0x6c: {  	_ =	shalt  }
0x6d: {  	_ =	shalt  }
0x6e: {  	_ =	shalt  }
0x6f: {  	_ =	shalt  }
0x70: {  	_ =	shalt  }
0x71: {  	_ =	shalt  }
0x72: {  	_ =	shalt  }
0x73: {  	_ =	shalt  }
0x74: {  	_ =	shalt  }
0x75: {  	_ =	shalt  }
0x76: {  	_ =	shalt  }
0x77: {  	_ =	shalt  }
0x78: {  	_ =	shalt  }
0x79: {  	_ =	shalt  }
0x7a: {  	_ =	shalt  }
0x7b: {  	_ =	shalt  }
0x7c: {  	_ =	shalt  }
0x7d: {  	_ =	shalt  }
0x7e: {  	_ =	shalt  }
0x7f: {  	_ =	shalt  }
0x80: {  	_ =	shalt  }
0x81: {  	_ =	shalt  }
0x82: {  	_ =	shalt  }
0x83: {  	_ =	shalt  }
0x84: {  	_ =	shalt  }
0x85: {  	_ =	shalt  }
0x86: {  	_ =	shalt  }
0x87: {  	_ =	shalt  }
.Lfunc_end0:
.L_simem_size_0:
called_computation_lowered:
.L_overlay_start_0:
0x88: {  	s2 =	sld [smem:$0x3FD9]  }
0x89: {  	s3 =	sld [smem:$0x3FFE];
	_ =	sdelay $0x1  }
0x8a: {  	s1 =	srdreg.scid  }
0x8b: {  	s0 =	sand.u32 $0x1, s1  }
0x8c: {  	s17 =	sshll.u32 s0, $0xA;
	s2 =	sadd.s32 s3, s2  }
0x8d: {  	s2 =	sadd.s32 s2, s17  }
0x8e: {  	[smem:$0x3FC5] =	sst s2  }
0x8f: {  	_ = 	snop  }
0x90: {  	s2 =	sld [smem:$0x3FC8]  }
0x91: {  	s18 =	sld [smem:$0x3FC7]  }
0x92: {  	s4 =	sld [smem:$0x3FD0];
	(tm) =	ssettm $0x1  }
0x93: {  	s5 =	sld [smem:$0x3FFB];
	_ =	sdelay $0x3  }
0x94: {  	_ =	strace s5  }
0x95: {  	s5 =	sld [smem:$0x3FFC];
	_ =	sdelay $0x3  }
0x96: {  	_ =	strace s5  }
0x97: {  	s5 =	sld [smem:$0x3FFD];
	_ =	sdelay $0x3  }
0x98: {  	_ =	strace s5  }
0x99: {  	_ =	strace $0x8FFFFFFF  }
0x9a: {  	s19 =	sld [smem:$0x3FDB];
	_ =	sdelay $0x1  }
0x9b: {  	s6 =	simm.s32 $_scs_section_size  }
0x9c: {  	s7 =	simm.s32 $_size__tile_overlayer_lowered;
	s8 =	simm.s32 $_tile_overlayer_lowered  }
0x9d: {  	s22 =	simm.s32 $0x1BFF;
	s21 =	sshll.u32 s8, $0x1;
	s5 =	sadd.s32 s6, s19  }
0x9e: {  	s9 =	simm.s32 $0x0;
	s20 =	sshll.u32 s7, $0x1;
	s7 =	sadd.s32 s21, s5  }
0x9f: {  	[timem:s9], [sflag:s22] =	dma.local [hbm:s7], s20  }
0xa0: {  	_ =	swait.ge [sflag:s22], s20  }
0xa1: {  	s6 =	ssub.s32 $0x0, s20;
	[sflag:s22] =	ssyncset.done $0x0  }
0xa2: {  	[sflag:s22] =	ssyncadd.s32 s6;
	_ =	sdelay $0x1  }
0xa3: {  	s23 =	simm.s32 $0x1B8B  }
0xa4: {  	_ =	swait.ge [sflag:s23], $0x1  }
0xa5: {  	[sflag:s23] =	ssyncset.done $0x0  }
0xa6: {  	s25 =	simm.s32 $0x1B8E;
	s24 =	sld [smem:$0x3FFE];
	[sflag:s23] =	ssyncadd.s32 $0xFFFFFFFF  }
0xa7: {  	s26 =	simm.s32 $execute0_lowered;
	[smem:$0x3FD2] =	sst s25  }
0xa8: {  	s7 =	sshll.u32 s26, $0x1;
	_ =	strace $0x80000046;
	[dreg:$0x1] =	wrdreg $0xFFFFFFFF  }
0xa9: {  	s28 =	simm.s32 $_size_execute0_lowered;
	s5 =	sadd.s32 s5, s7;
	[dreg:$0x0] =	wrdreg $0x0  }
0xaa: {  	s7 =	sshll.u32 s28, $0x1;
	[dreg:$0x2] =	wrdreg s5  }
0xab: {  	[dreg:$0x3] =	wrdreg s7  }
0xac: {  	[dreg:$0x4] =	wrdreg $0xC0  }
0xad: {  	_ =	task [dreg:s9], $0x5FFFF  }
0xae: {  	[dreg:$0x1] =	wrdreg $0xFFFFFFFF  }
0xaf: {  	[dreg:$0x0] =	wrdreg $0x60  }
0xb0: {  	[dreg:$0x2] =	wrdreg s24  }
0xb1: {  	[dreg:$0x3] =	wrdreg s2  }
0xb2: {  	[dreg:$0x4] =	wrdreg s18  }
0xb3: {  	[dreg:$0x5] =	wrdreg s4  }
0xb4: {  	[dreg:$0x6] =	wrdreg $0x9  }
0xb5: {  	_ =	task.clear_ibuf [dreg:s9], $0x7FFFF;
	_ =	strace $0x90000046  }
0xb6: {  	s29 =	simm.s32 $0x9;
	_ =	strace $0x80000048  }
0xb7: {  	_ =	swait.ge [sflag:s29], $0x1  }
0xb8: {  	[sflag:s29] =	ssyncadd.s32 $0xFFFFFFFF  }
0xb9: {  	_ =	strace $0x90000048  }
0xba: {  	_ =	sfence  }
0xbb: {  	s30 =	sld [smem:$0x0];
	_ =	sdelay $0x2  }
0xbc: {  	s31 =	sshll.u32 s1, $0xD;
	s1 =	sshrl.u32 s1, $0x2  }
0xbd: {  	s3 =	sand.u32 $0x4000, s31;
	s1 =	sadd.s32 s1, s30  }
0xbe: {  	s0 =	sor.u32 s3, s0;
	s1 =	sshll.u32 s1, $0x11  }
0xbf: {  	s0 =	sor.u32 s1, s0  }
0xc0: {  	s0 =	sadd.s32 $0x8F2B, s0  }
0xc1: {  	[sflag:s0] =	ssyncadd.remote.s32 $0x1  }
0xc2: {  	_ =	sfence.sel $0xFFFF  }
0xc3: {  	[dreg:$0x0] =	wrdreg $0xFFFFFFFF;
	(pc) =	sbr.abs _section_cstart, $3  }
0xc4: {  	[dreg:$0x1] =	wrdreg $0xFFFFFFFF  }
0xc5: {  	_ =	task.clear_ibuf [dreg:s9], $0x2FFFF;
	_ =	strace $0x9FFFFFFF  }
0xc6: {  	(tm) =	ssettm $0x7FFFFFFF  }
0xc7: {  	_ =	shalt  }
tec
execute0_lowered:
.L_overlay_start_1:
0x0: {  	(tag) =	ssettag $0x1  }
0x1: {  	s0 =	rddreg [dreg:$0x0]  }
0x2: {  	s9 =	rddreg [dreg:$0x1]  }
0x3: {  	s1 =	rddreg [dreg:$0x2]  }
0x4: {  	s2 =	rddreg [dreg:$0x3]  }
0x5: {  	s10 =	simm.s32 $0x0;
	s5 =	stileid.u32;
	s3 =	srdreg.scid  }
0x6: {  	[smem:$0x7FF] =	sst s10;
	s4 =	sshll.u32 s5, $0x6;
	s3 =	sand.u32 $0x1, s3  }
0x7: {  	s5 =	sshll.u32 s5, $0x1;
	s18 =	sadd.s32 $0x100, s9;
	s20 =	sadd.s32 $0x200, s9  }
0x8: {  	_ =	strace $0x80000047;
	s6 =	ssub.s32 $0x2, s3;
	s3 =	sor.u32 s3, s5  }
0x9: {  	s4 =	sand.u32 $0x300, s4;
	[dreg:$0x8] =	wrdreg s18;
	s8 =	smul.u32 $0x1800, s3  }
0xa: {  	[dreg:$0xa] =	wrdreg s20;
	s12 =	sshrl.u32 s6, $0x1;
	s7 =	sshll.u32 s3, $0x4  }
0xb: {  	s0 =	sadd.s32 s4, s0;
	s13 =	ssub.s32 s6, s12;
	s16 =	sadd.s32 s1, s8  }
0xc: {  	s14 =	sand.u32 $0x70, s7;
	s12 =	smax.u32 s13, $0x1;
	[dreg:$0x5] =	wrdreg s16  }
0xd: {  	s15 =	sor.u32 $0x600, s8;
	s7 =	sadd.s32 s2, s8;
	[dreg:$0x1a] =	wrdreg s12  }
0xe: {  	s0 =	sadd.s32 s14, s0;
	s17 =	sadd.s32 s1, s15;
	[dreg:$0x9] =	wrdreg s7  }
0xf: {  	s0 =	sadd.s32 $0x400, s0;
	[dreg:$0x6] =	wrdreg s17  }
0x10: {  	s21 =	sadd.s32 $0x30000, s7;
	[dreg:$0x7] =	wrdreg s0  }
0x11: {  	s23 =	sadd.s32 $0x60000, s7;
	[dreg:$0xb] =	wrdreg s21  }
0x12: {  	s24 =	sadd.s32 $0x90000, s7;
	[dreg:$0xc] =	wrdreg s23  }
0x13: {  	s26 =	sadd.s32 $0x300, s7;
	[dreg:$0xd] =	wrdreg s24  }
0x14: {  	s28 =	sadd.s32 $0x30300, s7;
	[dreg:$0xf] =	wrdreg s26  }
0x15: {  	s29 =	sadd.s32 $0x60300, s7;
	[dreg:$0x10] =	wrdreg s28  }
0x16: {  	s30 =	sadd.s32 $0x90300, s7;
	[dreg:$0x11] =	wrdreg s29  }
0x17: {  	s6 =	sadd.s32 s2, s15;
	[dreg:$0x12] =	wrdreg s30  }
0x18: {  	s13 =	sadd.s32 $0x30600, s7;
	[dreg:$0x13] =	wrdreg s6  }
0x19: {  	s14 =	sadd.s32 $0x60600, s7;
	[dreg:$0x1b] =	wrdreg s13  }
0x1a: {  	s3 =	smul.u32 $0xC000, s3;
	s15 =	sadd.s32 $0x90600, s7;
	[dreg:$0x1c] =	wrdreg s14  }
0x1b: {  	s16 =	sadd.s32 $0x30900, s7;
	[dreg:$0x1d] =	wrdreg s15  }
0x1c: {  	s19 =	sshrl.u32 s3, $0x3;
	s18 =	sadd.s32 $0x90900, s7;
	[dreg:$0x1e] =	wrdreg s16  }
0x1d: {  	s22 =	sadd.s32 $0xC00, s19;
	s20 =	sadd.s32 $0x60C00, s7;
	[smem:$0x7F1] =	sst s18  }
0x1e: {  	s31 =	sadd.s32 $0x1200, s19;
	s25 =	sadd.s32 s1, s22;
	[smem:$0x7F3] =	sst s20  }
0x1f: {  	s1 =	sadd.s32 s1, s31;
	[dreg:$0xe] =	wrdreg s25  }
0x20: {  	s8 =	sadd.s32 s2, s22;
	[dreg:$0x14] =	wrdreg s1  }
0x21: {  	s9 =	sadd.s32 s2, s31;
	[dreg:$0x16] =	wrdreg s8  }
0x22: {  	s17 =	sadd.s32 $0x60900, s7;
	[dreg:$0x17] =	wrdreg s9  }
0x23: {  	s0 =	sadd.s32 s2, s19;
	s19 =	sadd.s32 $0x30C00, s7;
	[dreg:$0x1f] =	wrdreg s17  }
0x24: {  	s21 =	sadd.s32 $0x90C00, s7;
	[smem:$0x7F2] =	sst s19  }
0x25: {  	s22 =	sadd.s32 $0x30F00, s7;
	[smem:$0x7F4] =	sst s21  }
0x26: {  	s23 =	sadd.s32 $0x60F00, s7;
	[smem:$0x7F5] =	sst s22  }
0x27: {  	s24 =	sadd.s32 $0x90F00, s7;
	[smem:$0x7F6] =	sst s23  }
0x28: {  	s26 =	sadd.s32 $0x61200, s7;
	[smem:$0x7F7] =	sst s24  }
0x29: {  	s28 =	sadd.s32 $0x91200, s7;
	[smem:$0x7F9] =	sst s26  }
0x2a: {  	s29 =	sadd.s32 $0x31500, s7;
	[smem:$0x7FA] =	sst s28  }
0x2b: {  	s30 =	sadd.s32 $0x61500, s7;
	[smem:$0x7FB] =	sst s29  }
0x2c: {  	s31 =	sadd.s32 $0x91500, s7;
	[smem:$0x7FC] =	sst s30  }
0x2d: {  	s5 =	simm.s32 $0x13900;
	s6 =	sadd.s32 $0x900, s0;
	[smem:$0x7FD] =	sst s31  }
0x2e: {  	s4 =	simm.s32 $0x12100;
	s11 =	sadd.s32 $0xF00, s0;
	[dreg:$0x15] =	wrdreg s6  }
0x2f: {  	v2 =	vlaneseq.u32;
	s2 =	simm.s32 $0x0;
	s0 =	sadd.s32 $0x1500, s0;
	[dreg:$0x18] =	wrdreg s11  }
0x30: {  	vm0 =	vmmov $0xffff;
	v1 =	vshrl.u32 v2, $0x3;
	s25 =	sadd.s32 $0x31200, s7;
	s9 =	simm.s32 $0x18100;
	[dreg:$0x19] =	wrdreg s0  }
0x31: {  	v0 =	vand.u32 $0x7, v2;
	v2 =	vor.u32 $0x8, v2;
	v1 =	vmul.u32 $0x8, v1;
	s7 =	simm.s32 $0x16900;
	[smem:$0x7F8] =	sst s25;
	s6 =	simm.s32 $0x15100  }
.LBB2_1:
0x32: {  	[smem:$0x7F0] =	sst s2  }
0x33: {  	s0 =	rddreg [dreg:$0x5]  }
0x34: {  	s11 =	rddreg [dreg:$0x6]  }
0x35: {  	[tilespmem:s9], [sflag:$0x2] =	stream.linear.gather [hbm4b:s0+s10], $0x3000, $0x38;
	[tilespmem:$0x1E100] =	vst v63  }
0x36: {  	s1 =	simm.s32 $0x1B100;
	s12 =	rddreg [dreg:$0x7]  }
0x37: {  	[tilespmem:s1], [sflag:$0x3] =	stream.linear.gather [hbm4b:s11+s10], $0x3000, $0x38;
	[tilespmem:$0x1E100] =	vst v63  }
0x38: {  	s13 =	simm.s32 $0x80;
	s14 =	simm.s32 $0x400;
	s15 =	simm.s32 $0x1  }
0x39: {  	[tilespmem:s10], [sflag:$0x1] =	stream.strided.gather [hbm4b:s12+s13], $0x100, s14, s13, $0x38;
	[tilespmem:$0x1E100] =	vst v63  }
0x3a: {  	_ =	swait.ge [sflag:s15], $0x100  }
0x3b: {  	[sflag:s15] =	ssyncset.done $0x0  }
0x3c: {  	[sflag:s15] =	ssyncadd.s32 $0xFFFFFF00  }
0x3d: {  	v3 =	vld [tilespmem:$0x0];
	_ =	sdelay $0x4  }
0x3e: {  	v4 =	vshrl.u32 v3, $0x3  }
0x3f: {  	v4 =	vmul.u32 $0x30, v4  }
0x40: {  	v3 =	vand.u32 $0x7, v3  }
0x41: {  	v3 =	vor.u32 v3, v4  }
0x42: {  	v4 =	vperm.xlane v3, v0;
	_ =	sdelay $0x1  }
0x43: {  	v4 =	vadd.s32 v1, v4;
	_ =	sdelay $0x3  }
0x44: {  	s16 =	simm.s32 $0x100;
	s0 =	rddreg [dreg:$0x1];
	v3 =	vperm.xlane v3, v2  }
0x45: {  	[tilespmem:s16], [sflag:$0x4] =	stream.indirect_vreg.gather [hbm4b:s0+s10], $0x80, v4, vm0, $0xb8;
	[tilespmem:$0x1E100] =	vst v63  }
0x46: {  	s17 =	simm.s32 $0x900;
	s1 =	rddreg [dreg:$0x8];
	v3 =	vadd.s32 v1, v3  }
0x47: {  	[tilespmem:s17], [sflag:$0x4] =	stream.indirect_vreg.gather [hbm4b:s1+s10], $0x80, v4, vm0, $0xb8;
	[tilespmem:$0x1E100] =	vst v63  }
0x48: {  	s3 =	simm.s32 $0x1100;
	s2 =	rddreg [dreg:$0xa]  }
0x49: {  	[tilespmem:s3], [sflag:$0x4] =	stream.indirect_vreg.gather [hbm4b:s2+s10], $0x80, v4, vm0, $0xb8;
	[tilespmem:$0x1E100] =	vst v63  }
0x4a: {  	s18 =	simm.s32 $0x1900  }
0x4b: {  	[tilespmem:s18], [sflag:$0x4] =	stream.indirect_vreg.gather [hbm4b:s0+s10], $0x80, v3, vm0, $0xb8;
	[tilespmem:$0x1E100] =	vst v63  }
0x4c: {  	s19 =	simm.s32 $0x2100  }
0x4d: {  	[tilespmem:s19], [sflag:$0x4] =	stream.indirect_vreg.gather [hbm4b:s1+s10], $0x80, v3, vm0, $0xb8;
	[tilespmem:$0x1E100] =	vst v63  }
0x4e: {  	s20 =	simm.s32 $0x2900  }
0x4f: {  	[tilespmem:s20], [sflag:$0x4] =	stream.indirect_vreg.gather [hbm4b:s2+s10], $0x80, v3, vm0, $0xb8;
	[tilespmem:$0x1E100] =	vst v63  }
0x50: {  	v3 =	vld [tilespmem:$0x10];
	_ =	sdelay $0x4  }
0x51: {  	v4 =	vshrl.u32 v3, $0x3  }
0x52: {  	v4 =	vmul.u32 $0x30, v4  }
0x53: {  	v3 =	vand.u32 $0x7, v3  }
0x54: {  	v3 =	vor.u32 v3, v4  }
0x55: {  	v4 =	vperm.xlane v3, v0;
	_ =	sdelay $0x1  }
0x56: {  	v4 =	vadd.s32 v1, v4;
	_ =	sdelay $0x3  }
0x57: {  	s21 =	simm.s32 $0x3100;
	v3 =	vperm.xlane v3, v2  }
0x58: {  	[tilespmem:s21], [sflag:$0x4] =	stream.indirect_vreg.gather [hbm4b:s0+s10], $0x80, v4, vm0, $0xb8;
	[tilespmem:$0x1E100] =	vst v63  }
0x59: {  	s22 =	simm.s32 $0x3900;
	v3 =	vadd.s32 v1, v3  }
0x5a: {  	[tilespmem:s22], [sflag:$0x4] =	stream.indirect_vreg.gather [hbm4b:s1+s10], $0x80, v4, vm0, $0xb8;
	[tilespmem:$0x1E100] =	vst v63  }
0x5b: {  	s23 =	simm.s32 $0x4100  }
0x5c: {  	[tilespmem:s23], [sflag:$0x4] =	stream.indirect_vreg.gather [hbm4b:s2+s10], $0x80, v4, vm0, $0xb8;
	[tilespmem:$0x1E100] =	vst v63  }
0x5d: {  	s24 =	simm.s32 $0x4900  }
0x5e: {  	[tilespmem:s24], [sflag:$0x4] =	stream.indirect_vreg.gather [hbm4b:s0+s10], $0x80, v3, vm0, $0xb8;
	[tilespmem:$0x1E100] =	vst v63  }
0x5f: {  	s25 =	simm.s32 $0x5100  }
0x60: {  	[tilespmem:s25], [sflag:$0x4] =	stream.indirect_vreg.gather [hbm4b:s1+s10], $0x80, v3, vm0, $0xb8;
	[tilespmem:$0x1E100] =	vst v63  }
0x61: {  	s26 =	simm.s32 $0x5900  }
0x62: {  	[tilespmem:s26], [sflag:$0x4] =	stream.indirect_vreg.gather [hbm4b:s2+s10], $0x80, v3, vm0, $0xb8;
	[tilespmem:$0x1E100] =	vst v63  }
0x63: {  	v3 =	vld [tilespmem:$0x20];
	_ =	sdelay $0x4  }
0x64: {  	v4 =	vshrl.u32 v3, $0x3  }
0x65: {  	v4 =	vmul.u32 $0x30, v4  }
0x66: {  	v3 =	vand.u32 $0x7, v3  }
0x67: {  	v3 =	vor.u32 v3, v4  }
0x68: {  	v4 =	vperm.xlane v3, v0;
	_ =	sdelay $0x1  }
0x69: {  	v4 =	vadd.s32 v1, v4;
	_ =	sdelay $0x3  }
0x6a: {  	s28 =	simm.s32 $0x6100;
	v3 =	vperm.xlane v3, v2  }
0x6b: {  	[tilespmem:s28], [sflag:$0x5] =	stream.indirect_vreg.gather [hbm4b:s0+s10], $0x80, v4, vm0, $0xb8;
	[tilespmem:$0x1E100] =	vst v63  }
0x6c: {  	s29 =	simm.s32 $0x6900;
	v3 =	vadd.s32 v1, v3  }
0x6d: {  	[tilespmem:s29], [sflag:$0x5] =	stream.indirect_vreg.gather [hbm4b:s1+s10], $0x80, v4, vm0, $0xb8;
	[tilespmem:$0x1E100] =	vst v63  }
0x6e: {  	s30 =	simm.s32 $0x7100  }
0x6f: {  	[tilespmem:s30], [sflag:$0x5] =	stream.indirect_vreg.gather [hbm4b:s2+s10], $0x80, v4, vm0, $0xb8;
	[tilespmem:$0x1E100] =	vst v63  }
0x70: {  	s31 =	simm.s32 $0x7900  }
0x71: {  	[tilespmem:s31], [sflag:$0x5] =	stream.indirect_vreg.gather [hbm4b:s0+s10], $0x80, v3, vm0, $0xb8;
	[tilespmem:$0x1E100] =	vst v63  }
0x72: {  	s8 =	simm.s32 $0x8100  }
0x73: {  	[tilespmem:s8], [sflag:$0x5] =	stream.indirect_vreg.gather [hbm4b:s1+s10], $0x80, v3, vm0, $0xb8;
	[tilespmem:$0x1E100] =	vst v63  }
0x74: {  	s11 =	simm.s32 $0x8900  }
0x75: {  	[tilespmem:s11], [sflag:$0x5] =	stream.indirect_vreg.gather [hbm4b:s2+s10], $0x80, v3, vm0, $0xb8;
	[tilespmem:$0x1E100] =	vst v63  }
0x76: {  	v3 =	vld [tilespmem:$0x30];
	_ =	sdelay $0x4  }
0x77: {  	v4 =	vshrl.u32 v3, $0x3  }
0x78: {  	v4 =	vmul.u32 $0x30, v4  }
0x79: {  	v3 =	vand.u32 $0x7, v3  }
0x7a: {  	v3 =	vor.u32 v3, v4  }
0x7b: {  	v4 =	vperm.xlane v3, v0;
	_ =	sdelay $0x1  }
0x7c: {  	v4 =	vadd.s32 v1, v4;
	_ =	sdelay $0x3  }
0x7d: {  	s12 =	simm.s32 $0x9100;
	v3 =	vperm.xlane v3, v2  }
0x7e: {  	[tilespmem:s12], [sflag:$0x5] =	stream.indirect_vreg.gather [hbm4b:s0+s10], $0x80, v4, vm0, $0xb8;
	[tilespmem:$0x1E100] =	vst v63  }
0x7f: {  	s13 =	simm.s32 $0x9900;
	v3 =	vadd.s32 v1, v3  }
0x80: {  	[tilespmem:s13], [sflag:$0x5] =	stream.indirect_vreg.gather [hbm4b:s1+s10], $0x80, v4, vm0, $0xb8;
	[tilespmem:$0x1E100] =	vst v63  }
0x81: {  	s14 =	simm.s32 $0xA100  }
0x82: {  	[tilespmem:s14], [sflag:$0x5] =	stream.indirect_vreg.gather [hbm4b:s2+s10], $0x80, v4, vm0, $0xb8;
	[tilespmem:$0x1E100] =	vst v63  }
0x83: {  	s15 =	simm.s32 $0xA900  }
0x84: {  	[tilespmem:s15], [sflag:$0x5] =	stream.indirect_vreg.gather [hbm4b:s0+s10], $0x80, v3, vm0, $0xb8;
	[tilespmem:$0x1E100] =	vst v63  }
0x85: {  	s16 =	simm.s32 $0xB100  }
0x86: {  	[tilespmem:s16], [sflag:$0x5] =	stream.indirect_vreg.gather [hbm4b:s1+s10], $0x80, v3, vm0, $0xb8;
	[tilespmem:$0x1E100] =	vst v63  }
0x87: {  	s17 =	simm.s32 $0xB900  }
0x88: {  	[tilespmem:s17], [sflag:$0x5] =	stream.indirect_vreg.gather [hbm4b:s2+s10], $0x80, v3, vm0, $0xb8;
	[tilespmem:$0x1E100] =	vst v63  }
0x89: {  	v3 =	vld [tilespmem:$0x40];
	_ =	sdelay $0x4  }
0x8a: {  	v4 =	vshrl.u32 v3, $0x3  }
0x8b: {  	v4 =	vmul.u32 $0x30, v4  }
0x8c: {  	v3 =	vand.u32 $0x7, v3  }
0x8d: {  	v3 =	vor.u32 v3, v4  }
0x8e: {  	v4 =	vperm.xlane v3, v0;
	_ =	sdelay $0x1  }
0x8f: {  	v4 =	vadd.s32 v1, v4;
	_ =	sdelay $0x3  }
0x90: {  	s18 =	simm.s32 $0xC100;
	v3 =	vperm.xlane v3, v2  }
0x91: {  	[tilespmem:s18], [sflag:$0x6] =	stream.indirect_vreg.gather [hbm4b:s0+s10], $0x80, v4, vm0, $0xb8;
	[tilespmem:$0x1E100] =	vst v63  }
0x92: {  	s19 =	simm.s32 $0xC900;
	v3 =	vadd.s32 v1, v3  }
0x93: {  	[tilespmem:s19], [sflag:$0x6] =	stream.indirect_vreg.gather [hbm4b:s1+s10], $0x80, v4, vm0, $0xb8;
	[tilespmem:$0x1E100] =	vst v63  }
0x94: {  	s20 =	simm.s32 $0xD100  }
0x95: {  	[tilespmem:s20], [sflag:$0x6] =	stream.indirect_vreg.gather [hbm4b:s2+s10], $0x80, v4, vm0, $0xb8;
	[tilespmem:$0x1E100] =	vst v63  }
0x96: {  	s21 =	simm.s32 $0xD900  }
0x97: {  	[tilespmem:s21], [sflag:$0x6] =	stream.indirect_vreg.gather [hbm4b:s0+s10], $0x80, v3, vm0, $0xb8;
	[tilespmem:$0x1E100] =	vst v63  }
0x98: {  	s22 =	simm.s32 $0xE100  }
0x99: {  	[tilespmem:s22], [sflag:$0x6] =	stream.indirect_vreg.gather [hbm4b:s1+s10], $0x80, v3, vm0, $0xb8;
	[tilespmem:$0x1E100] =	vst v63  }
0x9a: {  	s23 =	simm.s32 $0xE900  }
0x9b: {  	[tilespmem:s23], [sflag:$0x6] =	stream.indirect_vreg.gather [hbm4b:s2+s10], $0x80, v3, vm0, $0xb8;
	[tilespmem:$0x1E100] =	vst v63  }
0x9c: {  	v3 =	vld [tilespmem:$0x50];
	_ =	sdelay $0x4  }
0x9d: {  	v4 =	vshrl.u32 v3, $0x3  }
0x9e: {  	v4 =	vmul.u32 $0x30, v4  }
0x9f: {  	v3 =	vand.u32 $0x7, v3  }
0xa0: {  	v3 =	vor.u32 v3, v4  }
0xa1: {  	v4 =	vperm.xlane v3, v0;
	_ =	sdelay $0x1  }
0xa2: {  	v4 =	vadd.s32 v1, v4;
	_ =	sdelay $0x3  }
0xa3: {  	s24 =	simm.s32 $0xF100;
	v3 =	vperm.xlane v3, v2  }
0xa4: {  	[tilespmem:s24], [sflag:$0x6] =	stream.indirect_vreg.gather [hbm4b:s0+s10], $0x80, v4, vm0, $0xb8;
	[tilespmem:$0x1E100] =	vst v63  }
0xa5: {  	s25 =	simm.s32 $0xF900;
	v3 =	vadd.s32 v1, v3  }
0xa6: {  	[tilespmem:s25], [sflag:$0x6] =	stream.indirect_vreg.gather [hbm4b:s1+s10], $0x80, v4, vm0, $0xb8;
	[tilespmem:$0x1E100] =	vst v63  }
0xa7: {  	s26 =	simm.s32 $0x10100  }
0xa8: {  	[tilespmem:s26], [sflag:$0x6] =	stream.indirect_vreg.gather [hbm4b:s2+s10], $0x80, v4, vm0, $0xb8;
	[tilespmem:$0x1E100] =	vst v63  }
0xa9: {  	s28 =	simm.s32 $0x10900  }
0xaa: {  	[tilespmem:s28], [sflag:$0x6] =	stream.indirect_vreg.gather [hbm4b:s0+s10], $0x80, v3, vm0, $0xb8;
	[tilespmem:$0x1E100] =	vst v63  }
0xab: {  	s29 =	simm.s32 $0x11100  }
0xac: {  	[tilespmem:s29], [sflag:$0x6] =	stream.indirect_vreg.gather [hbm4b:s1+s10], $0x80, v3, vm0, $0xb8;
	[tilespmem:$0x1E100] =	vst v63  }
0xad: {  	s30 =	simm.s32 $0x11900  }
0xae: {  	[tilespmem:s30], [sflag:$0x6] =	stream.indirect_vreg.gather [hbm4b:s2+s10], $0x80, v3, vm0, $0xb8;
	[tilespmem:$0x1E100] =	vst v63  }
0xaf: {  	v3 =	vld [tilespmem:$0x60];
	_ =	sdelay $0x4  }
0xb0: {  	v4 =	vshrl.u32 v3, $0x3  }
0xb1: {  	v4 =	vmul.u32 $0x30, v4  }
0xb2: {  	v3 =	vand.u32 $0x7, v3  }
0xb3: {  	v3 =	vor.u32 v3, v4  }
0xb4: {  	v4 =	vperm.xlane v3, v0;
	_ =	sdelay $0x1  }
0xb5: {  	v4 =	vadd.s32 v1, v4;
	_ =	sdelay $0x3  }
0xb6: {  	v3 =	vperm.xlane v3, v2  }
0xb7: {  	[tilespmem:s4], [sflag:$0x7] =	stream.indirect_vreg.gather [hbm4b:s0+s10], $0x80, v4, vm0, $0xb8;
	[tilespmem:$0x1E100] =	vst v63  }
0xb8: {  	s31 =	simm.s32 $0x12900;
	v3 =	vadd.s32 v1, v3  }
0xb9: {  	[tilespmem:s31], [sflag:$0x7] =	stream.indirect_vreg.gather [hbm4b:s1+s10], $0x80, v4, vm0, $0xb8;
	[tilespmem:$0x1E100] =	vst v63  }
0xba: {  	s4 =	simm.s32 $0x13100  }
0xbb: {  	[tilespmem:s4], [sflag:$0x7] =	stream.indirect_vreg.gather [hbm4b:s2+s10], $0x80, v4, vm0, $0xb8;
	[tilespmem:$0x1E100] =	vst v63  }
0xbc: {  	_ = 	snop  }
0xbd: {  	[tilespmem:s5], [sflag:$0x7] =	stream.indirect_vreg.gather [hbm4b:s0+s10], $0x80, v3, vm0, $0xb8;
	[tilespmem:$0x1E100] =	vst v63  }
0xbe: {  	s8 =	simm.s32 $0x14100  }
0xbf: {  	[tilespmem:s8], [sflag:$0x7] =	stream.indirect_vreg.gather [hbm4b:s1+s10], $0x80, v3, vm0, $0xb8;
	[tilespmem:$0x1E100] =	vst v63  }
0xc0: {  	s11 =	simm.s32 $0x14900  }
0xc1: {  	[tilespmem:s11], [sflag:$0x7] =	stream.indirect_vreg.gather [hbm4b:s2+s10], $0x80, v3, vm0, $0xb8;
	[tilespmem:$0x1E100] =	vst v63  }
0xc2: {  	v3 =	vld [tilespmem:$0x70];
	_ =	sdelay $0x4  }
0xc3: {  	v4 =	vshrl.u32 v3, $0x3  }
0xc4: {  	v4 =	vmul.u32 $0x30, v4  }
0xc5: {  	v3 =	vand.u32 $0x7, v3  }
0xc6: {  	v3 =	vor.u32 v3, v4  }
0xc7: {  	v4 =	vperm.xlane v3, v0;
	_ =	sdelay $0x1  }
0xc8: {  	v4 =	vadd.s32 v1, v4;
	_ =	sdelay $0x3  }
0xc9: {  	v3 =	vperm.xlane v3, v2  }
0xca: {  	[tilespmem:s6], [sflag:$0x7] =	stream.indirect_vreg.gather [hbm4b:s0+s10], $0x80, v4, vm0, $0xb8;
	[tilespmem:$0x1E100] =	vst v63  }
0xcb: {  	s12 =	simm.s32 $0x15900;
	v3 =	vadd.s32 v1, v3  }
0xcc: {  	[tilespmem:s12], [sflag:$0x7] =	stream.indirect_vreg.gather [hbm4b:s1+s10], $0x80, v4, vm0, $0xb8;
	[tilespmem:$0x1E100] =	vst v63  }
0xcd: {  	s13 =	simm.s32 $0x16100  }
0xce: {  	[tilespmem:s13], [sflag:$0x7] =	stream.indirect_vreg.gather [hbm4b:s2+s10], $0x80, v4, vm0, $0xb8;
	[tilespmem:$0x1E100] =	vst v63  }
0xcf: {  	_ = 	snop  }
0xd0: {  	[tilespmem:s7], [sflag:$0x7] =	stream.indirect_vreg.gather [hbm4b:s0+s10], $0x80, v3, vm0, $0xb8;
	[tilespmem:$0x1E100] =	vst v63  }
0xd1: {  	s14 =	simm.s32 $0x17100  }
0xd2: {  	[tilespmem:s14], [sflag:$0x7] =	stream.indirect_vreg.gather [hbm4b:s1+s10], $0x80, v3, vm0, $0xb8;
	[tilespmem:$0x1E100] =	vst v63  }
0xd3: {  	s15 =	simm.s32 $0x17900;
	s16 =	simm.s32 $0x4;
	s19 =	simm.s32 $0x0  }
0xd4: {  	[tilespmem:s15], [sflag:$0x7] =	stream.indirect_vreg.gather [hbm4b:s2+s10], $0x80, v3, vm0, $0xb8;
	[tilespmem:$0x1E100] =	vst v63  }
0xd5: {  	s17 =	simm.s32 $0x2;
	s18 =	sand.u32 $0x4, s19;
	_ =	swait.ge [sflag:s16], $0x6000  }
0xd6: {  	s20 =	simm.s32 $0x0;
	s21 =	simm.s32 $0x0;
	[sflag:s16] =	ssyncset.done $0x0  }
0xd7: {  	s24 =	sand.u32 $0x70, s21;
	s0 =	sshll.u32 s18, $0x7;
	[sflag:s16] =	ssyncadd.s32 $0xFFFFA000  }
0xd8: {  	s22 =	sor.u32 $0x180, s0;
	s1 =	sand.u32 $0x1C00, s20;
	_ =	swait.ge [sflag:s17], $0x3000  }
0xd9: {  	s25 =	sor.u32 $0x80, s0;
	s26 =	sor.u32 s22, s1;
	[sflag:s17] =	ssyncset.done $0x0  }
0xda: {  	s28 =	sor.u32 s25, s1;
	s8 =	sor.u32 s24, s26;
	[sflag:s17] =	ssyncadd.s32 $0xFFFFD000  }
0xdb: {  	s12 =	sor.u32 $0x100, s0;
	s5 =	sor.u32 s24, s28;
	v4 =	vld [tilespmem:s8+$0x100]  }
0xdc: {  	s0 =	sor.u32 s12, s1;
	v6 =	vld [tilespmem:s5+$0x100]  }
0xdd: {  	s13 =	sor.u32 s24, s0;
	v3 =	vld [tilespmem:s8+$0x18100]  }
0xde: {  	s14 =	sand.u32 $0x200, s10;
	s29 =	sor.u32 s1, s24;
	v7 =	vld [tilespmem:s13+$0x100]  }
0xdf: {  	s30 =	sadd.s32 $0x3100, s1;
	s10 =	sor.u32 s14, s29;
	v5 =	vld [tilespmem:s5+$0x18100]  }
0xe0: {  	s31 =	sor.u32 s14, s30;
	s15 =	sadd.s32 $0x4900, s1;
	s20 =	sadd.s32 s12, s30;
	v9 =	vld [tilespmem:s10+$0x100];
	v8 =	vmul.f32 $2.771281240e+01, v4  }
0xe1: {  	s23 =	sadd.s32 s22, s30;
	s1 =	sadd.s32 $0x1900, s1;
	s18 =	sor.u32 s25, s15;
	v4 =	vld [tilespmem:s13+$0x18100]  }
0xe2: {  	s21 =	sadd.s32 s12, s15;
	s11 =	sor.u32 s24, s31;
	s17 =	sor.u32 s14, s15;
	v10 =	vmul.f32 $2.771281240e+01, v6;
	v6 =	vld [tilespmem:s10+$0x18100];
	v8 =	vadd.f32 v8, v3  }
0xe3: {  	s3 =	sadd.s32 s22, s1;
	s16 =	sor.u32 s25, s30;
	s4 =	sor.u32 s24, s17;
	v12 =	vld [tilespmem:s11+$0x0]  }
0xe4: {  	s2 =	sor.u32 s25, s1;
	s0 =	sor.u32 s24, s16;
	v13 =	vmul.f32 $2.771281240e+01, v7;
	v7 =	vld [tilespmem:s4+$0x0];
	v10 =	vadd.f32 v10, v5;
	[tilespmem:s8+$0x100] =	vst v8;
	s8 =	sor.u32 s24, s3  }
0xe5: {  	s15 =	sadd.s32 s22, s15;
	s14 =	sor.u32 s14, s1;
	s1 =	sadd.s32 s12, s1;
	v9 =	vmul.f32 $2.771281240e+01, v9;
	v11 =	vld [tilespmem:s8+$0x0]  }
0xe6: {  	s22 =	sor.u32 s24, s20;
	s20 =	sor.u32 s24, s21;
	v8 =	vld [tilespmem:s0+$0x0];
	[tilespmem:s5+$0x100] =	vst v10;
	s5 =	sor.u32 s24, s18;
	v14 =	vadd.f32 v13, v4  }
0xe7: {  	s21 =	sor.u32 s24, s23;
	s23 =	sor.u32 s24, s15;
	s17 =	sor.u32 s24, s2;
	v10 =	vld [tilespmem:s5+$0x0];
	v13 =	vadd.f32 v9, v6  }
0xe8: {  	s2 =	sor.u32 s24, s14;
	s16 =	sor.u32 s24, s1;
	s15 =	simm.s32 $0x0;
	v12 =	vmul.f32 $2.771281240e+01, v12;
	v9 =	vld [tilespmem:s17+$0x0];
	[tilespmem:s13+$0x100] =	vst v14  }
.LBB2_2:
0xe9: {  	s19 =	sadd.s32 $0x4, s19;
	[tilespmem:s10+$0x100] =	vst v13;
	v7 =	vmul.f32 $2.771281240e+01, v7;
	v13 =	vld [tilespmem:s16+$0x0];
	s15 =	sadd.s32 $0x200, s15  }
0xea: {  	s1 =	sand.u32 $0x4, s19;
	p0 =	slt.u32 s19, $0x17C;
	v14 =	vld [tilespmem:s2+$0x0];
	v12 =	vadd.f32 v12, v6;
	v11 =	vmul.f32 $2.771281240e+01, v11;
	s3 =	sshll.u32 s19, $0x4  }
0xeb: {  	s13 =	sand.u32 $0x200, s15;
	s6 =	sshll.u32 s19, $0x1;
	s1 =	sshll.u32 s1, $0x7;
	v7 =	vadd.f32 v7, v6;
	v8 =	vmul.f32 $2.771281240e+01, v8;
	v15 =	vld [tilespmem:s22+$0x0]  }
0xec: {  	s29 =	sand.u32 $0x1C00, s3;
	s12 =	sand.u32 $0x70, s6;
	s14 =	sor.u32 $0x180, s1;
	[tilespmem:s11+$0x0] =	vst v12;
	v10 =	vmul.f32 $2.771281240e+01, v10;
	v12 =	vld [tilespmem:s20+$0x0];
	v11 =	vadd.f32 v11, v3  }
0xed: {  	s25 =	sor.u32 $0x80, s1;
	s26 =	sor.u32 $0x100, s1;
	s3 =	sor.u32 s14, s29;
	[tilespmem:s4+$0x0] =	vst v7;
	v7 =	vmul.f32 $2.771281240e+01, v9;
	v8 =	vadd.f32 v8, v5;
	v9 =	vld [tilespmem:s21+$0x0]  }
0xee: {  	s1 =	sor.u32 s29, s12;
	s4 =	sor.u32 s25, s29;
	s28 =	sor.u32 s12, s3;
	v10 =	vadd.f32 v10, v5;
	v13 =	vmul.f32 $2.771281240e+01, v13;
	[tilespmem:s8+$0x0] =	vst v11;
	v11 =	vld [tilespmem:s23+$0x0]  }
0xef: {  	s10 =	sor.u32 s13, s1;
	s24 =	sor.u32 s12, s4;
	s3 =	sor.u32 s26, s29;
	v16 =	vld [tilespmem:s28+$0x100];
	v14 =	vmul.f32 $2.771281240e+01, v14;
	v5 =	vadd.f32 v7, v5;
	[tilespmem:s0+$0x0] =	vst v8  }
0xf0: {  	s0 =	sadd.s32 $0x3100, s29;
	s6 =	sor.u32 s12, s3;
	s3 =	sadd.s32 $0x4900, s29;
	v7 =	vld [tilespmem:s24+$0x100];
	[tilespmem:s5+$0x0] =	vst v10;
	v8 =	vadd.f32 v13, v4;
	v10 =	vmul.f32 $2.771281240e+01, v15  }
0xf1: {  	s1 =	sor.u32 s13, s0;
	s5 =	sor.u32 s25, s0;
	s4 =	sor.u32 s13, s3;
	v13 =	vld [tilespmem:s28+$0x18100];
	v6 =	vadd.f32 v14, v6;
	[tilespmem:s17+$0x0] =	vst v5;
	v5 =	vmul.f32 $2.771281240e+01, v12  }
0xf2: {  	s8 =	sor.u32 s25, s3;
	s18 =	sadd.s32 s14, s0;
	s17 =	sadd.s32 s26, s0;
	v12 =	vld [tilespmem:s6+$0x100];
	[tilespmem:s16+$0x0] =	vst v8;
	v8 =	vadd.f32 v10, v4;
	v9 =	vmul.f32 $2.771281240e+01, v9  }
0xf3: {  	s11 =	sor.u32 s12, s1;
	s16 =	sadd.s32 s26, s3;
	s3 =	sadd.s32 s14, s3;
	v10 =	vld [tilespmem:s10+$0x100];
	[tilespmem:s2+$0x0] =	vst v6;
	v6 =	vadd.f32 v5, v4;
	v11 =	vmul.f32 $2.771281240e+01, v11  }
0xf4: {  	s4 =	sor.u32 s12, s4;
	s0 =	sor.u32 s12, s5;
	s5 =	sor.u32 s12, s8;
	v5 =	vld [tilespmem:s24+$0x18100];
	v14 =	vmul.f32 $2.771281240e+01, v16;
	[tilespmem:s22+$0x0] =	vst v8;
	v8 =	vadd.f32 v9, v3  }
0xf5: {  	s1 =	sadd.s32 $0x1900, s29;
	s22 =	sor.u32 s12, s17;
	v9 =	vmul.f32 $2.771281240e+01, v7;
	v4 =	vld [tilespmem:s6+$0x18100];
	[tilespmem:s20+$0x0] =	vst v6;
	s20 =	sor.u32 s12, s16;
	v7 =	vadd.f32 v11, v3  }
0xf6: {  	s8 =	sadd.s32 s14, s1;
	s3 =	sor.u32 s12, s3;
	v6 =	vld [tilespmem:s10+$0x18100];
	v11 =	vadd.f32 v14, v13;
	[tilespmem:s21+$0x0] =	vst v8;
	s21 =	sor.u32 s12, s18;
	v3 =	vmov v13  }
0xf7: {  	s2 =	sor.u32 s13, s1;
	s13 =	sor.u32 s25, s1;
	s1 =	sadd.s32 s26, s1;
	v14 =	vld [tilespmem:s11+$0x0];
	v12 =	vmul.f32 $2.771281240e+01, v12;
	[tilespmem:s23+$0x0] =	vst v7  }
.Ltmp0:
0xf8: {  	s8 =	sor.u32 s12, s8;
	s2 =	sor.u32 s12, s2;
	v10 =	vmul.f32 $2.771281240e+01, v10;
	v7 =	vld [tilespmem:s4+$0x0];
	[tilespmem:s28+$0x100] =	vst v11;
	(pc) =	sbr.rel @p0 .LBB2_2-.Ltmp0, $4  }
0xf9: {  	s17 =	sor.u32 s12, s13;
	s16 =	sor.u32 s12, s1;
	s23 =	smov.u32 s3;
	v9 =	vadd.f32 v9, v5;
	v11 =	vld [tilespmem:s8+$0x0]  }
0xfa: {  	v8 =	vld [tilespmem:s0+$0x0];
	v15 =	vadd.f32 v12, v4  }
0xfb: {  	v13 =	vadd.f32 v10, v6;
	[tilespmem:s24+$0x100] =	vst v9;
	v10 =	vld [tilespmem:s5+$0x0]  }
0xfc: {  	v12 =	vmul.f32 $2.771281240e+01, v14;
	v9 =	vld [tilespmem:s17+$0x0];
	[tilespmem:s6+$0x100] =	vst v15  }
0xfd: {  	_ = 	snop  }
0xfe: {  	[tilespmem:s10+$0x100] =	vst v13;
	v13 =	vld [tilespmem:s16+$0x0];
	v11 =	vmul.f32 $2.771281240e+01, v11  }
0xff: {  	v7 =	vmul.f32 $2.771281240e+01, v7;
	v14 =	vld [tilespmem:s2+$0x0];
	v12 =	vadd.f32 v12, v6  }
0x100: {  	v15 =	vld [tilespmem:s22+$0x0];
	v8 =	vmul.f32 $2.771281240e+01, v8;
	v11 =	vadd.f32 v11, v3  }
0x101: {  	v16 =	vld [tilespmem:s20+$0x0];
	v7 =	vadd.f32 v7, v6;
	[tilespmem:s11+$0x0] =	vst v12;
	v10 =	vmul.f32 $2.771281240e+01, v10  }
0x102: {  	v12 =	vld [tilespmem:s21+$0x0];
	v9 =	vmul.f32 $2.771281240e+01, v9;
	v8 =	vadd.f32 v8, v5;
	[tilespmem:s8+$0x0] =	vst v11  }
0x103: {  	[tilespmem:s4+$0x0] =	vst v7;
	v7 =	vadd.f32 v10, v5;
	v10 =	vmul.f32 $2.771281240e+01, v13;
	v11 =	vld [tilespmem:s23+$0x0]  }
0x104: {  	v13 =	vmul.f32 $2.771281240e+01, v14;
	v5 =	vadd.f32 v9, v5;
	[tilespmem:s0+$0x0] =	vst v8  }
0x105: {  	v8 =	vmul.f32 $2.771281240e+01, v15;
	[tilespmem:s5+$0x0] =	vst v7;
	v7 =	vadd.f32 v10, v4  }
0x106: {  	v6 =	vadd.f32 v13, v6;
	[tilespmem:s17+$0x0] =	vst v5;
	v5 =	vmul.f32 $2.771281240e+01, v16  }
0x107: {  	[tilespmem:s16+$0x0] =	vst v7;
	v7 =	vadd.f32 v8, v4;
	v8 =	vmul.f32 $2.771281240e+01, v12  }
0x108: {  	[tilespmem:s2+$0x0] =	vst v6;
	v4 =	vadd.f32 v5, v4;
	v5 =	vmul.f32 $2.771281240e+01, v11  }
0x109: {  	[tilespmem:s22+$0x0] =	vst v7;
	v6 =	vadd.f32 v8, v3  }
0x10a: {  	[tilespmem:s20+$0x0] =	vst v4;
	v3 =	vadd.f32 v5, v3  }
0x10b: {  	[tilespmem:s21+$0x0] =	vst v6  }
0x10c: {  	s1 =	simm.s32 $0x0;
	s24 =	simm.s32 $0x1900;
	s6 =	simm.s32 $0x0;
	[tilespmem:s23+$0x0] =	vst v3  }
0x10d: {  	s14 =	sand.u32 $0x1C00, s6;
	s22 =	simm.s32 $0x100;
	s0 =	rddreg [dreg:$0x9]  }
0x10e: {  	[hbm4b:s0+s1] =	stream.linear.scatter [tilespmem:s22], [sflag:$0x8], $0x1800, $0x38;
	[tilespmem:$0x1E100] =	vst v63  }
0x10f: {  	s26 =	simm.s32 $0x3100;
	s10 =	sor.u32 $0x6100, s14;
	s23 =	rddreg [dreg:$0xb]  }
0x110: {  	[hbm4b:s23+s1] =	stream.linear.scatter [tilespmem:s24], [sflag:$0x8], $0x1800, $0x38;
	[tilespmem:$0x1E100] =	vst v63  }
0x111: {  	s11 =	sand.u32 $0x200, s1;
	s5 =	simm.s32 $0x0;
	s25 =	rddreg [dreg:$0xc]  }
0x112: {  	[hbm4b:s25+s1] =	stream.linear.scatter [tilespmem:s26], [sflag:$0x8], $0x1800, $0x38;
	[tilespmem:$0x1E100] =	vst v63  }
0x113: {  	s4 =	simm.s32 $0x4900;
	s3 =	rddreg [dreg:$0xd];
	s0 =	sand.u32 $0x4, s5  }
0x114: {  	[hbm4b:s3+s1] =	stream.linear.scatter [tilespmem:s4], [sflag:$0x8], $0x1800, $0x38;
	[tilespmem:$0x1E100] =	vst v63  }
0x115: {  	s8 =	simm.s32 $0x0;
	s7 =	sshll.u32 s0, $0x7;
	s3 =	simm.s32 $0x5  }
0x116: {  	s0 =	sand.u32 $0x70, s8;
	s13 =	sor.u32 $0x180, s7;
	_ =	swait.ge [sflag:s3], $0x6000  }
0x117: {  	s15 =	sor.u32 s0, s14;
	s12 =	sadd.s32 s13, s10;
	[sflag:s3] =	ssyncset.done $0x0  }
0x118: {  	s5 =	sadd.s32 $0x1800, s15;
	s16 =	sor.u32 s0, s12;
	[sflag:s3] =	ssyncadd.s32 $0xFFFFA000  }
0x119: {  	s6 =	sor.u32 s11, s10;
	s8 =	sor.u32 $0x80, s7;
	s3 =	sor.u32 s13, s5;
	v4 =	vld [tilespmem:s16+$0x0]  }
0x11a: {  	s17 =	sor.u32 s0, s6;
	s19 =	sor.u32 s8, s10;
	v12 =	vld [tilespmem:s3+$0x18100]  }
0x11b: {  	s12 =	sor.u32 s0, s19;
	v6 =	vld [tilespmem:s17+$0x0]  }
0x11c: {  	s4 =	sor.u32 s11, s5;
	v7 =	vld [tilespmem:s12+$0x0]  }
0x11d: {  	s2 =	sor.u32 $0x100, s7;
	v3 =	vld [tilespmem:s4+$0x18100]  }
0x11e: {  	s20 =	sadd.s32 s2, s10;
	s6 =	sor.u32 s8, s5;
	v4 =	vmul.f32 $2.771281240e+01, v4  }
0x11f: {  	s21 =	sor.u32 s0, s20;
	v5 =	vld [tilespmem:s6+$0x18100]  }
0x120: {  	v8 =	vld [tilespmem:s21+$0x0];
	v6 =	vmul.f32 $2.771281240e+01, v6;
	v9 =	vadd.f32 v4, v12  }
0x121: {  	s5 =	sor.u32 s2, s5  }
0x122: {  	s15 =	sadd.s32 $0xA900, s14;
	v7 =	vmul.f32 $2.771281240e+01, v7;
	v4 =	vld [tilespmem:s5+$0x18100];
	v6 =	vadd.f32 v6, v3;
	[tilespmem:s16+$0x0] =	vst v9  }
0x123: {  	s22 =	sor.u32 s11, s15;
	v9 =	vld [tilespmem:s3+$0x6100]  }
0x124: {  	s18 =	sor.u32 s0, s22;
	v7 =	vadd.f32 v7, v5;
	[tilespmem:s17+$0x0] =	vst v6  }
0x125: {  	s14 =	sadd.s32 $0x9100, s14;
	s23 =	sor.u32 s8, s15;
	s24 =	sadd.s32 s2, s15;
	v8 =	vmul.f32 $2.771281240e+01, v8;
	v6 =	vld [tilespmem:s18+$0x0]  }
0x126: {  	s25 =	sadd.s32 s13, s15;
	s20 =	simm.s32 $0x4;
	s26 =	simm.s32 $0x40;
	[tilespmem:s12+$0x0] =	vst v7;
	v10 =	vld [tilespmem:s4+$0x6100]  }
0x127: {  	s19 =	simm.s32 $0x8;
	s15 =	sor.u32 s0, s23;
	s7 =	sand.u32 $0x4, s20;
	v7 =	vld [tilespmem:s6+$0x6100];
	v8 =	vadd.f32 v8, v4  }
0x128: {  	s31 =	sand.u32 $0x1C00, s26;
	s12 =	sor.u32 s0, s25;
	s16 =	sshll.u32 s7, $0x7;
	v11 =	vld [tilespmem:s15+$0x0];
	v9 =	vmul.f32 $2.771281240e+01, v9  }
0x129: {  	s19 =	sand.u32 $0x70, s19;
	s23 =	sor.u32 $0x6100, s31;
	s10 =	sor.u32 $0x180, s16;
	v14 =	vld [tilespmem:s12+$0x0];
	[tilespmem:s21+$0x0] =	vst v8  }
0x12a: {  	s1 =	sor.u32 s0, s24;
	s24 =	sor.u32 s19, s31;
	s22 =	sadd.s32 s10, s23;
	v8 =	vld [tilespmem:s5+$0x6100];
	v9 =	vadd.f32 v9, v12  }
0x12b: {  	s30 =	sadd.s32 $0x1800, s24;
	s29 =	sor.u32 s19, s22;
	s21 =	simm.s32 $0x200;
	v13 =	vld [tilespmem:s1+$0x0];
	v6 =	vmul.f32 $2.771281240e+01, v6  }
0x12c: {  	s13 =	sadd.s32 s13, s14;
	s22 =	sor.u32 s10, s30;
	v15 =	vld [tilespmem:s29+$0x0];
	s25 =	sand.u32 $0x200, s21;
	[tilespmem:s3+$0x6100] =	vst v9;
	v9 =	vmul.f32 $2.771281240e+01, v10  }
0x12d: {  	s28 =	sor.u32 $0x80, s16;
	v7 =	vmul.f32 $2.771281240e+01, v7;
	s26 =	sor.u32 s25, s23;
	v16 =	vadd.f32 v6, v3;
	v6 =	vld [tilespmem:s22+$0x18100];
	s3 =	sor.u32 s0, s13  }
0x12e: {  	s7 =	sor.u32 s28, s23;
	v11 =	vmul.f32 $2.771281240e+01, v11;
	s13 =	sor.u32 s19, s26;
	v10 =	vld [tilespmem:s3+$0x0];
	v9 =	vadd.f32 v9, v3  }
0x12f: {  	s17 =	sor.u32 s19, s7;
	s26 =	sor.u32 $0x100, s16;
	[tilespmem:s18+$0x0] =	vst v16;
	v16 =	vadd.f32 v7, v5;
	v8 =	vmul.f32 $2.771281240e+01, v8;
	v17 =	vld [tilespmem:s13+$0x0]  }
0x130: {  	v18 =	vld [tilespmem:s17+$0x0];
	v11 =	vadd.f32 v11, v5;
	s16 =	sadd.s32 s26, s23;
	s23 =	sor.u32 s25, s30;
	[tilespmem:s4+$0x6100] =	vst v9;
	v9 =	vmul.f32 $2.771281240e+01, v13  }
0x131: {  	v14 =	vmul.f32 $2.771281240e+01, v14;
	v7 =	vld [tilespmem:s23+$0x18100];
	[tilespmem:s6+$0x6100] =	vst v16;
	v8 =	vadd.f32 v8, v4;
	s4 =	sor.u32 s19, s16  }
0x132: {  	s24 =	sor.u32 s28, s30;
	v15 =	vmul.f32 $2.771281240e+01, v15;
	[tilespmem:s15+$0x0] =	vst v11;
	v13 =	vld [tilespmem:s4+$0x0];
	v16 =	vadd.f32 v9, v4  }
0x133: {  	v14 =	vadd.f32 v14, v12;
	s18 =	sor.u32 s11, s14;
	[tilespmem:s5+$0x6100] =	vst v8;
	s5 =	sor.u32 s26, s30;
	v9 =	vld [tilespmem:s24+$0x18100]  }
0x134: {  	s8 =	sor.u32 s8, s14;
	v15 =	vadd.f32 v15, v6;
	s15 =	sor.u32 s0, s18;
	v17 =	vmul.f32 $2.771281240e+01, v17;
	v8 =	vld [tilespmem:s5+$0x18100];
	[tilespmem:s1+$0x0] =	vst v16;
	v16 =	vmul.f32 $2.771281240e+01, v10  }
0x135: {  	[tilespmem:s12+$0x0] =	vst v14;
	s16 =	sor.u32 s0, s8;
	v11 =	vld [tilespmem:s15+$0x0]  }
0x136: {  	s7 =	sadd.s32 s2, s14;
	s8 =	sadd.s32 $0xA900, s31;
	[tilespmem:s29+$0x0] =	vst v15;
	v10 =	vld [tilespmem:s16+$0x0];
	v15 =	vadd.f32 v17, v7;
	v14 =	vadd.f32 v16, v12;
	v16 =	vmul.f32 $2.771281240e+01, v18  }
0x137: {  	s0 =	sor.u32 s0, s7;
	s11 =	sor.u32 s25, s8;
	s12 =	sor.u32 s28, s8;
	v17 =	vmul.f32 $2.771281240e+01, v13;
	v13 =	vld [tilespmem:s22+$0x6100]  }
0x138: {  	s14 =	sadd.s32 s26, s8;
	s18 =	sadd.s32 s10, s8;
	s11 =	sor.u32 s19, s11;
	[tilespmem:s13+$0x0] =	vst v15;
	v12 =	vld [tilespmem:s0+$0x0];
	v16 =	vadd.f32 v16, v9  }
0x139: {  	s2 =	sor.u32 s19, s12;
	s30 =	sor.u32 s19, s14;
	s29 =	sor.u32 s19, s18;
	[tilespmem:s3+$0x0] =	vst v14;
	v14 =	vld [tilespmem:s11+$0x0];
	v15 =	vadd.f32 v17, v8  }
.LBB2_4:
0x13a: {  	s20 =	sadd.s32 $0x4, s20;
	v17 =	vld [tilespmem:s23+$0x6100];
	[tilespmem:s17+$0x0] =	vst v16;
	s21 =	sadd.s32 $0x200, s21;
	v11 =	vmul.f32 $2.771281240e+01, v11  }
0x13b: {  	s1 =	sshll.u32 s20, $0x4;
	s3 =	sand.u32 $0x4, s20;
	p0 =	slt.u32 s20, $0x17C;
	v16 =	vld [tilespmem:s24+$0x6100];
	[tilespmem:s4+$0x0] =	vst v15;
	v10 =	vmul.f32 $2.771281240e+01, v10  }
0x13c: {  	s8 =	sand.u32 $0x200, s21;
	s13 =	sand.u32 $0x1C00, s1;
	s1 =	sshll.u32 s3, $0x7;
	v15 =	vld [tilespmem:s5+$0x6100];
	v13 =	vmul.f32 $2.771281240e+01, v13;
	v11 =	vadd.f32 v11, v3;
	v3 =	vmov v7  }
0x13d: {  	s3 =	sshll.u32 s20, $0x1;
	s4 =	sor.u32 $0x6100, s13;
	s12 =	sor.u32 $0x180, s1;
	v7 =	vld [tilespmem:s2+$0x0];
	v10 =	vadd.f32 v10, v5;
	v12 =	vmul.f32 $2.771281240e+01, v12;
	v5 =	vmov v9  }
0x13e: {  	s14 =	sand.u32 $0x70, s3;
	s3 =	sadd.s32 $0x9100, s31;
	s6 =	sadd.s32 s12, s4;
	v9 =	vmul.f32 $2.771281240e+01, v14;
	v14 =	vld [tilespmem:s30+$0x0];
	v13 =	vadd.f32 v13, v6;
	[tilespmem:s15+$0x0] =	vst v11  }
0x13f: {  	s15 =	sor.u32 s14, s13;
	s10 =	sadd.s32 s10, s3;
	s31 =	sor.u32 s14, s6;
	v11 =	vmul.f32 $2.771281240e+01, v17;
	v17 =	vld [tilespmem:s29+$0x0];
	[tilespmem:s16+$0x0] =	vst v10;
	v10 =	vadd.f32 v12, v4;
	v4 =	vmov v8  }
0x140: {  	s15 =	sadd.s32 $0x1800, s15;
	s6 =	sor.u32 $0x80, s1;
	s10 =	sor.u32 s19, s10;
	v8 =	vld [tilespmem:s31+$0x0];
	v9 =	vadd.f32 v9, v3;
	v12 =	vmul.f32 $2.771281240e+01, v16;
	[tilespmem:s22+$0x6100] =	vst v13  }
0x141: {  	s18 =	sor.u32 $0x100, s1;
	s16 =	sor.u32 s8, s4;
	s22 =	sor.u32 s12, s15;
	v11 =	vadd.f32 v11, v3;
	v13 =	vmul.f32 $2.771281240e+01, v15;
	v15 =	vld [tilespmem:s10+$0x0];
	[tilespmem:s0+$0x0] =	vst v10  }
0x142: {  	s1 =	sor.u32 s14, s16;
	s0 =	sor.u32 s6, s4;
	s4 =	sadd.s32 s18, s4;
	v10 =	vld [tilespmem:s22+$0x18100];
	[tilespmem:s11+$0x0] =	vst v9;
	v9 =	vadd.f32 v12, v5;
	v7 =	vmul.f32 $2.771281240e+01, v7  }
0x143: {  	s17 =	sor.u32 s14, s0;
	s4 =	sor.u32 s14, s4;
	v12 =	vld [tilespmem:s1+$0x0];
	[tilespmem:s23+$0x6100] =	vst v11;
	s23 =	sor.u32 s8, s15;
	v11 =	vadd.f32 v13, v4;
	v13 =	vmul.f32 $2.771281240e+01, v14  }
0x144: {  	s7 =	sor.u32 s18, s15;
	s0 =	sadd.s32 $0xA900, s13;
	v14 =	vld [tilespmem:s17+$0x0];
	[tilespmem:s24+$0x6100] =	vst v9;
	s24 =	sor.u32 s6, s15;
	v9 =	vadd.f32 v7, v5;
	v16 =	vmul.f32 $2.771281240e+01, v17  }
0x145: {  	s16 =	sor.u32 s28, s3;
	s11 =	sor.u32 s8, s0;
	s15 =	sor.u32 s25, s3;
	v17 =	vld [tilespmem:s4+$0x0];
	v8 =	vmul.f32 $2.771281240e+01, v8;
	[tilespmem:s5+$0x6100] =	vst v11;
	v11 =	vadd.f32 v13, v4  }
0x146: {  	s25 =	sadd.s32 s18, s0;
	s3 =	sadd.s32 s26, s3;
	s5 =	sor.u32 s6, s0;
	v7 =	vld [tilespmem:s23+$0x18100];
	[tilespmem:s2+$0x0] =	vst v9;
	v13 =	vmul.f32 $2.771281240e+01, v15;
	v15 =	vadd.f32 v16, v6  }
0x147: {  	s11 =	sor.u32 s14, s11;
	s26 =	sadd.s32 s12, s0;
	s15 =	sor.u32 s19, s15;
	v9 =	vld [tilespmem:s24+$0x18100];
	v16 =	vadd.f32 v8, v10;
	[tilespmem:s30+$0x0] =	vst v11  }
0x148: {  	s16 =	sor.u32 s19, s16;
	s0 =	sor.u32 s19, s3;
	s2 =	sor.u32 s14, s5;
	v12 =	vmul.f32 $2.771281240e+01, v12;
	v8 =	vld [tilespmem:s7+$0x18100];
	v13 =	vadd.f32 v13, v6;
	[tilespmem:s29+$0x0] =	vst v15;
	v6 =	vmov v10  }
.Ltmp1:
0x149: {  	s30 =	sor.u32 s14, s25;
	s29 =	sor.u32 s14, s26;
	v14 =	vmul.f32 $2.771281240e+01, v14;
	[tilespmem:s31+$0x0] =	vst v16;
	v11 =	vld [tilespmem:s15+$0x0];
	(pc) =	sbr.rel @p0 .LBB2_4-.Ltmp1, $4  }
0x14a: {  	s25 =	smov.u32 s8;
	s31 =	smov.u32 s13;
	v15 =	vmul.f32 $2.771281240e+01, v17;
	v10 =	vld [tilespmem:s16+$0x0];
	[tilespmem:s10+$0x0] =	vst v13;
	s10 =	smov.u32 s12  }
0x14b: {  	s28 =	smov.u32 s6;
	s19 =	smov.u32 s14;
	s26 =	smov.u32 s18;
	v17 =	vadd.f32 v12, v7;
	v13 =	vld [tilespmem:s22+$0x6100]  }
0x14c: {  	s5 =	smov.u32 s7;
	v16 =	vadd.f32 v14, v9;
	v12 =	vld [tilespmem:s0+$0x0]  }
0x14d: {  	[tilespmem:s1+$0x0] =	vst v17;
	v14 =	vld [tilespmem:s11+$0x0];
	v15 =	vadd.f32 v15, v8  }
0x14e: {  	v17 =	vld [tilespmem:s23+$0x6100];
	[tilespmem:s17+$0x0] =	vst v16  }
0x14f: {  	v16 =	vld [tilespmem:s24+$0x6100];
	[tilespmem:s4+$0x0] =	vst v15  }
0x150: {  	v15 =	vld [tilespmem:s5+$0x6100]  }
0x151: {  	v18 =	vld [tilespmem:s2+$0x0];
	v13 =	vmul.f32 $2.771281240e+01, v13  }
0x152: {  	v19 =	vld [tilespmem:s30+$0x0];
	v14 =	vmul.f32 $2.771281240e+01, v14  }
0x153: {  	v13 =	vadd.f32 v13, v6;
	v17 =	vmul.f32 $2.771281240e+01, v17  }
0x154: {  	v14 =	vadd.f32 v14, v7;
	v16 =	vmul.f32 $2.771281240e+01, v16  }
0x155: {  	v20 =	vld [tilespmem:s29+$0x0];
	[tilespmem:s22+$0x6100] =	vst v13;
	v13 =	vadd.f32 v17, v7;
	v15 =	vmul.f32 $2.771281240e+01, v15  }
0x156: {  	s1 =	sadd.s32 $0x9100, s31;
	v62 =	vmul.f32 $2.771281240e+01, v18;
	[tilespmem:s11+$0x0] =	vst v14;
	v14 =	vadd.f32 v16, v9  }
0x157: {  	s3 =	sadd.s32 s10, s1;
	[tilespmem:s23+$0x6100] =	vst v13;
	v13 =	vadd.f32 v15, v8;
	v15 =	vmul.f32 $2.771281240e+01, v19  }
0x158: {  	s18 =	sor.u32 s25, s1;
	s3 =	sor.u32 s19, s3;
	[tilespmem:s24+$0x6100] =	vst v14;
	v14 =	vadd.f32 v62, v9  }
0x159: {  	s6 =	sor.u32 s28, s1;
	s4 =	sor.u32 s19, s18;
	v63 =	vld [tilespmem:s3+$0x0];
	[tilespmem:s5+$0x6100] =	vst v13;
	v13 =	vadd.f32 v15, v8  }
0x15a: {  	v11 =	vmul.f32 $2.771281240e+01, v11;
	s1 =	sadd.s32 s26, s1;
	s20 =	sor.u32 s19, s6;
	[tilespmem:s2+$0x0] =	vst v14;
	v14 =	vld [tilespmem:s4+$0x0]  }
0x15b: {  	v10 =	vmul.f32 $2.771281240e+01, v10;
	s1 =	sor.u32 s19, s1;
	[tilespmem:s30+$0x0] =	vst v13;
	v13 =	vld [tilespmem:s20+$0x0]  }
0x15c: {  	v3 =	vadd.f32 v11, v3;
	v11 =	vmul.f32 $2.771281240e+01, v12;
	v12 =	vld [tilespmem:s1+$0x0]  }
0x15d: {  	v5 =	vadd.f32 v10, v5;
	v10 =	vmul.f32 $2.771281240e+01, v20  }
0x15e: {  	[tilespmem:s15+$0x0] =	vst v3;
	v3 =	vadd.f32 v11, v4;
	v4 =	vmul.f32 $2.771281240e+01, v63  }
0x15f: {  	[tilespmem:s16+$0x0] =	vst v5;
	v5 =	vadd.f32 v10, v6;
	v10 =	vmul.f32 $2.771281240e+01, v14  }
0x160: {  	[tilespmem:s0+$0x0] =	vst v3;
	v3 =	vadd.f32 v4, v6;
	v4 =	vmul.f32 $2.771281240e+01, v13  }
0x161: {  	[tilespmem:s29+$0x0] =	vst v5;
	v5 =	vadd.f32 v10, v7;
	v6 =	vmul.f32 $2.771281240e+01, v12  }
0x162: {  	[tilespmem:s3+$0x0] =	vst v3;
	v3 =	vadd.f32 v4, v9  }
0x163: {  	[tilespmem:s4+$0x0] =	vst v5;
	v4 =	vadd.f32 v6, v8  }
0x164: {  	[tilespmem:s20+$0x0] =	vst v3  }
0x165: {  	[tilespmem:s1+$0x0] =	vst v4  }
0x166: {  	s19 =	simm.s32 $0x0;
	s0 =	rddreg [dreg:$0xe]  }
0x167: {  	[tilespmem:s9], [sflag:$0x2] =	stream.linear.gather [hbm4b:s0+s19], $0x3000, $0x38;
	[tilespmem:$0x1E100] =	vst v63  }
0x168: {  	s22 =	simm.s32 $0x6100;
	s21 =	rddreg [dreg:$0xf]  }
0x169: {  	[hbm4b:s21+s19] =	stream.linear.scatter [tilespmem:s22], [sflag:$0x9], $0x1800, $0x38;
	[tilespmem:$0x1E100] =	vst v63  }
0x16a: {  	s24 =	simm.s32 $0x7900;
	s23 =	rddreg [dreg:$0x10]  }
0x16b: {  	[hbm4b:s23+s19] =	stream.linear.scatter [tilespmem:s24], [sflag:$0x9], $0x1800, $0x38;
	[tilespmem:$0x1E100] =	vst v63  }
0x16c: {  	s31 =	simm.s32 $0x3;
	s26 =	simm.s32 $0x9100;
	s25 =	rddreg [dreg:$0x11]  }
0x16d: {  	[hbm4b:s25+s19] =	stream.linear.scatter [tilespmem:s26], [sflag:$0x9], $0x1800, $0x38;
	[tilespmem:$0x1E100] =	vst v63  }
0x16e: {  	s29 =	simm.s32 $0xA900;
	s30 =	simm.s32 $0x6;
	s28 =	rddreg [dreg:$0x12]  }
0x16f: {  	[hbm4b:s28+s19] =	stream.linear.scatter [tilespmem:s29], [sflag:$0x9], $0x1800, $0x38;
	[tilespmem:$0x1E100] =	vst v63  }
0x170: {  	s3 =	simm.s32 $0x0;
	s20 =	simm.s32 $0x0;
	_ =	swait.ge [sflag:s30], $0x6000  }
0x171: {  	s4 =	simm.s32 $0x0;
	s2 =	sand.u32 $0x4, s20;
	[sflag:s30] =	ssyncset.done $0x0  }
0x172: {  	s1 =	sand.u32 $0x1C00, s3;
	s0 =	sshll.u32 s2, $0x7;
	[sflag:s30] =	ssyncadd.s32 $0xFFFFA000  }
0x173: {  	s9 =	sand.u32 $0x70, s4;
	s6 =	sor.u32 $0x180, s0;
	_ =	swait.ge [sflag:s31], $0x3000  }
0x174: {  	s17 =	sor.u32 $0x80, s0;
	s21 =	sor.u32 s6, s1;
	[sflag:s31] =	ssyncset.done $0x0  }
0x175: {  	s22 =	sor.u32 s17, s1;
	s7 =	sor.u32 s9, s21;
	[sflag:s31] =	ssyncadd.s32 $0xFFFFD000  }
0x176: {  	s12 =	sor.u32 $0x100, s0;
	s5 =	sor.u32 s9, s22;
	v4 =	vld [tilespmem:s7+$0xC100]  }
0x177: {  	s0 =	sor.u32 s12, s1;
	v6 =	vld [tilespmem:s5+$0xC100]  }
0x178: {  	s13 =	sor.u32 s9, s0;
	v3 =	vld [tilespmem:s7+$0x1B100]  }
0x179: {  	s8 =	sand.u32 $0x200, s19;
	s23 =	sor.u32 s1, s9;
	v7 =	vld [tilespmem:s13+$0xC100]  }
0x17a: {  	s24 =	sadd.s32 $0xF100, s1;
	s10 =	sor.u32 s8, s23;
	v5 =	vld [tilespmem:s5+$0x1B100]  }
0x17b: {  	s25 =	sor.u32 s8, s24;
	v9 =	vld [tilespmem:s10+$0xC100]  }
0x17c: {  	s14 =	sadd.s32 $0x10900, s1;
	s11 =	sor.u32 s9, s25;
	v8 =	vmul.f32 $2.771281240e+01, v4;
	v4 =	vld [tilespmem:s13+$0x1B100]  }
0x17d: {  	s21 =	sadd.s32 s12, s14;
	s28 =	sor.u32 s8, s14;
	v12 =	vld [tilespmem:s11+$0x0];
	v10 =	vmul.f32 $2.771281240e+01, v6  }
0x17e: {  	s1 =	sadd.s32 $0xD900, s1;
	s26 =	sor.u32 s17, s24;
	s4 =	sor.u32 s9, s28;
	v6 =	vld [tilespmem:s10+$0x1B100];
	v8 =	vadd.f32 v8, v3  }
0x17f: {  	s22 =	sor.u32 s9, s21;
	s3 =	sadd.s32 s6, s1;
	s0 =	sor.u32 s9, s26;
	v13 =	vmul.f32 $2.771281240e+01, v7;
	v7 =	vld [tilespmem:s4+$0x0];
	v10 =	vadd.f32 v10, v5  }
0x180: {  	s18 =	sadd.s32 s12, s24;
	s31 =	sor.u32 s8, s1;
	s8 =	sor.u32 s9, s3;
	[tilespmem:s7+$0xC100] =	vst v8;
	v8 =	vld [tilespmem:s0+$0x0]  }
0x181: {  	s2 =	sor.u32 s17, s1;
	s23 =	sor.u32 s9, s18;
	s29 =	sor.u32 s17, s14;
	[tilespmem:s5+$0xC100] =	vst v10;
	v10 =	vmul.f32 $2.771281240e+01, v9;
	v11 =	vld [tilespmem:s8+$0x0];
	v13 =	vadd.f32 v13, v4  }
0x182: {  	s16 =	sor.u32 s9, s2;
	s14 =	sadd.s32 s6, s14;
	s5 =	sor.u32 s9, s29  }
0x183: {  	s30 =	sadd.s32 s6, s24;
	s24 =	sor.u32 s9, s14;
	s1 =	sadd.s32 s12, s1;
	v9 =	vld [tilespmem:s5+$0x0];
	[tilespmem:s13+$0xC100] =	vst v13;
	v13 =	vadd.f32 v10, v6  }
0x184: {  	s21 =	sor.u32 s9, s30;
	s2 =	sor.u32 s9, s31;
	s15 =	sor.u32 s9, s1;
	v12 =	vmul.f32 $2.771281240e+01, v12;
	v10 =	vld [tilespmem:s16+$0x0]  }
.LBB2_6:
0x185: {  	s20 =	sadd.s32 $0x4, s20;
	[tilespmem:s10+$0xC100] =	vst v13;
	v7 =	vmul.f32 $2.771281240e+01, v7;
	v13 =	vld [tilespmem:s15+$0x0];
	s19 =	sadd.s32 $0x200, s19  }
0x186: {  	s1 =	sand.u32 $0x4, s20;
	p0 =	slt.u32 s20, $0x17C;
	v14 =	vld [tilespmem:s2+$0x0];
	v12 =	vadd.f32 v12, v6;
	v11 =	vmul.f32 $2.771281240e+01, v11;
	s3 =	sshll.u32 s20, $0x4  }
0x187: {  	s13 =	sand.u32 $0x200, s19;
	s6 =	sshll.u32 s20, $0x1;
	s1 =	sshll.u32 s1, $0x7;
	v7 =	vadd.f32 v7, v6;
	v8 =	vmul.f32 $2.771281240e+01, v8;
	v15 =	vld [tilespmem:s23+$0x0]  }
0x188: {  	s18 =	sand.u32 $0x1C00, s3;
	s12 =	sand.u32 $0x70, s6;
	s14 =	sor.u32 $0x180, s1;
	[tilespmem:s11+$0x0] =	vst v12;
	v9 =	vmul.f32 $2.771281240e+01, v9;
	v12 =	vld [tilespmem:s22+$0x0];
	v11 =	vadd.f32 v11, v3  }
0x189: {  	s25 =	sor.u32 $0x80, s1;
	s26 =	sor.u32 $0x100, s1;
	s3 =	sor.u32 s14, s18;
	[tilespmem:s4+$0x0] =	vst v7;
	v7 =	vmul.f32 $2.771281240e+01, v10;
	v8 =	vadd.f32 v8, v5;
	v10 =	vld [tilespmem:s21+$0x0]  }
0x18a: {  	s1 =	sor.u32 s18, s12;
	s4 =	sor.u32 s25, s18;
	s28 =	sor.u32 s12, s3;
	v9 =	vadd.f32 v9, v5;
	v13 =	vmul.f32 $2.771281240e+01, v13;
	[tilespmem:s8+$0x0] =	vst v11;
	v11 =	vld [tilespmem:s24+$0x0]  }
0x18b: {  	s10 =	sor.u32 s13, s1;
	s6 =	sor.u32 s12, s4;
	s3 =	sor.u32 s26, s18;
	v16 =	vld [tilespmem:s28+$0xC100];
	v14 =	vmul.f32 $2.771281240e+01, v14;
	v5 =	vadd.f32 v7, v5;
	[tilespmem:s0+$0x0] =	vst v8  }
0x18c: {  	s0 =	sadd.s32 $0xF100, s18;
	s17 =	sor.u32 s12, s3;
	s3 =	sadd.s32 $0x10900, s18;
	v7 =	vld [tilespmem:s6+$0xC100];
	[tilespmem:s5+$0x0] =	vst v9;
	v8 =	vadd.f32 v13, v4;
	v9 =	vmul.f32 $2.771281240e+01, v15  }
0x18d: {  	s1 =	sor.u32 s13, s0;
	s5 =	sor.u32 s25, s0;
	s4 =	sor.u32 s13, s3;
	v13 =	vld [tilespmem:s28+$0x1B100];
	v6 =	vadd.f32 v14, v6;
	[tilespmem:s16+$0x0] =	vst v5;
	v5 =	vmul.f32 $2.771281240e+01, v12  }
0x18e: {  	s7 =	sor.u32 s25, s3;
	s8 =	sadd.s32 s26, s0;
	s16 =	sadd.s32 s14, s0;
	v12 =	vld [tilespmem:s17+$0xC100];
	[tilespmem:s15+$0x0] =	vst v8;
	v8 =	vadd.f32 v9, v4;
	v9 =	vmul.f32 $2.771281240e+01, v10  }
0x18f: {  	s11 =	sor.u32 s12, s1;
	s15 =	sadd.s32 s26, s3;
	s3 =	sadd.s32 s14, s3;
	v10 =	vld [tilespmem:s10+$0xC100];
	[tilespmem:s2+$0x0] =	vst v6;
	v6 =	vadd.f32 v5, v4;
	v11 =	vmul.f32 $2.771281240e+01, v11  }
0x190: {  	s4 =	sor.u32 s12, s4;
	s0 =	sor.u32 s12, s5;
	s5 =	sor.u32 s12, s7;
	v5 =	vld [tilespmem:s6+$0x1B100];
	v14 =	vmul.f32 $2.771281240e+01, v16;
	[tilespmem:s23+$0x0] =	vst v8;
	v8 =	vadd.f32 v9, v3  }
0x191: {  	s1 =	sadd.s32 $0xD900, s18;
	s23 =	sor.u32 s12, s8;
	v9 =	vmul.f32 $2.771281240e+01, v7;
	v4 =	vld [tilespmem:s17+$0x1B100];
	[tilespmem:s22+$0x0] =	vst v6;
	s22 =	sor.u32 s12, s15;
	v7 =	vadd.f32 v11, v3  }
0x192: {  	s3 =	sor.u32 s12, s3;
	s2 =	sor.u32 s13, s1;
	v6 =	vld [tilespmem:s10+$0x1B100];
	v11 =	vadd.f32 v14, v13;
	[tilespmem:s21+$0x0] =	vst v8;
	s21 =	sor.u32 s12, s16;
	v3 =	vmov v13  }
0x193: {  	s7 =	sor.u32 s25, s1;
	s8 =	sadd.s32 s14, s1;
	s2 =	sor.u32 s12, s2;
	v14 =	vld [tilespmem:s11+$0x0];
	v12 =	vmul.f32 $2.771281240e+01, v12;
	[tilespmem:s24+$0x0] =	vst v7  }
.Ltmp2:
0x194: {  	s1 =	sadd.s32 s26, s1;
	s8 =	sor.u32 s12, s8;
	v10 =	vmul.f32 $2.771281240e+01, v10;
	v7 =	vld [tilespmem:s4+$0x0];
	[tilespmem:s28+$0xC100] =	vst v11;
	(pc) =	sbr.rel @p0 .LBB2_6-.Ltmp2, $4  }
0x195: {  	s15 =	sor.u32 s12, s1;
	s16 =	sor.u32 s12, s7;
	s24 =	smov.u32 s3;
	v9 =	vadd.f32 v9, v5;
	v11 =	vld [tilespmem:s8+$0x0]  }
0x196: {  	v8 =	vld [tilespmem:s0+$0x0];
	v15 =	vadd.f32 v12, v4  }
0x197: {  	v13 =	vadd.f32 v10, v6;
	[tilespmem:s6+$0xC100] =	vst v9;
	v9 =	vld [tilespmem:s5+$0x0]  }
0x198: {  	v12 =	vmul.f32 $2.771281240e+01, v14;
	v10 =	vld [tilespmem:s16+$0x0];
	[tilespmem:s17+$0xC100] =	vst v15  }
0x199: {  	_ = 	snop  }
0x19a: {  	[tilespmem:s10+$0xC100] =	vst v13;
	v13 =	vld [tilespmem:s15+$0x0];
	v11 =	vmul.f32 $2.771281240e+01, v11  }
0x19b: {  	v7 =	vmul.f32 $2.771281240e+01, v7;
	v14 =	vld [tilespmem:s2+$0x0];
	v12 =	vadd.f32 v12, v6  }
0x19c: {  	v15 =	vld [tilespmem:s23+$0x0];
	v8 =	vmul.f32 $2.771281240e+01, v8;
	v11 =	vadd.f32 v11, v3  }
0x19d: {  	v16 =	vld [tilespmem:s22+$0x0];
	v7 =	vadd.f32 v7, v6;
	[tilespmem:s11+$0x0] =	vst v12;
	v9 =	vmul.f32 $2.771281240e+01, v9  }
0x19e: {  	v12 =	vld [tilespmem:s21+$0x0];
	v10 =	vmul.f32 $2.771281240e+01, v10;
	v8 =	vadd.f32 v8, v5;
	[tilespmem:s8+$0x0] =	vst v11  }
0x19f: {  	[tilespmem:s4+$0x0] =	vst v7;
	v7 =	vadd.f32 v9, v5;
	v9 =	vmul.f32 $2.771281240e+01, v13;
	v11 =	vld [tilespmem:s24+$0x0]  }
0x1a0: {  	v13 =	vmul.f32 $2.771281240e+01, v14;
	v5 =	vadd.f32 v10, v5;
	[tilespmem:s0+$0x0] =	vst v8  }
0x1a1: {  	v8 =	vmul.f32 $2.771281240e+01, v15;
	[tilespmem:s5+$0x0] =	vst v7;
	v7 =	vadd.f32 v9, v4  }
0x1a2: {  	v6 =	vadd.f32 v13, v6;
	[tilespmem:s16+$0x0] =	vst v5;
	v5 =	vmul.f32 $2.771281240e+01, v16  }
0x1a3: {  	[tilespmem:s15+$0x0] =	vst v7;
	v7 =	vadd.f32 v8, v4;
	v8 =	vmul.f32 $2.771281240e+01, v12  }
0x1a4: {  	[tilespmem:s2+$0x0] =	vst v6;
	v4 =	vadd.f32 v5, v4;
	v5 =	vmul.f32 $2.771281240e+01, v11  }
0x1a5: {  	[tilespmem:s23+$0x0] =	vst v7;
	v6 =	vadd.f32 v8, v3  }
0x1a6: {  	[tilespmem:s22+$0x0] =	vst v4;
	v3 =	vadd.f32 v5, v3  }
0x1a7: {  	[tilespmem:s21+$0x0] =	vst v6  }
0x1a8: {  	[tilespmem:s24+$0x0] =	vst v3  }
0x1a9: {  	s1 =	simm.s32 $0x0;
	s14 =	simm.s32 $0xC100;
	s0 =	rddreg [dreg:$0x13]  }
0x1aa: {  	[hbm4b:s0+s1] =	stream.linear.scatter [tilespmem:s14], [sflag:$0xA], $0x1800, $0x38;
	[tilespmem:$0x1E100] =	vst v63  }
0x1ab: {  	s16 =	simm.s32 $0xD900;
	s15 =	rddreg [dreg:$0x1b]  }
0x1ac: {  	[hbm4b:s15+s1] =	stream.linear.scatter [tilespmem:s16], [sflag:$0xA], $0x1800, $0x38;
	[tilespmem:$0x1E100] =	vst v63  }
0x1ad: {  	s18 =	simm.s32 $0xF100;
	s17 =	rddreg [dreg:$0x1c]  }
0x1ae: {  	[hbm4b:s17+s1] =	stream.linear.scatter [tilespmem:s18], [sflag:$0xA], $0x1800, $0x38;
	[tilespmem:$0x1E100] =	vst v63  }
0x1af: {  	s20 =	simm.s32 $0x10900;
	s21 =	simm.s32 $0x8;
	s19 =	rddreg [dreg:$0x1d]  }
0x1b0: {  	[hbm4b:s19+s1] =	stream.linear.scatter [tilespmem:s20], [sflag:$0xA], $0x1800, $0x38;
	[tilespmem:$0x1E100] =	vst v63  }
0x1b1: {  	_ =	swait.ge [sflag:s21], $0x1800  }
0x1b2: {  	[sflag:s21] =	ssyncset.done $0x0  }
0x1b3: {  	[sflag:s21] =	ssyncadd.s32 $0xFFFFE800  }
0x1b4: {  	_ =	swait.ge [sflag:s21], $0x1800  }
0x1b5: {  	[sflag:s21] =	ssyncset.done $0x0  }
0x1b6: {  	[sflag:s21] =	ssyncadd.s32 $0xFFFFE800  }
0x1b7: {  	_ =	swait.ge [sflag:s21], $0x1800  }
0x1b8: {  	[sflag:s21] =	ssyncset.done $0x0  }
0x1b9: {  	[sflag:s21] =	ssyncadd.s32 $0xFFFFE800  }
0x1ba: {  	_ =	swait.ge [sflag:s21], $0x1800  }
0x1bb: {  	[sflag:s21] =	ssyncset.done $0x0  }
0x1bc: {  	[sflag:s21] =	ssyncadd.s32 $0xFFFFE800  }
0x1bd: {  	v3 =	vld [tilespmem:$0x80];
	_ =	sdelay $0x4  }
0x1be: {  	v4 =	vshrl.u32 v3, $0x3  }
0x1bf: {  	v4 =	vmul.u32 $0x30, v4  }
0x1c0: {  	v3 =	vand.u32 $0x7, v3  }
0x1c1: {  	v3 =	vor.u32 v3, v4  }
0x1c2: {  	v4 =	vperm.xlane v3, v0;
	_ =	sdelay $0x1  }
0x1c3: {  	v4 =	vadd.s32 v1, v4;
	_ =	sdelay $0x3  }
0x1c4: {  	s22 =	simm.s32 $0x100;
	s0 =	rddreg [dreg:$0x1];
	v3 =	vperm.xlane v3, v2  }
0x1c5: {  	[tilespmem:s22], [sflag:$0x4] =	stream.indirect_vreg.gather [hbm4b:s0+s1], $0x80, v4, vm0, $0xb8;
	[tilespmem:$0x1E100] =	vst v63  }
0x1c6: {  	s3 =	simm.s32 $0x900;
	s23 =	rddreg [dreg:$0x8];
	v3 =	vadd.s32 v1, v3  }
0x1c7: {  	[tilespmem:s3], [sflag:$0x4] =	stream.indirect_vreg.gather [hbm4b:s23+s1], $0x80, v4, vm0, $0xb8;
	[tilespmem:$0x1E100] =	vst v63  }
0x1c8: {  	s25 =	simm.s32 $0x1100;
	s24 =	rddreg [dreg:$0xa]  }
0x1c9: {  	[tilespmem:s25], [sflag:$0x4] =	stream.indirect_vreg.gather [hbm4b:s24+s1], $0x80, v4, vm0, $0xb8;
	[tilespmem:$0x1E100] =	vst v63  }
0x1ca: {  	s26 =	simm.s32 $0x1900  }
0x1cb: {  	[tilespmem:s26], [sflag:$0x4] =	stream.indirect_vreg.gather [hbm4b:s0+s1], $0x80, v3, vm0, $0xb8;
	[tilespmem:$0x1E100] =	vst v63  }
0x1cc: {  	s5 =	simm.s32 $0x2100  }
0x1cd: {  	[tilespmem:s5], [sflag:$0x4] =	stream.indirect_vreg.gather [hbm4b:s23+s1], $0x80, v3, vm0, $0xb8;
	[tilespmem:$0x1E100] =	vst v63  }
0x1ce: {  	s6 =	simm.s32 $0x2900  }
0x1cf: {  	[tilespmem:s6], [sflag:$0x4] =	stream.indirect_vreg.gather [hbm4b:s24+s1], $0x80, v3, vm0, $0xb8;
	[tilespmem:$0x1E100] =	vst v63  }
0x1d0: {  	v3 =	vld [tilespmem:$0x90];
	_ =	sdelay $0x4  }
0x1d1: {  	v4 =	vshrl.u32 v3, $0x3  }
0x1d2: {  	v4 =	vmul.u32 $0x30, v4  }
0x1d3: {  	v3 =	vand.u32 $0x7, v3  }
0x1d4: {  	v3 =	vor.u32 v3, v4  }
0x1d5: {  	v4 =	vperm.xlane v3, v0;
	_ =	sdelay $0x1  }
0x1d6: {  	v4 =	vadd.s32 v1, v4;
	_ =	sdelay $0x3  }
0x1d7: {  	s7 =	simm.s32 $0x3100;
	v3 =	vperm.xlane v3, v2  }
0x1d8: {  	[tilespmem:s7], [sflag:$0x4] =	stream.indirect_vreg.gather [hbm4b:s0+s1], $0x80, v4, vm0, $0xb8;
	[tilespmem:$0x1E100] =	vst v63  }
0x1d9: {  	s9 =	simm.s32 $0x4100;
	s8 =	simm.s32 $0x3900;
	v3 =	vadd.s32 v1, v3  }
0x1da: {  	[tilespmem:s8], [sflag:$0x4] =	stream.indirect_vreg.gather [hbm4b:s23+s1], $0x80, v4, vm0, $0xb8;
	[tilespmem:$0x1E100] =	vst v63  }
0x1db: {  	s10 =	simm.s32 $0x4900;
	s12 =	simm.s32 $0x5900;
	s13 =	simm.s32 $0x7  }
0x1dc: {  	[tilespmem:s9], [sflag:$0x4] =	stream.indirect_vreg.gather [hbm4b:s24+s1], $0x80, v4, vm0, $0xb8;
	[tilespmem:$0x1E100] =	vst v63  }
0x1dd: {  	s11 =	simm.s32 $0x5100;
	s14 =	simm.s32 $0x0;
	s15 =	simm.s32 $0x0  }
0x1de: {  	[tilespmem:s10], [sflag:$0x4] =	stream.indirect_vreg.gather [hbm4b:s0+s1], $0x80, v3, vm0, $0xb8;
	[tilespmem:$0x1E100] =	vst v63  }
0x1df: {  	s17 =	simm.s32 $0x0;
	s0 =	sand.u32 $0x4, s14;
	s14 =	sand.u32 $0x1C00, s15  }
0x1e0: {  	[tilespmem:s11], [sflag:$0x4] =	stream.indirect_vreg.gather [hbm4b:s23+s1], $0x80, v3, vm0, $0xb8;
	[tilespmem:$0x1E100] =	vst v63  }
0x1e1: {  	s16 =	sshll.u32 s0, $0x7;
	s18 =	sor.u32 $0x12100, s14;
	s0 =	sand.u32 $0x70, s17  }
0x1e2: {  	[tilespmem:s12], [sflag:$0x4] =	stream.indirect_vreg.gather [hbm4b:s24+s1], $0x80, v3, vm0, $0xb8;
	[tilespmem:$0x1E100] =	vst v63  }
0x1e3: {  	s11 =	sor.u32 $0x180, s16;
	s20 =	sor.u32 s0, s14;
	_ =	swait.ge [sflag:s13], $0x6000  }
0x1e4: {  	s8 =	sor.u32 $0x80, s16;
	s19 =	sadd.s32 s11, s18;
	[sflag:s13] =	ssyncset.done $0x0  }
0x1e5: {  	s5 =	sadd.s32 $0x1800, s20;
	s21 =	sor.u32 s0, s19;
	[sflag:s13] =	ssyncadd.s32 $0xFFFFA000  }
0x1e6: {  	s22 =	sor.u32 s8, s18;
	s3 =	sor.u32 s11, s5;
	s13 =	sand.u32 $0x200, s1;
	v4 =	vld [tilespmem:s21+$0x0]  }
0x1e7: {  	s23 =	sor.u32 s0, s22;
	s6 =	sor.u32 s13, s18;
	v12 =	vld [tilespmem:s3+$0x1B100]  }
0x1e8: {  	v7 =	vld [tilespmem:s23+$0x0];
	s7 =	sor.u32 s0, s6  }
0x1e9: {  	s2 =	sor.u32 $0x100, s16;
	s6 =	sor.u32 s8, s5;
	v6 =	vld [tilespmem:s7+$0x0]  }
0x1ea: {  	s24 =	sadd.s32 s2, s18;
	s4 =	sor.u32 s13, s5;
	v5 =	vld [tilespmem:s6+$0x1B100]  }
0x1eb: {  	s25 =	sor.u32 s0, s24;
	v3 =	vld [tilespmem:s4+$0x1B100];
	v4 =	vmul.f32 $2.771281240e+01, v4  }
0x1ec: {  	v8 =	vld [tilespmem:s25+$0x0]  }
0x1ed: {  	s5 =	sor.u32 s2, s5;
	v7 =	vmul.f32 $2.771281240e+01, v7;
	v9 =	vadd.f32 v4, v12  }
0x1ee: {  	v6 =	vmul.f32 $2.771281240e+01, v6;
	v4 =	vld [tilespmem:s5+$0x1B100]  }
0x1ef: {  	v7 =	vadd.f32 v7, v5;
	[tilespmem:s21+$0x0] =	vst v9  }
0x1f0: {  	s12 =	sadd.s32 $0x16900, s14;
	v6 =	vadd.f32 v6, v3;
	v9 =	vld [tilespmem:s3+$0x12100]  }
0x1f1: {  	s20 =	simm.s32 $0x4;
	s26 =	sor.u32 s13, s12;
	v8 =	vmul.f32 $2.771281240e+01, v8;
	[tilespmem:s23+$0x0] =	vst v7  }
0x1f2: {  	s19 =	sand.u32 $0x4, s20;
	s22 =	simm.s32 $0x8;
	s17 =	sor.u32 s0, s26;
	v7 =	vld [tilespmem:s6+$0x12100];
	[tilespmem:s7+$0x0] =	vst v6  }
0x1f3: {  	s9 =	sadd.s32 s2, s12;
	s18 =	simm.s32 $0x40;
	s7 =	sor.u32 s8, s12;
	v6 =	vld [tilespmem:s17+$0x0];
	v8 =	vadd.f32 v8, v4  }
0x1f4: {  	s1 =	sor.u32 s0, s9;
	s31 =	sand.u32 $0x1C00, s18;
	s15 =	sor.u32 s0, s7;
	v10 =	vld [tilespmem:s4+$0x12100]  }
0x1f5: {  	s18 =	sor.u32 $0x12100, s31;
	s12 =	sadd.s32 s11, s12;
	s7 =	sshll.u32 s19, $0x7;
	v11 =	vld [tilespmem:s15+$0x0];
	[tilespmem:s25+$0x0] =	vst v8;
	v9 =	vmul.f32 $2.771281240e+01, v9  }
0x1f6: {  	s21 =	simm.s32 $0x200;
	s12 =	sor.u32 s0, s12;
	s10 =	sor.u32 $0x180, s7;
	v8 =	vld [tilespmem:s5+$0x12100]  }
0x1f7: {  	s19 =	sand.u32 $0x70, s22;
	v14 =	vld [tilespmem:s12+$0x0];
	s23 =	sadd.s32 s10, s18;
	s25 =	sand.u32 $0x200, s21;
	v9 =	vadd.f32 v9, v12  }
0x1f8: {  	s24 =	sor.u32 s19, s31;
	v13 =	vld [tilespmem:s1+$0x0];
	s29 =	sor.u32 s19, s23;
	s26 =	sor.u32 s25, s18;
	v6 =	vmul.f32 $2.771281240e+01, v6  }
0x1f9: {  	s14 =	sadd.s32 $0x15100, s14;
	s16 =	sadd.s32 $0x1800, s24;
	v15 =	vld [tilespmem:s29+$0x0];
	s30 =	sor.u32 s19, s26;
	[tilespmem:s3+$0x12100] =	vst v9;
	v9 =	vmul.f32 $2.771281240e+01, v10  }
0x1fa: {  	s11 =	sadd.s32 s11, s14;
	s28 =	sor.u32 $0x80, s7;
	s22 =	sor.u32 s10, s16;
	v7 =	vmul.f32 $2.771281240e+01, v7;
	v17 =	vld [tilespmem:s30+$0x0];
	v16 =	vadd.f32 v6, v3  }
0x1fb: {  	s9 =	sor.u32 s28, s18;
	s3 =	sor.u32 s0, s11;
	v6 =	vld [tilespmem:s22+$0x1B100];
	v8 =	vmul.f32 $2.771281240e+01, v8;
	v9 =	vadd.f32 v9, v3  }
0x1fc: {  	s26 =	sor.u32 $0x100, s7;
	v11 =	vmul.f32 $2.771281240e+01, v11;
	s11 =	sor.u32 s19, s9;
	v10 =	vld [tilespmem:s3+$0x0];
	[tilespmem:s17+$0x0] =	vst v16;
	v16 =	vadd.f32 v7, v5  }
0x1fd: {  	s23 =	sor.u32 s25, s16;
	s7 =	sadd.s32 s26, s18;
	v18 =	vld [tilespmem:s11+$0x0];
	v8 =	vadd.f32 v8, v4;
	[tilespmem:s4+$0x12100] =	vst v9;
	v9 =	vmul.f32 $2.771281240e+01, v13  }
0x1fe: {  	v14 =	vmul.f32 $2.771281240e+01, v14;
	v11 =	vadd.f32 v11, v5;
	v7 =	vld [tilespmem:s23+$0x1B100];
	s4 =	sor.u32 s19, s7;
	[tilespmem:s6+$0x12100] =	vst v16  }
0x1ff: {  	s24 =	sor.u32 s28, s16;
	v15 =	vmul.f32 $2.771281240e+01, v15;
	v13 =	vld [tilespmem:s4+$0x0];
	[tilespmem:s5+$0x12100] =	vst v8;
	v16 =	vadd.f32 v9, v4  }
0x200: {  	v14 =	vadd.f32 v14, v12;
	s17 =	sor.u32 s13, s14;
	s5 =	sor.u32 s26, s16;
	[tilespmem:s15+$0x0] =	vst v11;
	v9 =	vld [tilespmem:s24+$0x1B100]  }
0x201: {  	s18 =	sor.u32 s8, s14;
	v17 =	vmul.f32 $2.771281240e+01, v17;
	v15 =	vadd.f32 v15, v6;
	s15 =	sor.u32 s0, s17;
	v8 =	vld [tilespmem:s5+$0x1B100];
	[tilespmem:s1+$0x0] =	vst v16;
	v16 =	vmul.f32 $2.771281240e+01, v10  }
0x202: {  	[tilespmem:s12+$0x0] =	vst v14;
	s16 =	sor.u32 s0, s18;
	v11 =	vld [tilespmem:s15+$0x0]  }
0x203: {  	s8 =	sadd.s32 s2, s14;
	s9 =	sadd.s32 $0x16900, s31;
	[tilespmem:s29+$0x0] =	vst v15;
	v15 =	vadd.f32 v17, v7;
	v10 =	vld [tilespmem:s16+$0x0];
	v14 =	vadd.f32 v16, v12;
	v16 =	vmul.f32 $2.771281240e+01, v18  }
0x204: {  	s13 =	sor.u32 s28, s9;
	s12 =	sor.u32 s25, s9;
	s0 =	sor.u32 s0, s8;
	v17 =	vmul.f32 $2.771281240e+01, v13;
	v13 =	vld [tilespmem:s22+$0x12100]  }
0x205: {  	s14 =	sadd.s32 s26, s9;
	s17 =	sor.u32 s19, s12;
	s18 =	sadd.s32 s10, s9;
	[tilespmem:s30+$0x0] =	vst v15;
	v12 =	vld [tilespmem:s0+$0x0];
	v16 =	vadd.f32 v16, v9  }
0x206: {  	s2 =	sor.u32 s19, s13;
	s29 =	sor.u32 s19, s18;
	s30 =	sor.u32 s19, s14;
	[tilespmem:s3+$0x0] =	vst v14;
	v14 =	vld [tilespmem:s17+$0x0];
	v15 =	vadd.f32 v17, v8  }
.LBB2_8:
0x207: {  	s20 =	sadd.s32 $0x4, s20;
	v17 =	vld [tilespmem:s23+$0x12100];
	[tilespmem:s11+$0x0] =	vst v16;
	s21 =	sadd.s32 $0x200, s21;
	v11 =	vmul.f32 $2.771281240e+01, v11  }
0x208: {  	s1 =	sshll.u32 s20, $0x4;
	s3 =	sand.u32 $0x4, s20;
	p0 =	slt.u32 s20, $0x17C;
	v16 =	vld [tilespmem:s24+$0x12100];
	[tilespmem:s4+$0x0] =	vst v15;
	v10 =	vmul.f32 $2.771281240e+01, v10  }
0x209: {  	s13 =	sand.u32 $0x200, s21;
	s8 =	sand.u32 $0x1C00, s1;
	s1 =	sshll.u32 s3, $0x7;
	v15 =	vld [tilespmem:s5+$0x12100];
	v13 =	vmul.f32 $2.771281240e+01, v13;
	v11 =	vadd.f32 v11, v3;
	v3 =	vmov v7  }
0x20a: {  	s3 =	sshll.u32 s20, $0x1;
	s4 =	sor.u32 $0x12100, s8;
	s12 =	sor.u32 $0x180, s1;
	v7 =	vld [tilespmem:s2+$0x0];
	v10 =	vadd.f32 v10, v5;
	v12 =	vmul.f32 $2.771281240e+01, v12;
	v5 =	vmov v9  }
0x20b: {  	s14 =	sand.u32 $0x70, s3;
	s3 =	sadd.s32 $0x15100, s31;
	s6 =	sadd.s32 s12, s4;
	v9 =	vmul.f32 $2.771281240e+01, v14;
	v14 =	vld [tilespmem:s30+$0x0];
	v13 =	vadd.f32 v13, v6;
	[tilespmem:s15+$0x0] =	vst v11  }
0x20c: {  	s7 =	sor.u32 s14, s8;
	s10 =	sadd.s32 s10, s3;
	s31 =	sor.u32 s14, s6;
	v11 =	vmul.f32 $2.771281240e+01, v17;
	v17 =	vld [tilespmem:s29+$0x0];
	[tilespmem:s16+$0x0] =	vst v10;
	v10 =	vadd.f32 v12, v4;
	v4 =	vmov v8  }
0x20d: {  	s7 =	sadd.s32 $0x1800, s7;
	s6 =	sor.u32 $0x80, s1;
	s10 =	sor.u32 s19, s10;
	v8 =	vld [tilespmem:s31+$0x0];
	v9 =	vadd.f32 v9, v3;
	v12 =	vmul.f32 $2.771281240e+01, v16;
	[tilespmem:s22+$0x12100] =	vst v13  }
0x20e: {  	s18 =	sor.u32 $0x100, s1;
	s11 =	sor.u32 s13, s4;
	s22 =	sor.u32 s12, s7;
	v11 =	vadd.f32 v11, v3;
	v13 =	vmul.f32 $2.771281240e+01, v15;
	v15 =	vld [tilespmem:s10+$0x0];
	[tilespmem:s0+$0x0] =	vst v10  }
0x20f: {  	s1 =	sor.u32 s14, s11;
	s0 =	sor.u32 s6, s4;
	s4 =	sadd.s32 s18, s4;
	v10 =	vld [tilespmem:s22+$0x1B100];
	[tilespmem:s17+$0x0] =	vst v9;
	v9 =	vadd.f32 v12, v5;
	v7 =	vmul.f32 $2.771281240e+01, v7  }
0x210: {  	s11 =	sor.u32 s14, s0;
	s4 =	sor.u32 s14, s4;
	v12 =	vld [tilespmem:s1+$0x0];
	[tilespmem:s23+$0x12100] =	vst v11;
	s23 =	sor.u32 s13, s7;
	v11 =	vadd.f32 v13, v4;
	v13 =	vmul.f32 $2.771281240e+01, v14  }
0x211: {  	s9 =	sor.u32 s18, s7;
	s0 =	sadd.s32 $0x16900, s8;
	v14 =	vld [tilespmem:s11+$0x0];
	[tilespmem:s24+$0x12100] =	vst v9;
	s24 =	sor.u32 s6, s7;
	v9 =	vadd.f32 v7, v5;
	v16 =	vmul.f32 $2.771281240e+01, v17  }
0x212: {  	s15 =	sor.u32 s25, s3;
	s16 =	sor.u32 s28, s3;
	s7 =	sor.u32 s13, s0;
	v17 =	vld [tilespmem:s4+$0x0];
	v8 =	vmul.f32 $2.771281240e+01, v8;
	[tilespmem:s5+$0x12100] =	vst v11;
	v11 =	vadd.f32 v13, v4  }
0x213: {  	s3 =	sadd.s32 s26, s3;
	s25 =	sadd.s32 s18, s0;
	s5 =	sor.u32 s6, s0;
	v7 =	vld [tilespmem:s23+$0x1B100];
	[tilespmem:s2+$0x0] =	vst v9;
	v13 =	vmul.f32 $2.771281240e+01, v15;
	v15 =	vadd.f32 v16, v6  }
0x214: {  	s15 =	sor.u32 s19, s15;
	s17 =	sor.u32 s14, s7;
	s7 =	sadd.s32 s12, s0;
	v9 =	vld [tilespmem:s24+$0x1B100];
	v16 =	vadd.f32 v8, v10;
	[tilespmem:s30+$0x0] =	vst v11  }
0x215: {  	s16 =	sor.u32 s19, s16;
	s0 =	sor.u32 s19, s3;
	s2 =	sor.u32 s14, s5;
	v12 =	vmul.f32 $2.771281240e+01, v12;
	v8 =	vld [tilespmem:s9+$0x1B100];
	v13 =	vadd.f32 v13, v6;
	[tilespmem:s29+$0x0] =	vst v15;
	v6 =	vmov v10  }
.Ltmp3:
0x216: {  	s30 =	sor.u32 s14, s25;
	s29 =	sor.u32 s14, s7;
	v14 =	vmul.f32 $2.771281240e+01, v14;
	[tilespmem:s31+$0x0] =	vst v16;
	v11 =	vld [tilespmem:s15+$0x0];
	(pc) =	sbr.rel @p0 .LBB2_8-.Ltmp3, $4  }
0x217: {  	s25 =	smov.u32 s13;
	s31 =	smov.u32 s8;
	v15 =	vmul.f32 $2.771281240e+01, v17;
	v10 =	vld [tilespmem:s16+$0x0];
	[tilespmem:s10+$0x0] =	vst v13;
	s10 =	smov.u32 s12  }
0x218: {  	s26 =	smov.u32 s18;
	s28 =	smov.u32 s6;
	s19 =	smov.u32 s14;
	v17 =	vadd.f32 v12, v7;
	v13 =	vld [tilespmem:s22+$0x12100]  }
0x219: {  	s5 =	smov.u32 s9;
	v16 =	vadd.f32 v14, v9;
	v12 =	vld [tilespmem:s0+$0x0]  }
0x21a: {  	[tilespmem:s1+$0x0] =	vst v17;
	v14 =	vld [tilespmem:s17+$0x0];
	v15 =	vadd.f32 v15, v8  }
0x21b: {  	v17 =	vld [tilespmem:s23+$0x12100];
	[tilespmem:s11+$0x0] =	vst v16  }
0x21c: {  	v16 =	vld [tilespmem:s24+$0x12100];
	[tilespmem:s4+$0x0] =	vst v15  }
0x21d: {  	v15 =	vld [tilespmem:s5+$0x12100]  }
0x21e: {  	v18 =	vld [tilespmem:s2+$0x0];
	v13 =	vmul.f32 $2.771281240e+01, v13  }
0x21f: {  	v19 =	vld [tilespmem:s30+$0x0];
	v14 =	vmul.f32 $2.771281240e+01, v14  }
0x220: {  	v13 =	vadd.f32 v13, v6;
	v17 =	vmul.f32 $2.771281240e+01, v17  }
0x221: {  	v14 =	vadd.f32 v14, v7;
	v16 =	vmul.f32 $2.771281240e+01, v16  }
0x222: {  	v20 =	vld [tilespmem:s29+$0x0];
	[tilespmem:s22+$0x12100] =	vst v13;
	v13 =	vadd.f32 v17, v7;
	v15 =	vmul.f32 $2.771281240e+01, v15  }
0x223: {  	s1 =	sadd.s32 $0x15100, s31;
	v62 =	vmul.f32 $2.771281240e+01, v18;
	[tilespmem:s17+$0x0] =	vst v14;
	v14 =	vadd.f32 v16, v9  }
0x224: {  	s3 =	sadd.s32 s10, s1;
	[tilespmem:s23+$0x12100] =	vst v13;
	v13 =	vadd.f32 v15, v8;
	v15 =	vmul.f32 $2.771281240e+01, v19  }
0x225: {  	s11 =	sor.u32 s25, s1;
	s3 =	sor.u32 s19, s3;
	[tilespmem:s24+$0x12100] =	vst v14;
	v14 =	vadd.f32 v62, v9  }
0x226: {  	s6 =	sor.u32 s28, s1;
	s4 =	sor.u32 s19, s11;
	v63 =	vld [tilespmem:s3+$0x0];
	[tilespmem:s5+$0x12100] =	vst v13;
	v13 =	vadd.f32 v15, v8  }
0x227: {  	v11 =	vmul.f32 $2.771281240e+01, v11;
	s1 =	sadd.s32 s26, s1;
	s12 =	sor.u32 s19, s6;
	[tilespmem:s2+$0x0] =	vst v14;
	v14 =	vld [tilespmem:s4+$0x0]  }
0x228: {  	v10 =	vmul.f32 $2.771281240e+01, v10;
	s1 =	sor.u32 s19, s1;
	[tilespmem:s30+$0x0] =	vst v13;
	v13 =	vld [tilespmem:s12+$0x0]  }
0x229: {  	v3 =	vadd.f32 v11, v3;
	v11 =	vmul.f32 $2.771281240e+01, v12;
	v12 =	vld [tilespmem:s1+$0x0]  }
0x22a: {  	v5 =	vadd.f32 v10, v5;
	v10 =	vmul.f32 $2.771281240e+01, v20  }
0x22b: {  	[tilespmem:s15+$0x0] =	vst v3;
	v3 =	vadd.f32 v11, v4;
	v4 =	vmul.f32 $2.771281240e+01, v63  }
0x22c: {  	[tilespmem:s16+$0x0] =	vst v5;
	v5 =	vadd.f32 v10, v6;
	v10 =	vmul.f32 $2.771281240e+01, v14  }
0x22d: {  	[tilespmem:s0+$0x0] =	vst v3;
	v3 =	vadd.f32 v4, v6;
	v4 =	vmul.f32 $2.771281240e+01, v13  }
0x22e: {  	[tilespmem:s29+$0x0] =	vst v5;
	v5 =	vadd.f32 v10, v7;
	v6 =	vmul.f32 $2.771281240e+01, v12  }
0x22f: {  	[tilespmem:s3+$0x0] =	vst v3;
	v3 =	vadd.f32 v4, v9  }
0x230: {  	[tilespmem:s4+$0x0] =	vst v5;
	v4 =	vadd.f32 v6, v8  }
0x231: {  	[tilespmem:s12+$0x0] =	vst v3  }
0x232: {  	[tilespmem:s1+$0x0] =	vst v4  }
0x233: {  	s0 =	rddreg [dreg:$0x14]  }
0x234: {  	s13 =	simm.s32 $0x1B100;
	s19 =	simm.s32 $0x0;
	s14 =	rddreg [dreg:$0x15]  }
0x235: {  	[tilespmem:s13], [sflag:$0x3] =	stream.linear.gather [hbm4b:s0+s19], $0x3000, $0x38;
	[tilespmem:$0x1E100] =	vst v63  }
0x236: {  	s15 =	simm.s32 $0x12100;
	s16 =	rddreg [dreg:$0x1e]  }
0x237: {  	[hbm4b:s14+s19] =	stream.linear.scatter [tilespmem:s15], [sflag:$0xB], $0x1800, $0x38;
	[tilespmem:$0x1E100] =	vst v63  }
0x238: {  	s17 =	simm.s32 $0x13900;
	s18 =	rddreg [dreg:$0x1f]  }
0x239: {  	[hbm4b:s16+s19] =	stream.linear.scatter [tilespmem:s17], [sflag:$0xB], $0x1800, $0x38;
	[tilespmem:$0x1E100] =	vst v63  }
0x23a: {  	s20 =	simm.s32 $0x15100;
	s21 =	sld [smem:$0x7F1]  }
0x23b: {  	[hbm4b:s18+s19] =	stream.linear.scatter [tilespmem:s20], [sflag:$0xB], $0x1800, $0x38;
	[tilespmem:$0x1E100] =	vst v63  }
0x23c: {  	s22 =	simm.s32 $0x16900;
	s23 =	simm.s32 $0x9  }
0x23d: {  	[hbm4b:s21+s19] =	stream.linear.scatter [tilespmem:s22], [sflag:$0xB], $0x1800, $0x38;
	[tilespmem:$0x1E100] =	vst v63  }
0x23e: {  	_ =	swait.ge [sflag:s23], $0x1800  }
0x23f: {  	[sflag:s23] =	ssyncset.done $0x0  }
0x240: {  	[sflag:s23] =	ssyncadd.s32 $0xFFFFE800  }
0x241: {  	_ =	swait.ge [sflag:s23], $0x1800  }
0x242: {  	[sflag:s23] =	ssyncset.done $0x0  }
0x243: {  	[sflag:s23] =	ssyncadd.s32 $0xFFFFE800  }
0x244: {  	_ =	swait.ge [sflag:s23], $0x1800  }
0x245: {  	[sflag:s23] =	ssyncset.done $0x0  }
0x246: {  	[sflag:s23] =	ssyncadd.s32 $0xFFFFE800  }
0x247: {  	_ =	swait.ge [sflag:s23], $0x1800  }
0x248: {  	[sflag:s23] =	ssyncset.done $0x0  }
0x249: {  	[sflag:s23] =	ssyncadd.s32 $0xFFFFE800  }
0x24a: {  	v3 =	vld [tilespmem:$0xA0];
	_ =	sdelay $0x4  }
0x24b: {  	v4 =	vshrl.u32 v3, $0x3  }
0x24c: {  	v4 =	vmul.u32 $0x30, v4  }
0x24d: {  	v3 =	vand.u32 $0x7, v3  }
0x24e: {  	v3 =	vor.u32 v3, v4  }
0x24f: {  	v4 =	vperm.xlane v3, v0;
	_ =	sdelay $0x1  }
0x250: {  	v4 =	vadd.s32 v1, v4;
	_ =	sdelay $0x3  }
0x251: {  	s24 =	simm.s32 $0x6100;
	s0 =	rddreg [dreg:$0x1];
	v3 =	vperm.xlane v3, v2  }
0x252: {  	[tilespmem:s24], [sflag:$0x5] =	stream.indirect_vreg.gather [hbm4b:s0+s19], $0x80, v4, vm0, $0xb8;
	[tilespmem:$0x1E100] =	vst v63  }
0x253: {  	s26 =	simm.s32 $0x6900;
	s25 =	rddreg [dreg:$0x8];
	v3 =	vadd.s32 v1, v3  }
0x254: {  	[tilespmem:s26], [sflag:$0x5] =	stream.indirect_vreg.gather [hbm4b:s25+s19], $0x80, v4, vm0, $0xb8;
	[tilespmem:$0x1E100] =	vst v63  }
0x255: {  	s29 =	simm.s32 $0x7100;
	s28 =	rddreg [dreg:$0xa]  }
0x256: {  	[tilespmem:s29], [sflag:$0x5] =	stream.indirect_vreg.gather [hbm4b:s28+s19], $0x80, v4, vm0, $0xb8;
	[tilespmem:$0x1E100] =	vst v63  }
0x257: {  	s30 =	simm.s32 $0x7900  }
0x258: {  	[tilespmem:s30], [sflag:$0x5] =	stream.indirect_vreg.gather [hbm4b:s0+s19], $0x80, v3, vm0, $0xb8;
	[tilespmem:$0x1E100] =	vst v63  }
0x259: {  	s31 =	simm.s32 $0x8100  }
0x25a: {  	[tilespmem:s31], [sflag:$0x5] =	stream.indirect_vreg.gather [hbm4b:s25+s19], $0x80, v3, vm0, $0xb8;
	[tilespmem:$0x1E100] =	vst v63  }
0x25b: {  	s4 =	simm.s32 $0x8900  }
0x25c: {  	[tilespmem:s4], [sflag:$0x5] =	stream.indirect_vreg.gather [hbm4b:s28+s19], $0x80, v3, vm0, $0xb8;
	[tilespmem:$0x1E100] =	vst v63  }
0x25d: {  	v3 =	vld [tilespmem:$0xB0];
	_ =	sdelay $0x4  }
0x25e: {  	v4 =	vshrl.u32 v3, $0x3  }
0x25f: {  	v4 =	vmul.u32 $0x30, v4  }
0x260: {  	v3 =	vand.u32 $0x7, v3  }
0x261: {  	v3 =	vor.u32 v3, v4  }
0x262: {  	v4 =	vperm.xlane v3, v0;
	_ =	sdelay $0x1  }
0x263: {  	v4 =	vadd.s32 v1, v4;
	_ =	sdelay $0x3  }
0x264: {  	s5 =	simm.s32 $0x9100;
	v3 =	vperm.xlane v3, v2  }
0x265: {  	[tilespmem:s5], [sflag:$0x5] =	stream.indirect_vreg.gather [hbm4b:s0+s19], $0x80, v4, vm0, $0xb8;
	[tilespmem:$0x1E100] =	vst v63  }
0x266: {  	s6 =	simm.s32 $0x9900;
	v3 =	vadd.s32 v1, v3  }
0x267: {  	[tilespmem:s6], [sflag:$0x5] =	stream.indirect_vreg.gather [hbm4b:s25+s19], $0x80, v4, vm0, $0xb8;
	[tilespmem:$0x1E100] =	vst v63  }
0x268: {  	s7 =	simm.s32 $0xA100  }
0x269: {  	[tilespmem:s7], [sflag:$0x5] =	stream.indirect_vreg.gather [hbm4b:s28+s19], $0x80, v4, vm0, $0xb8;
	[tilespmem:$0x1E100] =	vst v63  }
0x26a: {  	s8 =	simm.s32 $0xA900  }
0x26b: {  	[tilespmem:s8], [sflag:$0x5] =	stream.indirect_vreg.gather [hbm4b:s0+s19], $0x80, v3, vm0, $0xb8;
	[tilespmem:$0x1E100] =	vst v63  }
0x26c: {  	s9 =	simm.s32 $0xB100  }
0x26d: {  	[tilespmem:s9], [sflag:$0x5] =	stream.indirect_vreg.gather [hbm4b:s25+s19], $0x80, v3, vm0, $0xb8;
	[tilespmem:$0x1E100] =	vst v63  }
0x26e: {  	s10 =	simm.s32 $0xB900;
	s11 =	simm.s32 $0x4;
	s12 =	simm.s32 $0x2  }
0x26f: {  	[tilespmem:s10], [sflag:$0x5] =	stream.indirect_vreg.gather [hbm4b:s28+s19], $0x80, v3, vm0, $0xb8;
	[tilespmem:$0x1E100] =	vst v63  }
0x270: {  	s14 =	simm.s32 $0x0;
	s20 =	simm.s32 $0x0;
	_ =	swait.ge [sflag:s11], $0x6000  }
0x271: {  	s15 =	simm.s32 $0x0;
	s13 =	sand.u32 $0x4, s20;
	[sflag:s11] =	ssyncset.done $0x0  }
0x272: {  	s1 =	sand.u32 $0x1C00, s14;
	s0 =	sshll.u32 s13, $0x7;
	[sflag:s11] =	ssyncadd.s32 $0xFFFFA000  }
0x273: {  	s6 =	sand.u32 $0x70, s15;
	s16 =	sor.u32 $0x180, s0;
	_ =	swait.ge [sflag:s12], $0x3000  }
0x274: {  	s17 =	sor.u32 $0x80, s0;
	s22 =	sor.u32 s16, s1;
	[sflag:s12] =	ssyncset.done $0x0  }
0x275: {  	s23 =	sor.u32 s17, s1;
	s7 =	sor.u32 s6, s22;
	[sflag:s12] =	ssyncadd.s32 $0xFFFFD000  }
0x276: {  	s9 =	sor.u32 $0x100, s0;
	s5 =	sor.u32 s6, s23;
	v4 =	vld [tilespmem:s7+$0x100]  }
0x277: {  	s0 =	sor.u32 s9, s1;
	v6 =	vld [tilespmem:s5+$0x100]  }
0x278: {  	s12 =	sor.u32 s6, s0;
	v3 =	vld [tilespmem:s7+$0x18100]  }
0x279: {  	s24 =	sor.u32 s1, s6;
	s8 =	sand.u32 $0x200, s19;
	v7 =	vld [tilespmem:s12+$0x100]  }
0x27a: {  	s25 =	sadd.s32 $0x3100, s1;
	s10 =	sor.u32 s8, s24;
	v5 =	vld [tilespmem:s5+$0x18100]  }
0x27b: {  	s26 =	sor.u32 s8, s25;
	v9 =	vld [tilespmem:s10+$0x100]  }
0x27c: {  	s13 =	sadd.s32 $0x4900, s1;
	s11 =	sor.u32 s6, s26;
	v8 =	vmul.f32 $2.771281240e+01, v4;
	v4 =	vld [tilespmem:s12+$0x18100]  }
0x27d: {  	s29 =	sor.u32 s17, s13;
	s28 =	sor.u32 s8, s13;
	v12 =	vld [tilespmem:s11+$0x0];
	v10 =	vmul.f32 $2.771281240e+01, v6  }
0x27e: {  	s14 =	sor.u32 s17, s25;
	s1 =	sadd.s32 $0x1900, s1;
	s4 =	sor.u32 s6, s28;
	v6 =	vld [tilespmem:s10+$0x18100];
	v8 =	vadd.f32 v8, v3  }
0x27f: {  	s30 =	sadd.s32 s9, s25;
	s3 =	sadd.s32 s16, s1;
	s0 =	sor.u32 s6, s14;
	v13 =	vmul.f32 $2.771281240e+01, v7;
	v7 =	vld [tilespmem:s4+$0x0];
	v10 =	vadd.f32 v10, v5  }
0x280: {  	s18 =	sadd.s32 s9, s13;
	s31 =	sor.u32 s8, s1;
	s8 =	sor.u32 s6, s3;
	[tilespmem:s7+$0x100] =	vst v8;
	v8 =	vld [tilespmem:s0+$0x0]  }
0x281: {  	s21 =	sadd.s32 s16, s25;
	s13 =	sadd.s32 s16, s13;
	s2 =	sor.u32 s17, s1;
	[tilespmem:s5+$0x100] =	vst v10;
	v10 =	vmul.f32 $2.771281240e+01, v9;
	v11 =	vld [tilespmem:s8+$0x0];
	v13 =	vadd.f32 v13, v4  }
0x282: {  	s1 =	sadd.s32 s9, s1;
	s23 =	sor.u32 s6, s30;
	s5 =	sor.u32 s6, s29  }
0x283: {  	s22 =	sor.u32 s6, s18;
	s21 =	sor.u32 s6, s21;
	s16 =	sor.u32 s6, s2;
	v9 =	vld [tilespmem:s5+$0x0];
	[tilespmem:s12+$0x100] =	vst v13;
	v13 =	vadd.f32 v10, v6  }
0x284: {  	s24 =	sor.u32 s6, s13;
	s2 =	sor.u32 s6, s31;
	s15 =	sor.u32 s6, s1;
	v12 =	vmul.f32 $2.771281240e+01, v12;
	v10 =	vld [tilespmem:s16+$0x0]  }
.LBB2_10:
0x285: {  	s20 =	sadd.s32 $0x4, s20;
	[tilespmem:s10+$0x100] =	vst v13;
	v7 =	vmul.f32 $2.771281240e+01, v7;
	v13 =	vld [tilespmem:s15+$0x0];
	s19 =	sadd.s32 $0x200, s19  }
0x286: {  	s1 =	sand.u32 $0x4, s20;
	p0 =	slt.u32 s20, $0x17C;
	v14 =	vld [tilespmem:s2+$0x0];
	v12 =	vadd.f32 v12, v6;
	v11 =	vmul.f32 $2.771281240e+01, v11;
	s3 =	sshll.u32 s20, $0x4  }
0x287: {  	s13 =	sand.u32 $0x200, s19;
	s6 =	sshll.u32 s20, $0x1;
	s1 =	sshll.u32 s1, $0x7;
	v7 =	vadd.f32 v7, v6;
	v8 =	vmul.f32 $2.771281240e+01, v8;
	v15 =	vld [tilespmem:s23+$0x0]  }
0x288: {  	s18 =	sand.u32 $0x1C00, s3;
	s12 =	sand.u32 $0x70, s6;
	s14 =	sor.u32 $0x180, s1;
	[tilespmem:s11+$0x0] =	vst v12;
	v9 =	vmul.f32 $2.771281240e+01, v9;
	v12 =	vld [tilespmem:s22+$0x0];
	v11 =	vadd.f32 v11, v3  }
0x289: {  	s25 =	sor.u32 $0x80, s1;
	s26 =	sor.u32 $0x100, s1;
	s3 =	sor.u32 s14, s18;
	[tilespmem:s4+$0x0] =	vst v7;
	v7 =	vmul.f32 $2.771281240e+01, v10;
	v8 =	vadd.f32 v8, v5;
	v10 =	vld [tilespmem:s21+$0x0]  }
0x28a: {  	s1 =	sor.u32 s18, s12;
	s4 =	sor.u32 s25, s18;
	s28 =	sor.u32 s12, s3;
	v9 =	vadd.f32 v9, v5;
	v13 =	vmul.f32 $2.771281240e+01, v13;
	[tilespmem:s8+$0x0] =	vst v11;
	v11 =	vld [tilespmem:s24+$0x0]  }
0x28b: {  	s10 =	sor.u32 s13, s1;
	s6 =	sor.u32 s12, s4;
	s3 =	sor.u32 s26, s18;
	v16 =	vld [tilespmem:s28+$0x100];
	v14 =	vmul.f32 $2.771281240e+01, v14;
	v5 =	vadd.f32 v7, v5;
	[tilespmem:s0+$0x0] =	vst v8  }
0x28c: {  	s0 =	sadd.s32 $0x3100, s18;
	s17 =	sor.u32 s12, s3;
	s3 =	sadd.s32 $0x4900, s18;
	v7 =	vld [tilespmem:s6+$0x100];
	[tilespmem:s5+$0x0] =	vst v9;
	v8 =	vadd.f32 v13, v4;
	v9 =	vmul.f32 $2.771281240e+01, v15  }
0x28d: {  	s1 =	sor.u32 s13, s0;
	s5 =	sor.u32 s25, s0;
	s4 =	sor.u32 s13, s3;
	v13 =	vld [tilespmem:s28+$0x18100];
	v6 =	vadd.f32 v14, v6;
	[tilespmem:s16+$0x0] =	vst v5;
	v5 =	vmul.f32 $2.771281240e+01, v12  }
0x28e: {  	s7 =	sor.u32 s25, s3;
	s8 =	sadd.s32 s26, s0;
	s9 =	sadd.s32 s26, s3;
	v12 =	vld [tilespmem:s17+$0x100];
	[tilespmem:s15+$0x0] =	vst v8;
	v8 =	vadd.f32 v9, v4;
	v9 =	vmul.f32 $2.771281240e+01, v10  }
0x28f: {  	s3 =	sadd.s32 s14, s3;
	s11 =	sor.u32 s12, s1;
	s15 =	sadd.s32 s14, s0;
	v10 =	vld [tilespmem:s10+$0x100];
	[tilespmem:s2+$0x0] =	vst v6;
	v6 =	vadd.f32 v5, v4;
	v11 =	vmul.f32 $2.771281240e+01, v11  }
0x290: {  	s4 =	sor.u32 s12, s4;
	s1 =	sadd.s32 $0x1900, s18;
	s0 =	sor.u32 s12, s5;
	v5 =	vld [tilespmem:s6+$0x18100];
	v14 =	vmul.f32 $2.771281240e+01, v16;
	[tilespmem:s23+$0x0] =	vst v8;
	v8 =	vadd.f32 v9, v3  }
0x291: {  	s5 =	sor.u32 s12, s7;
	s23 =	sor.u32 s12, s8;
	v9 =	vmul.f32 $2.771281240e+01, v7;
	v4 =	vld [tilespmem:s17+$0x18100];
	[tilespmem:s22+$0x0] =	vst v6;
	s22 =	sor.u32 s12, s9;
	v7 =	vadd.f32 v11, v3  }
0x292: {  	s3 =	sor.u32 s12, s3;
	s2 =	sor.u32 s13, s1;
	v6 =	vld [tilespmem:s10+$0x18100];
	v11 =	vadd.f32 v14, v13;
	[tilespmem:s21+$0x0] =	vst v8;
	s21 =	sor.u32 s12, s15;
	v3 =	vmov v13  }
0x293: {  	s7 =	sor.u32 s25, s1;
	s8 =	sadd.s32 s14, s1;
	s2 =	sor.u32 s12, s2;
	v14 =	vld [tilespmem:s11+$0x0];
	v12 =	vmul.f32 $2.771281240e+01, v12;
	[tilespmem:s24+$0x0] =	vst v7  }
.Ltmp4:
0x294: {  	s1 =	sadd.s32 s26, s1;
	s8 =	sor.u32 s12, s8;
	v10 =	vmul.f32 $2.771281240e+01, v10;
	v7 =	vld [tilespmem:s4+$0x0];
	[tilespmem:s28+$0x100] =	vst v11;
	(pc) =	sbr.rel @p0 .LBB2_10-.Ltmp4, $4  }
0x295: {  	s16 =	sor.u32 s12, s7;
	s15 =	sor.u32 s12, s1;
	s24 =	smov.u32 s3;
	v9 =	vadd.f32 v9, v5;
	v11 =	vld [tilespmem:s8+$0x0]  }
0x296: {  	v8 =	vld [tilespmem:s0+$0x0];
	v15 =	vadd.f32 v12, v4  }
0x297: {  	v13 =	vadd.f32 v10, v6;
	[tilespmem:s6+$0x100] =	vst v9;
	v9 =	vld [tilespmem:s5+$0x0]  }
0x298: {  	v12 =	vmul.f32 $2.771281240e+01, v14;
	v10 =	vld [tilespmem:s16+$0x0];
	[tilespmem:s17+$0x100] =	vst v15  }
0x299: {  	_ = 	snop  }
0x29a: {  	[tilespmem:s10+$0x100] =	vst v13;
	v13 =	vld [tilespmem:s15+$0x0];
	v11 =	vmul.f32 $2.771281240e+01, v11  }
0x29b: {  	v7 =	vmul.f32 $2.771281240e+01, v7;
	v14 =	vld [tilespmem:s2+$0x0];
	v12 =	vadd.f32 v12, v6  }
0x29c: {  	v15 =	vld [tilespmem:s23+$0x0];
	v8 =	vmul.f32 $2.771281240e+01, v8;
	v11 =	vadd.f32 v11, v3  }
0x29d: {  	v16 =	vld [tilespmem:s22+$0x0];
	v7 =	vadd.f32 v7, v6;
	[tilespmem:s11+$0x0] =	vst v12;
	v9 =	vmul.f32 $2.771281240e+01, v9  }
0x29e: {  	v12 =	vld [tilespmem:s21+$0x0];
	v10 =	vmul.f32 $2.771281240e+01, v10;
	v8 =	vadd.f32 v8, v5;
	[tilespmem:s8+$0x0] =	vst v11  }
0x29f: {  	[tilespmem:s4+$0x0] =	vst v7;
	v7 =	vadd.f32 v9, v5;
	v9 =	vmul.f32 $2.771281240e+01, v13;
	v11 =	vld [tilespmem:s24+$0x0]  }
0x2a0: {  	v13 =	vmul.f32 $2.771281240e+01, v14;
	v5 =	vadd.f32 v10, v5;
	[tilespmem:s0+$0x0] =	vst v8  }
0x2a1: {  	v8 =	vmul.f32 $2.771281240e+01, v15;
	[tilespmem:s5+$0x0] =	vst v7;
	v7 =	vadd.f32 v9, v4  }
0x2a2: {  	v6 =	vadd.f32 v13, v6;
	[tilespmem:s16+$0x0] =	vst v5;
	v5 =	vmul.f32 $2.771281240e+01, v16  }
0x2a3: {  	[tilespmem:s15+$0x0] =	vst v7;
	v7 =	vadd.f32 v8, v4;
	v8 =	vmul.f32 $2.771281240e+01, v12  }
0x2a4: {  	[tilespmem:s2+$0x0] =	vst v6;
	v4 =	vadd.f32 v5, v4;
	v5 =	vmul.f32 $2.771281240e+01, v11  }
0x2a5: {  	[tilespmem:s23+$0x0] =	vst v7;
	v6 =	vadd.f32 v8, v3  }
0x2a6: {  	[tilespmem:s22+$0x0] =	vst v4;
	v3 =	vadd.f32 v5, v3  }
0x2a7: {  	[tilespmem:s21+$0x0] =	vst v6  }
0x2a8: {  	[tilespmem:s24+$0x0] =	vst v3  }
0x2a9: {  	s0 =	rddreg [dreg:$0x16]  }
0x2aa: {  	s1 =	simm.s32 $0x0;
	s3 =	simm.s32 $0x100;
	s4 =	sld [smem:$0x7F2]  }
0x2ab: {  	[hbm4b:s0+s1] =	stream.linear.scatter [tilespmem:s3], [sflag:$0x8], $0x1800, $0x38;
	[tilespmem:$0x1E100] =	vst v63  }
0x2ac: {  	s5 =	simm.s32 $0x1900;
	s6 =	sld [smem:$0x7F3]  }
0x2ad: {  	[hbm4b:s4+s1] =	stream.linear.scatter [tilespmem:s5], [sflag:$0x8], $0x1800, $0x38;
	[tilespmem:$0x1E100] =	vst v63  }
0x2ae: {  	s7 =	simm.s32 $0x3100;
	s8 =	sld [smem:$0x7F4]  }
0x2af: {  	[hbm4b:s6+s1] =	stream.linear.scatter [tilespmem:s7], [sflag:$0x8], $0x1800, $0x38;
	[tilespmem:$0x1E100] =	vst v63  }
0x2b0: {  	s9 =	simm.s32 $0x4900;
	s10 =	simm.s32 $0xA  }
0x2b1: {  	[hbm4b:s8+s1] =	stream.linear.scatter [tilespmem:s9], [sflag:$0x8], $0x1800, $0x38;
	[tilespmem:$0x1E100] =	vst v63  }
0x2b2: {  	_ =	swait.ge [sflag:s10], $0x1800  }
0x2b3: {  	[sflag:s10] =	ssyncset.done $0x0  }
0x2b4: {  	[sflag:s10] =	ssyncadd.s32 $0xFFFFE800  }
0x2b5: {  	_ =	swait.ge [sflag:s10], $0x1800  }
0x2b6: {  	[sflag:s10] =	ssyncset.done $0x0  }
0x2b7: {  	[sflag:s10] =	ssyncadd.s32 $0xFFFFE800  }
0x2b8: {  	_ =	swait.ge [sflag:s10], $0x1800  }
0x2b9: {  	[sflag:s10] =	ssyncset.done $0x0  }
0x2ba: {  	[sflag:s10] =	ssyncadd.s32 $0xFFFFE800  }
0x2bb: {  	_ =	swait.ge [sflag:s10], $0x1800  }
0x2bc: {  	[sflag:s10] =	ssyncset.done $0x0  }
0x2bd: {  	[sflag:s10] =	ssyncadd.s32 $0xFFFFE800  }
0x2be: {  	v3 =	vld [tilespmem:$0xC0];
	_ =	sdelay $0x4  }
0x2bf: {  	v4 =	vshrl.u32 v3, $0x3  }
0x2c0: {  	v4 =	vmul.u32 $0x30, v4  }
0x2c1: {  	v3 =	vand.u32 $0x7, v3  }
0x2c2: {  	v3 =	vor.u32 v3, v4  }
0x2c3: {  	v4 =	vperm.xlane v3, v0;
	_ =	sdelay $0x1  }
0x2c4: {  	v4 =	vadd.s32 v1, v4;
	_ =	sdelay $0x3  }
0x2c5: {  	s11 =	simm.s32 $0xC100;
	s0 =	rddreg [dreg:$0x1];
	v3 =	vperm.xlane v3, v2  }
0x2c6: {  	[tilespmem:s11], [sflag:$0x6] =	stream.indirect_vreg.gather [hbm4b:s0+s1], $0x80, v4, vm0, $0xb8;
	[tilespmem:$0x1E100] =	vst v63  }
0x2c7: {  	s3 =	simm.s32 $0xC900;
	s12 =	rddreg [dreg:$0x8];
	v3 =	vadd.s32 v1, v3  }
0x2c8: {  	[tilespmem:s3], [sflag:$0x6] =	stream.indirect_vreg.gather [hbm4b:s12+s1], $0x80, v4, vm0, $0xb8;
	[tilespmem:$0x1E100] =	vst v63  }
0x2c9: {  	s14 =	simm.s32 $0xD100;
	s13 =	rddreg [dreg:$0xa]  }
0x2ca: {  	[tilespmem:s14], [sflag:$0x6] =	stream.indirect_vreg.gather [hbm4b:s13+s1], $0x80, v4, vm0, $0xb8;
	[tilespmem:$0x1E100] =	vst v63  }
0x2cb: {  	s15 =	simm.s32 $0xD900  }
0x2cc: {  	[tilespmem:s15], [sflag:$0x6] =	stream.indirect_vreg.gather [hbm4b:s0+s1], $0x80, v3, vm0, $0xb8;
	[tilespmem:$0x1E100] =	vst v63  }
0x2cd: {  	s16 =	simm.s32 $0xE100  }
0x2ce: {  	[tilespmem:s16], [sflag:$0x6] =	stream.indirect_vreg.gather [hbm4b:s12+s1], $0x80, v3, vm0, $0xb8;
	[tilespmem:$0x1E100] =	vst v63  }
0x2cf: {  	s17 =	simm.s32 $0xE900  }
0x2d0: {  	[tilespmem:s17], [sflag:$0x6] =	stream.indirect_vreg.gather [hbm4b:s13+s1], $0x80, v3, vm0, $0xb8;
	[tilespmem:$0x1E100] =	vst v63  }
0x2d1: {  	v3 =	vld [tilespmem:$0xD0];
	_ =	sdelay $0x4  }
0x2d2: {  	v4 =	vshrl.u32 v3, $0x3  }
0x2d3: {  	v4 =	vmul.u32 $0x30, v4  }
0x2d4: {  	v3 =	vand.u32 $0x7, v3  }
0x2d5: {  	v3 =	vor.u32 v3, v4  }
0x2d6: {  	v4 =	vperm.xlane v3, v0;
	_ =	sdelay $0x1  }
0x2d7: {  	v4 =	vadd.s32 v1, v4;
	_ =	sdelay $0x3  }
0x2d8: {  	s18 =	simm.s32 $0xF100;
	v3 =	vperm.xlane v3, v2  }
0x2d9: {  	[tilespmem:s18], [sflag:$0x6] =	stream.indirect_vreg.gather [hbm4b:s0+s1], $0x80, v4, vm0, $0xb8;
	[tilespmem:$0x1E100] =	vst v63  }
0x2da: {  	s19 =	simm.s32 $0xF900;
	s20 =	simm.s32 $0x10100;
	v3 =	vadd.s32 v1, v3  }
0x2db: {  	[tilespmem:s19], [sflag:$0x6] =	stream.indirect_vreg.gather [hbm4b:s12+s1], $0x80, v4, vm0, $0xb8;
	[tilespmem:$0x1E100] =	vst v63  }
0x2dc: {  	s25 =	simm.s32 $0x0;
	s26 =	simm.s32 $0x0;
	s23 =	simm.s32 $0x11900  }
0x2dd: {  	[tilespmem:s20], [sflag:$0x6] =	stream.indirect_vreg.gather [hbm4b:s13+s1], $0x80, v4, vm0, $0xb8;
	[tilespmem:$0x1E100] =	vst v63  }
0x2de: {  	s22 =	simm.s32 $0x11100;
	s21 =	simm.s32 $0x10900;
	s24 =	simm.s32 $0x5  }
0x2df: {  	[tilespmem:s21], [sflag:$0x6] =	stream.indirect_vreg.gather [hbm4b:s0+s1], $0x80, v3, vm0, $0xb8;
	[tilespmem:$0x1E100] =	vst v63  }
0x2e0: {  	s9 =	simm.s32 $0x0;
	s14 =	sand.u32 $0x1C00, s26;
	s0 =	sand.u32 $0x4, s25  }
0x2e1: {  	[tilespmem:s22], [sflag:$0x6] =	stream.indirect_vreg.gather [hbm4b:s12+s1], $0x80, v3, vm0, $0xb8;
	[tilespmem:$0x1E100] =	vst v63  }
0x2e2: {  	s10 =	sor.u32 $0x6100, s14;
	s4 =	sshll.u32 s0, $0x7;
	s0 =	sand.u32 $0x70, s9  }
0x2e3: {  	[tilespmem:s23], [sflag:$0x6] =	stream.indirect_vreg.gather [hbm4b:s13+s1], $0x80, v3, vm0, $0xb8;
	[tilespmem:$0x1E100] =	vst v63  }
0x2e4: {  	s11 =	sor.u32 $0x180, s4;
	s15 =	sor.u32 s0, s14;
	_ =	swait.ge [sflag:s24], $0x6000  }
0x2e5: {  	s12 =	sadd.s32 s11, s10;
	s5 =	sadd.s32 $0x1800, s15;
	[sflag:s24] =	ssyncset.done $0x0  }
0x2e6: {  	s13 =	sand.u32 $0x200, s1;
	s16 =	sor.u32 s0, s12;
	[sflag:s24] =	ssyncadd.s32 $0xFFFFA000  }
0x2e7: {  	s8 =	sor.u32 $0x80, s4;
	s3 =	sor.u32 s11, s5;
	s6 =	sor.u32 s13, s10;
	v4 =	vld [tilespmem:s16+$0x0]  }
0x2e8: {  	s17 =	sor.u32 s8, s10;
	s7 =	sor.u32 s0, s6;
	v12 =	vld [tilespmem:s3+$0x18100]  }
0x2e9: {  	s9 =	sor.u32 s0, s17;
	v6 =	vld [tilespmem:s7+$0x0]  }
0x2ea: {  	s2 =	sor.u32 $0x100, s4;
	s4 =	sor.u32 s13, s5;
	v7 =	vld [tilespmem:s9+$0x0]  }
0x2eb: {  	v3 =	vld [tilespmem:s4+$0x18100]  }
0x2ec: {  	s18 =	sadd.s32 s2, s10;
	s6 =	sor.u32 s8, s5;
	v4 =	vmul.f32 $2.771281240e+01, v4  }
0x2ed: {  	s19 =	sor.u32 s0, s18;
	v5 =	vld [tilespmem:s6+$0x18100]  }
0x2ee: {  	v8 =	vld [tilespmem:s19+$0x0];
	v6 =	vmul.f32 $2.771281240e+01, v6;
	v9 =	vadd.f32 v4, v12  }
0x2ef: {  	s5 =	sor.u32 s2, s5  }
0x2f0: {  	s12 =	sadd.s32 $0xA900, s14;
	v7 =	vmul.f32 $2.771281240e+01, v7;
	v4 =	vld [tilespmem:s5+$0x18100];
	v6 =	vadd.f32 v6, v3;
	[tilespmem:s16+$0x0] =	vst v9  }
0x2f1: {  	s20 =	simm.s32 $0x4;
	s21 =	sor.u32 s13, s12;
	v9 =	vld [tilespmem:s3+$0x6100]  }
0x2f2: {  	s25 =	sand.u32 $0x4, s20;
	v7 =	vadd.f32 v7, v5;
	s16 =	sor.u32 s0, s21;
	[tilespmem:s7+$0x0] =	vst v6  }
0x2f3: {  	s26 =	sshll.u32 s25, $0x7;
	v8 =	vmul.f32 $2.771281240e+01, v8;
	v6 =	vld [tilespmem:s16+$0x0]  }
0x2f4: {  	s22 =	sor.u32 s8, s12;
	s23 =	sadd.s32 s2, s12;
	s12 =	sadd.s32 s11, s12;
	[tilespmem:s9+$0x0] =	vst v7;
	v10 =	vld [tilespmem:s4+$0x6100]  }
0x2f5: {  	s10 =	sor.u32 $0x180, s26;
	s15 =	sor.u32 s0, s22;
	s24 =	simm.s32 $0x40;
	v7 =	vld [tilespmem:s6+$0x6100];
	v8 =	vadd.f32 v8, v4  }
0x2f6: {  	s1 =	sor.u32 s0, s23;
	s12 =	sor.u32 s0, s12;
	s31 =	sand.u32 $0x1C00, s24;
	v11 =	vld [tilespmem:s15+$0x0];
	v9 =	vmul.f32 $2.771281240e+01, v9  }
0x2f7: {  	s17 =	sor.u32 $0x6100, s31;
	s21 =	simm.s32 $0x200;
	v14 =	vld [tilespmem:s12+$0x0];
	[tilespmem:s19+$0x0] =	vst v8;
	s19 =	simm.s32 $0x8  }
0x2f8: {  	s22 =	sadd.s32 s10, s17;
	s25 =	sand.u32 $0x200, s21;
	v8 =	vld [tilespmem:s5+$0x6100];
	s19 =	sand.u32 $0x70, s19;
	v9 =	vadd.f32 v9, v12  }
0x2f9: {  	s23 =	sor.u32 s25, s17;
	v13 =	vld [tilespmem:s1+$0x0];
	v6 =	vmul.f32 $2.771281240e+01, v6;
	s18 =	sor.u32 s19, s31;
	s9 =	sor.u32 s19, s22  }
0x2fa: {  	s14 =	sadd.s32 $0x9100, s14;
	s29 =	sor.u32 s19, s23;
	s18 =	sadd.s32 $0x1800, s18;
	v15 =	vld [tilespmem:s9+$0x0];
	[tilespmem:s3+$0x6100] =	vst v9;
	v9 =	vmul.f32 $2.771281240e+01, v10  }
0x2fb: {  	s11 =	sadd.s32 s11, s14;
	v7 =	vmul.f32 $2.771281240e+01, v7;
	v16 =	vadd.f32 v6, v3;
	v17 =	vld [tilespmem:s29+$0x0];
	s22 =	sor.u32 s10, s18  }
0x2fc: {  	s28 =	sor.u32 $0x80, s26;
	v11 =	vmul.f32 $2.771281240e+01, v11;
	s3 =	sor.u32 s0, s11;
	v6 =	vld [tilespmem:s22+$0x18100];
	v9 =	vadd.f32 v9, v3  }
0x2fd: {  	s26 =	sor.u32 $0x100, s26;
	s24 =	sor.u32 s28, s17;
	s23 =	sor.u32 s25, s18;
	[tilespmem:s16+$0x0] =	vst v16;
	v16 =	vadd.f32 v7, v5;
	v10 =	vld [tilespmem:s3+$0x0];
	v8 =	vmul.f32 $2.771281240e+01, v8  }
0x2fe: {  	s7 =	sadd.s32 s26, s17;
	v11 =	vadd.f32 v11, v5;
	s11 =	sor.u32 s19, s24;
	v7 =	vld [tilespmem:s23+$0x18100];
	[tilespmem:s4+$0x6100] =	vst v9;
	v9 =	vmul.f32 $2.771281240e+01, v13  }
0x2ff: {  	v14 =	vmul.f32 $2.771281240e+01, v14;
	v18 =	vld [tilespmem:s11+$0x0];
	[tilespmem:s6+$0x6100] =	vst v16;
	v8 =	vadd.f32 v8, v4;
	s4 =	sor.u32 s19, s7  }
0x300: {  	s24 =	sor.u32 s28, s18;
	v15 =	vmul.f32 $2.771281240e+01, v15;
	[tilespmem:s15+$0x0] =	vst v11;
	v13 =	vld [tilespmem:s4+$0x0];
	v16 =	vadd.f32 v9, v4  }
0x301: {  	s17 =	sor.u32 s13, s14;
	v14 =	vadd.f32 v14, v12;
	[tilespmem:s5+$0x6100] =	vst v8;
	s5 =	sor.u32 s26, s18;
	v9 =	vld [tilespmem:s24+$0x18100]  }
0x302: {  	s15 =	sor.u32 s0, s17;
	v17 =	vmul.f32 $2.771281240e+01, v17;
	s18 =	sor.u32 s8, s14;
	v15 =	vadd.f32 v15, v6;
	v8 =	vld [tilespmem:s5+$0x18100];
	[tilespmem:s1+$0x0] =	vst v16;
	v16 =	vmul.f32 $2.771281240e+01, v10  }
0x303: {  	[tilespmem:s12+$0x0] =	vst v14;
	v11 =	vld [tilespmem:s15+$0x0];
	s16 =	sor.u32 s0, s18  }
0x304: {  	s8 =	sadd.s32 s2, s14;
	[tilespmem:s9+$0x0] =	vst v15;
	s9 =	sadd.s32 $0xA900, s31;
	v15 =	vadd.f32 v17, v7;
	v10 =	vld [tilespmem:s16+$0x0];
	v14 =	vadd.f32 v16, v12;
	v16 =	vmul.f32 $2.771281240e+01, v18  }
0x305: {  	s0 =	sor.u32 s0, s8;
	s12 =	sor.u32 s25, s9;
	s13 =	sor.u32 s28, s9;
	v17 =	vmul.f32 $2.771281240e+01, v13;
	v13 =	vld [tilespmem:s22+$0x6100]  }
0x306: {  	s14 =	sadd.s32 s26, s9;
	s18 =	sadd.s32 s10, s9;
	[tilespmem:s29+$0x0] =	vst v15;
	s17 =	sor.u32 s19, s12;
	v12 =	vld [tilespmem:s0+$0x0];
	v16 =	vadd.f32 v16, v9  }
0x307: {  	s2 =	sor.u32 s19, s13;
	s30 =	sor.u32 s19, s14;
	s29 =	sor.u32 s19, s18;
	[tilespmem:s3+$0x0] =	vst v14;
	v14 =	vld [tilespmem:s17+$0x0];
	v15 =	vadd.f32 v17, v8  }
.LBB2_12:
0x308: {  	s20 =	sadd.s32 $0x4, s20;
	v17 =	vld [tilespmem:s23+$0x6100];
	[tilespmem:s11+$0x0] =	vst v16;
	s21 =	sadd.s32 $0x200, s21;
	v11 =	vmul.f32 $2.771281240e+01, v11  }
0x309: {  	s1 =	sshll.u32 s20, $0x4;
	s3 =	sand.u32 $0x4, s20;
	p0 =	slt.u32 s20, $0x17C;
	v16 =	vld [tilespmem:s24+$0x6100];
	[tilespmem:s4+$0x0] =	vst v15;
	v10 =	vmul.f32 $2.771281240e+01, v10  }
0x30a: {  	s13 =	sand.u32 $0x200, s21;
	s8 =	sand.u32 $0x1C00, s1;
	s1 =	sshll.u32 s3, $0x7;
	v15 =	vld [tilespmem:s5+$0x6100];
	v13 =	vmul.f32 $2.771281240e+01, v13;
	v11 =	vadd.f32 v11, v3;
	v3 =	vmov v7  }
0x30b: {  	s3 =	sshll.u32 s20, $0x1;
	s4 =	sor.u32 $0x6100, s8;
	s12 =	sor.u32 $0x180, s1;
	v7 =	vld [tilespmem:s2+$0x0];
	v10 =	vadd.f32 v10, v5;
	v12 =	vmul.f32 $2.771281240e+01, v12;
	v5 =	vmov v9  }
0x30c: {  	s14 =	sand.u32 $0x70, s3;
	s3 =	sadd.s32 $0x9100, s31;
	s6 =	sadd.s32 s12, s4;
	v9 =	vmul.f32 $2.771281240e+01, v14;
	v14 =	vld [tilespmem:s30+$0x0];
	v13 =	vadd.f32 v13, v6;
	[tilespmem:s15+$0x0] =	vst v11  }
0x30d: {  	s7 =	sor.u32 s14, s8;
	s9 =	sadd.s32 s10, s3;
	s31 =	sor.u32 s14, s6;
	v11 =	vmul.f32 $2.771281240e+01, v17;
	v17 =	vld [tilespmem:s29+$0x0];
	[tilespmem:s16+$0x0] =	vst v10;
	v10 =	vadd.f32 v12, v4;
	v4 =	vmov v8  }
0x30e: {  	s7 =	sadd.s32 $0x1800, s7;
	s6 =	sor.u32 $0x80, s1;
	s10 =	sor.u32 s19, s9;
	v8 =	vld [tilespmem:s31+$0x0];
	v9 =	vadd.f32 v9, v3;
	v12 =	vmul.f32 $2.771281240e+01, v16;
	[tilespmem:s22+$0x6100] =	vst v13  }
0x30f: {  	s18 =	sor.u32 $0x100, s1;
	s9 =	sor.u32 s13, s4;
	s22 =	sor.u32 s12, s7;
	v11 =	vadd.f32 v11, v3;
	v13 =	vmul.f32 $2.771281240e+01, v15;
	v15 =	vld [tilespmem:s10+$0x0];
	[tilespmem:s0+$0x0] =	vst v10  }
0x310: {  	s1 =	sor.u32 s14, s9;
	s0 =	sor.u32 s6, s4;
	s4 =	sadd.s32 s18, s4;
	v10 =	vld [tilespmem:s22+$0x18100];
	[tilespmem:s17+$0x0] =	vst v9;
	v9 =	vadd.f32 v12, v5;
	v7 =	vmul.f32 $2.771281240e+01, v7  }
0x311: {  	s11 =	sor.u32 s14, s0;
	s4 =	sor.u32 s14, s4;
	v12 =	vld [tilespmem:s1+$0x0];
	[tilespmem:s23+$0x6100] =	vst v11;
	s23 =	sor.u32 s13, s7;
	v11 =	vadd.f32 v13, v4;
	v13 =	vmul.f32 $2.771281240e+01, v14  }
0x312: {  	s9 =	sor.u32 s18, s7;
	s0 =	sadd.s32 $0xA900, s8;
	v14 =	vld [tilespmem:s11+$0x0];
	[tilespmem:s24+$0x6100] =	vst v9;
	s24 =	sor.u32 s6, s7;
	v9 =	vadd.f32 v7, v5;
	v16 =	vmul.f32 $2.771281240e+01, v17  }
0x313: {  	s15 =	sor.u32 s25, s3;
	s16 =	sor.u32 s28, s3;
	s7 =	sor.u32 s13, s0;
	v17 =	vld [tilespmem:s4+$0x0];
	v8 =	vmul.f32 $2.771281240e+01, v8;
	[tilespmem:s5+$0x6100] =	vst v11;
	v11 =	vadd.f32 v13, v4  }
0x314: {  	s3 =	sadd.s32 s26, s3;
	s25 =	sadd.s32 s18, s0;
	s5 =	sor.u32 s6, s0;
	v7 =	vld [tilespmem:s23+$0x18100];
	[tilespmem:s2+$0x0] =	vst v9;
	v13 =	vmul.f32 $2.771281240e+01, v15;
	v15 =	vadd.f32 v16, v6  }
0x315: {  	s15 =	sor.u32 s19, s15;
	s17 =	sor.u32 s14, s7;
	s7 =	sadd.s32 s12, s0;
	v9 =	vld [tilespmem:s24+$0x18100];
	v16 =	vadd.f32 v8, v10;
	[tilespmem:s30+$0x0] =	vst v11  }
0x316: {  	s16 =	sor.u32 s19, s16;
	s0 =	sor.u32 s19, s3;
	s2 =	sor.u32 s14, s5;
	v12 =	vmul.f32 $2.771281240e+01, v12;
	v8 =	vld [tilespmem:s9+$0x18100];
	v13 =	vadd.f32 v13, v6;
	[tilespmem:s29+$0x0] =	vst v15;
	v6 =	vmov v10  }
.Ltmp5:
0x317: {  	s30 =	sor.u32 s14, s25;
	s29 =	sor.u32 s14, s7;
	v14 =	vmul.f32 $2.771281240e+01, v14;
	[tilespmem:s31+$0x0] =	vst v16;
	v11 =	vld [tilespmem:s15+$0x0];
	(pc) =	sbr.rel @p0 .LBB2_12-.Ltmp5, $4  }
0x318: {  	s25 =	smov.u32 s13;
	s31 =	smov.u32 s8;
	v15 =	vmul.f32 $2.771281240e+01, v17;
	v10 =	vld [tilespmem:s16+$0x0];
	[tilespmem:s10+$0x0] =	vst v13;
	s10 =	smov.u32 s12  }
0x319: {  	s26 =	smov.u32 s18;
	s28 =	smov.u32 s6;
	s19 =	smov.u32 s14;
	v17 =	vadd.f32 v12, v7;
	v13 =	vld [tilespmem:s22+$0x6100]  }
0x31a: {  	s5 =	smov.u32 s9;
	v16 =	vadd.f32 v14, v9;
	v12 =	vld [tilespmem:s0+$0x0]  }
0x31b: {  	[tilespmem:s1+$0x0] =	vst v17;
	v14 =	vld [tilespmem:s17+$0x0];
	v15 =	vadd.f32 v15, v8  }
0x31c: {  	v17 =	vld [tilespmem:s23+$0x6100];
	[tilespmem:s11+$0x0] =	vst v16  }
0x31d: {  	v16 =	vld [tilespmem:s24+$0x6100];
	[tilespmem:s4+$0x0] =	vst v15  }
0x31e: {  	v15 =	vld [tilespmem:s5+$0x6100]  }
0x31f: {  	v18 =	vld [tilespmem:s2+$0x0];
	v13 =	vmul.f32 $2.771281240e+01, v13  }
0x320: {  	v19 =	vld [tilespmem:s30+$0x0];
	v14 =	vmul.f32 $2.771281240e+01, v14  }
0x321: {  	v13 =	vadd.f32 v13, v6;
	v17 =	vmul.f32 $2.771281240e+01, v17  }
0x322: {  	v14 =	vadd.f32 v14, v7;
	v16 =	vmul.f32 $2.771281240e+01, v16  }
0x323: {  	v20 =	vld [tilespmem:s29+$0x0];
	[tilespmem:s22+$0x6100] =	vst v13;
	v13 =	vadd.f32 v17, v7;
	v15 =	vmul.f32 $2.771281240e+01, v15  }
0x324: {  	s1 =	sadd.s32 $0x9100, s31;
	v62 =	vmul.f32 $2.771281240e+01, v18;
	[tilespmem:s17+$0x0] =	vst v14;
	v14 =	vadd.f32 v16, v9  }
0x325: {  	s3 =	sadd.s32 s10, s1;
	[tilespmem:s23+$0x6100] =	vst v13;
	v13 =	vadd.f32 v15, v8;
	v15 =	vmul.f32 $2.771281240e+01, v19  }
0x326: {  	s13 =	sor.u32 s25, s1;
	s3 =	sor.u32 s19, s3;
	[tilespmem:s24+$0x6100] =	vst v14;
	v14 =	vadd.f32 v62, v9  }
0x327: {  	s6 =	sor.u32 s28, s1;
	s4 =	sor.u32 s19, s13;
	v63 =	vld [tilespmem:s3+$0x0];
	[tilespmem:s5+$0x6100] =	vst v13;
	v13 =	vadd.f32 v15, v8  }
0x328: {  	v11 =	vmul.f32 $2.771281240e+01, v11;
	s1 =	sadd.s32 s26, s1;
	s14 =	sor.u32 s19, s6;
	[tilespmem:s2+$0x0] =	vst v14;
	v14 =	vld [tilespmem:s4+$0x0]  }
0x329: {  	v10 =	vmul.f32 $2.771281240e+01, v10;
	s1 =	sor.u32 s19, s1;
	[tilespmem:s30+$0x0] =	vst v13;
	v13 =	vld [tilespmem:s14+$0x0]  }
0x32a: {  	v3 =	vadd.f32 v11, v3;
	v11 =	vmul.f32 $2.771281240e+01, v12;
	v12 =	vld [tilespmem:s1+$0x0]  }
0x32b: {  	v5 =	vadd.f32 v10, v5;
	v10 =	vmul.f32 $2.771281240e+01, v20  }
0x32c: {  	[tilespmem:s15+$0x0] =	vst v3;
	v3 =	vadd.f32 v11, v4;
	v4 =	vmul.f32 $2.771281240e+01, v63  }
0x32d: {  	[tilespmem:s16+$0x0] =	vst v5;
	v5 =	vadd.f32 v10, v6;
	v10 =	vmul.f32 $2.771281240e+01, v14  }
0x32e: {  	[tilespmem:s0+$0x0] =	vst v3;
	v3 =	vadd.f32 v4, v6;
	v4 =	vmul.f32 $2.771281240e+01, v13  }
0x32f: {  	[tilespmem:s29+$0x0] =	vst v5;
	v5 =	vadd.f32 v10, v7;
	v6 =	vmul.f32 $2.771281240e+01, v12  }
0x330: {  	[tilespmem:s3+$0x0] =	vst v3;
	v3 =	vadd.f32 v4, v9  }
0x331: {  	[tilespmem:s4+$0x0] =	vst v5;
	v4 =	vadd.f32 v6, v8  }
0x332: {  	[tilespmem:s14+$0x0] =	vst v3  }
0x333: {  	[tilespmem:s1+$0x0] =	vst v4  }
0x334: {  	s0 =	rddreg [dreg:$0x18]  }
0x335: {  	s19 =	simm.s32 $0x0;
	s15 =	simm.s32 $0x6100;
	s16 =	sld [smem:$0x7F5]  }
0x336: {  	[hbm4b:s0+s19] =	stream.linear.scatter [tilespmem:s15], [sflag:$0x9], $0x1800, $0x38;
	[tilespmem:$0x1E100] =	vst v63  }
0x337: {  	s17 =	simm.s32 $0x7900;
	s18 =	sld [smem:$0x7F6]  }
0x338: {  	[hbm4b:s16+s19] =	stream.linear.scatter [tilespmem:s17], [sflag:$0x9], $0x1800, $0x38;
	[tilespmem:$0x1E100] =	vst v63  }
0x339: {  	s20 =	simm.s32 $0x9100;
	s21 =	sld [smem:$0x7F7]  }
0x33a: {  	[hbm4b:s18+s19] =	stream.linear.scatter [tilespmem:s20], [sflag:$0x9], $0x1800, $0x38;
	[tilespmem:$0x1E100] =	vst v63  }
0x33b: {  	s22 =	simm.s32 $0xA900;
	s23 =	simm.s32 $0xB  }
0x33c: {  	[hbm4b:s21+s19] =	stream.linear.scatter [tilespmem:s22], [sflag:$0x9], $0x1800, $0x38;
	[tilespmem:$0x1E100] =	vst v63  }
0x33d: {  	_ =	swait.ge [sflag:s23], $0x1800  }
0x33e: {  	[sflag:s23] =	ssyncset.done $0x0  }
0x33f: {  	[sflag:s23] =	ssyncadd.s32 $0xFFFFE800  }
0x340: {  	_ =	swait.ge [sflag:s23], $0x1800  }
0x341: {  	[sflag:s23] =	ssyncset.done $0x0  }
0x342: {  	[sflag:s23] =	ssyncadd.s32 $0xFFFFE800  }
0x343: {  	_ =	swait.ge [sflag:s23], $0x1800  }
0x344: {  	[sflag:s23] =	ssyncset.done $0x0  }
0x345: {  	[sflag:s23] =	ssyncadd.s32 $0xFFFFE800  }
0x346: {  	_ =	swait.ge [sflag:s23], $0x1800  }
0x347: {  	[sflag:s23] =	ssyncset.done $0x0  }
0x348: {  	[sflag:s23] =	ssyncadd.s32 $0xFFFFE800  }
0x349: {  	v3 =	vld [tilespmem:$0xE0];
	_ =	sdelay $0x4  }
0x34a: {  	v4 =	vshrl.u32 v3, $0x3  }
0x34b: {  	v4 =	vmul.u32 $0x30, v4  }
0x34c: {  	v3 =	vand.u32 $0x7, v3  }
0x34d: {  	v3 =	vor.u32 v3, v4  }
0x34e: {  	v4 =	vperm.xlane v3, v0;
	_ =	sdelay $0x1  }
0x34f: {  	v4 =	vadd.s32 v1, v4;
	_ =	sdelay $0x3  }
0x350: {  	s24 =	simm.s32 $0x12100;
	s0 =	rddreg [dreg:$0x1];
	v3 =	vperm.xlane v3, v2  }
0x351: {  	[tilespmem:s24], [sflag:$0x7] =	stream.indirect_vreg.gather [hbm4b:s0+s19], $0x80, v4, vm0, $0xb8;
	[tilespmem:$0x1E100] =	vst v63  }
0x352: {  	s26 =	simm.s32 $0x12900;
	s25 =	rddreg [dreg:$0x8];
	v3 =	vadd.s32 v1, v3  }
0x353: {  	[tilespmem:s26], [sflag:$0x7] =	stream.indirect_vreg.gather [hbm4b:s25+s19], $0x80, v4, vm0, $0xb8;
	[tilespmem:$0x1E100] =	vst v63  }
0x354: {  	s29 =	simm.s32 $0x13100;
	s28 =	rddreg [dreg:$0xa]  }
0x355: {  	[tilespmem:s29], [sflag:$0x7] =	stream.indirect_vreg.gather [hbm4b:s28+s19], $0x80, v4, vm0, $0xb8;
	[tilespmem:$0x1E100] =	vst v63  }
0x356: {  	s30 =	simm.s32 $0x13900  }
0x357: {  	[tilespmem:s30], [sflag:$0x7] =	stream.indirect_vreg.gather [hbm4b:s0+s19], $0x80, v3, vm0, $0xb8;
	[tilespmem:$0x1E100] =	vst v63  }
0x358: {  	s31 =	simm.s32 $0x14100  }
0x359: {  	[tilespmem:s31], [sflag:$0x7] =	stream.indirect_vreg.gather [hbm4b:s25+s19], $0x80, v3, vm0, $0xb8;
	[tilespmem:$0x1E100] =	vst v63  }
0x35a: {  	s4 =	simm.s32 $0x14900  }
0x35b: {  	[tilespmem:s4], [sflag:$0x7] =	stream.indirect_vreg.gather [hbm4b:s28+s19], $0x80, v3, vm0, $0xb8;
	[tilespmem:$0x1E100] =	vst v63  }
0x35c: {  	v3 =	vld [tilespmem:$0xF0];
	_ =	sdelay $0x4  }
0x35d: {  	v4 =	vshrl.u32 v3, $0x3  }
0x35e: {  	v4 =	vmul.u32 $0x30, v4  }
0x35f: {  	v3 =	vand.u32 $0x7, v3  }
0x360: {  	v3 =	vor.u32 v3, v4  }
0x361: {  	v4 =	vperm.xlane v3, v0;
	_ =	sdelay $0x1  }
0x362: {  	v4 =	vadd.s32 v1, v4;
	_ =	sdelay $0x3  }
0x363: {  	s5 =	simm.s32 $0x15100;
	v3 =	vperm.xlane v3, v2  }
0x364: {  	[tilespmem:s5], [sflag:$0x7] =	stream.indirect_vreg.gather [hbm4b:s0+s19], $0x80, v4, vm0, $0xb8;
	[tilespmem:$0x1E100] =	vst v63  }
0x365: {  	s6 =	simm.s32 $0x15900;
	v3 =	vadd.s32 v1, v3  }
0x366: {  	[tilespmem:s6], [sflag:$0x7] =	stream.indirect_vreg.gather [hbm4b:s25+s19], $0x80, v4, vm0, $0xb8;
	[tilespmem:$0x1E100] =	vst v63  }
0x367: {  	s7 =	simm.s32 $0x16100  }
0x368: {  	[tilespmem:s7], [sflag:$0x7] =	stream.indirect_vreg.gather [hbm4b:s28+s19], $0x80, v4, vm0, $0xb8;
	[tilespmem:$0x1E100] =	vst v63  }
0x369: {  	s8 =	simm.s32 $0x16900  }
0x36a: {  	[tilespmem:s8], [sflag:$0x7] =	stream.indirect_vreg.gather [hbm4b:s0+s19], $0x80, v3, vm0, $0xb8;
	[tilespmem:$0x1E100] =	vst v63  }
0x36b: {  	s9 =	simm.s32 $0x17100  }
0x36c: {  	[tilespmem:s9], [sflag:$0x7] =	stream.indirect_vreg.gather [hbm4b:s25+s19], $0x80, v3, vm0, $0xb8;
	[tilespmem:$0x1E100] =	vst v63  }
0x36d: {  	s11 =	simm.s32 $0x6;
	s12 =	simm.s32 $0x3;
	s10 =	simm.s32 $0x17900  }
0x36e: {  	[tilespmem:s10], [sflag:$0x7] =	stream.indirect_vreg.gather [hbm4b:s28+s19], $0x80, v3, vm0, $0xb8;
	[tilespmem:$0x1E100] =	vst v63  }
0x36f: {  	s14 =	simm.s32 $0x0;
	s20 =	simm.s32 $0x0;
	_ =	swait.ge [sflag:s11], $0x6000  }
0x370: {  	s1 =	sand.u32 $0x1C00, s14;
	s13 =	sand.u32 $0x4, s20;
	[sflag:s11] =	ssyncset.done $0x0  }
0x371: {  	s15 =	simm.s32 $0x0;
	s0 =	sshll.u32 s13, $0x7;
	[sflag:s11] =	ssyncadd.s32 $0xFFFFA000  }
0x372: {  	s6 =	sand.u32 $0x70, s15;
	s16 =	sor.u32 $0x180, s0;
	_ =	swait.ge [sflag:s12], $0x3000  }
0x373: {  	s17 =	sor.u32 $0x80, s0;
	s22 =	sor.u32 s16, s1;
	[sflag:s12] =	ssyncset.done $0x0  }
0x374: {  	s23 =	sor.u32 s17, s1;
	s7 =	sor.u32 s6, s22;
	[sflag:s12] =	ssyncadd.s32 $0xFFFFD000  }
0x375: {  	s9 =	sor.u32 $0x100, s0;
	s5 =	sor.u32 s6, s23;
	v4 =	vld [tilespmem:s7+$0xC100]  }
0x376: {  	s0 =	sor.u32 s9, s1;
	v6 =	vld [tilespmem:s5+$0xC100]  }
0x377: {  	s12 =	sor.u32 s6, s0;
	v3 =	vld [tilespmem:s7+$0x1B100]  }
0x378: {  	s24 =	sor.u32 s1, s6;
	s8 =	sand.u32 $0x200, s19;
	v7 =	vld [tilespmem:s12+$0xC100]  }
0x379: {  	s25 =	sadd.s32 $0xF100, s1;
	s10 =	sor.u32 s8, s24;
	v5 =	vld [tilespmem:s5+$0x1B100]  }
0x37a: {  	s26 =	sor.u32 s8, s25;
	v9 =	vld [tilespmem:s10+$0xC100]  }
0x37b: {  	s13 =	sadd.s32 $0x10900, s1;
	s11 =	sor.u32 s6, s26;
	v8 =	vmul.f32 $2.771281240e+01, v4;
	v4 =	vld [tilespmem:s12+$0x1B100]  }
0x37c: {  	s29 =	sor.u32 s17, s13;
	s28 =	sor.u32 s8, s13;
	v12 =	vld [tilespmem:s11+$0x0];
	v10 =	vmul.f32 $2.771281240e+01, v6  }
0x37d: {  	s14 =	sor.u32 s17, s25;
	s1 =	sadd.s32 $0xD900, s1;
	s4 =	sor.u32 s6, s28;
	v6 =	vld [tilespmem:s10+$0x1B100];
	v8 =	vadd.f32 v8, v3  }
0x37e: {  	s30 =	sadd.s32 s9, s25;
	s3 =	sadd.s32 s16, s1;
	s0 =	sor.u32 s6, s14;
	v13 =	vmul.f32 $2.771281240e+01, v7;
	v7 =	vld [tilespmem:s4+$0x0];
	v10 =	vadd.f32 v10, v5  }
0x37f: {  	s18 =	sadd.s32 s9, s13;
	s31 =	sor.u32 s8, s1;
	s8 =	sor.u32 s6, s3;
	[tilespmem:s7+$0xC100] =	vst v8;
	v8 =	vld [tilespmem:s0+$0x0]  }
0x380: {  	s21 =	sadd.s32 s16, s25;
	s13 =	sadd.s32 s16, s13;
	s2 =	sor.u32 s17, s1;
	[tilespmem:s5+$0xC100] =	vst v10;
	v10 =	vmul.f32 $2.771281240e+01, v9;
	v11 =	vld [tilespmem:s8+$0x0];
	v13 =	vadd.f32 v13, v4  }
0x381: {  	s1 =	sadd.s32 s9, s1;
	s23 =	sor.u32 s6, s30;
	s5 =	sor.u32 s6, s29  }
0x382: {  	s22 =	sor.u32 s6, s18;
	s21 =	sor.u32 s6, s21;
	s16 =	sor.u32 s6, s2;
	v9 =	vld [tilespmem:s5+$0x0];
	[tilespmem:s12+$0xC100] =	vst v13;
	v13 =	vadd.f32 v10, v6  }
0x383: {  	s24 =	sor.u32 s6, s13;
	s2 =	sor.u32 s6, s31;
	s15 =	sor.u32 s6, s1;
	v12 =	vmul.f32 $2.771281240e+01, v12;
	v10 =	vld [tilespmem:s16+$0x0]  }
.LBB2_14:
0x384: {  	s20 =	sadd.s32 $0x4, s20;
	[tilespmem:s10+$0xC100] =	vst v13;
	v7 =	vmul.f32 $2.771281240e+01, v7;
	v13 =	vld [tilespmem:s15+$0x0];
	s19 =	sadd.s32 $0x200, s19  }
0x385: {  	s1 =	sand.u32 $0x4, s20;
	p0 =	slt.u32 s20, $0x17C;
	v14 =	vld [tilespmem:s2+$0x0];
	v12 =	vadd.f32 v12, v6;
	v11 =	vmul.f32 $2.771281240e+01, v11;
	s3 =	sshll.u32 s20, $0x4  }
0x386: {  	s13 =	sand.u32 $0x200, s19;
	s6 =	sshll.u32 s20, $0x1;
	s1 =	sshll.u32 s1, $0x7;
	v7 =	vadd.f32 v7, v6;
	v8 =	vmul.f32 $2.771281240e+01, v8;
	v15 =	vld [tilespmem:s23+$0x0]  }
0x387: {  	s18 =	sand.u32 $0x1C00, s3;
	s12 =	sand.u32 $0x70, s6;
	s14 =	sor.u32 $0x180, s1;
	[tilespmem:s11+$0x0] =	vst v12;
	v9 =	vmul.f32 $2.771281240e+01, v9;
	v12 =	vld [tilespmem:s22+$0x0];
	v11 =	vadd.f32 v11, v3  }
0x388: {  	s25 =	sor.u32 $0x80, s1;
	s26 =	sor.u32 $0x100, s1;
	s3 =	sor.u32 s14, s18;
	[tilespmem:s4+$0x0] =	vst v7;
	v7 =	vmul.f32 $2.771281240e+01, v10;
	v8 =	vadd.f32 v8, v5;
	v10 =	vld [tilespmem:s21+$0x0]  }
0x389: {  	s1 =	sor.u32 s18, s12;
	s4 =	sor.u32 s25, s18;
	s28 =	sor.u32 s12, s3;
	v9 =	vadd.f32 v9, v5;
	v13 =	vmul.f32 $2.771281240e+01, v13;
	[tilespmem:s8+$0x0] =	vst v11;
	v11 =	vld [tilespmem:s24+$0x0]  }
0x38a: {  	s10 =	sor.u32 s13, s1;
	s6 =	sor.u32 s12, s4;
	s3 =	sor.u32 s26, s18;
	v16 =	vld [tilespmem:s28+$0xC100];
	v14 =	vmul.f32 $2.771281240e+01, v14;
	v5 =	vadd.f32 v7, v5;
	[tilespmem:s0+$0x0] =	vst v8  }
0x38b: {  	s0 =	sadd.s32 $0xF100, s18;
	s17 =	sor.u32 s12, s3;
	s3 =	sadd.s32 $0x10900, s18;
	v7 =	vld [tilespmem:s6+$0xC100];
	[tilespmem:s5+$0x0] =	vst v9;
	v8 =	vadd.f32 v13, v4;
	v9 =	vmul.f32 $2.771281240e+01, v15  }
0x38c: {  	s1 =	sor.u32 s13, s0;
	s5 =	sor.u32 s25, s0;
	s4 =	sor.u32 s13, s3;
	v13 =	vld [tilespmem:s28+$0x1B100];
	v6 =	vadd.f32 v14, v6;
	[tilespmem:s16+$0x0] =	vst v5;
	v5 =	vmul.f32 $2.771281240e+01, v12  }
0x38d: {  	s7 =	sor.u32 s25, s3;
	s8 =	sadd.s32 s26, s0;
	s9 =	sadd.s32 s26, s3;
	v12 =	vld [tilespmem:s17+$0xC100];
	[tilespmem:s15+$0x0] =	vst v8;
	v8 =	vadd.f32 v9, v4;
	v9 =	vmul.f32 $2.771281240e+01, v10  }
0x38e: {  	s3 =	sadd.s32 s14, s3;
	s11 =	sor.u32 s12, s1;
	s15 =	sadd.s32 s14, s0;
	v10 =	vld [tilespmem:s10+$0xC100];
	[tilespmem:s2+$0x0] =	vst v6;
	v6 =	vadd.f32 v5, v4;
	v11 =	vmul.f32 $2.771281240e+01, v11  }
0x38f: {  	s4 =	sor.u32 s12, s4;
	s1 =	sadd.s32 $0xD900, s18;
	s0 =	sor.u32 s12, s5;
	v5 =	vld [tilespmem:s6+$0x1B100];
	v14 =	vmul.f32 $2.771281240e+01, v16;
	[tilespmem:s23+$0x0] =	vst v8;
	v8 =	vadd.f32 v9, v3  }
0x390: {  	s5 =	sor.u32 s12, s7;
	s23 =	sor.u32 s12, s8;
	v9 =	vmul.f32 $2.771281240e+01, v7;
	v4 =	vld [tilespmem:s17+$0x1B100];
	[tilespmem:s22+$0x0] =	vst v6;
	s22 =	sor.u32 s12, s9;
	v7 =	vadd.f32 v11, v3  }
0x391: {  	s3 =	sor.u32 s12, s3;
	s2 =	sor.u32 s13, s1;
	v6 =	vld [tilespmem:s10+$0x1B100];
	v11 =	vadd.f32 v14, v13;
	[tilespmem:s21+$0x0] =	vst v8;
	s21 =	sor.u32 s12, s15;
	v3 =	vmov v13  }
0x392: {  	s7 =	sor.u32 s25, s1;
	s8 =	sadd.s32 s14, s1;
	s2 =	sor.u32 s12, s2;
	v14 =	vld [tilespmem:s11+$0x0];
	v12 =	vmul.f32 $2.771281240e+01, v12;
	[tilespmem:s24+$0x0] =	vst v7  }
.Ltmp6:
0x393: {  	s1 =	sadd.s32 s26, s1;
	s8 =	sor.u32 s12, s8;
	v10 =	vmul.f32 $2.771281240e+01, v10;
	v7 =	vld [tilespmem:s4+$0x0];
	[tilespmem:s28+$0xC100] =	vst v11;
	(pc) =	sbr.rel @p0 .LBB2_14-.Ltmp6, $4  }
0x394: {  	s16 =	sor.u32 s12, s7;
	s15 =	sor.u32 s12, s1;
	s24 =	smov.u32 s3;
	v9 =	vadd.f32 v9, v5;
	v11 =	vld [tilespmem:s8+$0x0]  }
0x395: {  	v8 =	vld [tilespmem:s0+$0x0];
	v15 =	vadd.f32 v12, v4  }
0x396: {  	v13 =	vadd.f32 v10, v6;
	[tilespmem:s6+$0xC100] =	vst v9;
	v9 =	vld [tilespmem:s5+$0x0]  }
0x397: {  	v12 =	vmul.f32 $2.771281240e+01, v14;
	v10 =	vld [tilespmem:s16+$0x0];
	[tilespmem:s17+$0xC100] =	vst v15  }
0x398: {  	_ = 	snop  }
0x399: {  	[tilespmem:s10+$0xC100] =	vst v13;
	v13 =	vld [tilespmem:s15+$0x0];
	v11 =	vmul.f32 $2.771281240e+01, v11  }
0x39a: {  	v7 =	vmul.f32 $2.771281240e+01, v7;
	v14 =	vld [tilespmem:s2+$0x0];
	v12 =	vadd.f32 v12, v6  }
0x39b: {  	v15 =	vld [tilespmem:s23+$0x0];
	v8 =	vmul.f32 $2.771281240e+01, v8;
	v11 =	vadd.f32 v11, v3  }
0x39c: {  	v16 =	vld [tilespmem:s22+$0x0];
	v7 =	vadd.f32 v7, v6;
	[tilespmem:s11+$0x0] =	vst v12;
	v9 =	vmul.f32 $2.771281240e+01, v9  }
0x39d: {  	v12 =	vld [tilespmem:s21+$0x0];
	v10 =	vmul.f32 $2.771281240e+01, v10;
	v8 =	vadd.f32 v8, v5;
	[tilespmem:s8+$0x0] =	vst v11  }
0x39e: {  	[tilespmem:s4+$0x0] =	vst v7;
	v7 =	vadd.f32 v9, v5;
	v9 =	vmul.f32 $2.771281240e+01, v13;
	v11 =	vld [tilespmem:s24+$0x0]  }
0x39f: {  	v13 =	vmul.f32 $2.771281240e+01, v14;
	v5 =	vadd.f32 v10, v5;
	[tilespmem:s0+$0x0] =	vst v8  }
0x3a0: {  	v8 =	vmul.f32 $2.771281240e+01, v15;
	[tilespmem:s5+$0x0] =	vst v7;
	v7 =	vadd.f32 v9, v4  }
0x3a1: {  	v6 =	vadd.f32 v13, v6;
	[tilespmem:s16+$0x0] =	vst v5;
	v5 =	vmul.f32 $2.771281240e+01, v16  }
0x3a2: {  	[tilespmem:s15+$0x0] =	vst v7;
	v7 =	vadd.f32 v8, v4;
	v8 =	vmul.f32 $2.771281240e+01, v12  }
0x3a3: {  	[tilespmem:s2+$0x0] =	vst v6;
	v4 =	vadd.f32 v5, v4;
	v5 =	vmul.f32 $2.771281240e+01, v11  }
0x3a4: {  	[tilespmem:s23+$0x0] =	vst v7;
	v6 =	vadd.f32 v8, v3  }
0x3a5: {  	[tilespmem:s22+$0x0] =	vst v4;
	v3 =	vadd.f32 v5, v3  }
0x3a6: {  	[tilespmem:s21+$0x0] =	vst v6  }
0x3a7: {  	s1 =	simm.s32 $0x0;
	s3 =	simm.s32 $0xC100;
	s7 =	simm.s32 $0xF100;
	[tilespmem:s24+$0x0] =	vst v3  }
0x3a8: {  	s9 =	simm.s32 $0x10900;
	s11 =	simm.s32 $0x0;
	s0 =	rddreg [dreg:$0x17]  }
0x3a9: {  	s10 =	simm.s32 $0x0;
	s14 =	sand.u32 $0x1C00, s11;
	s4 =	sld [smem:$0x7F8]  }
0x3aa: {  	[hbm4b:s0+s1] =	stream.linear.scatter [tilespmem:s3], [sflag:$0xA], $0x1800, $0x38;
	[tilespmem:$0x1E100] =	vst v63  }
0x3ab: {  	s11 =	sand.u32 $0x200, s1;
	s5 =	simm.s32 $0xD900;
	s6 =	sld [smem:$0x7F9]  }
0x3ac: {  	[hbm4b:s4+s1] =	stream.linear.scatter [tilespmem:s5], [sflag:$0xA], $0x1800, $0x38;
	[tilespmem:$0x1E100] =	vst v63  }
0x3ad: {  	s16 =	sor.u32 $0x12100, s14;
	s8 =	sld [smem:$0x7FA];
	s0 =	sand.u32 $0x4, s10  }
0x3ae: {  	[hbm4b:s6+s1] =	stream.linear.scatter [tilespmem:s7], [sflag:$0xA], $0x1800, $0x38;
	[tilespmem:$0x1E100] =	vst v63  }
0x3af: {  	s15 =	simm.s32 $0x0;
	s3 =	simm.s32 $0x7;
	s12 =	sshll.u32 s0, $0x7  }
0x3b0: {  	[hbm4b:s8+s1] =	stream.linear.scatter [tilespmem:s9], [sflag:$0xA], $0x1800, $0x38;
	[tilespmem:$0x1E100] =	vst v63  }
0x3b1: {  	s0 =	sand.u32 $0x70, s15;
	s13 =	sor.u32 $0x180, s12;
	_ =	swait.ge [sflag:s3], $0x6000  }
0x3b2: {  	s18 =	sor.u32 s0, s14;
	s17 =	sadd.s32 s13, s16;
	[sflag:s3] =	ssyncset.done $0x0  }
0x3b3: {  	s5 =	sadd.s32 $0x1800, s18;
	s19 =	sor.u32 s0, s17;
	[sflag:s3] =	ssyncadd.s32 $0xFFFFA000  }
0x3b4: {  	s6 =	sor.u32 s11, s16;
	s8 =	sor.u32 $0x80, s12;
	s3 =	sor.u32 s13, s5;
	v4 =	vld [tilespmem:s19+$0x0]  }
0x3b5: {  	s7 =	sor.u32 s0, s6;
	s20 =	sor.u32 s8, s16;
	v12 =	vld [tilespmem:s3+$0x1B100]  }
0x3b6: {  	s9 =	sor.u32 s0, s20;
	v6 =	vld [tilespmem:s7+$0x0]  }
0x3b7: {  	s4 =	sor.u32 s11, s5;
	v7 =	vld [tilespmem:s9+$0x0]  }
0x3b8: {  	s2 =	sor.u32 $0x100, s12;
	v3 =	vld [tilespmem:s4+$0x1B100]  }
0x3b9: {  	s21 =	sadd.s32 s2, s16;
	s10 =	sor.u32 s8, s5;
	v4 =	vmul.f32 $2.771281240e+01, v4  }
0x3ba: {  	s22 =	sor.u32 s0, s21;
	v5 =	vld [tilespmem:s10+$0x1B100]  }
0x3bb: {  	v8 =	vld [tilespmem:s22+$0x0];
	v6 =	vmul.f32 $2.771281240e+01, v6;
	v9 =	vadd.f32 v4, v12  }
0x3bc: {  	s6 =	sor.u32 s2, s5  }
0x3bd: {  	s23 =	sadd.s32 $0x16900, s14;
	v7 =	vmul.f32 $2.771281240e+01, v7;
	v4 =	vld [tilespmem:s6+$0x1B100];
	v6 =	vadd.f32 v6, v3;
	[tilespmem:s19+$0x0] =	vst v9  }
0x3be: {  	s24 =	sor.u32 s11, s23;
	v9 =	vld [tilespmem:s3+$0x12100]  }
0x3bf: {  	s18 =	sor.u32 s0, s24;
	v7 =	vadd.f32 v7, v5;
	[tilespmem:s7+$0x0] =	vst v6  }
0x3c0: {  	s14 =	sadd.s32 $0x15100, s14;
	s26 =	sadd.s32 s2, s23;
	s25 =	sor.u32 s8, s23;
	v8 =	vmul.f32 $2.771281240e+01, v8;
	v6 =	vld [tilespmem:s18+$0x0]  }
0x3c1: {  	s15 =	sor.u32 s0, s25;
	s20 =	simm.s32 $0x4;
	s5 =	sadd.s32 s13, s23;
	[tilespmem:s9+$0x0] =	vst v7;
	v10 =	vld [tilespmem:s4+$0x12100]  }
0x3c2: {  	s17 =	sand.u32 $0x4, s20;
	s12 =	sor.u32 s0, s5;
	s9 =	simm.s32 $0x40;
	v7 =	vld [tilespmem:s10+$0x12100];
	v8 =	vadd.f32 v8, v4  }
0x3c3: {  	s7 =	sshll.u32 s17, $0x7;
	s19 =	simm.s32 $0x8;
	s31 =	sand.u32 $0x1C00, s9;
	v11 =	vld [tilespmem:s15+$0x0];
	v9 =	vmul.f32 $2.771281240e+01, v9  }
0x3c4: {  	s5 =	sor.u32 $0x180, s7;
	s19 =	sand.u32 $0x70, s19;
	v14 =	vld [tilespmem:s12+$0x0];
	s16 =	sor.u32 $0x12100, s31;
	[tilespmem:s22+$0x0] =	vst v8  }
0x3c5: {  	s1 =	sor.u32 s0, s26;
	s17 =	sor.u32 s19, s31;
	s22 =	sadd.s32 s5, s16;
	v8 =	vld [tilespmem:s6+$0x12100];
	v9 =	vadd.f32 v9, v12  }
0x3c6: {  	s21 =	simm.s32 $0x200;
	s29 =	sadd.s32 $0x1800, s17;
	v13 =	vld [tilespmem:s1+$0x0];
	s9 =	sor.u32 s19, s22;
	v6 =	vmul.f32 $2.771281240e+01, v6  }
0x3c7: {  	s25 =	sand.u32 $0x200, s21;
	s13 =	sadd.s32 s13, s14;
	s22 =	sor.u32 s5, s29;
	v15 =	vld [tilespmem:s9+$0x0];
	[tilespmem:s3+$0x12100] =	vst v9;
	v9 =	vmul.f32 $2.771281240e+01, v10  }
0x3c8: {  	s28 =	sor.u32 $0x80, s7;
	s23 =	sor.u32 s25, s16;
	v7 =	vmul.f32 $2.771281240e+01, v7;
	v16 =	vadd.f32 v6, v3;
	v6 =	vld [tilespmem:s22+$0x1B100];
	s3 =	sor.u32 s0, s13  }
0x3c9: {  	s24 =	sor.u32 s28, s16;
	v11 =	vmul.f32 $2.771281240e+01, v11;
	s13 =	sor.u32 s19, s23;
	v10 =	vld [tilespmem:s3+$0x0];
	v9 =	vadd.f32 v9, v3  }
0x3ca: {  	s26 =	sor.u32 $0x100, s7;
	s17 =	sor.u32 s19, s24;
	[tilespmem:s18+$0x0] =	vst v16;
	v16 =	vadd.f32 v7, v5;
	v8 =	vmul.f32 $2.771281240e+01, v8;
	v17 =	vld [tilespmem:s13+$0x0]  }
0x3cb: {  	s7 =	sadd.s32 s26, s16;
	v18 =	vld [tilespmem:s17+$0x0];
	v11 =	vadd.f32 v11, v5;
	s23 =	sor.u32 s25, s29;
	[tilespmem:s4+$0x12100] =	vst v9;
	v9 =	vmul.f32 $2.771281240e+01, v13  }
0x3cc: {  	v14 =	vmul.f32 $2.771281240e+01, v14;
	v7 =	vld [tilespmem:s23+$0x1B100];
	[tilespmem:s10+$0x12100] =	vst v16;
	v8 =	vadd.f32 v8, v4;
	s4 =	sor.u32 s19, s7  }
0x3cd: {  	s24 =	sor.u32 s28, s29;
	v15 =	vmul.f32 $2.771281240e+01, v15;
	[tilespmem:s15+$0x0] =	vst v11;
	v13 =	vld [tilespmem:s4+$0x0];
	v16 =	vadd.f32 v9, v4  }
0x3ce: {  	s16 =	sor.u32 s11, s14;
	v14 =	vadd.f32 v14, v12;
	s10 =	sor.u32 s26, s29;
	[tilespmem:s6+$0x12100] =	vst v8;
	v9 =	vld [tilespmem:s24+$0x1B100]  }
0x3cf: {  	s18 =	sor.u32 s8, s14;
	s15 =	sor.u32 s0, s16;
	v15 =	vadd.f32 v15, v6;
	v8 =	vld [tilespmem:s10+$0x1B100];
	v17 =	vmul.f32 $2.771281240e+01, v17;
	[tilespmem:s1+$0x0] =	vst v16;
	v16 =	vmul.f32 $2.771281240e+01, v10  }
0x3d0: {  	[tilespmem:s12+$0x0] =	vst v14;
	s16 =	sor.u32 s0, s18;
	v11 =	vld [tilespmem:s15+$0x0]  }
0x3d1: {  	s8 =	sadd.s32 s2, s14;
	[tilespmem:s9+$0x0] =	vst v15;
	s9 =	sadd.s32 $0x16900, s31;
	v10 =	vld [tilespmem:s16+$0x0];
	v15 =	vadd.f32 v17, v7;
	v14 =	vadd.f32 v16, v12;
	v16 =	vmul.f32 $2.771281240e+01, v18  }
0x3d2: {  	s0 =	sor.u32 s0, s8;
	s11 =	sor.u32 s25, s9;
	s12 =	sor.u32 s28, s9;
	v17 =	vmul.f32 $2.771281240e+01, v13;
	v13 =	vld [tilespmem:s22+$0x12100]  }
0x3d3: {  	s14 =	sadd.s32 s26, s9;
	s18 =	sadd.s32 s5, s9;
	s11 =	sor.u32 s19, s11;
	[tilespmem:s13+$0x0] =	vst v15;
	v12 =	vld [tilespmem:s0+$0x0];
	v16 =	vadd.f32 v16, v9  }
0x3d4: {  	s2 =	sor.u32 s19, s12;
	s30 =	sor.u32 s19, s14;
	s29 =	sor.u32 s19, s18;
	[tilespmem:s3+$0x0] =	vst v14;
	v14 =	vld [tilespmem:s11+$0x0];
	v15 =	vadd.f32 v17, v8  }
.LBB2_16:
0x3d5: {  	s20 =	sadd.s32 $0x4, s20;
	v17 =	vld [tilespmem:s23+$0x12100];
	[tilespmem:s17+$0x0] =	vst v16;
	s21 =	sadd.s32 $0x200, s21;
	v11 =	vmul.f32 $2.771281240e+01, v11  }
0x3d6: {  	s1 =	sshll.u32 s20, $0x4;
	s3 =	sand.u32 $0x4, s20;
	p0 =	slt.u32 s20, $0x17C;
	v16 =	vld [tilespmem:s24+$0x12100];
	[tilespmem:s4+$0x0] =	vst v15;
	v10 =	vmul.f32 $2.771281240e+01, v10  }
0x3d7: {  	s13 =	sand.u32 $0x200, s21;
	s8 =	sand.u32 $0x1C00, s1;
	s1 =	sshll.u32 s3, $0x7;
	v15 =	vld [tilespmem:s10+$0x12100];
	v13 =	vmul.f32 $2.771281240e+01, v13;
	v11 =	vadd.f32 v11, v3;
	v3 =	vmov v7  }
0x3d8: {  	s3 =	sshll.u32 s20, $0x1;
	s4 =	sor.u32 $0x12100, s8;
	s12 =	sor.u32 $0x180, s1;
	v7 =	vld [tilespmem:s2+$0x0];
	v10 =	vadd.f32 v10, v5;
	v12 =	vmul.f32 $2.771281240e+01, v12;
	v5 =	vmov v9  }
0x3d9: {  	s14 =	sand.u32 $0x70, s3;
	s3 =	sadd.s32 $0x15100, s31;
	s6 =	sadd.s32 s12, s4;
	v9 =	vmul.f32 $2.771281240e+01, v14;
	v14 =	vld [tilespmem:s30+$0x0];
	v13 =	vadd.f32 v13, v6;
	[tilespmem:s15+$0x0] =	vst v11  }
0x3da: {  	s7 =	sor.u32 s14, s8;
	s5 =	sadd.s32 s5, s3;
	s31 =	sor.u32 s14, s6;
	v11 =	vmul.f32 $2.771281240e+01, v17;
	v17 =	vld [tilespmem:s29+$0x0];
	[tilespmem:s16+$0x0] =	vst v10;
	v10 =	vadd.f32 v12, v4;
	v4 =	vmov v8  }
0x3db: {  	s7 =	sadd.s32 $0x1800, s7;
	s6 =	sor.u32 $0x80, s1;
	s5 =	sor.u32 s19, s5;
	v8 =	vld [tilespmem:s31+$0x0];
	v9 =	vadd.f32 v9, v3;
	v12 =	vmul.f32 $2.771281240e+01, v16;
	[tilespmem:s22+$0x12100] =	vst v13  }
0x3dc: {  	s18 =	sor.u32 $0x100, s1;
	s9 =	sor.u32 s13, s4;
	s22 =	sor.u32 s12, s7;
	v11 =	vadd.f32 v11, v3;
	v13 =	vmul.f32 $2.771281240e+01, v15;
	v15 =	vld [tilespmem:s5+$0x0];
	[tilespmem:s0+$0x0] =	vst v10  }
0x3dd: {  	s1 =	sor.u32 s14, s9;
	s0 =	sor.u32 s6, s4;
	s4 =	sadd.s32 s18, s4;
	v10 =	vld [tilespmem:s22+$0x1B100];
	[tilespmem:s11+$0x0] =	vst v9;
	v9 =	vadd.f32 v12, v5;
	v7 =	vmul.f32 $2.771281240e+01, v7  }
0x3de: {  	s17 =	sor.u32 s14, s0;
	s4 =	sor.u32 s14, s4;
	v12 =	vld [tilespmem:s1+$0x0];
	[tilespmem:s23+$0x12100] =	vst v11;
	s23 =	sor.u32 s13, s7;
	v11 =	vadd.f32 v13, v4;
	v13 =	vmul.f32 $2.771281240e+01, v14  }
0x3df: {  	s9 =	sor.u32 s18, s7;
	s0 =	sadd.s32 $0x16900, s8;
	v14 =	vld [tilespmem:s17+$0x0];
	[tilespmem:s24+$0x12100] =	vst v9;
	s24 =	sor.u32 s6, s7;
	v9 =	vadd.f32 v7, v5;
	v16 =	vmul.f32 $2.771281240e+01, v17  }
0x3e0: {  	s15 =	sor.u32 s25, s3;
	s16 =	sor.u32 s28, s3;
	s7 =	sor.u32 s13, s0;
	v17 =	vld [tilespmem:s4+$0x0];
	v8 =	vmul.f32 $2.771281240e+01, v8;
	[tilespmem:s10+$0x12100] =	vst v11;
	v11 =	vadd.f32 v13, v4  }
0x3e1: {  	s3 =	sadd.s32 s26, s3;
	s25 =	sadd.s32 s18, s0;
	s10 =	sor.u32 s6, s0;
	v7 =	vld [tilespmem:s23+$0x1B100];
	[tilespmem:s2+$0x0] =	vst v9;
	v13 =	vmul.f32 $2.771281240e+01, v15;
	v15 =	vadd.f32 v16, v6  }
0x3e2: {  	s15 =	sor.u32 s19, s15;
	s11 =	sor.u32 s14, s7;
	s7 =	sadd.s32 s12, s0;
	v9 =	vld [tilespmem:s24+$0x1B100];
	v16 =	vadd.f32 v8, v10;
	[tilespmem:s30+$0x0] =	vst v11  }
0x3e3: {  	s16 =	sor.u32 s19, s16;
	s0 =	sor.u32 s19, s3;
	s2 =	sor.u32 s14, s10;
	v12 =	vmul.f32 $2.771281240e+01, v12;
	v8 =	vld [tilespmem:s9+$0x1B100];
	v13 =	vadd.f32 v13, v6;
	[tilespmem:s29+$0x0] =	vst v15;
	v6 =	vmov v10  }
.Ltmp7:
0x3e4: {  	s30 =	sor.u32 s14, s25;
	s29 =	sor.u32 s14, s7;
	v14 =	vmul.f32 $2.771281240e+01, v14;
	[tilespmem:s31+$0x0] =	vst v16;
	v11 =	vld [tilespmem:s15+$0x0];
	(pc) =	sbr.rel @p0 .LBB2_16-.Ltmp7, $4  }
0x3e5: {  	s25 =	smov.u32 s13;
	s31 =	smov.u32 s8;
	v15 =	vmul.f32 $2.771281240e+01, v17;
	v10 =	vld [tilespmem:s16+$0x0];
	[tilespmem:s5+$0x0] =	vst v13;
	s5 =	smov.u32 s12  }
0x3e6: {  	s26 =	smov.u32 s18;
	s28 =	smov.u32 s6;
	s19 =	smov.u32 s14;
	v17 =	vadd.f32 v12, v7;
	v13 =	vld [tilespmem:s22+$0x12100]  }
0x3e7: {  	s10 =	smov.u32 s9;
	v16 =	vadd.f32 v14, v9;
	v12 =	vld [tilespmem:s0+$0x0]  }
0x3e8: {  	[tilespmem:s1+$0x0] =	vst v17;
	v14 =	vld [tilespmem:s11+$0x0];
	v15 =	vadd.f32 v15, v8  }
0x3e9: {  	[tilespmem:s17+$0x0] =	vst v16;
	v41 =	vld [tilespmem:s23+$0x12100]  }
0x3ea: {  	[tilespmem:s4+$0x0] =	vst v15;
	v42 =	vld [tilespmem:s24+$0x12100]  }
0x3eb: {  	v17 =	vld [tilespmem:s10+$0x12100]  }
0x3ec: {  	v18 =	vld [tilespmem:s2+$0x0];
	v13 =	vmul.f32 $2.771281240e+01, v13  }
0x3ed: {  	v19 =	vld [tilespmem:s30+$0x0];
	v14 =	vmul.f32 $2.771281240e+01, v14  }
0x3ee: {  	v13 =	vadd.f32 v13, v6;
	v16 =	vmul.f32 $2.771281240e+01, v41  }
0x3ef: {  	v14 =	vadd.f32 v14, v7;
	v15 =	vmul.f32 $2.771281240e+01, v42  }
0x3f0: {  	v20 =	vld [tilespmem:s29+$0x0];
	[tilespmem:s22+$0x12100] =	vst v13;
	v43 =	vadd.f32 v16, v7;
	v44 =	vmul.f32 $2.771281240e+01, v17  }
0x3f1: {  	s1 =	sadd.s32 $0x15100, s31;
	v46 =	vmul.f32 $2.771281240e+01, v18;
	[tilespmem:s11+$0x0] =	vst v14;
	v45 =	vadd.f32 v15, v9  }
0x3f2: {  	s3 =	sadd.s32 s5, s1;
	v48 =	vmul.f32 $2.771281240e+01, v19;
	[tilespmem:s23+$0x12100] =	vst v43;
	v47 =	vadd.f32 v44, v8  }
0x3f3: {  	s18 =	sor.u32 s25, s1;
	s3 =	sor.u32 s19, s3;
	v49 =	vadd.f32 v46, v9;
	[tilespmem:s24+$0x12100] =	vst v45  }
0x3f4: {  	s20 =	sor.u32 s28, s1;
	s4 =	sor.u32 s19, s18;
	v50 =	vld [tilespmem:s3+$0x0];
	v51 =	vadd.f32 v48, v8;
	[tilespmem:s10+$0x12100] =	vst v47  }
0x3f5: {  	v11 =	vmul.f32 $2.771281240e+01, v11;
	s1 =	sadd.s32 s26, s1;
	s21 =	sor.u32 s19, s20;
	v52 =	vld [tilespmem:s4+$0x0];
	[tilespmem:s2+$0x0] =	vst v49  }
0x3f6: {  	v10 =	vmul.f32 $2.771281240e+01, v10;
	s1 =	sor.u32 s19, s1;
	[tilespmem:s30+$0x0] =	vst v51;
	v53 =	vld [tilespmem:s21+$0x0]  }
0x3f7: {  	v3 =	vadd.f32 v11, v3;
	v54 =	vmul.f32 $2.771281240e+01, v12;
	v55 =	vld [tilespmem:s1+$0x0]  }
0x3f8: {  	v5 =	vadd.f32 v10, v5;
	v56 =	vmul.f32 $2.771281240e+01, v20  }
0x3f9: {  	[tilespmem:s15+$0x0] =	vst v3;
	v3 =	vadd.f32 v54, v4;
	v57 =	vmul.f32 $2.771281240e+01, v50  }
0x3fa: {  	[tilespmem:s16+$0x0] =	vst v5;
	v58 =	vadd.f32 v56, v6;
	v59 =	vmul.f32 $2.771281240e+01, v52  }
0x3fb: {  	[tilespmem:s0+$0x0] =	vst v3;
	v3 =	vadd.f32 v57, v6;
	v60 =	vmul.f32 $2.771281240e+01, v53  }
0x3fc: {  	[tilespmem:s29+$0x0] =	vst v58;
	v61 =	vadd.f32 v59, v7;
	v62 =	vmul.f32 $2.771281240e+01, v55  }
0x3fd: {  	[tilespmem:s3+$0x0] =	vst v3;
	v3 =	vadd.f32 v60, v9  }
0x3fe: {  	[tilespmem:s4+$0x0] =	vst v61;
	v63 =	vadd.f32 v62, v8  }
0x3ff: {  	[tilespmem:s21+$0x0] =	vst v3  }
0x400: {  	[tilespmem:s1+$0x0] =	vst v63  }
0x401: {  	s0 =	rddreg [dreg:$0x19]  }
0x402: {  	s10 =	simm.s32 $0x0;
	s4 =	simm.s32 $0x12100;
	s22 =	sld [smem:$0x7FB]  }
0x403: {  	[hbm4b:s0+s10] =	stream.linear.scatter [tilespmem:s4], [sflag:$0xB], $0x1800, $0x38;
	[tilespmem:$0x1E100] =	vst v63  }
0x404: {  	s5 =	simm.s32 $0x13900;
	s23 =	sld [smem:$0x7FC]  }
0x405: {  	[hbm4b:s22+s10] =	stream.linear.scatter [tilespmem:s5], [sflag:$0xB], $0x1800, $0x38;
	[tilespmem:$0x1E100] =	vst v63  }
0x406: {  	s6 =	simm.s32 $0x15100;
	s24 =	sld [smem:$0x7FD]  }
0x407: {  	[hbm4b:s23+s10] =	stream.linear.scatter [tilespmem:s6], [sflag:$0xB], $0x1800, $0x38;
	[tilespmem:$0x1E100] =	vst v63  }
0x408: {  	s7 =	simm.s32 $0x16900;
	s25 =	simm.s32 $0x8  }
0x409: {  	[hbm4b:s24+s10] =	stream.linear.scatter [tilespmem:s7], [sflag:$0xB], $0x1800, $0x38;
	[tilespmem:$0x1E100] =	vst v63  }
0x40a: {  	_ =	swait.ge [sflag:s25], $0x1800  }
0x40b: {  	[sflag:s25] =	ssyncset.done $0x0  }
0x40c: {  	[sflag:s25] =	ssyncadd.s32 $0xFFFFE800  }
0x40d: {  	_ =	swait.ge [sflag:s25], $0x1800  }
0x40e: {  	[sflag:s25] =	ssyncset.done $0x0  }
0x40f: {  	[sflag:s25] =	ssyncadd.s32 $0xFFFFE800  }
0x410: {  	_ =	swait.ge [sflag:s25], $0x1800  }
0x411: {  	[sflag:s25] =	ssyncset.done $0x0  }
0x412: {  	[sflag:s25] =	ssyncadd.s32 $0xFFFFE800  }
0x413: {  	_ =	swait.ge [sflag:s25], $0x1800  }
0x414: {  	[sflag:s25] =	ssyncset.done $0x0  }
0x415: {  	s26 =	simm.s32 $0x9;
	[sflag:s25] =	ssyncadd.s32 $0xFFFFE800  }
0x416: {  	_ =	swait.ge [sflag:s26], $0x1800  }
0x417: {  	[sflag:s26] =	ssyncset.done $0x0  }
0x418: {  	[sflag:s26] =	ssyncadd.s32 $0xFFFFE800  }
0x419: {  	_ =	swait.ge [sflag:s26], $0x1800  }
0x41a: {  	[sflag:s26] =	ssyncset.done $0x0  }
0x41b: {  	[sflag:s26] =	ssyncadd.s32 $0xFFFFE800  }
0x41c: {  	_ =	swait.ge [sflag:s26], $0x1800  }
0x41d: {  	[sflag:s26] =	ssyncset.done $0x0  }
0x41e: {  	[sflag:s26] =	ssyncadd.s32 $0xFFFFE800  }
0x41f: {  	_ =	swait.ge [sflag:s26], $0x1800  }
0x420: {  	[sflag:s26] =	ssyncset.done $0x0  }
0x421: {  	s28 =	simm.s32 $0xA;
	[sflag:s26] =	ssyncadd.s32 $0xFFFFE800  }
0x422: {  	_ =	swait.ge [sflag:s28], $0x1800  }
0x423: {  	[sflag:s28] =	ssyncset.done $0x0  }
0x424: {  	[sflag:s28] =	ssyncadd.s32 $0xFFFFE800  }
0x425: {  	_ =	swait.ge [sflag:s28], $0x1800  }
0x426: {  	[sflag:s28] =	ssyncset.done $0x0  }
0x427: {  	[sflag:s28] =	ssyncadd.s32 $0xFFFFE800  }
0x428: {  	_ =	swait.ge [sflag:s28], $0x1800  }
0x429: {  	[sflag:s28] =	ssyncset.done $0x0  }
0x42a: {  	[sflag:s28] =	ssyncadd.s32 $0xFFFFE800  }
0x42b: {  	_ =	swait.ge [sflag:s28], $0x1800  }
0x42c: {  	[sflag:s28] =	ssyncset.done $0x0  }
0x42d: {  	s29 =	simm.s32 $0xB;
	[sflag:s28] =	ssyncadd.s32 $0xFFFFE800  }
0x42e: {  	_ =	swait.ge [sflag:s29], $0x1800  }
0x42f: {  	[sflag:s29] =	ssyncset.done $0x0  }
0x430: {  	[sflag:s29] =	ssyncadd.s32 $0xFFFFE800  }
0x431: {  	_ =	swait.ge [sflag:s29], $0x1800  }
0x432: {  	[sflag:s29] =	ssyncset.done $0x0  }
0x433: {  	[sflag:s29] =	ssyncadd.s32 $0xFFFFE800  }
0x434: {  	_ =	swait.ge [sflag:s29], $0x1800  }
0x435: {  	[sflag:s29] =	ssyncset.done $0x0  }
0x436: {  	[sflag:s29] =	ssyncadd.s32 $0xFFFFE800  }
0x437: {  	_ =	swait.ge [sflag:s29], $0x1800  }
0x438: {  	s30 =	sld [smem:$0x7F0];
	_ =	sdelay $0x2  }
0x439: {  	s31 =	rddreg [dreg:$0x1a];
	s2 =	sadd.s32 $0x1, s30  }
0x43a: {  	p0 =	sne.s32 s2, s31  }
.Ltmp8:
0x43b: {  	_ = 	snop;
	(pc) =	sbr.rel @p0 .LBB2_1-.Ltmp8, $3  }
0x43c: {  	_ =	sdelay $0x1  }
0x43d: {  	[sflag:s29] =	ssyncset.done $0x0  }
0x43e: {  	s9 =	simm.s32 $0x18100;
	[sflag:s29] =	ssyncadd.s32 $0xFFFFE800  }
0x43f: {  	_ =	sfence.sel $0x180000  }
0x440: {  	[bflag:$0x0] =	sbarrier.arrive $0xFFFF  }
0x441: {  	_ =	strace $0x90000047  }
0x442: {  	s0 =	stileid.u32;
	[bflag:$0x2] =	sbarrier.arrive $0xFFFF  }
0x443: {  	p0 =	sne.s32 s0, $0x0;
	s0 =	rddreg [dreg:$0x4]  }
0x444: {  	s0 =	sadd.s32 @!p0 $0x100000, s0  }
0x445: {  	[sflag:s0] =	ssyncadd.tile.s32 @!p0 $0x1;
	_ =	shalt  }
.Lfunc_end2:
_tile_overlayer_lowered:
.L_overlay_start_2:
0x446: {  	(tag) =	ssettag $0x2  }
0x447: {  	s0 =	rddreg [dreg:$0x0];
	s2 =	stileid.u32  }
0x448: {  	s1 =	rddreg [dreg:$0x1];
	p0 =	sne.s32 s2, $0x0  }
0x449: {  	s3 =	rddreg [dreg:$0x2];
	[bflag:$0x3] =	sbarrier.arrive $0xFFFF;
	s2 =	simm.s32 @!p0 $0x1C0C  }
0x44a: {  	[timem:s3], [sflag:s2] =	dma.local @!p0 [hbm:s0], s1  }
0x44b: {  	s0 =	simm.s32 @!p0 $0xC  }
0x44c: {  	_ =	swait.ge @!p0 [sflag:s0], s1  }
0x44d: {  	s1 =	ssub.s32 @!p0 $0x0, s1;
	[sflag:s0] =	ssyncset.done @!p0 $0x0  }
0x44e: {  	[sflag:s0] =	ssyncadd.s32 @!p0 s1  }
0x44f: {  	[bflag:$0x3] =	sbarrier.arrive $0xFFFF  }
0x450: {  	_ =	shalt  }

</sc_bundles>
